<compile_context>
chip_gen: v7x
topology: tpu7x:2x2x1
jax: 0.10.2.dev20260603
libtpu: 0.0.44.dev20260713+nightly
codegen_flags: <defaults>
</compile_context>

<pallas_src>
import functools

import jax
import jax.numpy as jnp
from jax import lax
from jax.experimental import pallas as pl
from jax.experimental.pallas import tpu as pltpu
from jax.experimental.pallas import tpu_sc as plsc

B_ROWS = 16384
SEQ = 200
D = 32
NB = B_ROWS * SEQ
VOCAB = 1000

_NC, _NS = 2, 16
NW = _NC * _NS
PER_W = NB // NW

L = 16
CHUNK = 1024
GRP = CHUNK // L
N_CHUNK = PER_W // CHUNK
NBUF = 2


def _make_emb():
    mesh = plsc.VectorSubcoreMesh(core_axis_name="c", subcore_axis_name="s")

    @functools.partial(
        pl.kernel,
        mesh=mesh,
        out_type=jax.ShapeDtypeStruct((NB * D,), jnp.float32),
        scratch_types=[
            pltpu.VMEM((NBUF, CHUNK), jnp.int32),
            pltpu.VMEM((NBUF, CHUNK * D), jnp.float32),
            pltpu.VMEM((VOCAB * D,), jnp.float32),
            [pltpu.SemaphoreType.DMA] * NBUF,
            [pltpu.SemaphoreType.DMA] * NBUF,
        ],
        compiler_params=pltpu.CompilerParams(
            use_tc_tiling_on_sc=False,
            needs_layout_passes=False,
            disable_bounds_checks=True,
        ),
    )
    def emb(idx_hbm, table_hbm, out_hbm, idx_v, rows_v, table_v, osems, isems):
        wid = lax.axis_index("s") * _NC + lax.axis_index("c")
        base = wid * PER_W

        pltpu.sync_copy(table_hbm, table_v)

        def prefetch_idx(chunk, b):
            off = base + (chunk % N_CHUNK) * CHUNK
            pltpu.async_copy(idx_hbm.at[pl.ds(off, CHUNK)], idx_v.at[b], isems[b])

        def wait_idx(b):
            pltpu.make_async_copy(
                idx_hbm.at[pl.ds(base, CHUNK)], idx_v.at[b], isems[b]
            ).wait()

        def fill_rows(b):
            @plsc.parallel_loop(0, GRP, unroll=4)
            def group(g):
                idx_vec = idx_v.at[b][pl.ds(g * L, L)] * D
                for i in range(L):
                    src = idx_vec[i]
                    dst = (g * L + i) * D
                    rows_v.at[b][pl.ds(dst, L)] = table_v[pl.ds(src, L)]
                    rows_v.at[b][pl.ds(dst + L, L)] = table_v[pl.ds(src + L, L)]

        def put_chunk(chunk, b):
            off = (base + chunk * CHUNK) * D
            pltpu.async_copy(rows_v.at[b], out_hbm.at[pl.ds(off, CHUNK * D)], osems[b])

        def drain_out(b):
            pltpu.make_async_copy(
                rows_v.at[b], out_hbm.at[pl.ds(base * D, CHUNK * D)], osems[b]
            ).wait()

        for b in range(NBUF):
            prefetch_idx(b, b)
        for b in range(NBUF):
            wait_idx(b)
            fill_rows(b)
            prefetch_idx(NBUF + b, b)
            put_chunk(b, b)

        def body(j, carry):
            for b in range(NBUF):
                chunk = NBUF + j * NBUF + b
                drain_out(b)
                wait_idx(b)
                fill_rows(b)
                prefetch_idx(chunk + NBUF, b)
                put_chunk(chunk, b)
            return carry

        lax.fori_loop(0, (N_CHUNK - NBUF) // NBUF, body, 0)

        for b in range(NBUF):
            drain_out(b)
            wait_idx(b)

    return emb


_emb = _make_emb()


def kernel(visit_segments, embedding_weight):
    idx = visit_segments.astype(jnp.int32).reshape(NB)
    out = _emb(idx, embedding_weight.reshape(VOCAB * D))
    return out.reshape(B_ROWS, SEQ, D)

# --- scband reference (transcript-rebuilt; emitter-appended) ---
"""Pipeline reference for scband-visit-embedding-17300128268557 (READ-ONLY COPY).

The authoritative reference and input builder live on the scoring server;
editing this copy changes nothing except your own understanding.
"""

import jax, jax.numpy as jnp
import numpy as np


def setup_inputs(seed: int = 0) -> dict:
    key = jax.random.key(seed)
    k1, k2 = jax.random.split(key)
    visit_segments = jax.random.randint(k1, (16384, 200), 0, 1000, dtype=jnp.int64)
    # nn.Embedding weight: [visit_order_size, embedding_size], init ~ N(0,1)
    embedding_weight = jax.random.normal(k2, (1000, 32), dtype=jnp.float32)
    return {"visit_segments": visit_segments, "embedding_weight": embedding_weight}


def reference(visit_segments, embedding_weight):
    # nn.Embedding lookup: gather rows of the table by index
    return jnp.take(embedding_weight, visit_segments, axis=0)

if __name__ == "__main__":
    import jax
    _d = setup_inputs()
    print(jax.jit(kernel)(*tuple(_d.values())))

</pallas_src>

<mosaic_0001>
#map = affine_map<(d0, d1) -> (0)>
module attributes {stable_mosaic.version = 14 : i64} {
  func.func @emb(%arg0: i32, %arg1: i32, %arg2: memref<3276800xi32, #tpu.memory_space<hbm>>, %arg3: memref<32000xf32, #tpu.memory_space<hbm>>, %arg4: memref<104857600xf32, #tpu.memory_space<hbm>>, %arg5: memref<2x1024xi32, #tpu.memory_space<vmem>>, %arg6: memref<2x32768xf32, #tpu.memory_space<vmem>>, %arg7: memref<32000xf32, #tpu.memory_space<vmem>>, %arg8: memref<!tpu.dma_semaphore, #tpu.memory_space<semaphore_mem>>, %arg9: memref<!tpu.dma_semaphore, #tpu.memory_space<semaphore_mem>>, %arg10: memref<!tpu.dma_semaphore, #tpu.memory_space<semaphore_mem>>, %arg11: memref<!tpu.dma_semaphore, #tpu.memory_space<semaphore_mem>>) attributes {dimension_semantics = [#tpu.dimension_semantics<core_parallel>, #tpu.dimension_semantics<subcore_parallel>], iteration_bounds = array<i64: 2, 16>, scalar_prefetch = 0 : i64, scratch_operands = 7 : i64, tpu.core_type = #tpu.core_type<sc_vector_subcore>, window_params = [{transform_indices = #map}, {transform_indices = #map}, {transform_indices = #map}]} {
    %mul3A = arith.constant 2 : i32
    %mul3A_0 = arith.muli %arg1, %mul3A : i32
    %add3A = arith.addi %mul3A_0, %arg0 : i32
    %mul3A_1 = arith.constant 102400 : i32
    %mul3A_2 = arith.muli %add3A, %mul3A_1 : i32
    "tpu.region"() ({
      %run_scoped3A = tpu.sem_alloc : memref<!tpu.dma_semaphore, #tpu.memory_space<semaphore_mem>>
      tpu.enqueue_dma source(%arg3 : memref<32000xf32, #tpu.memory_space<hbm>>) target(%arg7 : memref<32000xf32, #tpu.memory_space<vmem>>) target_semaphore(%run_scoped3A : memref<!tpu.dma_semaphore, #tpu.memory_space<semaphore_mem>>)
      tpu.wait_dma2 semaphore(%run_scoped3A : memref<!tpu.dma_semaphore, #tpu.memory_space<semaphore_mem>>) src(%arg3 : memref<32000xf32, #tpu.memory_space<hbm>>) dst(%arg7 : memref<32000xf32, #tpu.memory_space<vmem>>)
      tpu.yield
    }) : () -> ()
    %add3A_3 = arith.constant 0 : i32
    %add3A_4 = arith.addi %mul3A_2, %add3A_3 : i32
    %dma_start3A = arith.constant 0 : i32
    %dma_start3A_5 = arith.constant 0 : i32
    %dma_start3A_6 = tpu.memref_slice %arg5[%dma_start3A, %dma_start3A_5] : memref<2x1024xi32, #tpu.memory_space<vmem>> -> memref<1x1024xi32, #tpu.memory_space<vmem>>
    %dma_start3A_7 = tpu.memref_squeeze %dma_start3A_6 : memref<1x1024xi32, #tpu.memory_space<vmem>> -> memref<1024xi32, #tpu.memory_space<vmem>>
    %dma_start3A_8 = tpu.memref_slice %arg2[%add3A_4] : memref<3276800xi32, #tpu.memory_space<hbm>> -> memref<1024xi32, #tpu.memory_space<hbm>>
    %dma_start3A_9 = arith.constant 0 : i32
    %dma_start3A_10 = tpu.memref_slice %arg5[%dma_start3A, %dma_start3A_9] : memref<2x1024xi32, #tpu.memory_space<vmem>> -> memref<1x1024xi32, #tpu.memory_space<vmem>>
    %dma_start3A_11 = tpu.memref_squeeze %dma_start3A_10 : memref<1x1024xi32, #tpu.memory_space<vmem>> -> memref<1024xi32, #tpu.memory_space<vmem>>
    %dma_start3A_12 = tpu.memref_slice %arg2[%add3A_4] : memref<3276800xi32, #tpu.memory_space<hbm>> -> memref<1024xi32, #tpu.memory_space<hbm>>
    tpu.enqueue_dma source(%dma_start3A_12 : memref<1024xi32, #tpu.memory_space<hbm>>) target(%dma_start3A_11 : memref<1024xi32, #tpu.memory_space<vmem>>) target_semaphore(%arg10 : memref<!tpu.dma_semaphore, #tpu.memory_space<semaphore_mem>>)
    %add3A_13 = arith.constant 1024 : i32
    %add3A_14 = arith.addi %mul3A_2, %add3A_13 : i32
    %dma_start3A_15 = arith.constant 1 : i32
    %dma_start3A_16 = arith.constant 0 : i32
    %dma_start3A_17 = tpu.memref_slice %arg5[%dma_start3A_15, %dma_start3A_16] : memref<2x1024xi32, #tpu.memory_space<vmem>> -> memref<1x1024xi32, #tpu.memory_space<vmem>>
    %dma_start3A_18 = tpu.memref_squeeze %dma_start3A_17 : memref<1x1024xi32, #tpu.memory_space<vmem>> -> memref<1024xi32, #tpu.memory_space<vmem>>
    %dma_start3A_19 = tpu.memref_slice %arg2[%add3A_14] : memref<3276800xi32, #tpu.memory_space<hbm>> -> memref<1024xi32, #tpu.memory_space<hbm>>
    %dma_start3A_20 = arith.constant 0 : i32
    %dma_start3A_21 = tpu.memref_slice %arg5[%dma_start3A_15, %dma_start3A_20] : memref<2x1024xi32, #tpu.memory_space<vmem>> -> memref<1x1024xi32, #tpu.memory_space<vmem>>
    %dma_start3A_22 = tpu.memref_squeeze %dma_start3A_21 : memref<1x1024xi32, #tpu.memory_space<vmem>> -> memref<1024xi32, #tpu.memory_space<vmem>>
    %dma_start3A_23 = tpu.memref_slice %arg2[%add3A_14] : memref<3276800xi32, #tpu.memory_space<hbm>> -> memref<1024xi32, #tpu.memory_space<hbm>>
    tpu.enqueue_dma source(%dma_start3A_23 : memref<1024xi32, #tpu.memory_space<hbm>>) target(%dma_start3A_22 : memref<1024xi32, #tpu.memory_space<vmem>>) target_semaphore(%arg11 : memref<!tpu.dma_semaphore, #tpu.memory_space<semaphore_mem>>)
    %dma_wait3A = arith.constant 0 : i32
    %dma_wait3A_24 = arith.constant 0 : i32
    %dma_wait3A_25 = tpu.memref_slice %arg5[%dma_wait3A, %dma_wait3A_24] : memref<2x1024xi32, #tpu.memory_space<vmem>> -> memref<1x1024xi32, #tpu.memory_space<vmem>>
    %dma_wait3A_26 = tpu.memref_squeeze %dma_wait3A_25 : memref<1x1024xi32, #tpu.memory_space<vmem>> -> memref<1024xi32, #tpu.memory_space<vmem>>
    %dma_wait3A_27 = tpu.memref_slice %arg2[%mul3A_2] : memref<3276800xi32, #tpu.memory_space<hbm>> -> memref<1024xi32, #tpu.memory_space<hbm>>
    %dma_wait3A_28 = arith.constant 0 : i32
    %dma_wait3A_29 = tpu.memref_slice %arg5[%dma_wait3A, %dma_wait3A_28] : memref<2x1024xi32, #tpu.memory_space<vmem>> -> memref<1x1024xi32, #tpu.memory_space<vmem>>
    %dma_wait3A_30 = tpu.memref_squeeze %dma_wait3A_29 : memref<1x1024xi32, #tpu.memory_space<vmem>> -> memref<1024xi32, #tpu.memory_space<vmem>>
    %dma_wait3A_31 = tpu.memref_slice %arg2[%mul3A_2] : memref<3276800xi32, #tpu.memory_space<hbm>> -> memref<1024xi32, #tpu.memory_space<hbm>>
    tpu.wait_dma2 semaphore(%arg10 : memref<!tpu.dma_semaphore, #tpu.memory_space<semaphore_mem>>) src(%dma_wait3A_31 : memref<1024xi32, #tpu.memory_space<hbm>>) dst(%dma_wait3A_30 : memref<1024xi32, #tpu.memory_space<vmem>>)
    %parallel_loop3A = arith.constant 0 : i32
    %parallel_loop3A_32 = arith.constant 64 : i32
    %parallel_loop3A_33 = arith.constant 1 : i32
    scf.for %parallel_loop3A_139 = %parallel_loop3A to %parallel_loop3A_32 step %parallel_loop3A_33  : i32 {
      %parallel_loop3A_140 = arith.constant 16 : i32
      %parallel_loop3A_141 = arith.muli %parallel_loop3A_139, %parallel_loop3A_140 : i32
      %parallel_loop3A_142 = arith.constant 0 : i32
      %parallel_loop3A_143 = arith.constant 0 : i32
      %parallel_loop3A_144 = tpu.memref_slice %arg5[%parallel_loop3A_142, %parallel_loop3A_143] : memref<2x1024xi32, #tpu.memory_space<vmem>> -> memref<1x1024xi32, #tpu.memory_space<vmem>>
      %parallel_loop3A_145 = tpu.memref_squeeze %parallel_loop3A_144 : memref<1x1024xi32, #tpu.memory_space<vmem>> -> memref<1024xi32, #tpu.memory_space<vmem>>
      %parallel_loop3A_146 = arith.index_cast %parallel_loop3A_141 : i32 to index
      %parallel_loop3A_147 = tpu.vector_load %parallel_loop3A_145[%parallel_loop3A_146] {strides = array<i32>} : memref<1024xi32, #tpu.memory_space<vmem>>, vector<16xi32>,
      %parallel_loop3A_148 = arith.constant 32 : i32
      %parallel_loop3A_149 = vector.broadcast %parallel_loop3A_148 : i32 to vector<16xi32>
      %parallel_loop3A_150 = arith.muli %parallel_loop3A_147, %parallel_loop3A_149 : vector<16xi32>
      %parallel_loop3A_151 = vector.extract_strided_slice %parallel_loop3A_150 {offsets = [0], sizes = [1], strides = [1]} : vector<16xi32> to vector<1xi32>
      %parallel_loop3A_152 = vector.extract %parallel_loop3A_151[0] : i32 from vector<1xi32>
      %parallel_loop3A_153 = arith.constant 16 : i32
      %parallel_loop3A_154 = arith.muli %parallel_loop3A_139, %parallel_loop3A_153 : i32
      %parallel_loop3A_155 = arith.constant 0 : i32
      %parallel_loop3A_156 = arith.addi %parallel_loop3A_154, %parallel_loop3A_155 : i32
      %parallel_loop3A_157 = arith.constant 32 : i32
      %parallel_loop3A_158 = arith.muli %parallel_loop3A_156, %parallel_loop3A_157 : i32
      %parallel_loop3A_159 = arith.index_cast %parallel_loop3A_152 : i32 to index
      %parallel_loop3A_160 = tpu.vector_load %arg7[%parallel_loop3A_159] {strides = array<i32>} : memref<32000xf32, #tpu.memory_space<vmem>>, vector<16xf32>,
      %parallel_loop3A_161 = arith.constant 0 : i32
      %parallel_loop3A_162 = arith.constant 0 : i32
      %parallel_loop3A_163 = tpu.memref_slice %arg6[%parallel_loop3A_161, %parallel_loop3A_162] : memref<2x32768xf32, #tpu.memory_space<vmem>> -> memref<1x32768xf32, #tpu.memory_space<vmem>>
      %parallel_loop3A_164 = tpu.memref_squeeze %parallel_loop3A_163 : memref<1x32768xf32, #tpu.memory_space<vmem>> -> memref<32768xf32, #tpu.memory_space<vmem>>
      %parallel_loop3A_165 = arith.index_cast %parallel_loop3A_158 : i32 to index
      %parallel_loop3A_166 = tpu.vector_load %parallel_loop3A_164[%parallel_loop3A_165] {strides = array<i32>} : memref<32768xf32, #tpu.memory_space<vmem>>, vector<16xf32>,
      tpu.vector_store %parallel_loop3A_164[%parallel_loop3A_165], %parallel_loop3A_160 {strides = array<i32>} : memref<32768xf32, #tpu.memory_space<vmem>>, vector<16xf32>,
      %parallel_loop3A_167 = arith.constant 16 : i32
      %parallel_loop3A_168 = arith.addi %parallel_loop3A_152, %parallel_loop3A_167 : i32
      %parallel_loop3A_169 = arith.index_cast %parallel_loop3A_168 : i32 to index
      %parallel_loop3A_170 = tpu.vector_load %arg7[%parallel_loop3A_169] {strides = array<i32>} : memref<32000xf32, #tpu.memory_space<vmem>>, vector<16xf32>,
      %parallel_loop3A_171 = arith.constant 16 : i32
      %parallel_loop3A_172 = arith.addi %parallel_loop3A_158, %parallel_loop3A_171 : i32
      %parallel_loop3A_173 = arith.constant 0 : i32
      %parallel_loop3A_174 = arith.constant 0 : i32
      %parallel_loop3A_175 = tpu.memref_slice %arg6[%parallel_loop3A_173, %parallel_loop3A_174] : memref<2x32768xf32, #tpu.memory_space<vmem>> -> memref<1x32768xf32, #tpu.memory_space<vmem>>
      %parallel_loop3A_176 = tpu.memref_squeeze %parallel_loop3A_175 : memref<1x32768xf32, #tpu.memory_space<vmem>> -> memref<32768xf32, #tpu.memory_space<vmem>>
      %parallel_loop3A_177 = arith.index_cast %parallel_loop3A_172 : i32 to index
      %parallel_loop3A_178 = tpu.vector_load %parallel_loop3A_176[%parallel_loop3A_177] {strides = array<i32>} : memref<32768xf32, #tpu.memory_space<vmem>>, vector<16xf32>,
      tpu.vector_store %parallel_loop3A_176[%parallel_loop3A_177], %parallel_loop3A_170 {strides = array<i32>} : memref<32768xf32, #tpu.memory_space<vmem>>, vector<16xf32>,
      %parallel_loop3A_179 = vector.extract_strided_slice %parallel_loop3A_150 {offsets = [1], sizes = [1], strides = [1]} : vector<16xi32> to vector<1xi32>
      %parallel_loop3A_180 = vector.extract %parallel_loop3A_179[0] : i32 from vector<1xi32>
      %parallel_loop3A_181 = arith.constant 16 : i32
      %parallel_loop3A_182 = arith.muli %parallel_loop3A_139, %parallel_loop3A_181 : i32
      %parallel_loop3A_183 = arith.constant 1 : i32
      %parallel_loop3A_184 = arith.addi %parallel_loop3A_182, %parallel_loop3A_183 : i32
      %parallel_loop3A_185 = arith.constant 32 : i32
      %parallel_loop3A_186 = arith.muli %parallel_loop3A_184, %parallel_loop3A_185 : i32
      %parallel_loop3A_187 = arith.index_cast %parallel_loop3A_180 : i32 to index
      %parallel_loop3A_188 = tpu.vector_load %arg7[%parallel_loop3A_187] {strides = array<i32>} : memref<32000xf32, #tpu.memory_space<vmem>>, vector<16xf32>,
      %parallel_loop3A_189 = arith.constant 0 : i32
      %parallel_loop3A_190 = arith.constant 0 : i32
      %parallel_loop3A_191 = tpu.memref_slice %arg6[%parallel_loop3A_189, %parallel_loop3A_190] : memref<2x32768xf32, #tpu.memory_space<vmem>> -> memref<1x32768xf32, #tpu.memory_space<vmem>>
      %parallel_loop3A_192 = tpu.memref_squeeze %parallel_loop3A_191 : memref<1x32768xf32, #tpu.memory_space<vmem>> -> memref<32768xf32, #tpu.memory_space<vmem>>
      %parallel_loop3A_193 = arith.index_cast %parallel_loop3A_186 : i32 to index
      %parallel_loop3A_194 = tpu.vector_load %parallel_loop3A_192[%parallel_loop3A_193] {strides = array<i32>} : memref<32768xf32, #tpu.memory_space<vmem>>, vector<16xf32>,
      tpu.vector_store %parallel_loop3A_192[%parallel_loop3A_193], %parallel_loop3A_188 {strides = array<i32>} : memref<32768xf32, #tpu.memory_space<vmem>>, vector<16xf32>,
      %parallel_loop3A_195 = arith.constant 16 : i32
      %parallel_loop3A_196 = arith.addi %parallel_loop3A_180, %parallel_loop3A_195 : i32
      %parallel_loop3A_197 = arith.index_cast %parallel_loop3A_196 : i32 to index
      %parallel_loop3A_198 = tpu.vector_load %arg7[%parallel_loop3A_197] {strides = array<i32>} : memref<32000xf32, #tpu.memory_space<vmem>>, vector<16xf32>,
      %parallel_loop3A_199 = arith.constant 16 : i32
      %parallel_loop3A_200 = arith.addi %parallel_loop3A_186, %parallel_loop3A_199 : i32
      %parallel_loop3A_201 = arith.constant 0 : i32
      %parallel_loop3A_202 = arith.constant 0 : i32
      %parallel_loop3A_203 = tpu.memref_slice %arg6[%parallel_loop3A_201, %parallel_loop3A_202] : memref<2x32768xf32, #tpu.memory_space<vmem>> -> memref<1x32768xf32, #tpu.memory_space<vmem>>
      %parallel_loop3A_204 = tpu.memref_squeeze %parallel_loop3A_203 : memref<1x32768xf32, #tpu.memory_space<vmem>> -> memref<32768xf32, #tpu.memory_space<vmem>>
      %parallel_loop3A_205 = arith.index_cast %parallel_loop3A_200 : i32 to index
      %parallel_loop3A_206 = tpu.vector_load %parallel_loop3A_204[%parallel_loop3A_205] {strides = array<i32>} : memref<32768xf32, #tpu.memory_space<vmem>>, vector<16xf32>,
      tpu.vector_store %parallel_loop3A_204[%parallel_loop3A_205], %parallel_loop3A_198 {strides = array<i32>} : memref<32768xf32, #tpu.memory_space<vmem>>, vector<16xf32>,
      %parallel_loop3A_207 = vector.extract_strided_slice %parallel_loop3A_150 {offsets = [2], sizes = [1], strides = [1]} : vector<16xi32> to vector<1xi32>
      %parallel_loop3A_208 = vector.extract %parallel_loop3A_207[0] : i32 from vector<1xi32>
      %parallel_loop3A_209 = arith.constant 16 : i32
      %parallel_loop3A_210 = arith.muli %parallel_loop3A_139, %parallel_loop3A_209 : i32
      %parallel_loop3A_211 = arith.constant 2 : i32
      %parallel_loop3A_212 = arith.addi %parallel_loop3A_210, %parallel_loop3A_211 : i32
      %parallel_loop3A_213 = arith.constant 32 : i32
      %parallel_loop3A_214 = arith.muli %parallel_loop3A_212, %parallel_loop3A_213 : i32
      %parallel_loop3A_215 = arith.index_cast %parallel_loop3A_208 : i32 to index
      %parallel_loop3A_216 = tpu.vector_load %arg7[%parallel_loop3A_215] {strides = array<i32>} : memref<32000xf32, #tpu.memory_space<vmem>>, vector<16xf32>,
      %parallel_loop3A_217 = arith.constant 0 : i32
      %parallel_loop3A_218 = arith.constant 0 : i32
      %parallel_loop3A_219 = tpu.memref_slice %arg6[%parallel_loop3A_217, %parallel_loop3A_218] : memref<2x32768xf32, #tpu.memory_space<vmem>> -> memref<1x32768xf32, #tpu.memory_space<vmem>>
      %parallel_loop3A_220 = tpu.memref_squeeze %parallel_loop3A_219 : memref<1x32768xf32, #tpu.memory_space<vmem>> -> memref<32768xf32, #tpu.memory_space<vmem>>
      %parallel_loop3A_221 = arith.index_cast %parallel_loop3A_214 : i32 to index
      %parallel_loop3A_222 = tpu.vector_load %parallel_loop3A_220[%parallel_loop3A_221] {strides = array<i32>} : memref<32768xf32, #tpu.memory_space<vmem>>, vector<16xf32>,
      tpu.vector_store %parallel_loop3A_220[%parallel_loop3A_221], %parallel_loop3A_216 {strides = array<i32>} : memref<32768xf32, #tpu.memory_space<vmem>>, vector<16xf32>,
      %parallel_loop3A_223 = arith.constant 16 : i32
      %parallel_loop3A_224 = arith.addi %parallel_loop3A_208, %parallel_loop3A_223 : i32
      %parallel_loop3A_225 = arith.index_cast %parallel_loop3A_224 : i32 to index
      %parallel_loop3A_226 = tpu.vector_load %arg7[%parallel_loop3A_225] {strides = array<i32>} : memref<32000xf32, #tpu.memory_space<vmem>>, vector<16xf32>,
      %parallel_loop3A_227 = arith.constant 16 : i32
      %parallel_loop3A_228 = arith.addi %parallel_loop3A_214, %parallel_loop3A_227 : i32
      %parallel_loop3A_229 = arith.constant 0 : i32
      %parallel_loop3A_230 = arith.constant 0 : i32
      %parallel_loop3A_231 = tpu.memref_slice %arg6[%parallel_loop3A_229, %parallel_loop3A_230] : memref<2x32768xf32, #tpu.memory_space<vmem>> -> memref<1x32768xf32, #tpu.memory_space<vmem>>
      %parallel_loop3A_232 = tpu.memref_squeeze %parallel_loop3A_231 : memref<1x32768xf32, #tpu.memory_space<vmem>> -> memref<32768xf32, #tpu.memory_space<vmem>>
      %parallel_loop3A_233 = arith.index_cast %parallel_loop3A_228 : i32 to index
      %parallel_loop3A_234 = tpu.vector_load %parallel_loop3A_232[%parallel_loop3A_233] {strides = array<i32>} : memref<32768xf32, #tpu.memory_space<vmem>>, vector<16xf32>,
      tpu.vector_store %parallel_loop3A_232[%parallel_loop3A_233], %parallel_loop3A_226 {strides = array<i32>} : memref<32768xf32, #tpu.memory_space<vmem>>, vector<16xf32>,
      %parallel_loop3A_235 = vector.extract_strided_slice %parallel_loop3A_150 {offsets = [3], sizes = [1], strides = [1]} : vector<16xi32> to vector<1xi32>
      %parallel_loop3A_236 = vector.extract %parallel_loop3A_235[0] : i32 from vector<1xi32>
      %parallel_loop3A_237 = arith.constant 16 : i32
      %parallel_loop3A_238 = arith.muli %parallel_loop3A_139, %parallel_loop3A_237 : i32
      %parallel_loop3A_239 = arith.constant 3 : i32
      %parallel_loop3A_240 = arith.addi %parallel_loop3A_238, %parallel_loop3A_239 : i32
      %parallel_loop3A_241 = arith.constant 32 : i32
      %parallel_loop3A_242 = arith.muli %parallel_loop3A_240, %parallel_loop3A_241 : i32
      %parallel_loop3A_243 = arith.index_cast %parallel_loop3A_236 : i32 to index
      %parallel_loop3A_244 = tpu.vector_load %arg7[%parallel_loop3A_243] {strides = array<i32>} : memref<32000xf32, #tpu.memory_space<vmem>>, vector<16xf32>,
      %parallel_loop3A_245 = arith.constant 0 : i32
      %parallel_loop3A_246 = arith.constant 0 : i32
      %parallel_loop3A_247 = tpu.memref_slice %arg6[%parallel_loop3A_245, %parallel_loop3A_246] : memref<2x32768xf32, #tpu.memory_space<vmem>> -> memref<1x32768xf32, #tpu.memory_space<vmem>>
      %parallel_loop3A_248 = tpu.memref_squeeze %parallel_loop3A_247 : memref<1x32768xf32, #tpu.memory_space<vmem>> -> memref<32768xf32, #tpu.memory_space<vmem>>
      %parallel_loop3A_249 = arith.index_cast %parallel_loop3A_242 : i32 to index
      %parallel_loop3A_250 = tpu.vector_load %parallel_loop3A_248[%parallel_loop3A_249] {strides = array<i32>} : memref<32768xf32, #tpu.memory_space<vmem>>, vector<16xf32>,
      tpu.vector_store %parallel_loop3A_248[%parallel_loop3A_249], %parallel_loop3A_244 {strides = array<i32>} : memref<32768xf32, #tpu.memory_space<vmem>>, vector<16xf32>,
      %parallel_loop3A_251 = arith.constant 16 : i32
      %parallel_loop3A_252 = arith.addi %parallel_loop3A_236, %parallel_loop3A_251 : i32
      %parallel_loop3A_253 = arith.index_cast %parallel_loop3A_252 : i32 to index
      %parallel_loop3A_254 = tpu.vector_load %arg7[%parallel_loop3A_253] {strides = array<i32>} : memref<32000xf32, #tpu.memory_space<vmem>>, vector<16xf32>,
      %parallel_loop3A_255 = arith.constant 16 : i32
      %parallel_loop3A_256 = arith.addi %parallel_loop3A_242, %parallel_loop3A_255 : i32
      %parallel_loop3A_257 = arith.constant 0 : i32
      %parallel_loop3A_258 = arith.constant 0 : i32
      %parallel_loop3A_259 = tpu.memref_slice %arg6[%parallel_loop3A_257, %parallel_loop3A_258] : memref<2x32768xf32, #tpu.memory_space<vmem>> -> memref<1x32768xf32, #tpu.memory_space<vmem>>
      %parallel_loop3A_260 = tpu.memref_squeeze %parallel_loop3A_259 : memref<1x32768xf32, #tpu.memory_space<vmem>> -> memref<32768xf32, #tpu.memory_space<vmem>>
      %parallel_loop3A_261 = arith.index_cast %parallel_loop3A_256 : i32 to index
      %parallel_loop3A_262 = tpu.vector_load %parallel_loop3A_260[%parallel_loop3A_261] {strides = array<i32>} : memref<32768xf32, #tpu.memory_space<vmem>>, vector<16xf32>,
      tpu.vector_store %parallel_loop3A_260[%parallel_loop3A_261], %parallel_loop3A_254 {strides = array<i32>} : memref<32768xf32, #tpu.memory_space<vmem>>, vector<16xf32>,
      %parallel_loop3A_263 = vector.extract_strided_slice %parallel_loop3A_150 {offsets = [4], sizes = [1], strides = [1]} : vector<16xi32> to vector<1xi32>
      %parallel_loop3A_264 = vector.extract %parallel_loop3A_263[0] : i32 from vector<1xi32>
      %parallel_loop3A_265 = arith.constant 16 : i32
      %parallel_loop3A_266 = arith.muli %parallel_loop3A_139, %parallel_loop3A_265 : i32
      %parallel_loop3A_267 = arith.constant 4 : i32
      %parallel_loop3A_268 = arith.addi %parallel_loop3A_266, %parallel_loop3A_267 : i32
      %parallel_loop3A_269 = arith.constant 32 : i32
      %parallel_loop3A_270 = arith.muli %parallel_loop3A_268, %parallel_loop3A_269 : i32
      %parallel_loop3A_271 = arith.index_cast %parallel_loop3A_264 : i32 to index
      %parallel_loop3A_272 = tpu.vector_load %arg7[%parallel_loop3A_271] {strides = array<i32>} : memref<32000xf32, #tpu.memory_space<vmem>>, vector<16xf32>,
      %parallel_loop3A_273 = arith.constant 0 : i32
      %parallel_loop3A_274 = arith.constant 0 : i32
      %parallel_loop3A_275 = tpu.memref_slice %arg6[%parallel_loop3A_273, %parallel_loop3A_274] : memref<2x32768xf32, #tpu.memory_space<vmem>> -> memref<1x32768xf32, #tpu.memory_space<vmem>>
      %parallel_loop3A_276 = tpu.memref_squeeze %parallel_loop3A_275 : memref<1x32768xf32, #tpu.memory_space<vmem>> -> memref<32768xf32, #tpu.memory_space<vmem>>
      %parallel_loop3A_277 = arith.index_cast %parallel_loop3A_270 : i32 to index
      %parallel_loop3A_278 = tpu.vector_load %parallel_loop3A_276[%parallel_loop3A_277] {strides = array<i32>} : memref<32768xf32, #tpu.memory_space<vmem>>, vector<16xf32>,
      tpu.vector_store %parallel_loop3A_276[%parallel_loop3A_277], %parallel_loop3A_272 {strides = array<i32>} : memref<32768xf32, #tpu.memory_space<vmem>>, vector<16xf32>,
      %parallel_loop3A_279 = arith.constant 16 : i32
      %parallel_loop3A_280 = arith.addi %parallel_loop3A_264, %parallel_loop3A_279 : i32
      %parallel_loop3A_281 = arith.index_cast %parallel_loop3A_280 : i32 to index
      %parallel_loop3A_282 = tpu.vector_load %arg7[%parallel_loop3A_281] {strides = array<i32>} : memref<32000xf32, #tpu.memory_space<vmem>>, vector<16xf32>,
      %parallel_loop3A_283 = arith.constant 16 : i32
      %parallel_loop3A_284 = arith.addi %parallel_loop3A_270, %parallel_loop3A_283 : i32
      %parallel_loop3A_285 = arith.constant 0 : i32
      %parallel_loop3A_286 = arith.constant 0 : i32
      %parallel_loop3A_287 = tpu.memref_slice %arg6[%parallel_loop3A_285, %parallel_loop3A_286] : memref<2x32768xf32, #tpu.memory_space<vmem>> -> memref<1x32768xf32, #tpu.memory_space<vmem>>
      %parallel_loop3A_288 = tpu.memref_squeeze %parallel_loop3A_287 : memref<1x32768xf32, #tpu.memory_space<vmem>> -> memref<32768xf32, #tpu.memory_space<vmem>>
      %parallel_loop3A_289 = arith.index_cast %parallel_loop3A_284 : i32 to index
      %parallel_loop3A_290 = tpu.vector_load %parallel_loop3A_288[%parallel_loop3A_289] {strides = array<i32>} : memref<32768xf32, #tpu.memory_space<vmem>>, vector<16xf32>,
      tpu.vector_store %parallel_loop3A_288[%parallel_loop3A_289], %parallel_loop3A_282 {strides = array<i32>} : memref<32768xf32, #tpu.memory_space<vmem>>, vector<16xf32>,
      %parallel_loop3A_291 = vector.extract_strided_slice %parallel_loop3A_150 {offsets = [5], sizes = [1], strides = [1]} : vector<16xi32> to vector<1xi32>
      %parallel_loop3A_292 = vector.extract %parallel_loop3A_291[0] : i32 from vector<1xi32>
      %parallel_loop3A_293 = arith.constant 16 : i32
      %parallel_loop3A_294 = arith.muli %parallel_loop3A_139, %parallel_loop3A_293 : i32
      %parallel_loop3A_295 = arith.constant 5 : i32
      %parallel_loop3A_296 = arith.addi %parallel_loop3A_294, %parallel_loop3A_295 : i32
      %parallel_loop3A_297 = arith.constant 32 : i32
      %parallel_loop3A_298 = arith.muli %parallel_loop3A_296, %parallel_loop3A_297 : i32
      %parallel_loop3A_299 = arith.index_cast %parallel_loop3A_292 : i32 to index
      %parallel_loop3A_300 = tpu.vector_load %arg7[%parallel_loop3A_299] {strides = array<i32>} : memref<32000xf32, #tpu.memory_space<vmem>>, vector<16xf32>,
      %parallel_loop3A_301 = arith.constant 0 : i32
      %parallel_loop3A_302 = arith.constant 0 : i32
      %parallel_loop3A_303 = tpu.memref_slice %arg6[%parallel_loop3A_301, %parallel_loop3A_302] : memref<2x32768xf32, #tpu.memory_space<vmem>> -> memref<1x32768xf32, #tpu.memory_space<vmem>>
      %parallel_loop3A_304 = tpu.memref_squeeze %parallel_loop3A_303 : memref<1x32768xf32, #tpu.memory_space<vmem>> -> memref<32768xf32, #tpu.memory_space<vmem>>
      %parallel_loop3A_305 = arith.index_cast %parallel_loop3A_298 : i32 to index
      %parallel_loop3A_306 = tpu.vector_load %parallel_loop3A_304[%parallel_loop3A_305] {strides = array<i32>} : memref<32768xf32, #tpu.memory_space<vmem>>, vector<16xf32>,
      tpu.vector_store %parallel_loop3A_304[%parallel_loop3A_305], %parallel_loop3A_300 {strides = array<i32>} : memref<32768xf32, #tpu.memory_space<vmem>>, vector<16xf32>,
      %parallel_loop3A_307 = arith.constant 16 : i32
      %parallel_loop3A_308 = arith.addi %parallel_loop3A_292, %parallel_loop3A_307 : i32
      %parallel_loop3A_309 = arith.index_cast %parallel_loop3A_308 : i32 to index
      %parallel_loop3A_310 = tpu.vector_load %arg7[%parallel_loop3A_309] {strides = array<i32>} : memref<32000xf32, #tpu.memory_space<vmem>>, vector<16xf32>,
      %parallel_loop3A_311 = arith.constant 16 : i32
      %parallel_loop3A_312 = arith.addi %parallel_loop3A_298, %parallel_loop3A_311 : i32
      %parallel_loop3A_313 = arith.constant 0 : i32
      %parallel_loop3A_314 = arith.constant 0 : i32
      %parallel_loop3A_315 = tpu.memref_slice %arg6[%parallel_loop3A_313, %parallel_loop3A_314] : memref<2x32768xf32, #tpu.memory_space<vmem>> -> memref<1x32768xf32, #tpu.memory_space<vmem>>
      %parallel_loop3A_316 = tpu.memref_squeeze %parallel_loop3A_315 : memref<1x32768xf32, #tpu.memory_space<vmem>> -> memref<32768xf32, #tpu.memory_space<vmem>>
      %parallel_loop3A_317 = arith.index_cast %parallel_loop3A_312 : i32 to index
      %parallel_loop3A_318 = tpu.vector_load %parallel_loop3A_316[%parallel_loop3A_317] {strides = array<i32>} : memref<32768xf32, #tpu.memory_space<vmem>>, vector<16xf32>,
      tpu.vector_store %parallel_loop3A_316[%parallel_loop3A_317], %parallel_loop3A_310 {strides = array<i32>} : memref<32768xf32, #tpu.memory_space<vmem>>, vector<16xf32>,
      %parallel_loop3A_319 = vector.extract_strided_slice %parallel_loop3A_150 {offsets = [6], sizes = [1], strides = [1]} : vector<16xi32> to vector<1xi32>
      %parallel_loop3A_320 = vector.extract %parallel_loop3A_319[0] : i32 from vector<1xi32>
      %parallel_loop3A_321 = arith.constant 16 : i32
      %parallel_loop3A_322 = arith.muli %parallel_loop3A_139, %parallel_loop3A_321 : i32
      %parallel_loop3A_323 = arith.constant 6 : i32
      %parallel_loop3A_324 = arith.addi %parallel_loop3A_322, %parallel_loop3A_323 : i32
      %parallel_loop3A_325 = arith.constant 32 : i32
      %parallel_loop3A_326 = arith.muli %parallel_loop3A_324, %parallel_loop3A_325 : i32
      %parallel_loop3A_327 = arith.index_cast %parallel_loop3A_320 : i32 to index
      %parallel_loop3A_328 = tpu.vector_load %arg7[%parallel_loop3A_327] {strides = array<i32>} : memref<32000xf32, #tpu.memory_space<vmem>>, vector<16xf32>,
      %parallel_loop3A_329 = arith.constant 0 : i32
      %parallel_loop3A_330 = arith.constant 0 : i32
      %parallel_loop3A_331 = tpu.memref_slice %arg6[%parallel_loop3A_329, %parallel_loop3A_330] : memref<2x32768xf32, #tpu.memory_space<vmem>> -> memref<1x32768xf32, #tpu.memory_space<vmem>>
      %parallel_loop3A_332 = tpu.memref_squeeze %parallel_loop3A_331 : memref<1x32768xf32, #tpu.memory_space<vmem>> -> memref<32768xf32, #tpu.memory_space<vmem>>
      %parallel_loop3A_333 = arith.index_cast %parallel_loop3A_326 : i32 to index
      %parallel_loop3A_334 = tpu.vector_load %parallel_loop3A_332[%parallel_loop3A_333] {strides = array<i32>} : memref<32768xf32, #tpu.memory_space<vmem>>, vector<16xf32>,
      tpu.vector_store %parallel_loop3A_332[%parallel_loop3A_333], %parallel_loop3A_328 {strides = array<i32>} : memref<32768xf32, #tpu.memory_space<vmem>>, vector<16xf32>,
      %parallel_loop3A_335 = arith.constant 16 : i32
      %parallel_loop3A_336 = arith.addi %parallel_loop3A_320, %parallel_loop3A_335 : i32
      %parallel_loop3A_337 = arith.index_cast %parallel_loop3A_336 : i32 to index
      %parallel_loop3A_338 = tpu.vector_load %arg7[%parallel_loop3A_337] {strides = array<i32>} : memref<32000xf32, #tpu.memory_space<vmem>>, vector<16xf32>,
      %parallel_loop3A_339 = arith.constant 16 : i32
      %parallel_loop3A_340 = arith.addi %parallel_loop3A_326, %parallel_loop3A_339 : i32
      %parallel_loop3A_341 = arith.constant 0 : i32
      %parallel_loop3A_342 = arith.constant 0 : i32
      %parallel_loop3A_343 = tpu.memref_slice %arg6[%parallel_loop3A_341, %parallel_loop3A_342] : memref<2x32768xf32, #tpu.memory_space<vmem>> -> memref<1x32768xf32, #tpu.memory_space<vmem>>
      %parallel_loop3A_344 = tpu.memref_squeeze %parallel_loop3A_343 : memref<1x32768xf32, #tpu.memory_space<vmem>> -> memref<32768xf32, #tpu.memory_space<vmem>>
      %parallel_loop3A_345 = arith.index_cast %parallel_loop3A_340 : i32 to index
      %parallel_loop3A_346 = tpu.vector_load %parallel_loop3A_344[%parallel_loop3A_345] {strides = array<i32>} : memref<32768xf32, #tpu.memory_space<vmem>>, vector<16xf32>,
      tpu.vector_store %parallel_loop3A_344[%parallel_loop3A_345], %parallel_loop3A_338 {strides = array<i32>} : memref<32768xf32, #tpu.memory_space<vmem>>, vector<16xf32>,
      %parallel_loop3A_347 = vector.extract_strided_slice %parallel_loop3A_150 {offsets = [7], sizes = [1], strides = [1]} : vector<16xi32> to vector<1xi32>
      %parallel_loop3A_348 = vector.extract %parallel_loop3A_347[0] : i32 from vector<1xi32>
      %parallel_loop3A_349 = arith.constant 16 : i32
      %parallel_loop3A_350 = arith.muli %parallel_loop3A_139, %parallel_loop3A_349 : i32
      %parallel_loop3A_351 = arith.constant 7 : i32
      %parallel_loop3A_352 = arith.addi %parallel_loop3A_350, %parallel_loop3A_351 : i32
      %parallel_loop3A_353 = arith.constant 32 : i32
      %parallel_loop3A_354 = arith.muli %parallel_loop3A_352, %parallel_loop3A_353 : i32
      %parallel_loop3A_355 = arith.index_cast %parallel_loop3A_348 : i32 to index
      %parallel_loop3A_356 = tpu.vector_load %arg7[%parallel_loop3A_355] {strides = array<i32>} : memref<32000xf32, #tpu.memory_space<vmem>>, vector<16xf32>,
      %parallel_loop3A_357 = arith.constant 0 : i32
      %parallel_loop3A_358 = arith.constant 0 : i32
      %parallel_loop3A_359 = tpu.memref_slice %arg6[%parallel_loop3A_357, %parallel_loop3A_358] : memref<2x32768xf32, #tpu.memory_space<vmem>> -> memref<1x32768xf32, #tpu.memory_space<vmem>>
      %parallel_loop3A_360 = tpu.memref_squeeze %parallel_loop3A_359 : memref<1x32768xf32, #tpu.memory_space<vmem>> -> memref<32768xf32, #tpu.memory_space<vmem>>
      %parallel_loop3A_361 = arith.index_cast %parallel_loop3A_354 : i32 to index
      %parallel_loop3A_362 = tpu.vector_load %parallel_loop3A_360[%parallel_loop3A_361] {strides = array<i32>} : memref<32768xf32, #tpu.memory_space<vmem>>, vector<16xf32>,
      tpu.vector_store %parallel_loop3A_360[%parallel_loop3A_361], %parallel_loop3A_356 {strides = array<i32>} : memref<32768xf32, #tpu.memory_space<vmem>>, vector<16xf32>,
      %parallel_loop3A_363 = arith.constant 16 : i32
      %parallel_loop3A_364 = arith.addi %parallel_loop3A_348, %parallel_loop3A_363 : i32
      %parallel_loop3A_365 = arith.index_cast %parallel_loop3A_364 : i32 to index
      %parallel_loop3A_366 = tpu.vector_load %arg7[%parallel_loop3A_365] {strides = array<i32>} : memref<32000xf32, #tpu.memory_space<vmem>>, vector<16xf32>,
      %parallel_loop3A_367 = arith.constant 16 : i32
      %parallel_loop3A_368 = arith.addi %parallel_loop3A_354, %parallel_loop3A_367 : i32
      %parallel_loop3A_369 = arith.constant 0 : i32
      %parallel_loop3A_370 = arith.constant 0 : i32
      %parallel_loop3A_371 = tpu.memref_slice %arg6[%parallel_loop3A_369, %parallel_loop3A_370] : memref<2x32768xf32, #tpu.memory_space<vmem>> -> memref<1x32768xf32, #tpu.memory_space<vmem>>
      %parallel_loop3A_372 = tpu.memref_squeeze %parallel_loop3A_371 : memref<1x32768xf32, #tpu.memory_space<vmem>> -> memref<32768xf32, #tpu.memory_space<vmem>>
      %parallel_loop3A_373 = arith.index_cast %parallel_loop3A_368 : i32 to index
      %parallel_loop3A_374 = tpu.vector_load %parallel_loop3A_372[%parallel_loop3A_373] {strides = array<i32>} : memref<32768xf32, #tpu.memory_space<vmem>>, vector<16xf32>,
      tpu.vector_store %parallel_loop3A_372[%parallel_loop3A_373], %parallel_loop3A_366 {strides = array<i32>} : memref<32768xf32, #tpu.memory_space<vmem>>, vector<16xf32>,
      %parallel_loop3A_375 = vector.extract_strided_slice %parallel_loop3A_150 {offsets = [8], sizes = [1], strides = [1]} : vector<16xi32> to vector<1xi32>
      %parallel_loop3A_376 = vector.extract %parallel_loop3A_375[0] : i32 from vector<1xi32>
      %parallel_loop3A_377 = arith.constant 16 : i32
      %parallel_loop3A_378 = arith.muli %parallel_loop3A_139, %parallel_loop3A_377 : i32
      %parallel_loop3A_379 = arith.constant 8 : i32
      %parallel_loop3A_380 = arith.addi %parallel_loop3A_378, %parallel_loop3A_379 : i32
      %parallel_loop3A_381 = arith.constant 32 : i32
      %parallel_loop3A_382 = arith.muli %parallel_loop3A_380, %parallel_loop3A_381 : i32
      %parallel_loop3A_383 = arith.index_cast %parallel_loop3A_376 : i32 to index
      %parallel_loop3A_384 = tpu.vector_load %arg7[%parallel_loop3A_383] {strides = array<i32>} : memref<32000xf32, #tpu.memory_space<vmem>>, vector<16xf32>,
      %parallel_loop3A_385 = arith.constant 0 : i32
      %parallel_loop3A_386 = arith.constant 0 : i32
      %parallel_loop3A_387 = tpu.memref_slice %arg6[%parallel_loop3A_385, %parallel_loop3A_386] : memref<2x32768xf32, #tpu.memory_space<vmem>> -> memref<1x32768xf32, #tpu.memory_space<vmem>>
      %parallel_loop3A_388 = tpu.memref_squeeze %parallel_loop3A_387 : memref<1x32768xf32, #tpu.memory_space<vmem>> -> memref<32768xf32, #tpu.memory_space<vmem>>
      %parallel_loop3A_389 = arith.index_cast %parallel_loop3A_382 : i32 to index
      %parallel_loop3A_390 = tpu.vector_load %parallel_loop3A_388[%parallel_loop3A_389] {strides = array<i32>} : memref<32768xf32, #tpu.memory_space<vmem>>, vector<16xf32>,
      tpu.vector_store %parallel_loop3A_388[%parallel_loop3A_389], %parallel_loop3A_384 {strides = array<i32>} : memref<32768xf32, #tpu.memory_space<vmem>>, vector<16xf32>,
      %parallel_loop3A_391 = arith.constant 16 : i32
      %parallel_loop3A_392 = arith.addi %parallel_loop3A_376, %parallel_loop3A_391 : i32
      %parallel_loop3A_393 = arith.index_cast %parallel_loop3A_392 : i32 to index
      %parallel_loop3A_394 = tpu.vector_load %arg7[%parallel_loop3A_393] {strides = array<i32>} : memref<32000xf32, #tpu.memory_space<vmem>>, vector<16xf32>,
      %parallel_loop3A_395 = arith.constant 16 : i32
      %parallel_loop3A_396 = arith.addi %parallel_loop3A_382, %parallel_loop3A_395 : i32
      %parallel_loop3A_397 = arith.constant 0 : i32
      %parallel_loop3A_398 = arith.constant 0 : i32
      %parallel_loop3A_399 = tpu.memref_slice %arg6[%parallel_loop3A_397, %parallel_loop3A_398] : memref<2x32768xf32, #tpu.memory_space<vmem>> -> memref<1x32768xf32, #tpu.memory_space<vmem>>
      %parallel_loop3A_400 = tpu.memref_squeeze %parallel_loop3A_399 : memref<1x32768xf32, #tpu.memory_space<vmem>> -> memref<32768xf32, #tpu.memory_space<vmem>>
      %parallel_loop3A_401 = arith.index_cast %parallel_loop3A_396 : i32 to index
      %parallel_loop3A_402 = tpu.vector_load %parallel_loop3A_400[%parallel_loop3A_401] {strides = array<i32>} : memref<32768xf32, #tpu.memory_space<vmem>>, vector<16xf32>,
      tpu.vector_store %parallel_loop3A_400[%parallel_loop3A_401], %parallel_loop3A_394 {strides = array<i32>} : memref<32768xf32, #tpu.memory_space<vmem>>, vector<16xf32>,
      %parallel_loop3A_403 = vector.extract_strided_slice %parallel_loop3A_150 {offsets = [9], sizes = [1], strides = [1]} : vector<16xi32> to vector<1xi32>
      %parallel_loop3A_404 = vector.extract %parallel_loop3A_403[0] : i32 from vector<1xi32>
      %parallel_loop3A_405 = arith.constant 16 : i32
      %parallel_loop3A_406 = arith.muli %parallel_loop3A_139, %parallel_loop3A_405 : i32
      %parallel_loop3A_407 = arith.constant 9 : i32
      %parallel_loop3A_408 = arith.addi %parallel_loop3A_406, %parallel_loop3A_407 : i32
      %parallel_loop3A_409 = arith.constant 32 : i32
      %parallel_loop3A_410 = arith.muli %parallel_loop3A_408, %parallel_loop3A_409 : i32
      %parallel_loop3A_411 = arith.index_cast %parallel_loop3A_404 : i32 to index
      %parallel_loop3A_412 = tpu.vector_load %arg7[%parallel_loop3A_411] {strides = array<i32>} : memref<32000xf32, #tpu.memory_space<vmem>>, vector<16xf32>,
      %parallel_loop3A_413 = arith.constant 0 : i32
      %parallel_loop3A_414 = arith.constant 0 : i32
      %parallel_loop3A_415 = tpu.memref_slice %arg6[%parallel_loop3A_413, %parallel_loop3A_414] : memref<2x32768xf32, #tpu.memory_space<vmem>> -> memref<1x32768xf32, #tpu.memory_space<vmem>>
      %parallel_loop3A_416 = tpu.memref_squeeze %parallel_loop3A_415 : memref<1x32768xf32, #tpu.memory_space<vmem>> -> memref<32768xf32, #tpu.memory_space<vmem>>
      %parallel_loop3A_417 = arith.index_cast %parallel_loop3A_410 : i32 to index
      %parallel_loop3A_418 = tpu.vector_load %parallel_loop3A_416[%parallel_loop3A_417] {strides = array<i32>} : memref<32768xf32, #tpu.memory_space<vmem>>, vector<16xf32>,
      tpu.vector_store %parallel_loop3A_416[%parallel_loop3A_417], %parallel_loop3A_412 {strides = array<i32>} : memref<32768xf32, #tpu.memory_space<vmem>>, vector<16xf32>,
      %parallel_loop3A_419 = arith.constant 16 : i32
      %parallel_loop3A_420 = arith.addi %parallel_loop3A_404, %parallel_loop3A_419 : i32
      %parallel_loop3A_421 = arith.index_cast %parallel_loop3A_420 : i32 to index
      %parallel_loop3A_422 = tpu.vector_load %arg7[%parallel_loop3A_421] {strides = array<i32>} : memref<32000xf32, #tpu.memory_space<vmem>>, vector<16xf32>,
      %parallel_loop3A_423 = arith.constant 16 : i32
      %parallel_loop3A_424 = arith.addi %parallel_loop3A_410, %parallel_loop3A_423 : i32
      %parallel_loop3A_425 = arith.constant 0 : i32
      %parallel_loop3A_426 = arith.constant 0 : i32
      %parallel_loop3A_427 = tpu.memref_slice %arg6[%parallel_loop3A_425, %parallel_loop3A_426] : memref<2x32768xf32, #tpu.memory_space<vmem>> -> memref<1x32768xf32, #tpu.memory_space<vmem>>
      %parallel_loop3A_428 = tpu.memref_squeeze %parallel_loop3A_427 : memref<1x32768xf32, #tpu.memory_space<vmem>> -> memref<32768xf32, #tpu.memory_space<vmem>>
      %parallel_loop3A_429 = arith.index_cast %parallel_loop3A_424 : i32 to index
      %parallel_loop3A_430 = tpu.vector_load %parallel_loop3A_428[%parallel_loop3A_429] {strides = array<i32>} : memref<32768xf32, #tpu.memory_space<vmem>>, vector<16xf32>,
      tpu.vector_store %parallel_loop3A_428[%parallel_loop3A_429], %parallel_loop3A_422 {strides = array<i32>} : memref<32768xf32, #tpu.memory_space<vmem>>, vector<16xf32>,
      %parallel_loop3A_431 = vector.extract_strided_slice %parallel_loop3A_150 {offsets = [10], sizes = [1], strides = [1]} : vector<16xi32> to vector<1xi32>
      %parallel_loop3A_432 = vector.extract %parallel_loop3A_431[0] : i32 from vector<1xi32>
      %parallel_loop3A_433 = arith.constant 16 : i32
      %parallel_loop3A_434 = arith.muli %parallel_loop3A_139, %parallel_loop3A_433 : i32
      %parallel_loop3A_435 = arith.constant 10 : i32
      %parallel_loop3A_436 = arith.addi %parallel_loop3A_434, %parallel_loop3A_435 : i32
      %parallel_loop3A_437 = arith.constant 32 : i32
      %parallel_loop3A_438 = arith.muli %parallel_loop3A_436, %parallel_loop3A_437 : i32
      %parallel_loop3A_439 = arith.index_cast %parallel_loop3A_432 : i32 to index
      %parallel_loop3A_440 = tpu.vector_load %arg7[%parallel_loop3A_439] {strides = array<i32>} : memref<32000xf32, #tpu.memory_space<vmem>>, vector<16xf32>,
      %parallel_loop3A_441 = arith.constant 0 : i32
      %parallel_loop3A_442 = arith.constant 0 : i32
      %parallel_loop3A_443 = tpu.memref_slice %arg6[%parallel_loop3A_441, %parallel_loop3A_442] : memref<2x32768xf32, #tpu.memory_space<vmem>> -> memref<1x32768xf32, #tpu.memory_space<vmem>>
      %parallel_loop3A_444 = tpu.memref_squeeze %parallel_loop3A_443 : memref<1x32768xf32, #tpu.memory_space<vmem>> -> memref<32768xf32, #tpu.memory_space<vmem>>
      %parallel_loop3A_445 = arith.index_cast %parallel_loop3A_438 : i32 to index
      %parallel_loop3A_446 = tpu.vector_load %parallel_loop3A_444[%parallel_loop3A_445] {strides = array<i32>} : memref<32768xf32, #tpu.memory_space<vmem>>, vector<16xf32>,
      tpu.vector_store %parallel_loop3A_444[%parallel_loop3A_445], %parallel_loop3A_440 {strides = array<i32>} : memref<32768xf32, #tpu.memory_space<vmem>>, vector<16xf32>,
      %parallel_loop3A_447 = arith.constant 16 : i32
      %parallel_loop3A_448 = arith.addi %parallel_loop3A_432, %parallel_loop3A_447 : i32
      %parallel_loop3A_449 = arith.index_cast %parallel_loop3A_448 : i32 to index
      %parallel_loop3A_450 = tpu.vector_load %arg7[%parallel_loop3A_449] {strides = array<i32>} : memref<32000xf32, #tpu.memory_space<vmem>>, vector<16xf32>,
      %parallel_loop3A_451 = arith.constant 16 : i32
      %parallel_loop3A_452 = arith.addi %parallel_loop3A_438, %parallel_loop3A_451 : i32
      %parallel_loop3A_453 = arith.constant 0 : i32
      %parallel_loop3A_454 = arith.constant 0 : i32
      %parallel_loop3A_455 = tpu.memref_slice %arg6[%parallel_loop3A_453, %parallel_loop3A_454] : memref<2x32768xf32, #tpu.memory_space<vmem>> -> memref<1x32768xf32, #tpu.memory_space<vmem>>
      %parallel_loop3A_456 = tpu.memref_squeeze %parallel_loop3A_455 : memref<1x32768xf32, #tpu.memory_space<vmem>> -> memref<32768xf32, #tpu.memory_space<vmem>>
      %parallel_loop3A_457 = arith.index_cast %parallel_loop3A_452 : i32 to index
      %parallel_loop3A_458 = tpu.vector_load %parallel_loop3A_456[%parallel_loop3A_457] {strides = array<i32>} : memref<32768xf32, #tpu.memory_space<vmem>>, vector<16xf32>,
      tpu.vector_store %parallel_loop3A_456[%parallel_loop3A_457], %parallel_loop3A_450 {strides = array<i32>} : memref<32768xf32, #tpu.memory_space<vmem>>, vector<16xf32>,
      %parallel_loop3A_459 = vector.extract_strided_slice %parallel_loop3A_150 {offsets = [11], sizes = [1], strides = [1]} : vector<16xi32> to vector<1xi32>
      %parallel_loop3A_460 = vector.extract %parallel_loop3A_459[0] : i32 from vector<1xi32>
      %parallel_loop3A_461 = arith.constant 16 : i32
      %parallel_loop3A_462 = arith.muli %parallel_loop3A_139, %parallel_loop3A_461 : i32
      %parallel_loop3A_463 = arith.constant 11 : i32
      %parallel_loop3A_464 = arith.addi %parallel_loop3A_462, %parallel_loop3A_463 : i32
      %parallel_loop3A_465 = arith.constant 32 : i32
      %parallel_loop3A_466 = arith.muli %parallel_loop3A_464, %parallel_loop3A_465 : i32
      %parallel_loop3A_467 = arith.index_cast %parallel_loop3A_460 : i32 to index
      %parallel_loop3A_468 = tpu.vector_load %arg7[%parallel_loop3A_467] {strides = array<i32>} : memref<32000xf32, #tpu.memory_space<vmem>>, vector<16xf32>,
      %parallel_loop3A_469 = arith.constant 0 : i32
      %parallel_loop3A_470 = arith.constant 0 : i32
      %parallel_loop3A_471 = tpu.memref_slice %arg6[%parallel_loop3A_469, %parallel_loop3A_470] : memref<2x32768xf32, #tpu.memory_space<vmem>> -> memref<1x32768xf32, #tpu.memory_space<vmem>>
      %parallel_loop3A_472 = tpu.memref_squeeze %parallel_loop3A_471 : memref<1x32768xf32, #tpu.memory_space<vmem>> -> memref<32768xf32, #tpu.memory_space<vmem>>
      %parallel_loop3A_473 = arith.index_cast %parallel_loop3A_466 : i32 to index
      %parallel_loop3A_474 = tpu.vector_load %parallel_loop3A_472[%parallel_loop3A_473] {strides = array<i32>} : memref<32768xf32, #tpu.memory_space<vmem>>, vector<16xf32>,
      tpu.vector_store %parallel_loop3A_472[%parallel_loop3A_473], %parallel_loop3A_468 {strides = array<i32>} : memref<32768xf32, #tpu.memory_space<vmem>>, vector<16xf32>,
      %parallel_loop3A_475 = arith.constant 16 : i32
      %parallel_loop3A_476 = arith.addi %parallel_loop3A_460, %parallel_loop3A_475 : i32
      %parallel_loop3A_477 = arith.index_cast %parallel_loop3A_476 : i32 to index
      %parallel_loop3A_478 = tpu.vector_load %arg7[%parallel_loop3A_477] {strides = array<i32>} : memref<32000xf32, #tpu.memory_space<vmem>>, vector<16xf32>,
      %parallel_loop3A_479 = arith.constant 16 : i32
      %parallel_loop3A_480 = arith.addi %parallel_loop3A_466, %parallel_loop3A_479 : i32
      %parallel_loop3A_481 = arith.constant 0 : i32
      %parallel_loop3A_482 = arith.constant 0 : i32
      %parallel_loop3A_483 = tpu.memref_slice %arg6[%parallel_loop3A_481, %parallel_loop3A_482] : memref<2x32768xf32, #tpu.memory_space<vmem>> -> memref<1x32768xf32, #tpu.memory_space<vmem>>
      %parallel_loop3A_484 = tpu.memref_squeeze %parallel_loop3A_483 : memref<1x32768xf32, #tpu.memory_space<vmem>> -> memref<32768xf32, #tpu.memory_space<vmem>>
      %parallel_loop3A_485 = arith.index_cast %parallel_loop3A_480 : i32 to index
      %parallel_loop3A_486 = tpu.vector_load %parallel_loop3A_484[%parallel_loop3A_485] {strides = array<i32>} : memref<32768xf32, #tpu.memory_space<vmem>>, vector<16xf32>,
      tpu.vector_store %parallel_loop3A_484[%parallel_loop3A_485], %parallel_loop3A_478 {strides = array<i32>} : memref<32768xf32, #tpu.memory_space<vmem>>, vector<16xf32>,
      %parallel_loop3A_487 = vector.extract_strided_slice %parallel_loop3A_150 {offsets = [12], sizes = [1], strides = [1]} : vector<16xi32> to vector<1xi32>
      %parallel_loop3A_488 = vector.extract %parallel_loop3A_487[0] : i32 from vector<1xi32>
      %parallel_loop3A_489 = arith.constant 16 : i32
      %parallel_loop3A_490 = arith.muli %parallel_loop3A_139, %parallel_loop3A_489 : i32
      %parallel_loop3A_491 = arith.constant 12 : i32
      %parallel_loop3A_492 = arith.addi %parallel_loop3A_490, %parallel_loop3A_491 : i32
      %parallel_loop3A_493 = arith.constant 32 : i32
      %parallel_loop3A_494 = arith.muli %parallel_loop3A_492, %parallel_loop3A_493 : i32
      %parallel_loop3A_495 = arith.index_cast %parallel_loop3A_488 : i32 to index
      %parallel_loop3A_496 = tpu.vector_load %arg7[%parallel_loop3A_495] {strides = array<i32>} : memref<32000xf32, #tpu.memory_space<vmem>>, vector<16xf32>,
      %parallel_loop3A_497 = arith.constant 0 : i32
      %parallel_loop3A_498 = arith.constant 0 : i32
      %parallel_loop3A_499 = tpu.memref_slice %arg6[%parallel_loop3A_497, %parallel_loop3A_498] : memref<2x32768xf32, #tpu.memory_space<vmem>> -> memref<1x32768xf32, #tpu.memory_space<vmem>>
      %parallel_loop3A_500 = tpu.memref_squeeze %parallel_loop3A_499 : memref<1x32768xf32, #tpu.memory_space<vmem>> -> memref<32768xf32, #tpu.memory_space<vmem>>
      %parallel_loop3A_501 = arith.index_cast %parallel_loop3A_494 : i32 to index
      %parallel_loop3A_502 = tpu.vector_load %parallel_loop3A_500[%parallel_loop3A_501] {strides = array<i32>} : memref<32768xf32, #tpu.memory_space<vmem>>, vector<16xf32>,
      tpu.vector_store %parallel_loop3A_500[%parallel_loop3A_501], %parallel_loop3A_496 {strides = array<i32>} : memref<32768xf32, #tpu.memory_space<vmem>>, vector<16xf32>,
      %parallel_loop3A_503 = arith.constant 16 : i32
      %parallel_loop3A_504 = arith.addi %parallel_loop3A_488, %parallel_loop3A_503 : i32
      %parallel_loop3A_505 = arith.index_cast %parallel_loop3A_504 : i32 to index
      %parallel_loop3A_506 = tpu.vector_load %arg7[%parallel_loop3A_505] {strides = array<i32>} : memref<32000xf32, #tpu.memory_space<vmem>>, vector<16xf32>,
      %parallel_loop3A_507 = arith.constant 16 : i32
      %parallel_loop3A_508 = arith.addi %parallel_loop3A_494, %parallel_loop3A_507 : i32
      %parallel_loop3A_509 = arith.constant 0 : i32
      %parallel_loop3A_510 = arith.constant 0 : i32
      %parallel_loop3A_511 = tpu.memref_slice %arg6[%parallel_loop3A_509, %parallel_loop3A_510] : memref<2x32768xf32, #tpu.memory_space<vmem>> -> memref<1x32768xf32, #tpu.memory_space<vmem>>
      %parallel_loop3A_512 = tpu.memref_squeeze %parallel_loop3A_511 : memref<1x32768xf32, #tpu.memory_space<vmem>> -> memref<32768xf32, #tpu.memory_space<vmem>>
      %parallel_loop3A_513 = arith.index_cast %parallel_loop3A_508 : i32 to index
      %parallel_loop3A_514 = tpu.vector_load %parallel_loop3A_512[%parallel_loop3A_513] {strides = array<i32>} : memref<32768xf32, #tpu.memory_space<vmem>>, vector<16xf32>,
      tpu.vector_store %parallel_loop3A_512[%parallel_loop3A_513], %parallel_loop3A_506 {strides = array<i32>} : memref<32768xf32, #tpu.memory_space<vmem>>, vector<16xf32>,
      %parallel_loop3A_515 = vector.extract_strided_slice %parallel_loop3A_150 {offsets = [13], sizes = [1], strides = [1]} : vector<16xi32> to vector<1xi32>
      %parallel_loop3A_516 = vector.extract %parallel_loop3A_515[0] : i32 from vector<1xi32>
      %parallel_loop3A_517 = arith.constant 16 : i32
      %parallel_loop3A_518 = arith.muli %parallel_loop3A_139, %parallel_loop3A_517 : i32
      %parallel_loop3A_519 = arith.constant 13 : i32
      %parallel_loop3A_520 = arith.addi %parallel_loop3A_518, %parallel_loop3A_519 : i32
      %parallel_loop3A_521 = arith.constant 32 : i32
      %parallel_loop3A_522 = arith.muli %parallel_loop3A_520, %parallel_loop3A_521 : i32
      %parallel_loop3A_523 = arith.index_cast %parallel_loop3A_516 : i32 to index
      %parallel_loop3A_524 = tpu.vector_load %arg7[%parallel_loop3A_523] {strides = array<i32>} : memref<32000xf32, #tpu.memory_space<vmem>>, vector<16xf32>,
      %parallel_loop3A_525 = arith.constant 0 : i32
      %parallel_loop3A_526 = arith.constant 0 : i32
      %parallel_loop3A_527 = tpu.memref_slice %arg6[%parallel_loop3A_525, %parallel_loop3A_526] : memref<2x32768xf32, #tpu.memory_space<vmem>> -> memref<1x32768xf32, #tpu.memory_space<vmem>>
      %parallel_loop3A_528 = tpu.memref_squeeze %parallel_loop3A_527 : memref<1x32768xf32, #tpu.memory_space<vmem>> -> memref<32768xf32, #tpu.memory_space<vmem>>
      %parallel_loop3A_529 = arith.index_cast %parallel_loop3A_522 : i32 to index
      %parallel_loop3A_530 = tpu.vector_load %parallel_loop3A_528[%parallel_loop3A_529] {strides = array<i32>} : memref<32768xf32, #tpu.memory_space<vmem>>, vector<16xf32>,
      tpu.vector_store %parallel_loop3A_528[%parallel_loop3A_529], %parallel_loop3A_524 {strides = array<i32>} : memref<32768xf32, #tpu.memory_space<vmem>>, vector<16xf32>,
      %parallel_loop3A_531 = arith.constant 16 : i32
      %parallel_loop3A_532 = arith.addi %parallel_loop3A_516, %parallel_loop3A_531 : i32
      %parallel_loop3A_533 = arith.index_cast %parallel_loop3A_532 : i32 to index
      %parallel_loop3A_534 = tpu.vector_load %arg7[%parallel_loop3A_533] {strides = array<i32>} : memref<32000xf32, #tpu.memory_space<vmem>>, vector<16xf32>,
      %parallel_loop3A_535 = arith.constant 16 : i32
      %parallel_loop3A_536 = arith.addi %parallel_loop3A_522, %parallel_loop3A_535 : i32
      %parallel_loop3A_537 = arith.constant 0 : i32
      %parallel_loop3A_538 = arith.constant 0 : i32
      %parallel_loop3A_539 = tpu.memref_slice %arg6[%parallel_loop3A_537, %parallel_loop3A_538] : memref<2x32768xf32, #tpu.memory_space<vmem>> -> memref<1x32768xf32, #tpu.memory_space<vmem>>
      %parallel_loop3A_540 = tpu.memref_squeeze %parallel_loop3A_539 : memref<1x32768xf32, #tpu.memory_space<vmem>> -> memref<32768xf32, #tpu.memory_space<vmem>>
      %parallel_loop3A_541 = arith.index_cast %parallel_loop3A_536 : i32 to index
      %parallel_loop3A_542 = tpu.vector_load %parallel_loop3A_540[%parallel_loop3A_541] {strides = array<i32>} : memref<32768xf32, #tpu.memory_space<vmem>>, vector<16xf32>,
      tpu.vector_store %parallel_loop3A_540[%parallel_loop3A_541], %parallel_loop3A_534 {strides = array<i32>} : memref<32768xf32, #tpu.memory_space<vmem>>, vector<16xf32>,
      %parallel_loop3A_543 = vector.extract_strided_slice %parallel_loop3A_150 {offsets = [14], sizes = [1], strides = [1]} : vector<16xi32> to vector<1xi32>
      %parallel_loop3A_544 = vector.extract %parallel_loop3A_543[0] : i32 from vector<1xi32>
      %parallel_loop3A_545 = arith.constant 16 : i32
      %parallel_loop3A_546 = arith.muli %parallel_loop3A_139, %parallel_loop3A_545 : i32
      %parallel_loop3A_547 = arith.constant 14 : i32
      %parallel_loop3A_548 = arith.addi %parallel_loop3A_546, %parallel_loop3A_547 : i32
      %parallel_loop3A_549 = arith.constant 32 : i32
      %parallel_loop3A_550 = arith.muli %parallel_loop3A_548, %parallel_loop3A_549 : i32
      %parallel_loop3A_551 = arith.index_cast %parallel_loop3A_544 : i32 to index
      %parallel_loop3A_552 = tpu.vector_load %arg7[%parallel_loop3A_551] {strides = array<i32>} : memref<32000xf32, #tpu.memory_space<vmem>>, vector<16xf32>,
      %parallel_loop3A_553 = arith.constant 0 : i32
      %parallel_loop3A_554 = arith.constant 0 : i32
      %parallel_loop3A_555 = tpu.memref_slice %arg6[%parallel_loop3A_553, %parallel_loop3A_554] : memref<2x32768xf32, #tpu.memory_space<vmem>> -> memref<1x32768xf32, #tpu.memory_space<vmem>>
      %parallel_loop3A_556 = tpu.memref_squeeze %parallel_loop3A_555 : memref<1x32768xf32, #tpu.memory_space<vmem>> -> memref<32768xf32, #tpu.memory_space<vmem>>
      %parallel_loop3A_557 = arith.index_cast %parallel_loop3A_550 : i32 to index
      %parallel_loop3A_558 = tpu.vector_load %parallel_loop3A_556[%parallel_loop3A_557] {strides = array<i32>} : memref<32768xf32, #tpu.memory_space<vmem>>, vector<16xf32>,
      tpu.vector_store %parallel_loop3A_556[%parallel_loop3A_557], %parallel_loop3A_552 {strides = array<i32>} : memref<32768xf32, #tpu.memory_space<vmem>>, vector<16xf32>,
      %parallel_loop3A_559 = arith.constant 16 : i32
      %parallel_loop3A_560 = arith.addi %parallel_loop3A_544, %parallel_loop3A_559 : i32
      %parallel_loop3A_561 = arith.index_cast %parallel_loop3A_560 : i32 to index
      %parallel_loop3A_562 = tpu.vector_load %arg7[%parallel_loop3A_561] {strides = array<i32>} : memref<32000xf32, #tpu.memory_space<vmem>>, vector<16xf32>,
      %parallel_loop3A_563 = arith.constant 16 : i32
      %parallel_loop3A_564 = arith.addi %parallel_loop3A_550, %parallel_loop3A_563 : i32
      %parallel_loop3A_565 = arith.constant 0 : i32
      %parallel_loop3A_566 = arith.constant 0 : i32
      %parallel_loop3A_567 = tpu.memref_slice %arg6[%parallel_loop3A_565, %parallel_loop3A_566] : memref<2x32768xf32, #tpu.memory_space<vmem>> -> memref<1x32768xf32, #tpu.memory_space<vmem>>
      %parallel_loop3A_568 = tpu.memref_squeeze %parallel_loop3A_567 : memref<1x32768xf32, #tpu.memory_space<vmem>> -> memref<32768xf32, #tpu.memory_space<vmem>>
      %parallel_loop3A_569 = arith.index_cast %parallel_loop3A_564 : i32 to index
      %parallel_loop3A_570 = tpu.vector_load %parallel_loop3A_568[%parallel_loop3A_569] {strides = array<i32>} : memref<32768xf32, #tpu.memory_space<vmem>>, vector<16xf32>,
      tpu.vector_store %parallel_loop3A_568[%parallel_loop3A_569], %parallel_loop3A_562 {strides = array<i32>} : memref<32768xf32, #tpu.memory_space<vmem>>, vector<16xf32>,
      %parallel_loop3A_571 = vector.extract_strided_slice %parallel_loop3A_150 {offsets = [15], sizes = [1], strides = [1]} : vector<16xi32> to vector<1xi32>
      %parallel_loop3A_572 = vector.extract %parallel_loop3A_571[0] : i32 from vector<1xi32>
      %parallel_loop3A_573 = arith.constant 16 : i32
      %parallel_loop3A_574 = arith.muli %parallel_loop3A_139, %parallel_loop3A_573 : i32
      %parallel_loop3A_575 = arith.constant 15 : i32
      %parallel_loop3A_576 = arith.addi %parallel_loop3A_574, %parallel_loop3A_575 : i32
      %parallel_loop3A_577 = arith.constant 32 : i32
      %parallel_loop3A_578 = arith.muli %parallel_loop3A_576, %parallel_loop3A_577 : i32
      %parallel_loop3A_579 = arith.index_cast %parallel_loop3A_572 : i32 to index
      %parallel_loop3A_580 = tpu.vector_load %arg7[%parallel_loop3A_579] {strides = array<i32>} : memref<32000xf32, #tpu.memory_space<vmem>>, vector<16xf32>,
      %parallel_loop3A_581 = arith.constant 0 : i32
      %parallel_loop3A_582 = arith.constant 0 : i32
      %parallel_loop3A_583 = tpu.memref_slice %arg6[%parallel_loop3A_581, %parallel_loop3A_582] : memref<2x32768xf32, #tpu.memory_space<vmem>> -> memref<1x32768xf32, #tpu.memory_space<vmem>>
      %parallel_loop3A_584 = tpu.memref_squeeze %parallel_loop3A_583 : memref<1x32768xf32, #tpu.memory_space<vmem>> -> memref<32768xf32, #tpu.memory_space<vmem>>
      %parallel_loop3A_585 = arith.index_cast %parallel_loop3A_578 : i32 to index
      %parallel_loop3A_586 = tpu.vector_load %parallel_loop3A_584[%parallel_loop3A_585] {strides = array<i32>} : memref<32768xf32, #tpu.memory_space<vmem>>, vector<16xf32>,
      tpu.vector_store %parallel_loop3A_584[%parallel_loop3A_585], %parallel_loop3A_580 {strides = array<i32>} : memref<32768xf32, #tpu.memory_space<vmem>>, vector<16xf32>,
      %parallel_loop3A_587 = arith.constant 16 : i32
      %parallel_loop3A_588 = arith.addi %parallel_loop3A_572, %parallel_loop3A_587 : i32
      %parallel_loop3A_589 = arith.index_cast %parallel_loop3A_588 : i32 to index
      %parallel_loop3A_590 = tpu.vector_load %arg7[%parallel_loop3A_589] {strides = array<i32>} : memref<32000xf32, #tpu.memory_space<vmem>>, vector<16xf32>,
      %parallel_loop3A_591 = arith.constant 16 : i32
      %parallel_loop3A_592 = arith.addi %parallel_loop3A_578, %parallel_loop3A_591 : i32
      %parallel_loop3A_593 = arith.constant 0 : i32
      %parallel_loop3A_594 = arith.constant 0 : i32
      %parallel_loop3A_595 = tpu.memref_slice %arg6[%parallel_loop3A_593, %parallel_loop3A_594] : memref<2x32768xf32, #tpu.memory_space<vmem>> -> memref<1x32768xf32, #tpu.memory_space<vmem>>
      %parallel_loop3A_596 = tpu.memref_squeeze %parallel_loop3A_595 : memref<1x32768xf32, #tpu.memory_space<vmem>> -> memref<32768xf32, #tpu.memory_space<vmem>>
      %parallel_loop3A_597 = arith.index_cast %parallel_loop3A_592 : i32 to index
      %parallel_loop3A_598 = tpu.vector_load %parallel_loop3A_596[%parallel_loop3A_597] {strides = array<i32>} : memref<32768xf32, #tpu.memory_space<vmem>>, vector<16xf32>,
      tpu.vector_store %parallel_loop3A_596[%parallel_loop3A_597], %parallel_loop3A_590 {strides = array<i32>} : memref<32768xf32, #tpu.memory_space<vmem>>, vector<16xf32>,
    } {sc.loop_unroll_factor = 4 : i64, sc.parallel_access}
    %add3A_34 = arith.constant 2048 : i32
    %add3A_35 = arith.addi %mul3A_2, %add3A_34 : i32
    %dma_start3A_36 = arith.constant 0 : i32
    %dma_start3A_37 = arith.constant 0 : i32
    %dma_start3A_38 = tpu.memref_slice %arg5[%dma_start3A_36, %dma_start3A_37] : memref<2x1024xi32, #tpu.memory_space<vmem>> -> memref<1x1024xi32, #tpu.memory_space<vmem>>
    %dma_start3A_39 = tpu.memref_squeeze %dma_start3A_38 : memref<1x1024xi32, #tpu.memory_space<vmem>> -> memref<1024xi32, #tpu.memory_space<vmem>>
    %dma_start3A_40 = tpu.memref_slice %arg2[%add3A_35] : memref<3276800xi32, #tpu.memory_space<hbm>> -> memref<1024xi32, #tpu.memory_space<hbm>>
    %dma_start3A_41 = arith.constant 0 : i32
    %dma_start3A_42 = tpu.memref_slice %arg5[%dma_start3A_36, %dma_start3A_41] : memref<2x1024xi32, #tpu.memory_space<vmem>> -> memref<1x1024xi32, #tpu.memory_space<vmem>>
    %dma_start3A_43 = tpu.memref_squeeze %dma_start3A_42 : memref<1x1024xi32, #tpu.memory_space<vmem>> -> memref<1024xi32, #tpu.memory_space<vmem>>
    %dma_start3A_44 = tpu.memref_slice %arg2[%add3A_35] : memref<3276800xi32, #tpu.memory_space<hbm>> -> memref<1024xi32, #tpu.memory_space<hbm>>
    tpu.enqueue_dma source(%dma_start3A_44 : memref<1024xi32, #tpu.memory_space<hbm>>) target(%dma_start3A_43 : memref<1024xi32, #tpu.memory_space<vmem>>) target_semaphore(%arg10 : memref<!tpu.dma_semaphore, #tpu.memory_space<semaphore_mem>>)
    %add3A_45 = arith.constant 0 : i32
    %add3A_46 = arith.addi %mul3A_2, %add3A_45 : i32
    %mul3A_47 = arith.constant 32 : i32
    %mul3A_48 = arith.muli %add3A_46, %mul3A_47 : i32
    %dma_start3A_49 = arith.constant 0 : i32
    %dma_start3A_50 = arith.constant 0 : i32
    %dma_start3A_51 = tpu.memref_slice %arg6[%dma_start3A_49, %dma_start3A_50] : memref<2x32768xf32, #tpu.memory_space<vmem>> -> memref<1x32768xf32, #tpu.memory_space<vmem>>
    %dma_start3A_52 = tpu.memref_squeeze %dma_start3A_51 : memref<1x32768xf32, #tpu.memory_space<vmem>> -> memref<32768xf32, #tpu.memory_space<vmem>>
    %dma_start3A_53 = tpu.memref_slice %arg4[%mul3A_48] : memref<104857600xf32, #tpu.memory_space<hbm>> -> memref<32768xf32, #tpu.memory_space<hbm>>
    %dma_start3A_54 = tpu.memref_slice %arg4[%mul3A_48] : memref<104857600xf32, #tpu.memory_space<hbm>> -> memref<32768xf32, #tpu.memory_space<hbm>>
    %dma_start3A_55 = arith.constant 0 : i32
    %dma_start3A_56 = tpu.memref_slice %arg6[%dma_start3A_49, %dma_start3A_55] : memref<2x32768xf32, #tpu.memory_space<vmem>> -> memref<1x32768xf32, #tpu.memory_space<vmem>>
    %dma_start3A_57 = tpu.memref_squeeze %dma_start3A_56 : memref<1x32768xf32, #tpu.memory_space<vmem>> -> memref<32768xf32, #tpu.memory_space<vmem>>
    tpu.enqueue_dma source(%dma_start3A_57 : memref<32768xf32, #tpu.memory_space<vmem>>) target(%dma_start3A_54 : memref<32768xf32, #tpu.memory_space<hbm>>) target_semaphore(%arg8 : memref<!tpu.dma_semaphore, #tpu.memory_space<semaphore_mem>>)
    %dma_wait3A_58 = arith.constant 1 : i32
    %dma_wait3A_59 = arith.constant 0 : i32
    %dma_wait3A_60 = tpu.memref_slice %arg5[%dma_wait3A_58, %dma_wait3A_59] : memref<2x1024xi32, #tpu.memory_space<vmem>> -> memref<1x1024xi32, #tpu.memory_space<vmem>>
    %dma_wait3A_61 = tpu.memref_squeeze %dma_wait3A_60 : memref<1x1024xi32, #tpu.memory_space<vmem>> -> memref<1024xi32, #tpu.memory_space<vmem>>
    %dma_wait3A_62 = tpu.memref_slice %arg2[%mul3A_2] : memref<3276800xi32, #tpu.memory_space<hbm>> -> memref<1024xi32, #tpu.memory_space<hbm>>
    %dma_wait3A_63 = arith.constant 0 : i32
    %dma_wait3A_64 = tpu.memref_slice %arg5[%dma_wait3A_58, %dma_wait3A_63] : memref<2x1024xi32, #tpu.memory_space<vmem>> -> memref<1x1024xi32, #tpu.memory_space<vmem>>
    %dma_wait3A_65 = tpu.memref_squeeze %dma_wait3A_64 : memref<1x1024xi32, #tpu.memory_space<vmem>> -> memref<1024xi32, #tpu.memory_space<vmem>>
    %dma_wait3A_66 = tpu.memref_slice %arg2[%mul3A_2] : memref<3276800xi32, #tpu.memory_space<hbm>> -> memref<1024xi32, #tpu.memory_space<hbm>>
    tpu.wait_dma2 semaphore(%arg11 : memref<!tpu.dma_semaphore, #tpu.memory_space<semaphore_mem>>) src(%dma_wait3A_66 : memref<1024xi32, #tpu.memory_space<hbm>>) dst(%dma_wait3A_65 : memref<1024xi32, #tpu.memory_space<vmem>>)
    %parallel_loop3A_67 = arith.constant 0 : i32
    %parallel_loop3A_68 = arith.constant 64 : i32
    %parallel_loop3A_69 = arith.constant 1 : i32
    scf.for %parallel_loop3A_139 = %parallel_loop3A_67 to %parallel_loop3A_68 step %parallel_loop3A_69  : i32 {
      %parallel_loop3A_140 = arith.constant 16 : i32
      %parallel_loop3A_141 = arith.muli %parallel_loop3A_139, %parallel_loop3A_140 : i32
      %parallel_loop3A_142 = arith.constant 1 : i32
      %parallel_loop3A_143 = arith.constant 0 : i32
      %parallel_loop3A_144 = tpu.memref_slice %arg5[%parallel_loop3A_142, %parallel_loop3A_143] : memref<2x1024xi32, #tpu.memory_space<vmem>> -> memref<1x1024xi32, #tpu.memory_space<vmem>>
      %parallel_loop3A_145 = tpu.memref_squeeze %parallel_loop3A_144 : memref<1x1024xi32, #tpu.memory_space<vmem>> -> memref<1024xi32, #tpu.memory_space<vmem>>
      %parallel_loop3A_146 = arith.index_cast %parallel_loop3A_141 : i32 to index
      %parallel_loop3A_147 = tpu.vector_load %parallel_loop3A_145[%parallel_loop3A_146] {strides = array<i32>} : memref<1024xi32, #tpu.memory_space<vmem>>, vector<16xi32>,
      %parallel_loop3A_148 = arith.constant 32 : i32
      %parallel_loop3A_149 = vector.broadcast %parallel_loop3A_148 : i32 to vector<16xi32>
      %parallel_loop3A_150 = arith.muli %parallel_loop3A_147, %parallel_loop3A_149 : vector<16xi32>
      %parallel_loop3A_151 = vector.extract_strided_slice %parallel_loop3A_150 {offsets = [0], sizes = [1], strides = [1]} : vector<16xi32> to vector<1xi32>
      %parallel_loop3A_152 = vector.extract %parallel_loop3A_151[0] : i32 from vector<1xi32>
      %parallel_loop3A_153 = arith.constant 16 : i32
      %parallel_loop3A_154 = arith.muli %parallel_loop3A_139, %parallel_loop3A_153 : i32
      %parallel_loop3A_155 = arith.constant 0 : i32
      %parallel_loop3A_156 = arith.addi %parallel_loop3A_154, %parallel_loop3A_155 : i32
      %parallel_loop3A_157 = arith.constant 32 : i32
      %parallel_loop3A_158 = arith.muli %parallel_loop3A_156, %parallel_loop3A_157 : i32
      %parallel_loop3A_159 = arith.index_cast %parallel_loop3A_152 : i32 to index
      %parallel_loop3A_160 = tpu.vector_load %arg7[%parallel_loop3A_159] {strides = array<i32>} : memref<32000xf32, #tpu.memory_space<vmem>>, vector<16xf32>,
      %parallel_loop3A_161 = arith.constant 1 : i32
      %parallel_loop3A_162 = arith.constant 0 : i32
      %parallel_loop3A_163 = tpu.memref_slice %arg6[%parallel_loop3A_161, %parallel_loop3A_162] : memref<2x32768xf32, #tpu.memory_space<vmem>> -> memref<1x32768xf32, #tpu.memory_space<vmem>>
      %parallel_loop3A_164 = tpu.memref_squeeze %parallel_loop3A_163 : memref<1x32768xf32, #tpu.memory_space<vmem>> -> memref<32768xf32, #tpu.memory_space<vmem>>
      %parallel_loop3A_165 = arith.index_cast %parallel_loop3A_158 : i32 to index
      %parallel_loop3A_166 = tpu.vector_load %parallel_loop3A_164[%parallel_loop3A_165] {strides = array<i32>} : memref<32768xf32, #tpu.memory_space<vmem>>, vector<16xf32>,
      tpu.vector_store %parallel_loop3A_164[%parallel_loop3A_165], %parallel_loop3A_160 {strides = array<i32>} : memref<32768xf32, #tpu.memory_space<vmem>>, vector<16xf32>,
      %parallel_loop3A_167 = arith.constant 16 : i32
      %parallel_loop3A_168 = arith.addi %parallel_loop3A_152, %parallel_loop3A_167 : i32
      %parallel_loop3A_169 = arith.index_cast %parallel_loop3A_168 : i32 to index
      %parallel_loop3A_170 = tpu.vector_load %arg7[%parallel_loop3A_169] {strides = array<i32>} : memref<32000xf32, #tpu.memory_space<vmem>>, vector<16xf32>,
      %parallel_loop3A_171 = arith.constant 16 : i32
      %parallel_loop3A_172 = arith.addi %parallel_loop3A_158, %parallel_loop3A_171 : i32
      %parallel_loop3A_173 = arith.constant 1 : i32
      %parallel_loop3A_174 = arith.constant 0 : i32
      %parallel_loop3A_175 = tpu.memref_slice %arg6[%parallel_loop3A_173, %parallel_loop3A_174] : memref<2x32768xf32, #tpu.memory_space<vmem>> -> memref<1x32768xf32, #tpu.memory_space<vmem>>
      %parallel_loop3A_176 = tpu.memref_squeeze %parallel_loop3A_175 : memref<1x32768xf32, #tpu.memory_space<vmem>> -> memref<32768xf32, #tpu.memory_space<vmem>>
      %parallel_loop3A_177 = arith.index_cast %parallel_loop3A_172 : i32 to index
      %parallel_loop3A_178 = tpu.vector_load %parallel_loop3A_176[%parallel_loop3A_177] {strides = array<i32>} : memref<32768xf32, #tpu.memory_space<vmem>>, vector<16xf32>,
      tpu.vector_store %parallel_loop3A_176[%parallel_loop3A_177], %parallel_loop3A_170 {strides = array<i32>} : memref<32768xf32, #tpu.memory_space<vmem>>, vector<16xf32>,
      %parallel_loop3A_179 = vector.extract_strided_slice %parallel_loop3A_150 {offsets = [1], sizes = [1], strides = [1]} : vector<16xi32> to vector<1xi32>
      %parallel_loop3A_180 = vector.extract %parallel_loop3A_179[0] : i32 from vector<1xi32>
      %parallel_loop3A_181 = arith.constant 16 : i32
      %parallel_loop3A_182 = arith.muli %parallel_loop3A_139, %parallel_loop3A_181 : i32
      %parallel_loop3A_183 = arith.constant 1 : i32
      %parallel_loop3A_184 = arith.addi %parallel_loop3A_182, %parallel_loop3A_183 : i32
      %parallel_loop3A_185 = arith.constant 32 : i32
      %parallel_loop3A_186 = arith.muli %parallel_loop3A_184, %parallel_loop3A_185 : i32
      %parallel_loop3A_187 = arith.index_cast %parallel_loop3A_180 : i32 to index
      %parallel_loop3A_188 = tpu.vector_load %arg7[%parallel_loop3A_187] {strides = array<i32>} : memref<32000xf32, #tpu.memory_space<vmem>>, vector<16xf32>,
      %parallel_loop3A_189 = arith.constant 1 : i32
      %parallel_loop3A_190 = arith.constant 0 : i32
      %parallel_loop3A_191 = tpu.memref_slice %arg6[%parallel_loop3A_189, %parallel_loop3A_190] : memref<2x32768xf32, #tpu.memory_space<vmem>> -> memref<1x32768xf32, #tpu.memory_space<vmem>>
      %parallel_loop3A_192 = tpu.memref_squeeze %parallel_loop3A_191 : memref<1x32768xf32, #tpu.memory_space<vmem>> -> memref<32768xf32, #tpu.memory_space<vmem>>
      %parallel_loop3A_193 = arith.index_cast %parallel_loop3A_186 : i32 to index
      %parallel_loop3A_194 = tpu.vector_load %parallel_loop3A_192[%parallel_loop3A_193] {strides = array<i32>} : memref<32768xf32, #tpu.memory_space<vmem>>, vector<16xf32>,
      tpu.vector_store %parallel_loop3A_192[%parallel_loop3A_193], %parallel_loop3A_188 {strides = array<i32>} : memref<32768xf32, #tpu.memory_space<vmem>>, vector<16xf32>,
      %parallel_loop3A_195 = arith.constant 16 : i32
      %parallel_loop3A_196 = arith.addi %parallel_loop3A_180, %parallel_loop3A_195 : i32
      %parallel_loop3A_197 = arith.index_cast %parallel_loop3A_196 : i32 to index
      %parallel_loop3A_198 = tpu.vector_load %arg7[%parallel_loop3A_197] {strides = array<i32>} : memref<32000xf32, #tpu.memory_space<vmem>>, vector<16xf32>,
      %parallel_loop3A_199 = arith.constant 16 : i32
      %parallel_loop3A_200 = arith.addi %parallel_loop3A_186, %parallel_loop3A_199 : i32
      %parallel_loop3A_201 = arith.constant 1 : i32
      %parallel_loop3A_202 = arith.constant 0 : i32
      %parallel_loop3A_203 = tpu.memref_slice %arg6[%parallel_loop3A_201, %parallel_loop3A_202] : memref<2x32768xf32, #tpu.memory_space<vmem>> -> memref<1x32768xf32, #tpu.memory_space<vmem>>
      %parallel_loop3A_204 = tpu.memref_squeeze %parallel_loop3A_203 : memref<1x32768xf32, #tpu.memory_space<vmem>> -> memref<32768xf32, #tpu.memory_space<vmem>>
      %parallel_loop3A_205 = arith.index_cast %parallel_loop3A_200 : i32 to index
      %parallel_loop3A_206 = tpu.vector_load %parallel_loop3A_204[%parallel_loop3A_205] {strides = array<i32>} : memref<32768xf32, #tpu.memory_space<vmem>>, vector<16xf32>,
      tpu.vector_store %parallel_loop3A_204[%parallel_loop3A_205], %parallel_loop3A_198 {strides = array<i32>} : memref<32768xf32, #tpu.memory_space<vmem>>, vector<16xf32>,
      %parallel_loop3A_207 = vector.extract_strided_slice %parallel_loop3A_150 {offsets = [2], sizes = [1], strides = [1]} : vector<16xi32> to vector<1xi32>
      %parallel_loop3A_208 = vector.extract %parallel_loop3A_207[0] : i32 from vector<1xi32>
      %parallel_loop3A_209 = arith.constant 16 : i32
      %parallel_loop3A_210 = arith.muli %parallel_loop3A_139, %parallel_loop3A_209 : i32
      %parallel_loop3A_211 = arith.constant 2 : i32
      %parallel_loop3A_212 = arith.addi %parallel_loop3A_210, %parallel_loop3A_211 : i32
      %parallel_loop3A_213 = arith.constant 32 : i32
      %parallel_loop3A_214 = arith.muli %parallel_loop3A_212, %parallel_loop3A_213 : i32
      %parallel_loop3A_215 = arith.index_cast %parallel_loop3A_208 : i32 to index
      %parallel_loop3A_216 = tpu.vector_load %arg7[%parallel_loop3A_215] {strides = array<i32>} : memref<32000xf32, #tpu.memory_space<vmem>>, vector<16xf32>,
      %parallel_loop3A_217 = arith.constant 1 : i32
      %parallel_loop3A_218 = arith.constant 0 : i32
      %parallel_loop3A_219 = tpu.memref_slice %arg6[%parallel_loop3A_217, %parallel_loop3A_218] : memref<2x32768xf32, #tpu.memory_space<vmem>> -> memref<1x32768xf32, #tpu.memory_space<vmem>>
      %parallel_loop3A_220 = tpu.memref_squeeze %parallel_loop3A_219 : memref<1x32768xf32, #tpu.memory_space<vmem>> -> memref<32768xf32, #tpu.memory_space<vmem>>
      %parallel_loop3A_221 = arith.index_cast %parallel_loop3A_214 : i32 to index
      %parallel_loop3A_222 = tpu.vector_load %parallel_loop3A_220[%parallel_loop3A_221] {strides = array<i32>} : memref<32768xf32, #tpu.memory_space<vmem>>, vector<16xf32>,
      tpu.vector_store %parallel_loop3A_220[%parallel_loop3A_221], %parallel_loop3A_216 {strides = array<i32>} : memref<32768xf32, #tpu.memory_space<vmem>>, vector<16xf32>,
      %parallel_loop3A_223 = arith.constant 16 : i32
      %parallel_loop3A_224 = arith.addi %parallel_loop3A_208, %parallel_loop3A_223 : i32
      %parallel_loop3A_225 = arith.index_cast %parallel_loop3A_224 : i32 to index
      %parallel_loop3A_226 = tpu.vector_load %arg7[%parallel_loop3A_225] {strides = array<i32>} : memref<32000xf32, #tpu.memory_space<vmem>>, vector<16xf32>,
      %parallel_loop3A_227 = arith.constant 16 : i32
      %parallel_loop3A_228 = arith.addi %parallel_loop3A_214, %parallel_loop3A_227 : i32
      %parallel_loop3A_229 = arith.constant 1 : i32
      %parallel_loop3A_230 = arith.constant 0 : i32
      %parallel_loop3A_231 = tpu.memref_slice %arg6[%parallel_loop3A_229, %parallel_loop3A_230] : memref<2x32768xf32, #tpu.memory_space<vmem>> -> memref<1x32768xf32, #tpu.memory_space<vmem>>
      %parallel_loop3A_232 = tpu.memref_squeeze %parallel_loop3A_231 : memref<1x32768xf32, #tpu.memory_space<vmem>> -> memref<32768xf32, #tpu.memory_space<vmem>>
      %parallel_loop3A_233 = arith.index_cast %parallel_loop3A_228 : i32 to index
      %parallel_loop3A_234 = tpu.vector_load %parallel_loop3A_232[%parallel_loop3A_233] {strides = array<i32>} : memref<32768xf32, #tpu.memory_space<vmem>>, vector<16xf32>,
      tpu.vector_store %parallel_loop3A_232[%parallel_loop3A_233], %parallel_loop3A_226 {strides = array<i32>} : memref<32768xf32, #tpu.memory_space<vmem>>, vector<16xf32>,
      %parallel_loop3A_235 = vector.extract_strided_slice %parallel_loop3A_150 {offsets = [3], sizes = [1], strides = [1]} : vector<16xi32> to vector<1xi32>
      %parallel_loop3A_236 = vector.extract %parallel_loop3A_235[0] : i32 from vector<1xi32>
      %parallel_loop3A_237 = arith.constant 16 : i32
      %parallel_loop3A_238 = arith.muli %parallel_loop3A_139, %parallel_loop3A_237 : i32
      %parallel_loop3A_239 = arith.constant 3 : i32
      %parallel_loop3A_240 = arith.addi %parallel_loop3A_238, %parallel_loop3A_239 : i32
      %parallel_loop3A_241 = arith.constant 32 : i32
      %parallel_loop3A_242 = arith.muli %parallel_loop3A_240, %parallel_loop3A_241 : i32
      %parallel_loop3A_243 = arith.index_cast %parallel_loop3A_236 : i32 to index
      %parallel_loop3A_244 = tpu.vector_load %arg7[%parallel_loop3A_243] {strides = array<i32>} : memref<32000xf32, #tpu.memory_space<vmem>>, vector<16xf32>,
      %parallel_loop3A_245 = arith.constant 1 : i32
      %parallel_loop3A_246 = arith.constant 0 : i32
      %parallel_loop3A_247 = tpu.memref_slice %arg6[%parallel_loop3A_245, %parallel_loop3A_246] : memref<2x32768xf32, #tpu.memory_space<vmem>> -> memref<1x32768xf32, #tpu.memory_space<vmem>>
      %parallel_loop3A_248 = tpu.memref_squeeze %parallel_loop3A_247 : memref<1x32768xf32, #tpu.memory_space<vmem>> -> memref<32768xf32, #tpu.memory_space<vmem>>
      %parallel_loop3A_249 = arith.index_cast %parallel_loop3A_242 : i32 to index
      %parallel_loop3A_250 = tpu.vector_load %parallel_loop3A_248[%parallel_loop3A_249] {strides = array<i32>} : memref<32768xf32, #tpu.memory_space<vmem>>, vector<16xf32>,
      tpu.vector_store %parallel_loop3A_248[%parallel_loop3A_249], %parallel_loop3A_244 {strides = array<i32>} : memref<32768xf32, #tpu.memory_space<vmem>>, vector<16xf32>,
      %parallel_loop3A_251 = arith.constant 16 : i32
      %parallel_loop3A_252 = arith.addi %parallel_loop3A_236, %parallel_loop3A_251 : i32
      %parallel_loop3A_253 = arith.index_cast %parallel_loop3A_252 : i32 to index
      %parallel_loop3A_254 = tpu.vector_load %arg7[%parallel_loop3A_253] {strides = array<i32>} : memref<32000xf32, #tpu.memory_space<vmem>>, vector<16xf32>,
      %parallel_loop3A_255 = arith.constant 16 : i32
      %parallel_loop3A_256 = arith.addi %parallel_loop3A_242, %parallel_loop3A_255 : i32
      %parallel_loop3A_257 = arith.constant 1 : i32
      %parallel_loop3A_258 = arith.constant 0 : i32
      %parallel_loop3A_259 = tpu.memref_slice %arg6[%parallel_loop3A_257, %parallel_loop3A_258] : memref<2x32768xf32, #tpu.memory_space<vmem>> -> memref<1x32768xf32, #tpu.memory_space<vmem>>
      %parallel_loop3A_260 = tpu.memref_squeeze %parallel_loop3A_259 : memref<1x32768xf32, #tpu.memory_space<vmem>> -> memref<32768xf32, #tpu.memory_space<vmem>>
      %parallel_loop3A_261 = arith.index_cast %parallel_loop3A_256 : i32 to index
      %parallel_loop3A_262 = tpu.vector_load %parallel_loop3A_260[%parallel_loop3A_261] {strides = array<i32>} : memref<32768xf32, #tpu.memory_space<vmem>>, vector<16xf32>,
      tpu.vector_store %parallel_loop3A_260[%parallel_loop3A_261], %parallel_loop3A_254 {strides = array<i32>} : memref<32768xf32, #tpu.memory_space<vmem>>, vector<16xf32>,
      %parallel_loop3A_263 = vector.extract_strided_slice %parallel_loop3A_150 {offsets = [4], sizes = [1], strides = [1]} : vector<16xi32> to vector<1xi32>
      %parallel_loop3A_264 = vector.extract %parallel_loop3A_263[0] : i32 from vector<1xi32>
      %parallel_loop3A_265 = arith.constant 16 : i32
      %parallel_loop3A_266 = arith.muli %parallel_loop3A_139, %parallel_loop3A_265 : i32
      %parallel_loop3A_267 = arith.constant 4 : i32
      %parallel_loop3A_268 = arith.addi %parallel_loop3A_266, %parallel_loop3A_267 : i32
      %parallel_loop3A_269 = arith.constant 32 : i32
      %parallel_loop3A_270 = arith.muli %parallel_loop3A_268, %parallel_loop3A_269 : i32
      %parallel_loop3A_271 = arith.index_cast %parallel_loop3A_264 : i32 to index
      %parallel_loop3A_272 = tpu.vector_load %arg7[%parallel_loop3A_271] {strides = array<i32>} : memref<32000xf32, #tpu.memory_space<vmem>>, vector<16xf32>,
      %parallel_loop3A_273 = arith.constant 1 : i32
      %parallel_loop3A_274 = arith.constant 0 : i32
      %parallel_loop3A_275 = tpu.memref_slice %arg6[%parallel_loop3A_273, %parallel_loop3A_274] : memref<2x32768xf32, #tpu.memory_space<vmem>> -> memref<1x32768xf32, #tpu.memory_space<vmem>>
      %parallel_loop3A_276 = tpu.memref_squeeze %parallel_loop3A_275 : memref<1x32768xf32, #tpu.memory_space<vmem>> -> memref<32768xf32, #tpu.memory_space<vmem>>
      %parallel_loop3A_277 = arith.index_cast %parallel_loop3A_270 : i32 to index
      %parallel_loop3A_278 = tpu.vector_load %parallel_loop3A_276[%parallel_loop3A_277] {strides = array<i32>} : memref<32768xf32, #tpu.memory_space<vmem>>, vector<16xf32>,
      tpu.vector_store %parallel_loop3A_276[%parallel_loop3A_277], %parallel_loop3A_272 {strides = array<i32>} : memref<32768xf32, #tpu.memory_space<vmem>>, vector<16xf32>,
      %parallel_loop3A_279 = arith.constant 16 : i32
      %parallel_loop3A_280 = arith.addi %parallel_loop3A_264, %parallel_loop3A_279 : i32
      %parallel_loop3A_281 = arith.index_cast %parallel_loop3A_280 : i32 to index
      %parallel_loop3A_282 = tpu.vector_load %arg7[%parallel_loop3A_281] {strides = array<i32>} : memref<32000xf32, #tpu.memory_space<vmem>>, vector<16xf32>,
      %parallel_loop3A_283 = arith.constant 16 : i32
      %parallel_loop3A_284 = arith.addi %parallel_loop3A_270, %parallel_loop3A_283 : i32
      %parallel_loop3A_285 = arith.constant 1 : i32
      %parallel_loop3A_286 = arith.constant 0 : i32
      %parallel_loop3A_287 = tpu.memref_slice %arg6[%parallel_loop3A_285, %parallel_loop3A_286] : memref<2x32768xf32, #tpu.memory_space<vmem>> -> memref<1x32768xf32, #tpu.memory_space<vmem>>
      %parallel_loop3A_288 = tpu.memref_squeeze %parallel_loop3A_287 : memref<1x32768xf32, #tpu.memory_space<vmem>> -> memref<32768xf32, #tpu.memory_space<vmem>>
      %parallel_loop3A_289 = arith.index_cast %parallel_loop3A_284 : i32 to index
      %parallel_loop3A_290 = tpu.vector_load %parallel_loop3A_288[%parallel_loop3A_289] {strides = array<i32>} : memref<32768xf32, #tpu.memory_space<vmem>>, vector<16xf32>,
      tpu.vector_store %parallel_loop3A_288[%parallel_loop3A_289], %parallel_loop3A_282 {strides = array<i32>} : memref<32768xf32, #tpu.memory_space<vmem>>, vector<16xf32>,
      %parallel_loop3A_291 = vector.extract_strided_slice %parallel_loop3A_150 {offsets = [5], sizes = [1], strides = [1]} : vector<16xi32> to vector<1xi32>
      %parallel_loop3A_292 = vector.extract %parallel_loop3A_291[0] : i32 from vector<1xi32>
      %parallel_loop3A_293 = arith.constant 16 : i32
      %parallel_loop3A_294 = arith.muli %parallel_loop3A_139, %parallel_loop3A_293 : i32
      %parallel_loop3A_295 = arith.constant 5 : i32
      %parallel_loop3A_296 = arith.addi %parallel_loop3A_294, %parallel_loop3A_295 : i32
      %parallel_loop3A_297 = arith.constant 32 : i32
      %parallel_loop3A_298 = arith.muli %parallel_loop3A_296, %parallel_loop3A_297 : i32
      %parallel_loop3A_299 = arith.index_cast %parallel_loop3A_292 : i32 to index
      %parallel_loop3A_300 = tpu.vector_load %arg7[%parallel_loop3A_299] {strides = array<i32>} : memref<32000xf32, #tpu.memory_space<vmem>>, vector<16xf32>,
      %parallel_loop3A_301 = arith.constant 1 : i32
      %parallel_loop3A_302 = arith.constant 0 : i32
      %parallel_loop3A_303 = tpu.memref_slice %arg6[%parallel_loop3A_301, %parallel_loop3A_302] : memref<2x32768xf32, #tpu.memory_space<vmem>> -> memref<1x32768xf32, #tpu.memory_space<vmem>>
      %parallel_loop3A_304 = tpu.memref_squeeze %parallel_loop3A_303 : memref<1x32768xf32, #tpu.memory_space<vmem>> -> memref<32768xf32, #tpu.memory_space<vmem>>
      %parallel_loop3A_305 = arith.index_cast %parallel_loop3A_298 : i32 to index
      %parallel_loop3A_306 = tpu.vector_load %parallel_loop3A_304[%parallel_loop3A_305] {strides = array<i32>} : memref<32768xf32, #tpu.memory_space<vmem>>, vector<16xf32>,
      tpu.vector_store %parallel_loop3A_304[%parallel_loop3A_305], %parallel_loop3A_300 {strides = array<i32>} : memref<32768xf32, #tpu.memory_space<vmem>>, vector<16xf32>,
      %parallel_loop3A_307 = arith.constant 16 : i32
      %parallel_loop3A_308 = arith.addi %parallel_loop3A_292, %parallel_loop3A_307 : i32
      %parallel_loop3A_309 = arith.index_cast %parallel_loop3A_308 : i32 to index
      %parallel_loop3A_310 = tpu.vector_load %arg7[%parallel_loop3A_309] {strides = array<i32>} : memref<32000xf32, #tpu.memory_space<vmem>>, vector<16xf32>,
      %parallel_loop3A_311 = arith.constant 16 : i32
      %parallel_loop3A_312 = arith.addi %parallel_loop3A_298, %parallel_loop3A_311 : i32
      %parallel_loop3A_313 = arith.constant 1 : i32
      %parallel_loop3A_314 = arith.constant 0 : i32
      %parallel_loop3A_315 = tpu.memref_slice %arg6[%parallel_loop3A_313, %parallel_loop3A_314] : memref<2x32768xf32, #tpu.memory_space<vmem>> -> memref<1x32768xf32, #tpu.memory_space<vmem>>
      %parallel_loop3A_316 = tpu.memref_squeeze %parallel_loop3A_315 : memref<1x32768xf32, #tpu.memory_space<vmem>> -> memref<32768xf32, #tpu.memory_space<vmem>>
      %parallel_loop3A_317 = arith.index_cast %parallel_loop3A_312 : i32 to index
      %parallel_loop3A_318 = tpu.vector_load %parallel_loop3A_316[%parallel_loop3A_317] {strides = array<i32>} : memref<32768xf32, #tpu.memory_space<vmem>>, vector<16xf32>,
      tpu.vector_store %parallel_loop3A_316[%parallel_loop3A_317], %parallel_loop3A_310 {strides = array<i32>} : memref<32768xf32, #tpu.memory_space<vmem>>, vector<16xf32>,
      %parallel_loop3A_319 = vector.extract_strided_slice %parallel_loop3A_150 {offsets = [6], sizes = [1], strides = [1]} : vector<16xi32> to vector<1xi32>
      %parallel_loop3A_320 = vector.extract %parallel_loop3A_319[0] : i32 from vector<1xi32>
      %parallel_loop3A_321 = arith.constant 16 : i32
      %parallel_loop3A_322 = arith.muli %parallel_loop3A_139, %parallel_loop3A_321 : i32
      %parallel_loop3A_323 = arith.constant 6 : i32
      %parallel_loop3A_324 = arith.addi %parallel_loop3A_322, %parallel_loop3A_323 : i32
      %parallel_loop3A_325 = arith.constant 32 : i32
      %parallel_loop3A_326 = arith.muli %parallel_loop3A_324, %parallel_loop3A_325 : i32
      %parallel_loop3A_327 = arith.index_cast %parallel_loop3A_320 : i32 to index
      %parallel_loop3A_328 = tpu.vector_load %arg7[%parallel_loop3A_327] {strides = array<i32>} : memref<32000xf32, #tpu.memory_space<vmem>>, vector<16xf32>,
      %parallel_loop3A_329 = arith.constant 1 : i32
      %parallel_loop3A_330 = arith.constant 0 : i32
      %parallel_loop3A_331 = tpu.memref_slice %arg6[%parallel_loop3A_329, %parallel_loop3A_330] : memref<2x32768xf32, #tpu.memory_space<vmem>> -> memref<1x32768xf32, #tpu.memory_space<vmem>>
      %parallel_loop3A_332 = tpu.memref_squeeze %parallel_loop3A_331 : memref<1x32768xf32, #tpu.memory_space<vmem>> -> memref<32768xf32, #tpu.memory_space<vmem>>
      %parallel_loop3A_333 = arith.index_cast %parallel_loop3A_326 : i32 to index
      %parallel_loop3A_334 = tpu.vector_load %parallel_loop3A_332[%parallel_loop3A_333] {strides = array<i32>} : memref<32768xf32, #tpu.memory_space<vmem>>, vector<16xf32>,
      tpu.vector_store %parallel_loop3A_332[%parallel_loop3A_333], %parallel_loop3A_328 {strides = array<i32>} : memref<32768xf32, #tpu.memory_space<vmem>>, vector<16xf32>,
      %parallel_loop3A_335 = arith.constant 16 : i32
      %parallel_loop3A_336 = arith.addi %parallel_loop3A_320, %parallel_loop3A_335 : i32
      %parallel_loop3A_337 = arith.index_cast %parallel_loop3A_336 : i32 to index
      %parallel_loop3A_338 = tpu.vector_load %arg7[%parallel_loop3A_337] {strides = array<i32>} : memref<32000xf32, #tpu.memory_space<vmem>>, vector<16xf32>,
      %parallel_loop3A_339 = arith.constant 16 : i32
      %parallel_loop3A_340 = arith.addi %parallel_loop3A_326, %parallel_loop3A_339 : i32
      %parallel_loop3A_341 = arith.constant 1 : i32
      %parallel_loop3A_342 = arith.constant 0 : i32
      %parallel_loop3A_343 = tpu.memref_slice %arg6[%parallel_loop3A_341, %parallel_loop3A_342] : memref<2x32768xf32, #tpu.memory_space<vmem>> -> memref<1x32768xf32, #tpu.memory_space<vmem>>
      %parallel_loop3A_344 = tpu.memref_squeeze %parallel_loop3A_343 : memref<1x32768xf32, #tpu.memory_space<vmem>> -> memref<32768xf32, #tpu.memory_space<vmem>>
      %parallel_loop3A_345 = arith.index_cast %parallel_loop3A_340 : i32 to index
      %parallel_loop3A_346 = tpu.vector_load %parallel_loop3A_344[%parallel_loop3A_345] {strides = array<i32>} : memref<32768xf32, #tpu.memory_space<vmem>>, vector<16xf32>,
      tpu.vector_store %parallel_loop3A_344[%parallel_loop3A_345], %parallel_loop3A_338 {strides = array<i32>} : memref<32768xf32, #tpu.memory_space<vmem>>, vector<16xf32>,
      %parallel_loop3A_347 = vector.extract_strided_slice %parallel_loop3A_150 {offsets = [7], sizes = [1], strides = [1]} : vector<16xi32> to vector<1xi32>
      %parallel_loop3A_348 = vector.extract %parallel_loop3A_347[0] : i32 from vector<1xi32>
      %parallel_loop3A_349 = arith.constant 16 : i32
      %parallel_loop3A_350 = arith.muli %parallel_loop3A_139, %parallel_loop3A_349 : i32
      %parallel_loop3A_351 = arith.constant 7 : i32
      %parallel_loop3A_352 = arith.addi %parallel_loop3A_350, %parallel_loop3A_351 : i32
      %parallel_loop3A_353 = arith.constant 32 : i32
      %parallel_loop3A_354 = arith.muli %parallel_loop3A_352, %parallel_loop3A_353 : i32
      %parallel_loop3A_355 = arith.index_cast %parallel_loop3A_348 : i32 to index
      %parallel_loop3A_356 = tpu.vector_load %arg7[%parallel_loop3A_355] {strides = array<i32>} : memref<32000xf32, #tpu.memory_space<vmem>>, vector<16xf32>,
      %parallel_loop3A_357 = arith.constant 1 : i32
      %parallel_loop3A_358 = arith.constant 0 : i32
      %parallel_loop3A_359 = tpu.memref_slice %arg6[%parallel_loop3A_357, %parallel_loop3A_358] : memref<2x32768xf32, #tpu.memory_space<vmem>> -> memref<1x32768xf32, #tpu.memory_space<vmem>>
      %parallel_loop3A_360 = tpu.memref_squeeze %parallel_loop3A_359 : memref<1x32768xf32, #tpu.memory_space<vmem>> -> memref<32768xf32, #tpu.memory_space<vmem>>
      %parallel_loop3A_361 = arith.index_cast %parallel_loop3A_354 : i32 to index
      %parallel_loop3A_362 = tpu.vector_load %parallel_loop3A_360[%parallel_loop3A_361] {strides = array<i32>} : memref<32768xf32, #tpu.memory_space<vmem>>, vector<16xf32>,
      tpu.vector_store %parallel_loop3A_360[%parallel_loop3A_361], %parallel_loop3A_356 {strides = array<i32>} : memref<32768xf32, #tpu.memory_space<vmem>>, vector<16xf32>,
      %parallel_loop3A_363 = arith.constant 16 : i32
      %parallel_loop3A_364 = arith.addi %parallel_loop3A_348, %parallel_loop3A_363 : i32
      %parallel_loop3A_365 = arith.index_cast %parallel_loop3A_364 : i32 to index
      %parallel_loop3A_366 = tpu.vector_load %arg7[%parallel_loop3A_365] {strides = array<i32>} : memref<32000xf32, #tpu.memory_space<vmem>>, vector<16xf32>,
      %parallel_loop3A_367 = arith.constant 16 : i32
      %parallel_loop3A_368 = arith.addi %parallel_loop3A_354, %parallel_loop3A_367 : i32
      %parallel_loop3A_369 = arith.constant 1 : i32
      %parallel_loop3A_370 = arith.constant 0 : i32
      %parallel_loop3A_371 = tpu.memref_slice %arg6[%parallel_loop3A_369, %parallel_loop3A_370] : memref<2x32768xf32, #tpu.memory_space<vmem>> -> memref<1x32768xf32, #tpu.memory_space<vmem>>
      %parallel_loop3A_372 = tpu.memref_squeeze %parallel_loop3A_371 : memref<1x32768xf32, #tpu.memory_space<vmem>> -> memref<32768xf32, #tpu.memory_space<vmem>>
      %parallel_loop3A_373 = arith.index_cast %parallel_loop3A_368 : i32 to index
      %parallel_loop3A_374 = tpu.vector_load %parallel_loop3A_372[%parallel_loop3A_373] {strides = array<i32>} : memref<32768xf32, #tpu.memory_space<vmem>>, vector<16xf32>,
      tpu.vector_store %parallel_loop3A_372[%parallel_loop3A_373], %parallel_loop3A_366 {strides = array<i32>} : memref<32768xf32, #tpu.memory_space<vmem>>, vector<16xf32>,
      %parallel_loop3A_375 = vector.extract_strided_slice %parallel_loop3A_150 {offsets = [8], sizes = [1], strides = [1]} : vector<16xi32> to vector<1xi32>
      %parallel_loop3A_376 = vector.extract %parallel_loop3A_375[0] : i32 from vector<1xi32>
      %parallel_loop3A_377 = arith.constant 16 : i32
      %parallel_loop3A_378 = arith.muli %parallel_loop3A_139, %parallel_loop3A_377 : i32
      %parallel_loop3A_379 = arith.constant 8 : i32
      %parallel_loop3A_380 = arith.addi %parallel_loop3A_378, %parallel_loop3A_379 : i32
      %parallel_loop3A_381 = arith.constant 32 : i32
      %parallel_loop3A_382 = arith.muli %parallel_loop3A_380, %parallel_loop3A_381 : i32
      %parallel_loop3A_383 = arith.index_cast %parallel_loop3A_376 : i32 to index
      %parallel_loop3A_384 = tpu.vector_load %arg7[%parallel_loop3A_383] {strides = array<i32>} : memref<32000xf32, #tpu.memory_space<vmem>>, vector<16xf32>,
      %parallel_loop3A_385 = arith.constant 1 : i32
      %parallel_loop3A_386 = arith.constant 0 : i32
      %parallel_loop3A_387 = tpu.memref_slice %arg6[%parallel_loop3A_385, %parallel_loop3A_386] : memref<2x32768xf32, #tpu.memory_space<vmem>> -> memref<1x32768xf32, #tpu.memory_space<vmem>>
      %parallel_loop3A_388 = tpu.memref_squeeze %parallel_loop3A_387 : memref<1x32768xf32, #tpu.memory_space<vmem>> -> memref<32768xf32, #tpu.memory_space<vmem>>
      %parallel_loop3A_389 = arith.index_cast %parallel_loop3A_382 : i32 to index
      %parallel_loop3A_390 = tpu.vector_load %parallel_loop3A_388[%parallel_loop3A_389] {strides = array<i32>} : memref<32768xf32, #tpu.memory_space<vmem>>, vector<16xf32>,
      tpu.vector_store %parallel_loop3A_388[%parallel_loop3A_389], %parallel_loop3A_384 {strides = array<i32>} : memref<32768xf32, #tpu.memory_space<vmem>>, vector<16xf32>,
      %parallel_loop3A_391 = arith.constant 16 : i32
      %parallel_loop3A_392 = arith.addi %parallel_loop3A_376, %parallel_loop3A_391 : i32
      %parallel_loop3A_393 = arith.index_cast %parallel_loop3A_392 : i32 to index
      %parallel_loop3A_394 = tpu.vector_load %arg7[%parallel_loop3A_393] {strides = array<i32>} : memref<32000xf32, #tpu.memory_space<vmem>>, vector<16xf32>,
      %parallel_loop3A_395 = arith.constant 16 : i32
      %parallel_loop3A_396 = arith.addi %parallel_loop3A_382, %parallel_loop3A_395 : i32
      %parallel_loop3A_397 = arith.constant 1 : i32
      %parallel_loop3A_398 = arith.constant 0 : i32
      %parallel_loop3A_399 = tpu.memref_slice %arg6[%parallel_loop3A_397, %parallel_loop3A_398] : memref<2x32768xf32, #tpu.memory_space<vmem>> -> memref<1x32768xf32, #tpu.memory_space<vmem>>
      %parallel_loop3A_400 = tpu.memref_squeeze %parallel_loop3A_399 : memref<1x32768xf32, #tpu.memory_space<vmem>> -> memref<32768xf32, #tpu.memory_space<vmem>>
      %parallel_loop3A_401 = arith.index_cast %parallel_loop3A_396 : i32 to index
      %parallel_loop3A_402 = tpu.vector_load %parallel_loop3A_400[%parallel_loop3A_401] {strides = array<i32>} : memref<32768xf32, #tpu.memory_space<vmem>>, vector<16xf32>,
      tpu.vector_store %parallel_loop3A_400[%parallel_loop3A_401], %parallel_loop3A_394 {strides = array<i32>} : memref<32768xf32, #tpu.memory_space<vmem>>, vector<16xf32>,
      %parallel_loop3A_403 = vector.extract_strided_slice %parallel_loop3A_150 {offsets = [9], sizes = [1], strides = [1]} : vector<16xi32> to vector<1xi32>
      %parallel_loop3A_404 = vector.extract %parallel_loop3A_403[0] : i32 from vector<1xi32>
      %parallel_loop3A_405 = arith.constant 16 : i32
      %parallel_loop3A_406 = arith.muli %parallel_loop3A_139, %parallel_loop3A_405 : i32
      %parallel_loop3A_407 = arith.constant 9 : i32
      %parallel_loop3A_408 = arith.addi %parallel_loop3A_406, %parallel_loop3A_407 : i32
      %parallel_loop3A_409 = arith.constant 32 : i32
      %parallel_loop3A_410 = arith.muli %parallel_loop3A_408, %parallel_loop3A_409 : i32
      %parallel_loop3A_411 = arith.index_cast %parallel_loop3A_404 : i32 to index
      %parallel_loop3A_412 = tpu.vector_load %arg7[%parallel_loop3A_411] {strides = array<i32>} : memref<32000xf32, #tpu.memory_space<vmem>>, vector<16xf32>,
      %parallel_loop3A_413 = arith.constant 1 : i32
      %parallel_loop3A_414 = arith.constant 0 : i32
      %parallel_loop3A_415 = tpu.memref_slice %arg6[%parallel_loop3A_413, %parallel_loop3A_414] : memref<2x32768xf32, #tpu.memory_space<vmem>> -> memref<1x32768xf32, #tpu.memory_space<vmem>>
      %parallel_loop3A_416 = tpu.memref_squeeze %parallel_loop3A_415 : memref<1x32768xf32, #tpu.memory_space<vmem>> -> memref<32768xf32, #tpu.memory_space<vmem>>
      %parallel_loop3A_417 = arith.index_cast %parallel_loop3A_410 : i32 to index
      %parallel_loop3A_418 = tpu.vector_load %parallel_loop3A_416[%parallel_loop3A_417] {strides = array<i32>} : memref<32768xf32, #tpu.memory_space<vmem>>, vector<16xf32>,
      tpu.vector_store %parallel_loop3A_416[%parallel_loop3A_417], %parallel_loop3A_412 {strides = array<i32>} : memref<32768xf32, #tpu.memory_space<vmem>>, vector<16xf32>,
      %parallel_loop3A_419 = arith.constant 16 : i32
      %parallel_loop3A_420 = arith.addi %parallel_loop3A_404, %parallel_loop3A_419 : i32
      %parallel_loop3A_421 = arith.index_cast %parallel_loop3A_420 : i32 to index
      %parallel_loop3A_422 = tpu.vector_load %arg7[%parallel_loop3A_421] {strides = array<i32>} : memref<32000xf32, #tpu.memory_space<vmem>>, vector<16xf32>,
      %parallel_loop3A_423 = arith.constant 16 : i32
      %parallel_loop3A_424 = arith.addi %parallel_loop3A_410, %parallel_loop3A_423 : i32
      %parallel_loop3A_425 = arith.constant 1 : i32
      %parallel_loop3A_426 = arith.constant 0 : i32
      %parallel_loop3A_427 = tpu.memref_slice %arg6[%parallel_loop3A_425, %parallel_loop3A_426] : memref<2x32768xf32, #tpu.memory_space<vmem>> -> memref<1x32768xf32, #tpu.memory_space<vmem>>
      %parallel_loop3A_428 = tpu.memref_squeeze %parallel_loop3A_427 : memref<1x32768xf32, #tpu.memory_space<vmem>> -> memref<32768xf32, #tpu.memory_space<vmem>>
      %parallel_loop3A_429 = arith.index_cast %parallel_loop3A_424 : i32 to index
      %parallel_loop3A_430 = tpu.vector_load %parallel_loop3A_428[%parallel_loop3A_429] {strides = array<i32>} : memref<32768xf32, #tpu.memory_space<vmem>>, vector<16xf32>,
      tpu.vector_store %parallel_loop3A_428[%parallel_loop3A_429], %parallel_loop3A_422 {strides = array<i32>} : memref<32768xf32, #tpu.memory_space<vmem>>, vector<16xf32>,
      %parallel_loop3A_431 = vector.extract_strided_slice %parallel_loop3A_150 {offsets = [10], sizes = [1], strides = [1]} : vector<16xi32> to vector<1xi32>
      %parallel_loop3A_432 = vector.extract %parallel_loop3A_431[0] : i32 from vector<1xi32>
      %parallel_loop3A_433 = arith.constant 16 : i32
      %parallel_loop3A_434 = arith.muli %parallel_loop3A_139, %parallel_loop3A_433 : i32
      %parallel_loop3A_435 = arith.constant 10 : i32
      %parallel_loop3A_436 = arith.addi %parallel_loop3A_434, %parallel_loop3A_435 : i32
      %parallel_loop3A_437 = arith.constant 32 : i32
      %parallel_loop3A_438 = arith.muli %parallel_loop3A_436, %parallel_loop3A_437 : i32
      %parallel_loop3A_439 = arith.index_cast %parallel_loop3A_432 : i32 to index
      %parallel_loop3A_440 = tpu.vector_load %arg7[%parallel_loop3A_439] {strides = array<i32>} : memref<32000xf32, #tpu.memory_space<vmem>>, vector<16xf32>,
      %parallel_loop3A_441 = arith.constant 1 : i32
      %parallel_loop3A_442 = arith.constant 0 : i32
      %parallel_loop3A_443 = tpu.memref_slice %arg6[%parallel_loop3A_441, %parallel_loop3A_442] : memref<2x32768xf32, #tpu.memory_space<vmem>> -> memref<1x32768xf32, #tpu.memory_space<vmem>>
      %parallel_loop3A_444 = tpu.memref_squeeze %parallel_loop3A_443 : memref<1x32768xf32, #tpu.memory_space<vmem>> -> memref<32768xf32, #tpu.memory_space<vmem>>
      %parallel_loop3A_445 = arith.index_cast %parallel_loop3A_438 : i32 to index
      %parallel_loop3A_446 = tpu.vector_load %parallel_loop3A_444[%parallel_loop3A_445] {strides = array<i32>} : memref<32768xf32, #tpu.memory_space<vmem>>, vector<16xf32>,
      tpu.vector_store %parallel_loop3A_444[%parallel_loop3A_445], %parallel_loop3A_440 {strides = array<i32>} : memref<32768xf32, #tpu.memory_space<vmem>>, vector<16xf32>,
      %parallel_loop3A_447 = arith.constant 16 : i32
      %parallel_loop3A_448 = arith.addi %parallel_loop3A_432, %parallel_loop3A_447 : i32
      %parallel_loop3A_449 = arith.index_cast %parallel_loop3A_448 : i32 to index
      %parallel_loop3A_450 = tpu.vector_load %arg7[%parallel_loop3A_449] {strides = array<i32>} : memref<32000xf32, #tpu.memory_space<vmem>>, vector<16xf32>,
      %parallel_loop3A_451 = arith.constant 16 : i32
      %parallel_loop3A_452 = arith.addi %parallel_loop3A_438, %parallel_loop3A_451 : i32
      %parallel_loop3A_453 = arith.constant 1 : i32
      %parallel_loop3A_454 = arith.constant 0 : i32
      %parallel_loop3A_455 = tpu.memref_slice %arg6[%parallel_loop3A_453, %parallel_loop3A_454] : memref<2x32768xf32, #tpu.memory_space<vmem>> -> memref<1x32768xf32, #tpu.memory_space<vmem>>
      %parallel_loop3A_456 = tpu.memref_squeeze %parallel_loop3A_455 : memref<1x32768xf32, #tpu.memory_space<vmem>> -> memref<32768xf32, #tpu.memory_space<vmem>>
      %parallel_loop3A_457 = arith.index_cast %parallel_loop3A_452 : i32 to index
      %parallel_loop3A_458 = tpu.vector_load %parallel_loop3A_456[%parallel_loop3A_457] {strides = array<i32>} : memref<32768xf32, #tpu.memory_space<vmem>>, vector<16xf32>,
      tpu.vector_store %parallel_loop3A_456[%parallel_loop3A_457], %parallel_loop3A_450 {strides = array<i32>} : memref<32768xf32, #tpu.memory_space<vmem>>, vector<16xf32>,
      %parallel_loop3A_459 = vector.extract_strided_slice %parallel_loop3A_150 {offsets = [11], sizes = [1], strides = [1]} : vector<16xi32> to vector<1xi32>
      %parallel_loop3A_460 = vector.extract %parallel_loop3A_459[0] : i32 from vector<1xi32>
      %parallel_loop3A_461 = arith.constant 16 : i32
      %parallel_loop3A_462 = arith.muli %parallel_loop3A_139, %parallel_loop3A_461 : i32
      %parallel_loop3A_463 = arith.constant 11 : i32
      %parallel_loop3A_464 = arith.addi %parallel_loop3A_462, %parallel_loop3A_463 : i32
      %parallel_loop3A_465 = arith.constant 32 : i32
      %parallel_loop3A_466 = arith.muli %parallel_loop3A_464, %parallel_loop3A_465 : i32
      %parallel_loop3A_467 = arith.index_cast %parallel_loop3A_460 : i32 to index
      %parallel_loop3A_468 = tpu.vector_load %arg7[%parallel_loop3A_467] {strides = array<i32>} : memref<32000xf32, #tpu.memory_space<vmem>>, vector<16xf32>,
      %parallel_loop3A_469 = arith.constant 1 : i32
      %parallel_loop3A_470 = arith.constant 0 : i32
      %parallel_loop3A_471 = tpu.memref_slice %arg6[%parallel_loop3A_469, %parallel_loop3A_470] : memref<2x32768xf32, #tpu.memory_space<vmem>> -> memref<1x32768xf32, #tpu.memory_space<vmem>>
      %parallel_loop3A_472 = tpu.memref_squeeze %parallel_loop3A_471 : memref<1x32768xf32, #tpu.memory_space<vmem>> -> memref<32768xf32, #tpu.memory_space<vmem>>
      %parallel_loop3A_473 = arith.index_cast %parallel_loop3A_466 : i32 to index
      %parallel_loop3A_474 = tpu.vector_load %parallel_loop3A_472[%parallel_loop3A_473] {strides = array<i32>} : memref<32768xf32, #tpu.memory_space<vmem>>, vector<16xf32>,
      tpu.vector_store %parallel_loop3A_472[%parallel_loop3A_473], %parallel_loop3A_468 {strides = array<i32>} : memref<32768xf32, #tpu.memory_space<vmem>>, vector<16xf32>,
      %parallel_loop3A_475 = arith.constant 16 : i32
      %parallel_loop3A_476 = arith.addi %parallel_loop3A_460, %parallel_loop3A_475 : i32
      %parallel_loop3A_477 = arith.index_cast %parallel_loop3A_476 : i32 to index
      %parallel_loop3A_478 = tpu.vector_load %arg7[%parallel_loop3A_477] {strides = array<i32>} : memref<32000xf32, #tpu.memory_space<vmem>>, vector<16xf32>,
      %parallel_loop3A_479 = arith.constant 16 : i32
      %parallel_loop3A_480 = arith.addi %parallel_loop3A_466, %parallel_loop3A_479 : i32
      %parallel_loop3A_481 = arith.constant 1 : i32
      %parallel_loop3A_482 = arith.constant 0 : i32
      %parallel_loop3A_483 = tpu.memref_slice %arg6[%parallel_loop3A_481, %parallel_loop3A_482] : memref<2x32768xf32, #tpu.memory_space<vmem>> -> memref<1x32768xf32, #tpu.memory_space<vmem>>
      %parallel_loop3A_484 = tpu.memref_squeeze %parallel_loop3A_483 : memref<1x32768xf32, #tpu.memory_space<vmem>> -> memref<32768xf32, #tpu.memory_space<vmem>>
      %parallel_loop3A_485 = arith.index_cast %parallel_loop3A_480 : i32 to index
      %parallel_loop3A_486 = tpu.vector_load %parallel_loop3A_484[%parallel_loop3A_485] {strides = array<i32>} : memref<32768xf32, #tpu.memory_space<vmem>>, vector<16xf32>,
      tpu.vector_store %parallel_loop3A_484[%parallel_loop3A_485], %parallel_loop3A_478 {strides = array<i32>} : memref<32768xf32, #tpu.memory_space<vmem>>, vector<16xf32>,
      %parallel_loop3A_487 = vector.extract_strided_slice %parallel_loop3A_150 {offsets = [12], sizes = [1], strides = [1]} : vector<16xi32> to vector<1xi32>
      %parallel_loop3A_488 = vector.extract %parallel_loop3A_487[0] : i32 from vector<1xi32>
      %parallel_loop3A_489 = arith.constant 16 : i32
      %parallel_loop3A_490 = arith.muli %parallel_loop3A_139, %parallel_loop3A_489 : i32
      %parallel_loop3A_491 = arith.constant 12 : i32
      %parallel_loop3A_492 = arith.addi %parallel_loop3A_490, %parallel_loop3A_491 : i32
      %parallel_loop3A_493 = arith.constant 32 : i32
      %parallel_loop3A_494 = arith.muli %parallel_loop3A_492, %parallel_loop3A_493 : i32
      %parallel_loop3A_495 = arith.index_cast %parallel_loop3A_488 : i32 to index
      %parallel_loop3A_496 = tpu.vector_load %arg7[%parallel_loop3A_495] {strides = array<i32>} : memref<32000xf32, #tpu.memory_space<vmem>>, vector<16xf32>,
      %parallel_loop3A_497 = arith.constant 1 : i32
      %parallel_loop3A_498 = arith.constant 0 : i32
      %parallel_loop3A_499 = tpu.memref_slice %arg6[%parallel_loop3A_497, %parallel_loop3A_498] : memref<2x32768xf32, #tpu.memory_space<vmem>> -> memref<1x32768xf32, #tpu.memory_space<vmem>>
      %parallel_loop3A_500 = tpu.memref_squeeze %parallel_loop3A_499 : memref<1x32768xf32, #tpu.memory_space<vmem>> -> memref<32768xf32, #tpu.memory_space<vmem>>
      %parallel_loop3A_501 = arith.index_cast %parallel_loop3A_494 : i32 to index
      %parallel_loop3A_502 = tpu.vector_load %parallel_loop3A_500[%parallel_loop3A_501] {strides = array<i32>} : memref<32768xf32, #tpu.memory_space<vmem>>, vector<16xf32>,
      tpu.vector_store %parallel_loop3A_500[%parallel_loop3A_501], %parallel_loop3A_496 {strides = array<i32>} : memref<32768xf32, #tpu.memory_space<vmem>>, vector<16xf32>,
      %parallel_loop3A_503 = arith.constant 16 : i32
      %parallel_loop3A_504 = arith.addi %parallel_loop3A_488, %parallel_loop3A_503 : i32
      %parallel_loop3A_505 = arith.index_cast %parallel_loop3A_504 : i32 to index
      %parallel_loop3A_506 = tpu.vector_load %arg7[%parallel_loop3A_505] {strides = array<i32>} : memref<32000xf32, #tpu.memory_space<vmem>>, vector<16xf32>,
      %parallel_loop3A_507 = arith.constant 16 : i32
      %parallel_loop3A_508 = arith.addi %parallel_loop3A_494, %parallel_loop3A_507 : i32
      %parallel_loop3A_509 = arith.constant 1 : i32
      %parallel_loop3A_510 = arith.constant 0 : i32
      %parallel_loop3A_511 = tpu.memref_slice %arg6[%parallel_loop3A_509, %parallel_loop3A_510] : memref<2x32768xf32, #tpu.memory_space<vmem>> -> memref<1x32768xf32, #tpu.memory_space<vmem>>
      %parallel_loop3A_512 = tpu.memref_squeeze %parallel_loop3A_511 : memref<1x32768xf32, #tpu.memory_space<vmem>> -> memref<32768xf32, #tpu.memory_space<vmem>>
      %parallel_loop3A_513 = arith.index_cast %parallel_loop3A_508 : i32 to index
      %parallel_loop3A_514 = tpu.vector_load %parallel_loop3A_512[%parallel_loop3A_513] {strides = array<i32>} : memref<32768xf32, #tpu.memory_space<vmem>>, vector<16xf32>,
      tpu.vector_store %parallel_loop3A_512[%parallel_loop3A_513], %parallel_loop3A_506 {strides = array<i32>} : memref<32768xf32, #tpu.memory_space<vmem>>, vector<16xf32>,
      %parallel_loop3A_515 = vector.extract_strided_slice %parallel_loop3A_150 {offsets = [13], sizes = [1], strides = [1]} : vector<16xi32> to vector<1xi32>
      %parallel_loop3A_516 = vector.extract %parallel_loop3A_515[0] : i32 from vector<1xi32>
      %parallel_loop3A_517 = arith.constant 16 : i32
      %parallel_loop3A_518 = arith.muli %parallel_loop3A_139, %parallel_loop3A_517 : i32
      %parallel_loop3A_519 = arith.constant 13 : i32
      %parallel_loop3A_520 = arith.addi %parallel_loop3A_518, %parallel_loop3A_519 : i32
      %parallel_loop3A_521 = arith.constant 32 : i32
      %parallel_loop3A_522 = arith.muli %parallel_loop3A_520, %parallel_loop3A_521 : i32
      %parallel_loop3A_523 = arith.index_cast %parallel_loop3A_516 : i32 to index
      %parallel_loop3A_524 = tpu.vector_load %arg7[%parallel_loop3A_523] {strides = array<i32>} : memref<32000xf32, #tpu.memory_space<vmem>>, vector<16xf32>,
      %parallel_loop3A_525 = arith.constant 1 : i32
      %parallel_loop3A_526 = arith.constant 0 : i32
      %parallel_loop3A_527 = tpu.memref_slice %arg6[%parallel_loop3A_525, %parallel_loop3A_526] : memref<2x32768xf32, #tpu.memory_space<vmem>> -> memref<1x32768xf32, #tpu.memory_space<vmem>>
      %parallel_loop3A_528 = tpu.memref_squeeze %parallel_loop3A_527 : memref<1x32768xf32, #tpu.memory_space<vmem>> -> memref<32768xf32, #tpu.memory_space<vmem>>
      %parallel_loop3A_529 = arith.index_cast %parallel_loop3A_522 : i32 to index
      %parallel_loop3A_530 = tpu.vector_load %parallel_loop3A_528[%parallel_loop3A_529] {strides = array<i32>} : memref<32768xf32, #tpu.memory_space<vmem>>, vector<16xf32>,
      tpu.vector_store %parallel_loop3A_528[%parallel_loop3A_529], %parallel_loop3A_524 {strides = array<i32>} : memref<32768xf32, #tpu.memory_space<vmem>>, vector<16xf32>,
      %parallel_loop3A_531 = arith.constant 16 : i32
      %parallel_loop3A_532 = arith.addi %parallel_loop3A_516, %parallel_loop3A_531 : i32
      %parallel_loop3A_533 = arith.index_cast %parallel_loop3A_532 : i32 to index
      %parallel_loop3A_534 = tpu.vector_load %arg7[%parallel_loop3A_533] {strides = array<i32>} : memref<32000xf32, #tpu.memory_space<vmem>>, vector<16xf32>,
      %parallel_loop3A_535 = arith.constant 16 : i32
      %parallel_loop3A_536 = arith.addi %parallel_loop3A_522, %parallel_loop3A_535 : i32
      %parallel_loop3A_537 = arith.constant 1 : i32
      %parallel_loop3A_538 = arith.constant 0 : i32
      %parallel_loop3A_539 = tpu.memref_slice %arg6[%parallel_loop3A_537, %parallel_loop3A_538] : memref<2x32768xf32, #tpu.memory_space<vmem>> -> memref<1x32768xf32, #tpu.memory_space<vmem>>
      %parallel_loop3A_540 = tpu.memref_squeeze %parallel_loop3A_539 : memref<1x32768xf32, #tpu.memory_space<vmem>> -> memref<32768xf32, #tpu.memory_space<vmem>>
      %parallel_loop3A_541 = arith.index_cast %parallel_loop3A_536 : i32 to index
      %parallel_loop3A_542 = tpu.vector_load %parallel_loop3A_540[%parallel_loop3A_541] {strides = array<i32>} : memref<32768xf32, #tpu.memory_space<vmem>>, vector<16xf32>,
      tpu.vector_store %parallel_loop3A_540[%parallel_loop3A_541], %parallel_loop3A_534 {strides = array<i32>} : memref<32768xf32, #tpu.memory_space<vmem>>, vector<16xf32>,
      %parallel_loop3A_543 = vector.extract_strided_slice %parallel_loop3A_150 {offsets = [14], sizes = [1], strides = [1]} : vector<16xi32> to vector<1xi32>
      %parallel_loop3A_544 = vector.extract %parallel_loop3A_543[0] : i32 from vector<1xi32>
      %parallel_loop3A_545 = arith.constant 16 : i32
      %parallel_loop3A_546 = arith.muli %parallel_loop3A_139, %parallel_loop3A_545 : i32
      %parallel_loop3A_547 = arith.constant 14 : i32
      %parallel_loop3A_548 = arith.addi %parallel_loop3A_546, %parallel_loop3A_547 : i32
      %parallel_loop3A_549 = arith.constant 32 : i32
      %parallel_loop3A_550 = arith.muli %parallel_loop3A_548, %parallel_loop3A_549 : i32
      %parallel_loop3A_551 = arith.index_cast %parallel_loop3A_544 : i32 to index
      %parallel_loop3A_552 = tpu.vector_load %arg7[%parallel_loop3A_551] {strides = array<i32>} : memref<32000xf32, #tpu.memory_space<vmem>>, vector<16xf32>,
      %parallel_loop3A_553 = arith.constant 1 : i32
      %parallel_loop3A_554 = arith.constant 0 : i32
      %parallel_loop3A_555 = tpu.memref_slice %arg6[%parallel_loop3A_553, %parallel_loop3A_554] : memref<2x32768xf32, #tpu.memory_space<vmem>> -> memref<1x32768xf32, #tpu.memory_space<vmem>>
      %parallel_loop3A_556 = tpu.memref_squeeze %parallel_loop3A_555 : memref<1x32768xf32, #tpu.memory_space<vmem>> -> memref<32768xf32, #tpu.memory_space<vmem>>
      %parallel_loop3A_557 = arith.index_cast %parallel_loop3A_550 : i32 to index
      %parallel_loop3A_558 = tpu.vector_load %parallel_loop3A_556[%parallel_loop3A_557] {strides = array<i32>} : memref<32768xf32, #tpu.memory_space<vmem>>, vector<16xf32>,
      tpu.vector_store %parallel_loop3A_556[%parallel_loop3A_557], %parallel_loop3A_552 {strides = array<i32>} : memref<32768xf32, #tpu.memory_space<vmem>>, vector<16xf32>,
      %parallel_loop3A_559 = arith.constant 16 : i32
      %parallel_loop3A_560 = arith.addi %parallel_loop3A_544, %parallel_loop3A_559 : i32
      %parallel_loop3A_561 = arith.index_cast %parallel_loop3A_560 : i32 to index
      %parallel_loop3A_562 = tpu.vector_load %arg7[%parallel_loop3A_561] {strides = array<i32>} : memref<32000xf32, #tpu.memory_space<vmem>>, vector<16xf32>,
      %parallel_loop3A_563 = arith.constant 16 : i32
      %parallel_loop3A_564 = arith.addi %parallel_loop3A_550, %parallel_loop3A_563 : i32
      %parallel_loop3A_565 = arith.constant 1 : i32
      %parallel_loop3A_566 = arith.constant 0 : i32
      %parallel_loop3A_567 = tpu.memref_slice %arg6[%parallel_loop3A_565, %parallel_loop3A_566] : memref<2x32768xf32, #tpu.memory_space<vmem>> -> memref<1x32768xf32, #tpu.memory_space<vmem>>
      %parallel_loop3A_568 = tpu.memref_squeeze %parallel_loop3A_567 : memref<1x32768xf32, #tpu.memory_space<vmem>> -> memref<32768xf32, #tpu.memory_space<vmem>>
      %parallel_loop3A_569 = arith.index_cast %parallel_loop3A_564 : i32 to index
      %parallel_loop3A_570 = tpu.vector_load %parallel_loop3A_568[%parallel_loop3A_569] {strides = array<i32>} : memref<32768xf32, #tpu.memory_space<vmem>>, vector<16xf32>,
      tpu.vector_store %parallel_loop3A_568[%parallel_loop3A_569], %parallel_loop3A_562 {strides = array<i32>} : memref<32768xf32, #tpu.memory_space<vmem>>, vector<16xf32>,
      %parallel_loop3A_571 = vector.extract_strided_slice %parallel_loop3A_150 {offsets = [15], sizes = [1], strides = [1]} : vector<16xi32> to vector<1xi32>
      %parallel_loop3A_572 = vector.extract %parallel_loop3A_571[0] : i32 from vector<1xi32>
      %parallel_loop3A_573 = arith.constant 16 : i32
      %parallel_loop3A_574 = arith.muli %parallel_loop3A_139, %parallel_loop3A_573 : i32
      %parallel_loop3A_575 = arith.constant 15 : i32
      %parallel_loop3A_576 = arith.addi %parallel_loop3A_574, %parallel_loop3A_575 : i32
      %parallel_loop3A_577 = arith.constant 32 : i32
      %parallel_loop3A_578 = arith.muli %parallel_loop3A_576, %parallel_loop3A_577 : i32
      %parallel_loop3A_579 = arith.index_cast %parallel_loop3A_572 : i32 to index
      %parallel_loop3A_580 = tpu.vector_load %arg7[%parallel_loop3A_579] {strides = array<i32>} : memref<32000xf32, #tpu.memory_space<vmem>>, vector<16xf32>,
      %parallel_loop3A_581 = arith.constant 1 : i32
      %parallel_loop3A_582 = arith.constant 0 : i32
      %parallel_loop3A_583 = tpu.memref_slice %arg6[%parallel_loop3A_581, %parallel_loop3A_582] : memref<2x32768xf32, #tpu.memory_space<vmem>> -> memref<1x32768xf32, #tpu.memory_space<vmem>>
      %parallel_loop3A_584 = tpu.memref_squeeze %parallel_loop3A_583 : memref<1x32768xf32, #tpu.memory_space<vmem>> -> memref<32768xf32, #tpu.memory_space<vmem>>
      %parallel_loop3A_585 = arith.index_cast %parallel_loop3A_578 : i32 to index
      %parallel_loop3A_586 = tpu.vector_load %parallel_loop3A_584[%parallel_loop3A_585] {strides = array<i32>} : memref<32768xf32, #tpu.memory_space<vmem>>, vector<16xf32>,
      tpu.vector_store %parallel_loop3A_584[%parallel_loop3A_585], %parallel_loop3A_580 {strides = array<i32>} : memref<32768xf32, #tpu.memory_space<vmem>>, vector<16xf32>,
      %parallel_loop3A_587 = arith.constant 16 : i32
      %parallel_loop3A_588 = arith.addi %parallel_loop3A_572, %parallel_loop3A_587 : i32
      %parallel_loop3A_589 = arith.index_cast %parallel_loop3A_588 : i32 to index
      %parallel_loop3A_590 = tpu.vector_load %arg7[%parallel_loop3A_589] {strides = array<i32>} : memref<32000xf32, #tpu.memory_space<vmem>>, vector<16xf32>,
      %parallel_loop3A_591 = arith.constant 16 : i32
      %parallel_loop3A_592 = arith.addi %parallel_loop3A_578, %parallel_loop3A_591 : i32
      %parallel_loop3A_593 = arith.constant 1 : i32
      %parallel_loop3A_594 = arith.constant 0 : i32
      %parallel_loop3A_595 = tpu.memref_slice %arg6[%parallel_loop3A_593, %parallel_loop3A_594] : memref<2x32768xf32, #tpu.memory_space<vmem>> -> memref<1x32768xf32, #tpu.memory_space<vmem>>
      %parallel_loop3A_596 = tpu.memref_squeeze %parallel_loop3A_595 : memref<1x32768xf32, #tpu.memory_space<vmem>> -> memref<32768xf32, #tpu.memory_space<vmem>>
      %parallel_loop3A_597 = arith.index_cast %parallel_loop3A_592 : i32 to index
      %parallel_loop3A_598 = tpu.vector_load %parallel_loop3A_596[%parallel_loop3A_597] {strides = array<i32>} : memref<32768xf32, #tpu.memory_space<vmem>>, vector<16xf32>,
      tpu.vector_store %parallel_loop3A_596[%parallel_loop3A_597], %parallel_loop3A_590 {strides = array<i32>} : memref<32768xf32, #tpu.memory_space<vmem>>, vector<16xf32>,
    } {sc.loop_unroll_factor = 4 : i64, sc.parallel_access}
    %add3A_70 = arith.constant 3072 : i32
    %add3A_71 = arith.addi %mul3A_2, %add3A_70 : i32
    %dma_start3A_72 = arith.constant 1 : i32
    %dma_start3A_73 = arith.constant 0 : i32
    %dma_start3A_74 = tpu.memref_slice %arg5[%dma_start3A_72, %dma_start3A_73] : memref<2x1024xi32, #tpu.memory_space<vmem>> -> memref<1x1024xi32, #tpu.memory_space<vmem>>
    %dma_start3A_75 = tpu.memref_squeeze %dma_start3A_74 : memref<1x1024xi32, #tpu.memory_space<vmem>> -> memref<1024xi32, #tpu.memory_space<vmem>>
    %dma_start3A_76 = tpu.memref_slice %arg2[%add3A_71] : memref<3276800xi32, #tpu.memory_space<hbm>> -> memref<1024xi32, #tpu.memory_space<hbm>>
    %dma_start3A_77 = arith.constant 0 : i32
    %dma_start3A_78 = tpu.memref_slice %arg5[%dma_start3A_72, %dma_start3A_77] : memref<2x1024xi32, #tpu.memory_space<vmem>> -> memref<1x1024xi32, #tpu.memory_space<vmem>>
    %dma_start3A_79 = tpu.memref_squeeze %dma_start3A_78 : memref<1x1024xi32, #tpu.memory_space<vmem>> -> memref<1024xi32, #tpu.memory_space<vmem>>
    %dma_start3A_80 = tpu.memref_slice %arg2[%add3A_71] : memref<3276800xi32, #tpu.memory_space<hbm>> -> memref<1024xi32, #tpu.memory_space<hbm>>
    tpu.enqueue_dma source(%dma_start3A_80 : memref<1024xi32, #tpu.memory_space<hbm>>) target(%dma_start3A_79 : memref<1024xi32, #tpu.memory_space<vmem>>) target_semaphore(%arg11 : memref<!tpu.dma_semaphore, #tpu.memory_space<semaphore_mem>>)
    %add3A_81 = arith.constant 1024 : i32
    %add3A_82 = arith.addi %mul3A_2, %add3A_81 : i32
    %mul3A_83 = arith.constant 32 : i32
    %mul3A_84 = arith.muli %add3A_82, %mul3A_83 : i32
    %dma_start3A_85 = arith.constant 1 : i32
    %dma_start3A_86 = arith.constant 0 : i32
    %dma_start3A_87 = tpu.memref_slice %arg6[%dma_start3A_85, %dma_start3A_86] : memref<2x32768xf32, #tpu.memory_space<vmem>> -> memref<1x32768xf32, #tpu.memory_space<vmem>>
    %dma_start3A_88 = tpu.memref_squeeze %dma_start3A_87 : memref<1x32768xf32, #tpu.memory_space<vmem>> -> memref<32768xf32, #tpu.memory_space<vmem>>
    %dma_start3A_89 = tpu.memref_slice %arg4[%mul3A_84] : memref<104857600xf32, #tpu.memory_space<hbm>> -> memref<32768xf32, #tpu.memory_space<hbm>>
    %dma_start3A_90 = tpu.memref_slice %arg4[%mul3A_84] : memref<104857600xf32, #tpu.memory_space<hbm>> -> memref<32768xf32, #tpu.memory_space<hbm>>
    %dma_start3A_91 = arith.constant 0 : i32
    %dma_start3A_92 = tpu.memref_slice %arg6[%dma_start3A_85, %dma_start3A_91] : memref<2x32768xf32, #tpu.memory_space<vmem>> -> memref<1x32768xf32, #tpu.memory_space<vmem>>
    %dma_start3A_93 = tpu.memref_squeeze %dma_start3A_92 : memref<1x32768xf32, #tpu.memory_space<vmem>> -> memref<32768xf32, #tpu.memory_space<vmem>>
    tpu.enqueue_dma source(%dma_start3A_93 : memref<32768xf32, #tpu.memory_space<vmem>>) target(%dma_start3A_90 : memref<32768xf32, #tpu.memory_space<hbm>>) target_semaphore(%arg9 : memref<!tpu.dma_semaphore, #tpu.memory_space<semaphore_mem>>)
    %scan3A = arith.constant 0 : i32
    %scan3A_94 = arith.constant 0 : i32
    %scan3A_95 = arith.constant 49 : i32
    %scan3A_96 = arith.addi %scan3A_94, %scan3A_95 : i32
    %scan3A_97 = arith.constant 1 : i32
    scf.for %scan3A_139 = %scan3A_94 to %scan3A_96 step %scan3A_97  : i32 {
      %mul3A_140 = arith.constant 2 : i32
      %mul3A_141 = arith.muli %scan3A_139, %mul3A_140 : i32
      %add3A_142 = arith.constant 2 : i32
      %add3A_143 = arith.addi %add3A_142, %mul3A_141 : i32
      %add3A_144 = arith.constant 0 : i32
      %add3A_145 = arith.addi %add3A_143, %add3A_144 : i32
      %mul3A_146 = arith.constant 32 : i32
      %mul3A_147 = arith.muli %mul3A_2, %mul3A_146 : i32
      %dma_wait3A_148 = arith.constant 0 : i32
      %dma_wait3A_149 = arith.constant 0 : i32
      %dma_wait3A_150 = tpu.memref_slice %arg6[%dma_wait3A_148, %dma_wait3A_149] : memref<2x32768xf32, #tpu.memory_space<vmem>> -> memref<1x32768xf32, #tpu.memory_space<vmem>>
      %dma_wait3A_151 = tpu.memref_squeeze %dma_wait3A_150 : memref<1x32768xf32, #tpu.memory_space<vmem>> -> memref<32768xf32, #tpu.memory_space<vmem>>
      %dma_wait3A_152 = tpu.memref_slice %arg4[%mul3A_147] : memref<104857600xf32, #tpu.memory_space<hbm>> -> memref<32768xf32, #tpu.memory_space<hbm>>
      %dma_wait3A_153 = tpu.memref_slice %arg4[%mul3A_147] : memref<104857600xf32, #tpu.memory_space<hbm>> -> memref<32768xf32, #tpu.memory_space<hbm>>
      %dma_wait3A_154 = arith.constant 0 : i32
      %dma_wait3A_155 = tpu.memref_slice %arg6[%dma_wait3A_148, %dma_wait3A_154] : memref<2x32768xf32, #tpu.memory_space<vmem>> -> memref<1x32768xf32, #tpu.memory_space<vmem>>
      %dma_wait3A_156 = tpu.memref_squeeze %dma_wait3A_155 : memref<1x32768xf32, #tpu.memory_space<vmem>> -> memref<32768xf32, #tpu.memory_space<vmem>>
      tpu.wait_dma2 semaphore(%arg8 : memref<!tpu.dma_semaphore, #tpu.memory_space<semaphore_mem>>) src(%dma_wait3A_156 : memref<32768xf32, #tpu.memory_space<vmem>>) dst(%dma_wait3A_153 : memref<32768xf32, #tpu.memory_space<hbm>>)
      %dma_wait3A_157 = arith.constant 0 : i32
      %dma_wait3A_158 = arith.constant 0 : i32
      %dma_wait3A_159 = tpu.memref_slice %arg5[%dma_wait3A_157, %dma_wait3A_158] : memref<2x1024xi32, #tpu.memory_space<vmem>> -> memref<1x1024xi32, #tpu.memory_space<vmem>>
      %dma_wait3A_160 = tpu.memref_squeeze %dma_wait3A_159 : memref<1x1024xi32, #tpu.memory_space<vmem>> -> memref<1024xi32, #tpu.memory_space<vmem>>
      %dma_wait3A_161 = tpu.memref_slice %arg2[%mul3A_2] : memref<3276800xi32, #tpu.memory_space<hbm>> -> memref<1024xi32, #tpu.memory_space<hbm>>
      %dma_wait3A_162 = arith.constant 0 : i32
      %dma_wait3A_163 = tpu.memref_slice %arg5[%dma_wait3A_157, %dma_wait3A_162] : memref<2x1024xi32, #tpu.memory_space<vmem>> -> memref<1x1024xi32, #tpu.memory_space<vmem>>
      %dma_wait3A_164 = tpu.memref_squeeze %dma_wait3A_163 : memref<1x1024xi32, #tpu.memory_space<vmem>> -> memref<1024xi32, #tpu.memory_space<vmem>>
      %dma_wait3A_165 = tpu.memref_slice %arg2[%mul3A_2] : memref<3276800xi32, #tpu.memory_space<hbm>> -> memref<1024xi32, #tpu.memory_space<hbm>>
      tpu.wait_dma2 semaphore(%arg10 : memref<!tpu.dma_semaphore, #tpu.memory_space<semaphore_mem>>) src(%dma_wait3A_165 : memref<1024xi32, #tpu.memory_space<hbm>>) dst(%dma_wait3A_164 : memref<1024xi32, #tpu.memory_space<vmem>>)
      %parallel_loop3A_166 = arith.constant 0 : i32
      %parallel_loop3A_167 = arith.constant 64 : i32
      %parallel_loop3A_168 = arith.constant 1 : i32
      scf.for %parallel_loop3A_279 = %parallel_loop3A_166 to %parallel_loop3A_167 step %parallel_loop3A_168  : i32 {
        %parallel_loop3A_280 = arith.constant 16 : i32
        %parallel_loop3A_281 = arith.muli %parallel_loop3A_279, %parallel_loop3A_280 : i32
        %parallel_loop3A_282 = arith.constant 0 : i32
        %parallel_loop3A_283 = arith.constant 0 : i32
        %parallel_loop3A_284 = tpu.memref_slice %arg5[%parallel_loop3A_282, %parallel_loop3A_283] : memref<2x1024xi32, #tpu.memory_space<vmem>> -> memref<1x1024xi32, #tpu.memory_space<vmem>>
        %parallel_loop3A_285 = tpu.memref_squeeze %parallel_loop3A_284 : memref<1x1024xi32, #tpu.memory_space<vmem>> -> memref<1024xi32, #tpu.memory_space<vmem>>
        %parallel_loop3A_286 = arith.index_cast %parallel_loop3A_281 : i32 to index
        %parallel_loop3A_287 = tpu.vector_load %parallel_loop3A_285[%parallel_loop3A_286] {strides = array<i32>} : memref<1024xi32, #tpu.memory_space<vmem>>, vector<16xi32>,
        %parallel_loop3A_288 = arith.constant 32 : i32
        %parallel_loop3A_289 = vector.broadcast %parallel_loop3A_288 : i32 to vector<16xi32>
        %parallel_loop3A_290 = arith.muli %parallel_loop3A_287, %parallel_loop3A_289 : vector<16xi32>
        %parallel_loop3A_291 = vector.extract_strided_slice %parallel_loop3A_290 {offsets = [0], sizes = [1], strides = [1]} : vector<16xi32> to vector<1xi32>
        %parallel_loop3A_292 = vector.extract %parallel_loop3A_291[0] : i32 from vector<1xi32>
        %parallel_loop3A_293 = arith.constant 16 : i32
        %parallel_loop3A_294 = arith.muli %parallel_loop3A_279, %parallel_loop3A_293 : i32
        %parallel_loop3A_295 = arith.constant 0 : i32
        %parallel_loop3A_296 = arith.addi %parallel_loop3A_294, %parallel_loop3A_295 : i32
        %parallel_loop3A_297 = arith.constant 32 : i32
        %parallel_loop3A_298 = arith.muli %parallel_loop3A_296, %parallel_loop3A_297 : i32
        %parallel_loop3A_299 = arith.index_cast %parallel_loop3A_292 : i32 to index
        %parallel_loop3A_300 = tpu.vector_load %arg7[%parallel_loop3A_299] {strides = array<i32>} : memref<32000xf32, #tpu.memory_space<vmem>>, vector<16xf32>,
        %parallel_loop3A_301 = arith.constant 0 : i32
        %parallel_loop3A_302 = arith.constant 0 : i32
        %parallel_loop3A_303 = tpu.memref_slice %arg6[%parallel_loop3A_301, %parallel_loop3A_302] : memref<2x32768xf32, #tpu.memory_space<vmem>> -> memref<1x32768xf32, #tpu.memory_space<vmem>>
        %parallel_loop3A_304 = tpu.memref_squeeze %parallel_loop3A_303 : memref<1x32768xf32, #tpu.memory_space<vmem>> -> memref<32768xf32, #tpu.memory_space<vmem>>
        %parallel_loop3A_305 = arith.index_cast %parallel_loop3A_298 : i32 to index
        %parallel_loop3A_306 = tpu.vector_load %parallel_loop3A_304[%parallel_loop3A_305] {strides = array<i32>} : memref<32768xf32, #tpu.memory_space<vmem>>, vector<16xf32>,
        tpu.vector_store %parallel_loop3A_304[%parallel_loop3A_305], %parallel_loop3A_300 {strides = array<i32>} : memref<32768xf32, #tpu.memory_space<vmem>>, vector<16xf32>,
        %parallel_loop3A_307 = arith.constant 16 : i32
        %parallel_loop3A_308 = arith.addi %parallel_loop3A_292, %parallel_loop3A_307 : i32
        %parallel_loop3A_309 = arith.index_cast %parallel_loop3A_308 : i32 to index
        %parallel_loop3A_310 = tpu.vector_load %arg7[%parallel_loop3A_309] {strides = array<i32>} : memref<32000xf32, #tpu.memory_space<vmem>>, vector<16xf32>,
        %parallel_loop3A_311 = arith.constant 16 : i32
        %parallel_loop3A_312 = arith.addi %parallel_loop3A_298, %parallel_loop3A_311 : i32
        %parallel_loop3A_313 = arith.constant 0 : i32
        %parallel_loop3A_314 = arith.constant 0 : i32
        %parallel_loop3A_315 = tpu.memref_slice %arg6[%parallel_loop3A_313, %parallel_loop3A_314] : memref<2x32768xf32, #tpu.memory_space<vmem>> -> memref<1x32768xf32, #tpu.memory_space<vmem>>
        %parallel_loop3A_316 = tpu.memref_squeeze %parallel_loop3A_315 : memref<1x32768xf32, #tpu.memory_space<vmem>> -> memref<32768xf32, #tpu.memory_space<vmem>>
        %parallel_loop3A_317 = arith.index_cast %parallel_loop3A_312 : i32 to index
        %parallel_loop3A_318 = tpu.vector_load %parallel_loop3A_316[%parallel_loop3A_317] {strides = array<i32>} : memref<32768xf32, #tpu.memory_space<vmem>>, vector<16xf32>,
        tpu.vector_store %parallel_loop3A_316[%parallel_loop3A_317], %parallel_loop3A_310 {strides = array<i32>} : memref<32768xf32, #tpu.memory_space<vmem>>, vector<16xf32>,
        %parallel_loop3A_319 = vector.extract_strided_slice %parallel_loop3A_290 {offsets = [1], sizes = [1], strides = [1]} : vector<16xi32> to vector<1xi32>
        %parallel_loop3A_320 = vector.extract %parallel_loop3A_319[0] : i32 from vector<1xi32>
        %parallel_loop3A_321 = arith.constant 16 : i32
        %parallel_loop3A_322 = arith.muli %parallel_loop3A_279, %parallel_loop3A_321 : i32
        %parallel_loop3A_323 = arith.constant 1 : i32
        %parallel_loop3A_324 = arith.addi %parallel_loop3A_322, %parallel_loop3A_323 : i32
        %parallel_loop3A_325 = arith.constant 32 : i32
        %parallel_loop3A_326 = arith.muli %parallel_loop3A_324, %parallel_loop3A_325 : i32
        %parallel_loop3A_327 = arith.index_cast %parallel_loop3A_320 : i32 to index
        %parallel_loop3A_328 = tpu.vector_load %arg7[%parallel_loop3A_327] {strides = array<i32>} : memref<32000xf32, #tpu.memory_space<vmem>>, vector<16xf32>,
        %parallel_loop3A_329 = arith.constant 0 : i32
        %parallel_loop3A_330 = arith.constant 0 : i32
        %parallel_loop3A_331 = tpu.memref_slice %arg6[%parallel_loop3A_329, %parallel_loop3A_330] : memref<2x32768xf32, #tpu.memory_space<vmem>> -> memref<1x32768xf32, #tpu.memory_space<vmem>>
        %parallel_loop3A_332 = tpu.memref_squeeze %parallel_loop3A_331 : memref<1x32768xf32, #tpu.memory_space<vmem>> -> memref<32768xf32, #tpu.memory_space<vmem>>
        %parallel_loop3A_333 = arith.index_cast %parallel_loop3A_326 : i32 to index
        %parallel_loop3A_334 = tpu.vector_load %parallel_loop3A_332[%parallel_loop3A_333] {strides = array<i32>} : memref<32768xf32, #tpu.memory_space<vmem>>, vector<16xf32>,
        tpu.vector_store %parallel_loop3A_332[%parallel_loop3A_333], %parallel_loop3A_328 {strides = array<i32>} : memref<32768xf32, #tpu.memory_space<vmem>>, vector<16xf32>,
        %parallel_loop3A_335 = arith.constant 16 : i32
        %parallel_loop3A_336 = arith.addi %parallel_loop3A_320, %parallel_loop3A_335 : i32
        %parallel_loop3A_337 = arith.index_cast %parallel_loop3A_336 : i32 to index
        %parallel_loop3A_338 = tpu.vector_load %arg7[%parallel_loop3A_337] {strides = array<i32>} : memref<32000xf32, #tpu.memory_space<vmem>>, vector<16xf32>,
        %parallel_loop3A_339 = arith.constant 16 : i32
        %parallel_loop3A_340 = arith.addi %parallel_loop3A_326, %parallel_loop3A_339 : i32
        %parallel_loop3A_341 = arith.constant 0 : i32
        %parallel_loop3A_342 = arith.constant 0 : i32
        %parallel_loop3A_343 = tpu.memref_slice %arg6[%parallel_loop3A_341, %parallel_loop3A_342] : memref<2x32768xf32, #tpu.memory_space<vmem>> -> memref<1x32768xf32, #tpu.memory_space<vmem>>
        %parallel_loop3A_344 = tpu.memref_squeeze %parallel_loop3A_343 : memref<1x32768xf32, #tpu.memory_space<vmem>> -> memref<32768xf32, #tpu.memory_space<vmem>>
        %parallel_loop3A_345 = arith.index_cast %parallel_loop3A_340 : i32 to index
        %parallel_loop3A_346 = tpu.vector_load %parallel_loop3A_344[%parallel_loop3A_345] {strides = array<i32>} : memref<32768xf32, #tpu.memory_space<vmem>>, vector<16xf32>,
        tpu.vector_store %parallel_loop3A_344[%parallel_loop3A_345], %parallel_loop3A_338 {strides = array<i32>} : memref<32768xf32, #tpu.memory_space<vmem>>, vector<16xf32>,
        %parallel_loop3A_347 = vector.extract_strided_slice %parallel_loop3A_290 {offsets = [2], sizes = [1], strides = [1]} : vector<16xi32> to vector<1xi32>
        %parallel_loop3A_348 = vector.extract %parallel_loop3A_347[0] : i32 from vector<1xi32>
        %parallel_loop3A_349 = arith.constant 16 : i32
        %parallel_loop3A_350 = arith.muli %parallel_loop3A_279, %parallel_loop3A_349 : i32
        %parallel_loop3A_351 = arith.constant 2 : i32
        %parallel_loop3A_352 = arith.addi %parallel_loop3A_350, %parallel_loop3A_351 : i32
        %parallel_loop3A_353 = arith.constant 32 : i32
        %parallel_loop3A_354 = arith.muli %parallel_loop3A_352, %parallel_loop3A_353 : i32
        %parallel_loop3A_355 = arith.index_cast %parallel_loop3A_348 : i32 to index
        %parallel_loop3A_356 = tpu.vector_load %arg7[%parallel_loop3A_355] {strides = array<i32>} : memref<32000xf32, #tpu.memory_space<vmem>>, vector<16xf32>,
        %parallel_loop3A_357 = arith.constant 0 : i32
        %parallel_loop3A_358 = arith.constant 0 : i32
        %parallel_loop3A_359 = tpu.memref_slice %arg6[%parallel_loop3A_357, %parallel_loop3A_358] : memref<2x32768xf32, #tpu.memory_space<vmem>> -> memref<1x32768xf32, #tpu.memory_space<vmem>>
        %parallel_loop3A_360 = tpu.memref_squeeze %parallel_loop3A_359 : memref<1x32768xf32, #tpu.memory_space<vmem>> -> memref<32768xf32, #tpu.memory_space<vmem>>
        %parallel_loop3A_361 = arith.index_cast %parallel_loop3A_354 : i32 to index
        %parallel_loop3A_362 = tpu.vector_load %parallel_loop3A_360[%parallel_loop3A_361] {strides = array<i32>} : memref<32768xf32, #tpu.memory_space<vmem>>, vector<16xf32>,
        tpu.vector_store %parallel_loop3A_360[%parallel_loop3A_361], %parallel_loop3A_356 {strides = array<i32>} : memref<32768xf32, #tpu.memory_space<vmem>>, vector<16xf32>,
        %parallel_loop3A_363 = arith.constant 16 : i32
        %parallel_loop3A_364 = arith.addi %parallel_loop3A_348, %parallel_loop3A_363 : i32
        %parallel_loop3A_365 = arith.index_cast %parallel_loop3A_364 : i32 to index
        %parallel_loop3A_366 = tpu.vector_load %arg7[%parallel_loop3A_365] {strides = array<i32>} : memref<32000xf32, #tpu.memory_space<vmem>>, vector<16xf32>,
        %parallel_loop3A_367 = arith.constant 16 : i32
        %parallel_loop3A_368 = arith.addi %parallel_loop3A_354, %parallel_loop3A_367 : i32
        %parallel_loop3A_369 = arith.constant 0 : i32
        %parallel_loop3A_370 = arith.constant 0 : i32
        %parallel_loop3A_371 = tpu.memref_slice %arg6[%parallel_loop3A_369, %parallel_loop3A_370] : memref<2x32768xf32, #tpu.memory_space<vmem>> -> memref<1x32768xf32, #tpu.memory_space<vmem>>
        %parallel_loop3A_372 = tpu.memref_squeeze %parallel_loop3A_371 : memref<1x32768xf32, #tpu.memory_space<vmem>> -> memref<32768xf32, #tpu.memory_space<vmem>>
        %parallel_loop3A_373 = arith.index_cast %parallel_loop3A_368 : i32 to index
        %parallel_loop3A_374 = tpu.vector_load %parallel_loop3A_372[%parallel_loop3A_373] {strides = array<i32>} : memref<32768xf32, #tpu.memory_space<vmem>>, vector<16xf32>,
        tpu.vector_store %parallel_loop3A_372[%parallel_loop3A_373], %parallel_loop3A_366 {strides = array<i32>} : memref<32768xf32, #tpu.memory_space<vmem>>, vector<16xf32>,
        %parallel_loop3A_375 = vector.extract_strided_slice %parallel_loop3A_290 {offsets = [3], sizes = [1], strides = [1]} : vector<16xi32> to vector<1xi32>
        %parallel_loop3A_376 = vector.extract %parallel_loop3A_375[0] : i32 from vector<1xi32>
        %parallel_loop3A_377 = arith.constant 16 : i32
        %parallel_loop3A_378 = arith.muli %parallel_loop3A_279, %parallel_loop3A_377 : i32
        %parallel_loop3A_379 = arith.constant 3 : i32
        %parallel_loop3A_380 = arith.addi %parallel_loop3A_378, %parallel_loop3A_379 : i32
        %parallel_loop3A_381 = arith.constant 32 : i32
        %parallel_loop3A_382 = arith.muli %parallel_loop3A_380, %parallel_loop3A_381 : i32
        %parallel_loop3A_383 = arith.index_cast %parallel_loop3A_376 : i32 to index
        %parallel_loop3A_384 = tpu.vector_load %arg7[%parallel_loop3A_383] {strides = array<i32>} : memref<32000xf32, #tpu.memory_space<vmem>>, vector<16xf32>,
        %parallel_loop3A_385 = arith.constant 0 : i32
        %parallel_loop3A_386 = arith.constant 0 : i32
        %parallel_loop3A_387 = tpu.memref_slice %arg6[%parallel_loop3A_385, %parallel_loop3A_386] : memref<2x32768xf32, #tpu.memory_space<vmem>> -> memref<1x32768xf32, #tpu.memory_space<vmem>>
        %parallel_loop3A_388 = tpu.memref_squeeze %parallel_loop3A_387 : memref<1x32768xf32, #tpu.memory_space<vmem>> -> memref<32768xf32, #tpu.memory_space<vmem>>
        %parallel_loop3A_389 = arith.index_cast %parallel_loop3A_382 : i32 to index
        %parallel_loop3A_390 = tpu.vector_load %parallel_loop3A_388[%parallel_loop3A_389] {strides = array<i32>} : memref<32768xf32, #tpu.memory_space<vmem>>, vector<16xf32>,
        tpu.vector_store %parallel_loop3A_388[%parallel_loop3A_389], %parallel_loop3A_384 {strides = array<i32>} : memref<32768xf32, #tpu.memory_space<vmem>>, vector<16xf32>,
        %parallel_loop3A_391 = arith.constant 16 : i32
        %parallel_loop3A_392 = arith.addi %parallel_loop3A_376, %parallel_loop3A_391 : i32
        %parallel_loop3A_393 = arith.index_cast %parallel_loop3A_392 : i32 to index
        %parallel_loop3A_394 = tpu.vector_load %arg7[%parallel_loop3A_393] {strides = array<i32>} : memref<32000xf32, #tpu.memory_space<vmem>>, vector<16xf32>,
        %parallel_loop3A_395 = arith.constant 16 : i32
        %parallel_loop3A_396 = arith.addi %parallel_loop3A_382, %parallel_loop3A_395 : i32
        %parallel_loop3A_397 = arith.constant 0 : i32
        %parallel_loop3A_398 = arith.constant 0 : i32
        %parallel_loop3A_399 = tpu.memref_slice %arg6[%parallel_loop3A_397, %parallel_loop3A_398] : memref<2x32768xf32, #tpu.memory_space<vmem>> -> memref<1x32768xf32, #tpu.memory_space<vmem>>
        %parallel_loop3A_400 = tpu.memref_squeeze %parallel_loop3A_399 : memref<1x32768xf32, #tpu.memory_space<vmem>> -> memref<32768xf32, #tpu.memory_space<vmem>>
        %parallel_loop3A_401 = arith.index_cast %parallel_loop3A_396 : i32 to index
        %parallel_loop3A_402 = tpu.vector_load %parallel_loop3A_400[%parallel_loop3A_401] {strides = array<i32>} : memref<32768xf32, #tpu.memory_space<vmem>>, vector<16xf32>,
        tpu.vector_store %parallel_loop3A_400[%parallel_loop3A_401], %parallel_loop3A_394 {strides = array<i32>} : memref<32768xf32, #tpu.memory_space<vmem>>, vector<16xf32>,
        %parallel_loop3A_403 = vector.extract_strided_slice %parallel_loop3A_290 {offsets = [4], sizes = [1], strides = [1]} : vector<16xi32> to vector<1xi32>
        %parallel_loop3A_404 = vector.extract %parallel_loop3A_403[0] : i32 from vector<1xi32>
        %parallel_loop3A_405 = arith.constant 16 : i32
        %parallel_loop3A_406 = arith.muli %parallel_loop3A_279, %parallel_loop3A_405 : i32
        %parallel_loop3A_407 = arith.constant 4 : i32
        %parallel_loop3A_408 = arith.addi %parallel_loop3A_406, %parallel_loop3A_407 : i32
        %parallel_loop3A_409 = arith.constant 32 : i32
        %parallel_loop3A_410 = arith.muli %parallel_loop3A_408, %parallel_loop3A_409 : i32
        %parallel_loop3A_411 = arith.index_cast %parallel_loop3A_404 : i32 to index
        %parallel_loop3A_412 = tpu.vector_load %arg7[%parallel_loop3A_411] {strides = array<i32>} : memref<32000xf32, #tpu.memory_space<vmem>>, vector<16xf32>,
        %parallel_loop3A_413 = arith.constant 0 : i32
        %parallel_loop3A_414 = arith.constant 0 : i32
        %parallel_loop3A_415 = tpu.memref_slice %arg6[%parallel_loop3A_413, %parallel_loop3A_414] : memref<2x32768xf32, #tpu.memory_space<vmem>> -> memref<1x32768xf32, #tpu.memory_space<vmem>>
        %parallel_loop3A_416 = tpu.memref_squeeze %parallel_loop3A_415 : memref<1x32768xf32, #tpu.memory_space<vmem>> -> memref<32768xf32, #tpu.memory_space<vmem>>
        %parallel_loop3A_417 = arith.index_cast %parallel_loop3A_410 : i32 to index
        %parallel_loop3A_418 = tpu.vector_load %parallel_loop3A_416[%parallel_loop3A_417] {strides = array<i32>} : memref<32768xf32, #tpu.memory_space<vmem>>, vector<16xf32>,
        tpu.vector_store %parallel_loop3A_416[%parallel_loop3A_417], %parallel_loop3A_412 {strides = array<i32>} : memref<32768xf32, #tpu.memory_space<vmem>>, vector<16xf32>,
        %parallel_loop3A_419 = arith.constant 16 : i32
        %parallel_loop3A_420 = arith.addi %parallel_loop3A_404, %parallel_loop3A_419 : i32
        %parallel_loop3A_421 = arith.index_cast %parallel_loop3A_420 : i32 to index
        %parallel_loop3A_422 = tpu.vector_load %arg7[%parallel_loop3A_421] {strides = array<i32>} : memref<32000xf32, #tpu.memory_space<vmem>>, vector<16xf32>,
        %parallel_loop3A_423 = arith.constant 16 : i32
        %parallel_loop3A_424 = arith.addi %parallel_loop3A_410, %parallel_loop3A_423 : i32
        %parallel_loop3A_425 = arith.constant 0 : i32
        %parallel_loop3A_426 = arith.constant 0 : i32
        %parallel_loop3A_427 = tpu.memref_slice %arg6[%parallel_loop3A_425, %parallel_loop3A_426] : memref<2x32768xf32, #tpu.memory_space<vmem>> -> memref<1x32768xf32, #tpu.memory_space<vmem>>
        %parallel_loop3A_428 = tpu.memref_squeeze %parallel_loop3A_427 : memref<1x32768xf32, #tpu.memory_space<vmem>> -> memref<32768xf32, #tpu.memory_space<vmem>>
        %parallel_loop3A_429 = arith.index_cast %parallel_loop3A_424 : i32 to index
        %parallel_loop3A_430 = tpu.vector_load %parallel_loop3A_428[%parallel_loop3A_429] {strides = array<i32>} : memref<32768xf32, #tpu.memory_space<vmem>>, vector<16xf32>,
        tpu.vector_store %parallel_loop3A_428[%parallel_loop3A_429], %parallel_loop3A_422 {strides = array<i32>} : memref<32768xf32, #tpu.memory_space<vmem>>, vector<16xf32>,
        %parallel_loop3A_431 = vector.extract_strided_slice %parallel_loop3A_290 {offsets = [5], sizes = [1], strides = [1]} : vector<16xi32> to vector<1xi32>
        %parallel_loop3A_432 = vector.extract %parallel_loop3A_431[0] : i32 from vector<1xi32>
        %parallel_loop3A_433 = arith.constant 16 : i32
        %parallel_loop3A_434 = arith.muli %parallel_loop3A_279, %parallel_loop3A_433 : i32
        %parallel_loop3A_435 = arith.constant 5 : i32
        %parallel_loop3A_436 = arith.addi %parallel_loop3A_434, %parallel_loop3A_435 : i32
        %parallel_loop3A_437 = arith.constant 32 : i32
        %parallel_loop3A_438 = arith.muli %parallel_loop3A_436, %parallel_loop3A_437 : i32
        %parallel_loop3A_439 = arith.index_cast %parallel_loop3A_432 : i32 to index
        %parallel_loop3A_440 = tpu.vector_load %arg7[%parallel_loop3A_439] {strides = array<i32>} : memref<32000xf32, #tpu.memory_space<vmem>>, vector<16xf32>,
        %parallel_loop3A_441 = arith.constant 0 : i32
        %parallel_loop3A_442 = arith.constant 0 : i32
        %parallel_loop3A_443 = tpu.memref_slice %arg6[%parallel_loop3A_441, %parallel_loop3A_442] : memref<2x32768xf32, #tpu.memory_space<vmem>> -> memref<1x32768xf32, #tpu.memory_space<vmem>>
        %parallel_loop3A_444 = tpu.memref_squeeze %parallel_loop3A_443 : memref<1x32768xf32, #tpu.memory_space<vmem>> -> memref<32768xf32, #tpu.memory_space<vmem>>
        %parallel_loop3A_445 = arith.index_cast %parallel_loop3A_438 : i32 to index
        %parallel_loop3A_446 = tpu.vector_load %parallel_loop3A_444[%parallel_loop3A_445] {strides = array<i32>} : memref<32768xf32, #tpu.memory_space<vmem>>, vector<16xf32>,
        tpu.vector_store %parallel_loop3A_444[%parallel_loop3A_445], %parallel_loop3A_440 {strides = array<i32>} : memref<32768xf32, #tpu.memory_space<vmem>>, vector<16xf32>,
        %parallel_loop3A_447 = arith.constant 16 : i32
        %parallel_loop3A_448 = arith.addi %parallel_loop3A_432, %parallel_loop3A_447 : i32
        %parallel_loop3A_449 = arith.index_cast %parallel_loop3A_448 : i32 to index
        %parallel_loop3A_450 = tpu.vector_load %arg7[%parallel_loop3A_449] {strides = array<i32>} : memref<32000xf32, #tpu.memory_space<vmem>>, vector<16xf32>,
        %parallel_loop3A_451 = arith.constant 16 : i32
        %parallel_loop3A_452 = arith.addi %parallel_loop3A_438, %parallel_loop3A_451 : i32
        %parallel_loop3A_453 = arith.constant 0 : i32
        %parallel_loop3A_454 = arith.constant 0 : i32
        %parallel_loop3A_455 = tpu.memref_slice %arg6[%parallel_loop3A_453, %parallel_loop3A_454] : memref<2x32768xf32, #tpu.memory_space<vmem>> -> memref<1x32768xf32, #tpu.memory_space<vmem>>
        %parallel_loop3A_456 = tpu.memref_squeeze %parallel_loop3A_455 : memref<1x32768xf32, #tpu.memory_space<vmem>> -> memref<32768xf32, #tpu.memory_space<vmem>>
        %parallel_loop3A_457 = arith.index_cast %parallel_loop3A_452 : i32 to index
        %parallel_loop3A_458 = tpu.vector_load %parallel_loop3A_456[%parallel_loop3A_457] {strides = array<i32>} : memref<32768xf32, #tpu.memory_space<vmem>>, vector<16xf32>,
        tpu.vector_store %parallel_loop3A_456[%parallel_loop3A_457], %parallel_loop3A_450 {strides = array<i32>} : memref<32768xf32, #tpu.memory_space<vmem>>, vector<16xf32>,
        %parallel_loop3A_459 = vector.extract_strided_slice %parallel_loop3A_290 {offsets = [6], sizes = [1], strides = [1]} : vector<16xi32> to vector<1xi32>
        %parallel_loop3A_460 = vector.extract %parallel_loop3A_459[0] : i32 from vector<1xi32>
        %parallel_loop3A_461 = arith.constant 16 : i32
        %parallel_loop3A_462 = arith.muli %parallel_loop3A_279, %parallel_loop3A_461 : i32
        %parallel_loop3A_463 = arith.constant 6 : i32
        %parallel_loop3A_464 = arith.addi %parallel_loop3A_462, %parallel_loop3A_463 : i32
        %parallel_loop3A_465 = arith.constant 32 : i32
        %parallel_loop3A_466 = arith.muli %parallel_loop3A_464, %parallel_loop3A_465 : i32
        %parallel_loop3A_467 = arith.index_cast %parallel_loop3A_460 : i32 to index
        %parallel_loop3A_468 = tpu.vector_load %arg7[%parallel_loop3A_467] {strides = array<i32>} : memref<32000xf32, #tpu.memory_space<vmem>>, vector<16xf32>,
        %parallel_loop3A_469 = arith.constant 0 : i32
        %parallel_loop3A_470 = arith.constant 0 : i32
        %parallel_loop3A_471 = tpu.memref_slice %arg6[%parallel_loop3A_469, %parallel_loop3A_470] : memref<2x32768xf32, #tpu.memory_space<vmem>> -> memref<1x32768xf32, #tpu.memory_space<vmem>>
        %parallel_loop3A_472 = tpu.memref_squeeze %parallel_loop3A_471 : memref<1x32768xf32, #tpu.memory_space<vmem>> -> memref<32768xf32, #tpu.memory_space<vmem>>
        %parallel_loop3A_473 = arith.index_cast %parallel_loop3A_466 : i32 to index
        %parallel_loop3A_474 = tpu.vector_load %parallel_loop3A_472[%parallel_loop3A_473] {strides = array<i32>} : memref<32768xf32, #tpu.memory_space<vmem>>, vector<16xf32>,
        tpu.vector_store %parallel_loop3A_472[%parallel_loop3A_473], %parallel_loop3A_468 {strides = array<i32>} : memref<32768xf32, #tpu.memory_space<vmem>>, vector<16xf32>,
        %parallel_loop3A_475 = arith.constant 16 : i32
        %parallel_loop3A_476 = arith.addi %parallel_loop3A_460, %parallel_loop3A_475 : i32
        %parallel_loop3A_477 = arith.index_cast %parallel_loop3A_476 : i32 to index
        %parallel_loop3A_478 = tpu.vector_load %arg7[%parallel_loop3A_477] {strides = array<i32>} : memref<32000xf32, #tpu.memory_space<vmem>>, vector<16xf32>,
        %parallel_loop3A_479 = arith.constant 16 : i32
        %parallel_loop3A_480 = arith.addi %parallel_loop3A_466, %parallel_loop3A_479 : i32
        %parallel_loop3A_481 = arith.constant 0 : i32
        %parallel_loop3A_482 = arith.constant 0 : i32
        %parallel_loop3A_483 = tpu.memref_slice %arg6[%parallel_loop3A_481, %parallel_loop3A_482] : memref<2x32768xf32, #tpu.memory_space<vmem>> -> memref<1x32768xf32, #tpu.memory_space<vmem>>
        %parallel_loop3A_484 = tpu.memref_squeeze %parallel_loop3A_483 : memref<1x32768xf32, #tpu.memory_space<vmem>> -> memref<32768xf32, #tpu.memory_space<vmem>>
        %parallel_loop3A_485 = arith.index_cast %parallel_loop3A_480 : i32 to index
        %parallel_loop3A_486 = tpu.vector_load %parallel_loop3A_484[%parallel_loop3A_485] {strides = array<i32>} : memref<32768xf32, #tpu.memory_space<vmem>>, vector<16xf32>,
        tpu.vector_store %parallel_loop3A_484[%parallel_loop3A_485], %parallel_loop3A_478 {strides = array<i32>} : memref<32768xf32, #tpu.memory_space<vmem>>, vector<16xf32>,
        %parallel_loop3A_487 = vector.extract_strided_slice %parallel_loop3A_290 {offsets = [7], sizes = [1], strides = [1]} : vector<16xi32> to vector<1xi32>
        %parallel_loop3A_488 = vector.extract %parallel_loop3A_487[0] : i32 from vector<1xi32>
        %parallel_loop3A_489 = arith.constant 16 : i32
        %parallel_loop3A_490 = arith.muli %parallel_loop3A_279, %parallel_loop3A_489 : i32
        %parallel_loop3A_491 = arith.constant 7 : i32
        %parallel_loop3A_492 = arith.addi %parallel_loop3A_490, %parallel_loop3A_491 : i32
        %parallel_loop3A_493 = arith.constant 32 : i32
        %parallel_loop3A_494 = arith.muli %parallel_loop3A_492, %parallel_loop3A_493 : i32
        %parallel_loop3A_495 = arith.index_cast %parallel_loop3A_488 : i32 to index
        %parallel_loop3A_496 = tpu.vector_load %arg7[%parallel_loop3A_495] {strides = array<i32>} : memref<32000xf32, #tpu.memory_space<vmem>>, vector<16xf32>,
        %parallel_loop3A_497 = arith.constant 0 : i32
        %parallel_loop3A_498 = arith.constant 0 : i32
        %parallel_loop3A_499 = tpu.memref_slice %arg6[%parallel_loop3A_497, %parallel_loop3A_498] : memref<2x32768xf32, #tpu.memory_space<vmem>> -> memref<1x32768xf32, #tpu.memory_space<vmem>>
        %parallel_loop3A_500 = tpu.memref_squeeze %parallel_loop3A_499 : memref<1x32768xf32, #tpu.memory_space<vmem>> -> memref<32768xf32, #tpu.memory_space<vmem>>
        %parallel_loop3A_501 = arith.index_cast %parallel_loop3A_494 : i32 to index
        %parallel_loop3A_502 = tpu.vector_load %parallel_loop3A_500[%parallel_loop3A_501] {strides = array<i32>} : memref<32768xf32, #tpu.memory_space<vmem>>, vector<16xf32>,
        tpu.vector_store %parallel_loop3A_500[%parallel_loop3A_501], %parallel_loop3A_496 {strides = array<i32>} : memref<32768xf32, #tpu.memory_space<vmem>>, vector<16xf32>,
        %parallel_loop3A_503 = arith.constant 16 : i32
        %parallel_loop3A_504 = arith.addi %parallel_loop3A_488, %parallel_loop3A_503 : i32
        %parallel_loop3A_505 = arith.index_cast %parallel_loop3A_504 : i32 to index
        %parallel_loop3A_506 = tpu.vector_load %arg7[%parallel_loop3A_505] {strides = array<i32>} : memref<32000xf32, #tpu.memory_space<vmem>>, vector<16xf32>,
        %parallel_loop3A_507 = arith.constant 16 : i32
        %parallel_loop3A_508 = arith.addi %parallel_loop3A_494, %parallel_loop3A_507 : i32
        %parallel_loop3A_509 = arith.constant 0 : i32
        %parallel_loop3A_510 = arith.constant 0 : i32
        %parallel_loop3A_511 = tpu.memref_slice %arg6[%parallel_loop3A_509, %parallel_loop3A_510] : memref<2x32768xf32, #tpu.memory_space<vmem>> -> memref<1x32768xf32, #tpu.memory_space<vmem>>
        %parallel_loop3A_512 = tpu.memref_squeeze %parallel_loop3A_511 : memref<1x32768xf32, #tpu.memory_space<vmem>> -> memref<32768xf32, #tpu.memory_space<vmem>>
        %parallel_loop3A_513 = arith.index_cast %parallel_loop3A_508 : i32 to index
        %parallel_loop3A_514 = tpu.vector_load %parallel_loop3A_512[%parallel_loop3A_513] {strides = array<i32>} : memref<32768xf32, #tpu.memory_space<vmem>>, vector<16xf32>,
        tpu.vector_store %parallel_loop3A_512[%parallel_loop3A_513], %parallel_loop3A_506 {strides = array<i32>} : memref<32768xf32, #tpu.memory_space<vmem>>, vector<16xf32>,
        %parallel_loop3A_515 = vector.extract_strided_slice %parallel_loop3A_290 {offsets = [8], sizes = [1], strides = [1]} : vector<16xi32> to vector<1xi32>
        %parallel_loop3A_516 = vector.extract %parallel_loop3A_515[0] : i32 from vector<1xi32>
        %parallel_loop3A_517 = arith.constant 16 : i32
        %parallel_loop3A_518 = arith.muli %parallel_loop3A_279, %parallel_loop3A_517 : i32
        %parallel_loop3A_519 = arith.constant 8 : i32
        %parallel_loop3A_520 = arith.addi %parallel_loop3A_518, %parallel_loop3A_519 : i32
        %parallel_loop3A_521 = arith.constant 32 : i32
        %parallel_loop3A_522 = arith.muli %parallel_loop3A_520, %parallel_loop3A_521 : i32
        %parallel_loop3A_523 = arith.index_cast %parallel_loop3A_516 : i32 to index
        %parallel_loop3A_524 = tpu.vector_load %arg7[%parallel_loop3A_523] {strides = array<i32>} : memref<32000xf32, #tpu.memory_space<vmem>>, vector<16xf32>,
        %parallel_loop3A_525 = arith.constant 0 : i32
        %parallel_loop3A_526 = arith.constant 0 : i32
        %parallel_loop3A_527 = tpu.memref_slice %arg6[%parallel_loop3A_525, %parallel_loop3A_526] : memref<2x32768xf32, #tpu.memory_space<vmem>> -> memref<1x32768xf32, #tpu.memory_space<vmem>>
        %parallel_loop3A_528 = tpu.memref_squeeze %parallel_loop3A_527 : memref<1x32768xf32, #tpu.memory_space<vmem>> -> memref<32768xf32, #tpu.memory_space<vmem>>
        %parallel_loop3A_529 = arith.index_cast %parallel_loop3A_522 : i32 to index
        %parallel_loop3A_530 = tpu.vector_load %parallel_loop3A_528[%parallel_loop3A_529] {strides = array<i32>} : memref<32768xf32, #tpu.memory_space<vmem>>, vector<16xf32>,
        tpu.vector_store %parallel_loop3A_528[%parallel_loop3A_529], %parallel_loop3A_524 {strides = array<i32>} : memref<32768xf32, #tpu.memory_space<vmem>>, vector<16xf32>,
        %parallel_loop3A_531 = arith.constant 16 : i32
        %parallel_loop3A_532 = arith.addi %parallel_loop3A_516, %parallel_loop3A_531 : i32
        %parallel_loop3A_533 = arith.index_cast %parallel_loop3A_532 : i32 to index
        %parallel_loop3A_534 = tpu.vector_load %arg7[%parallel_loop3A_533] {strides = array<i32>} : memref<32000xf32, #tpu.memory_space<vmem>>, vector<16xf32>,
        %parallel_loop3A_535 = arith.constant 16 : i32
        %parallel_loop3A_536 = arith.addi %parallel_loop3A_522, %parallel_loop3A_535 : i32
        %parallel_loop3A_537 = arith.constant 0 : i32
        %parallel_loop3A_538 = arith.constant 0 : i32
        %parallel_loop3A_539 = tpu.memref_slice %arg6[%parallel_loop3A_537, %parallel_loop3A_538] : memref<2x32768xf32, #tpu.memory_space<vmem>> -> memref<1x32768xf32, #tpu.memory_space<vmem>>
        %parallel_loop3A_540 = tpu.memref_squeeze %parallel_loop3A_539 : memref<1x32768xf32, #tpu.memory_space<vmem>> -> memref<32768xf32, #tpu.memory_space<vmem>>
        %parallel_loop3A_541 = arith.index_cast %parallel_loop3A_536 : i32 to index
        %parallel_loop3A_542 = tpu.vector_load %parallel_loop3A_540[%parallel_loop3A_541] {strides = array<i32>} : memref<32768xf32, #tpu.memory_space<vmem>>, vector<16xf32>,
        tpu.vector_store %parallel_loop3A_540[%parallel_loop3A_541], %parallel_loop3A_534 {strides = array<i32>} : memref<32768xf32, #tpu.memory_space<vmem>>, vector<16xf32>,
        %parallel_loop3A_543 = vector.extract_strided_slice %parallel_loop3A_290 {offsets = [9], sizes = [1], strides = [1]} : vector<16xi32> to vector<1xi32>
        %parallel_loop3A_544 = vector.extract %parallel_loop3A_543[0] : i32 from vector<1xi32>
        %parallel_loop3A_545 = arith.constant 16 : i32
        %parallel_loop3A_546 = arith.muli %parallel_loop3A_279, %parallel_loop3A_545 : i32
        %parallel_loop3A_547 = arith.constant 9 : i32
        %parallel_loop3A_548 = arith.addi %parallel_loop3A_546, %parallel_loop3A_547 : i32
        %parallel_loop3A_549 = arith.constant 32 : i32
        %parallel_loop3A_550 = arith.muli %parallel_loop3A_548, %parallel_loop3A_549 : i32
        %parallel_loop3A_551 = arith.index_cast %parallel_loop3A_544 : i32 to index
        %parallel_loop3A_552 = tpu.vector_load %arg7[%parallel_loop3A_551] {strides = array<i32>} : memref<32000xf32, #tpu.memory_space<vmem>>, vector<16xf32>,
        %parallel_loop3A_553 = arith.constant 0 : i32
        %parallel_loop3A_554 = arith.constant 0 : i32
        %parallel_loop3A_555 = tpu.memref_slice %arg6[%parallel_loop3A_553, %parallel_loop3A_554] : memref<2x32768xf32, #tpu.memory_space<vmem>> -> memref<1x32768xf32, #tpu.memory_space<vmem>>
        %parallel_loop3A_556 = tpu.memref_squeeze %parallel_loop3A_555 : memref<1x32768xf32, #tpu.memory_space<vmem>> -> memref<32768xf32, #tpu.memory_space<vmem>>
        %parallel_loop3A_557 = arith.index_cast %parallel_loop3A_550 : i32 to index
        %parallel_loop3A_558 = tpu.vector_load %parallel_loop3A_556[%parallel_loop3A_557] {strides = array<i32>} : memref<32768xf32, #tpu.memory_space<vmem>>, vector<16xf32>,
        tpu.vector_store %parallel_loop3A_556[%parallel_loop3A_557], %parallel_loop3A_552 {strides = array<i32>} : memref<32768xf32, #tpu.memory_space<vmem>>, vector<16xf32>,
        %parallel_loop3A_559 = arith.constant 16 : i32
        %parallel_loop3A_560 = arith.addi %parallel_loop3A_544, %parallel_loop3A_559 : i32
        %parallel_loop3A_561 = arith.index_cast %parallel_loop3A_560 : i32 to index
        %parallel_loop3A_562 = tpu.vector_load %arg7[%parallel_loop3A_561] {strides = array<i32>} : memref<32000xf32, #tpu.memory_space<vmem>>, vector<16xf32>,
        %parallel_loop3A_563 = arith.constant 16 : i32
        %parallel_loop3A_564 = arith.addi %parallel_loop3A_550, %parallel_loop3A_563 : i32
        %parallel_loop3A_565 = arith.constant 0 : i32
        %parallel_loop3A_566 = arith.constant 0 : i32
        %parallel_loop3A_567 = tpu.memref_slice %arg6[%parallel_loop3A_565, %parallel_loop3A_566] : memref<2x32768xf32, #tpu.memory_space<vmem>> -> memref<1x32768xf32, #tpu.memory_space<vmem>>
        %parallel_loop3A_568 = tpu.memref_squeeze %parallel_loop3A_567 : memref<1x32768xf32, #tpu.memory_space<vmem>> -> memref<32768xf32, #tpu.memory_space<vmem>>
        %parallel_loop3A_569 = arith.index_cast %parallel_loop3A_564 : i32 to index
        %parallel_loop3A_570 = tpu.vector_load %parallel_loop3A_568[%parallel_loop3A_569] {strides = array<i32>} : memref<32768xf32, #tpu.memory_space<vmem>>, vector<16xf32>,
        tpu.vector_store %parallel_loop3A_568[%parallel_loop3A_569], %parallel_loop3A_562 {strides = array<i32>} : memref<32768xf32, #tpu.memory_space<vmem>>, vector<16xf32>,
        %parallel_loop3A_571 = vector.extract_strided_slice %parallel_loop3A_290 {offsets = [10], sizes = [1], strides = [1]} : vector<16xi32> to vector<1xi32>
        %parallel_loop3A_572 = vector.extract %parallel_loop3A_571[0] : i32 from vector<1xi32>
        %parallel_loop3A_573 = arith.constant 16 : i32
        %parallel_loop3A_574 = arith.muli %parallel_loop3A_279, %parallel_loop3A_573 : i32
        %parallel_loop3A_575 = arith.constant 10 : i32
        %parallel_loop3A_576 = arith.addi %parallel_loop3A_574, %parallel_loop3A_575 : i32
        %parallel_loop3A_577 = arith.constant 32 : i32
        %parallel_loop3A_578 = arith.muli %parallel_loop3A_576, %parallel_loop3A_577 : i32
        %parallel_loop3A_579 = arith.index_cast %parallel_loop3A_572 : i32 to index
        %parallel_loop3A_580 = tpu.vector_load %arg7[%parallel_loop3A_579] {strides = array<i32>} : memref<32000xf32, #tpu.memory_space<vmem>>, vector<16xf32>,
        %parallel_loop3A_581 = arith.constant 0 : i32
        %parallel_loop3A_582 = arith.constant 0 : i32
        %parallel_loop3A_583 = tpu.memref_slice %arg6[%parallel_loop3A_581, %parallel_loop3A_582] : memref<2x32768xf32, #tpu.memory_space<vmem>> -> memref<1x32768xf32, #tpu.memory_space<vmem>>
        %parallel_loop3A_584 = tpu.memref_squeeze %parallel_loop3A_583 : memref<1x32768xf32, #tpu.memory_space<vmem>> -> memref<32768xf32, #tpu.memory_space<vmem>>
        %parallel_loop3A_585 = arith.index_cast %parallel_loop3A_578 : i32 to index
        %parallel_loop3A_586 = tpu.vector_load %parallel_loop3A_584[%parallel_loop3A_585] {strides = array<i32>} : memref<32768xf32, #tpu.memory_space<vmem>>, vector<16xf32>,
        tpu.vector_store %parallel_loop3A_584[%parallel_loop3A_585], %parallel_loop3A_580 {strides = array<i32>} : memref<32768xf32, #tpu.memory_space<vmem>>, vector<16xf32>,
        %parallel_loop3A_587 = arith.constant 16 : i32
        %parallel_loop3A_588 = arith.addi %parallel_loop3A_572, %parallel_loop3A_587 : i32
        %parallel_loop3A_589 = arith.index_cast %parallel_loop3A_588 : i32 to index
        %parallel_loop3A_590 = tpu.vector_load %arg7[%parallel_loop3A_589] {strides = array<i32>} : memref<32000xf32, #tpu.memory_space<vmem>>, vector<16xf32>,
        %parallel_loop3A_591 = arith.constant 16 : i32
        %parallel_loop3A_592 = arith.addi %parallel_loop3A_578, %parallel_loop3A_591 : i32
        %parallel_loop3A_593 = arith.constant 0 : i32
        %parallel_loop3A_594 = arith.constant 0 : i32
        %parallel_loop3A_595 = tpu.memref_slice %arg6[%parallel_loop3A_593, %parallel_loop3A_594] : memref<2x32768xf32, #tpu.memory_space<vmem>> -> memref<1x32768xf32, #tpu.memory_space<vmem>>
        %parallel_loop3A_596 = tpu.memref_squeeze %parallel_loop3A_595 : memref<1x32768xf32, #tpu.memory_space<vmem>> -> memref<32768xf32, #tpu.memory_space<vmem>>
        %parallel_loop3A_597 = arith.index_cast %parallel_loop3A_592 : i32 to index
        %parallel_loop3A_598 = tpu.vector_load %parallel_loop3A_596[%parallel_loop3A_597] {strides = array<i32>} : memref<32768xf32, #tpu.memory_space<vmem>>, vector<16xf32>,
        tpu.vector_store %parallel_loop3A_596[%parallel_loop3A_597], %parallel_loop3A_590 {strides = array<i32>} : memref<32768xf32, #tpu.memory_space<vmem>>, vector<16xf32>,
        %parallel_loop3A_599 = vector.extract_strided_slice %parallel_loop3A_290 {offsets = [11], sizes = [1], strides = [1]} : vector<16xi32> to vector<1xi32>
        %parallel_loop3A_600 = vector.extract %parallel_loop3A_599[0] : i32 from vector<1xi32>
        %parallel_loop3A_601 = arith.constant 16 : i32
        %parallel_loop3A_602 = arith.muli %parallel_loop3A_279, %parallel_loop3A_601 : i32
        %parallel_loop3A_603 = arith.constant 11 : i32
        %parallel_loop3A_604 = arith.addi %parallel_loop3A_602, %parallel_loop3A_603 : i32
        %parallel_loop3A_605 = arith.constant 32 : i32
        %parallel_loop3A_606 = arith.muli %parallel_loop3A_604, %parallel_loop3A_605 : i32
        %parallel_loop3A_607 = arith.index_cast %parallel_loop3A_600 : i32 to index
        %parallel_loop3A_608 = tpu.vector_load %arg7[%parallel_loop3A_607] {strides = array<i32>} : memref<32000xf32, #tpu.memory_space<vmem>>, vector<16xf32>,
        %parallel_loop3A_609 = arith.constant 0 : i32
        %parallel_loop3A_610 = arith.constant 0 : i32
        %parallel_loop3A_611 = tpu.memref_slice %arg6[%parallel_loop3A_609, %parallel_loop3A_610] : memref<2x32768xf32, #tpu.memory_space<vmem>> -> memref<1x32768xf32, #tpu.memory_space<vmem>>
        %parallel_loop3A_612 = tpu.memref_squeeze %parallel_loop3A_611 : memref<1x32768xf32, #tpu.memory_space<vmem>> -> memref<32768xf32, #tpu.memory_space<vmem>>
        %parallel_loop3A_613 = arith.index_cast %parallel_loop3A_606 : i32 to index
        %parallel_loop3A_614 = tpu.vector_load %parallel_loop3A_612[%parallel_loop3A_613] {strides = array<i32>} : memref<32768xf32, #tpu.memory_space<vmem>>, vector<16xf32>,
        tpu.vector_store %parallel_loop3A_612[%parallel_loop3A_613], %parallel_loop3A_608 {strides = array<i32>} : memref<32768xf32, #tpu.memory_space<vmem>>, vector<16xf32>,
        %parallel_loop3A_615 = arith.constant 16 : i32
        %parallel_loop3A_616 = arith.addi %parallel_loop3A_600, %parallel_loop3A_615 : i32
        %parallel_loop3A_617 = arith.index_cast %parallel_loop3A_616 : i32 to index
        %parallel_loop3A_618 = tpu.vector_load %arg7[%parallel_loop3A_617] {strides = array<i32>} : memref<32000xf32, #tpu.memory_space<vmem>>, vector<16xf32>,
        %parallel_loop3A_619 = arith.constant 16 : i32
        %parallel_loop3A_620 = arith.addi %parallel_loop3A_606, %parallel_loop3A_619 : i32
        %parallel_loop3A_621 = arith.constant 0 : i32
        %parallel_loop3A_622 = arith.constant 0 : i32
        %parallel_loop3A_623 = tpu.memref_slice %arg6[%parallel_loop3A_621, %parallel_loop3A_622] : memref<2x32768xf32, #tpu.memory_space<vmem>> -> memref<1x32768xf32, #tpu.memory_space<vmem>>
        %parallel_loop3A_624 = tpu.memref_squeeze %parallel_loop3A_623 : memref<1x32768xf32, #tpu.memory_space<vmem>> -> memref<32768xf32, #tpu.memory_space<vmem>>
        %parallel_loop3A_625 = arith.index_cast %parallel_loop3A_620 : i32 to index
        %parallel_loop3A_626 = tpu.vector_load %parallel_loop3A_624[%parallel_loop3A_625] {strides = array<i32>} : memref<32768xf32, #tpu.memory_space<vmem>>, vector<16xf32>,
        tpu.vector_store %parallel_loop3A_624[%parallel_loop3A_625], %parallel_loop3A_618 {strides = array<i32>} : memref<32768xf32, #tpu.memory_space<vmem>>, vector<16xf32>,
        %parallel_loop3A_627 = vector.extract_strided_slice %parallel_loop3A_290 {offsets = [12], sizes = [1], strides = [1]} : vector<16xi32> to vector<1xi32>
        %parallel_loop3A_628 = vector.extract %parallel_loop3A_627[0] : i32 from vector<1xi32>
        %parallel_loop3A_629 = arith.constant 16 : i32
        %parallel_loop3A_630 = arith.muli %parallel_loop3A_279, %parallel_loop3A_629 : i32
        %parallel_loop3A_631 = arith.constant 12 : i32
        %parallel_loop3A_632 = arith.addi %parallel_loop3A_630, %parallel_loop3A_631 : i32
        %parallel_loop3A_633 = arith.constant 32 : i32
        %parallel_loop3A_634 = arith.muli %parallel_loop3A_632, %parallel_loop3A_633 : i32
        %parallel_loop3A_635 = arith.index_cast %parallel_loop3A_628 : i32 to index
        %parallel_loop3A_636 = tpu.vector_load %arg7[%parallel_loop3A_635] {strides = array<i32>} : memref<32000xf32, #tpu.memory_space<vmem>>, vector<16xf32>,
        %parallel_loop3A_637 = arith.constant 0 : i32
        %parallel_loop3A_638 = arith.constant 0 : i32
        %parallel_loop3A_639 = tpu.memref_slice %arg6[%parallel_loop3A_637, %parallel_loop3A_638] : memref<2x32768xf32, #tpu.memory_space<vmem>> -> memref<1x32768xf32, #tpu.memory_space<vmem>>
        %parallel_loop3A_640 = tpu.memref_squeeze %parallel_loop3A_639 : memref<1x32768xf32, #tpu.memory_space<vmem>> -> memref<32768xf32, #tpu.memory_space<vmem>>
        %parallel_loop3A_641 = arith.index_cast %parallel_loop3A_634 : i32 to index
        %parallel_loop3A_642 = tpu.vector_load %parallel_loop3A_640[%parallel_loop3A_641] {strides = array<i32>} : memref<32768xf32, #tpu.memory_space<vmem>>, vector<16xf32>,
        tpu.vector_store %parallel_loop3A_640[%parallel_loop3A_641], %parallel_loop3A_636 {strides = array<i32>} : memref<32768xf32, #tpu.memory_space<vmem>>, vector<16xf32>,
        %parallel_loop3A_643 = arith.constant 16 : i32
        %parallel_loop3A_644 = arith.addi %parallel_loop3A_628, %parallel_loop3A_643 : i32
        %parallel_loop3A_645 = arith.index_cast %parallel_loop3A_644 : i32 to index
        %parallel_loop3A_646 = tpu.vector_load %arg7[%parallel_loop3A_645] {strides = array<i32>} : memref<32000xf32, #tpu.memory_space<vmem>>, vector<16xf32>,
        %parallel_loop3A_647 = arith.constant 16 : i32
        %parallel_loop3A_648 = arith.addi %parallel_loop3A_634, %parallel_loop3A_647 : i32
        %parallel_loop3A_649 = arith.constant 0 : i32
        %parallel_loop3A_650 = arith.constant 0 : i32
        %parallel_loop3A_651 = tpu.memref_slice %arg6[%parallel_loop3A_649, %parallel_loop3A_650] : memref<2x32768xf32, #tpu.memory_space<vmem>> -> memref<1x32768xf32, #tpu.memory_space<vmem>>
        %parallel_loop3A_652 = tpu.memref_squeeze %parallel_loop3A_651 : memref<1x32768xf32, #tpu.memory_space<vmem>> -> memref<32768xf32, #tpu.memory_space<vmem>>
        %parallel_loop3A_653 = arith.index_cast %parallel_loop3A_648 : i32 to index
        %parallel_loop3A_654 = tpu.vector_load %parallel_loop3A_652[%parallel_loop3A_653] {strides = array<i32>} : memref<32768xf32, #tpu.memory_space<vmem>>, vector<16xf32>,
        tpu.vector_store %parallel_loop3A_652[%parallel_loop3A_653], %parallel_loop3A_646 {strides = array<i32>} : memref<32768xf32, #tpu.memory_space<vmem>>, vector<16xf32>,
        %parallel_loop3A_655 = vector.extract_strided_slice %parallel_loop3A_290 {offsets = [13], sizes = [1], strides = [1]} : vector<16xi32> to vector<1xi32>
        %parallel_loop3A_656 = vector.extract %parallel_loop3A_655[0] : i32 from vector<1xi32>
        %parallel_loop3A_657 = arith.constant 16 : i32
        %parallel_loop3A_658 = arith.muli %parallel_loop3A_279, %parallel_loop3A_657 : i32
        %parallel_loop3A_659 = arith.constant 13 : i32
        %parallel_loop3A_660 = arith.addi %parallel_loop3A_658, %parallel_loop3A_659 : i32
        %parallel_loop3A_661 = arith.constant 32 : i32
        %parallel_loop3A_662 = arith.muli %parallel_loop3A_660, %parallel_loop3A_661 : i32
        %parallel_loop3A_663 = arith.index_cast %parallel_loop3A_656 : i32 to index
        %parallel_loop3A_664 = tpu.vector_load %arg7[%parallel_loop3A_663] {strides = array<i32>} : memref<32000xf32, #tpu.memory_space<vmem>>, vector<16xf32>,
        %parallel_loop3A_665 = arith.constant 0 : i32
        %parallel_loop3A_666 = arith.constant 0 : i32
        %parallel_loop3A_667 = tpu.memref_slice %arg6[%parallel_loop3A_665, %parallel_loop3A_666] : memref<2x32768xf32, #tpu.memory_space<vmem>> -> memref<1x32768xf32, #tpu.memory_space<vmem>>
        %parallel_loop3A_668 = tpu.memref_squeeze %parallel_loop3A_667 : memref<1x32768xf32, #tpu.memory_space<vmem>> -> memref<32768xf32, #tpu.memory_space<vmem>>
        %parallel_loop3A_669 = arith.index_cast %parallel_loop3A_662 : i32 to index
        %parallel_loop3A_670 = tpu.vector_load %parallel_loop3A_668[%parallel_loop3A_669] {strides = array<i32>} : memref<32768xf32, #tpu.memory_space<vmem>>, vector<16xf32>,
        tpu.vector_store %parallel_loop3A_668[%parallel_loop3A_669], %parallel_loop3A_664 {strides = array<i32>} : memref<32768xf32, #tpu.memory_space<vmem>>, vector<16xf32>,
        %parallel_loop3A_671 = arith.constant 16 : i32
        %parallel_loop3A_672 = arith.addi %parallel_loop3A_656, %parallel_loop3A_671 : i32
        %parallel_loop3A_673 = arith.index_cast %parallel_loop3A_672 : i32 to index
        %parallel_loop3A_674 = tpu.vector_load %arg7[%parallel_loop3A_673] {strides = array<i32>} : memref<32000xf32, #tpu.memory_space<vmem>>, vector<16xf32>,
        %parallel_loop3A_675 = arith.constant 16 : i32
        %parallel_loop3A_676 = arith.addi %parallel_loop3A_662, %parallel_loop3A_675 : i32
        %parallel_loop3A_677 = arith.constant 0 : i32
        %parallel_loop3A_678 = arith.constant 0 : i32
        %parallel_loop3A_679 = tpu.memref_slice %arg6[%parallel_loop3A_677, %parallel_loop3A_678] : memref<2x32768xf32, #tpu.memory_space<vmem>> -> memref<1x32768xf32, #tpu.memory_space<vmem>>
        %parallel_loop3A_680 = tpu.memref_squeeze %parallel_loop3A_679 : memref<1x32768xf32, #tpu.memory_space<vmem>> -> memref<32768xf32, #tpu.memory_space<vmem>>
        %parallel_loop3A_681 = arith.index_cast %parallel_loop3A_676 : i32 to index
        %parallel_loop3A_682 = tpu.vector_load %parallel_loop3A_680[%parallel_loop3A_681] {strides = array<i32>} : memref<32768xf32, #tpu.memory_space<vmem>>, vector<16xf32>,
        tpu.vector_store %parallel_loop3A_680[%parallel_loop3A_681], %parallel_loop3A_674 {strides = array<i32>} : memref<32768xf32, #tpu.memory_space<vmem>>, vector<16xf32>,
        %parallel_loop3A_683 = vector.extract_strided_slice %parallel_loop3A_290 {offsets = [14], sizes = [1], strides = [1]} : vector<16xi32> to vector<1xi32>
        %parallel_loop3A_684 = vector.extract %parallel_loop3A_683[0] : i32 from vector<1xi32>
        %parallel_loop3A_685 = arith.constant 16 : i32
        %parallel_loop3A_686 = arith.muli %parallel_loop3A_279, %parallel_loop3A_685 : i32
        %parallel_loop3A_687 = arith.constant 14 : i32
        %parallel_loop3A_688 = arith.addi %parallel_loop3A_686, %parallel_loop3A_687 : i32
        %parallel_loop3A_689 = arith.constant 32 : i32
        %parallel_loop3A_690 = arith.muli %parallel_loop3A_688, %parallel_loop3A_689 : i32
        %parallel_loop3A_691 = arith.index_cast %parallel_loop3A_684 : i32 to index
        %parallel_loop3A_692 = tpu.vector_load %arg7[%parallel_loop3A_691] {strides = array<i32>} : memref<32000xf32, #tpu.memory_space<vmem>>, vector<16xf32>,
        %parallel_loop3A_693 = arith.constant 0 : i32
        %parallel_loop3A_694 = arith.constant 0 : i32
        %parallel_loop3A_695 = tpu.memref_slice %arg6[%parallel_loop3A_693, %parallel_loop3A_694] : memref<2x32768xf32, #tpu.memory_space<vmem>> -> memref<1x32768xf32, #tpu.memory_space<vmem>>
        %parallel_loop3A_696 = tpu.memref_squeeze %parallel_loop3A_695 : memref<1x32768xf32, #tpu.memory_space<vmem>> -> memref<32768xf32, #tpu.memory_space<vmem>>
        %parallel_loop3A_697 = arith.index_cast %parallel_loop3A_690 : i32 to index
        %parallel_loop3A_698 = tpu.vector_load %parallel_loop3A_696[%parallel_loop3A_697] {strides = array<i32>} : memref<32768xf32, #tpu.memory_space<vmem>>, vector<16xf32>,
        tpu.vector_store %parallel_loop3A_696[%parallel_loop3A_697], %parallel_loop3A_692 {strides = array<i32>} : memref<32768xf32, #tpu.memory_space<vmem>>, vector<16xf32>,
        %parallel_loop3A_699 = arith.constant 16 : i32
        %parallel_loop3A_700 = arith.addi %parallel_loop3A_684, %parallel_loop3A_699 : i32
        %parallel_loop3A_701 = arith.index_cast %parallel_loop3A_700 : i32 to index
        %parallel_loop3A_702 = tpu.vector_load %arg7[%parallel_loop3A_701] {strides = array<i32>} : memref<32000xf32, #tpu.memory_space<vmem>>, vector<16xf32>,
        %parallel_loop3A_703 = arith.constant 16 : i32
        %parallel_loop3A_704 = arith.addi %parallel_loop3A_690, %parallel_loop3A_703 : i32
        %parallel_loop3A_705 = arith.constant 0 : i32
        %parallel_loop3A_706 = arith.constant 0 : i32
        %parallel_loop3A_707 = tpu.memref_slice %arg6[%parallel_loop3A_705, %parallel_loop3A_706] : memref<2x32768xf32, #tpu.memory_space<vmem>> -> memref<1x32768xf32, #tpu.memory_space<vmem>>
        %parallel_loop3A_708 = tpu.memref_squeeze %parallel_loop3A_707 : memref<1x32768xf32, #tpu.memory_space<vmem>> -> memref<32768xf32, #tpu.memory_space<vmem>>
        %parallel_loop3A_709 = arith.index_cast %parallel_loop3A_704 : i32 to index
        %parallel_loop3A_710 = tpu.vector_load %parallel_loop3A_708[%parallel_loop3A_709] {strides = array<i32>} : memref<32768xf32, #tpu.memory_space<vmem>>, vector<16xf32>,
        tpu.vector_store %parallel_loop3A_708[%parallel_loop3A_709], %parallel_loop3A_702 {strides = array<i32>} : memref<32768xf32, #tpu.memory_space<vmem>>, vector<16xf32>,
        %parallel_loop3A_711 = vector.extract_strided_slice %parallel_loop3A_290 {offsets = [15], sizes = [1], strides = [1]} : vector<16xi32> to vector<1xi32>
        %parallel_loop3A_712 = vector.extract %parallel_loop3A_711[0] : i32 from vector<1xi32>
        %parallel_loop3A_713 = arith.constant 16 : i32
        %parallel_loop3A_714 = arith.muli %parallel_loop3A_279, %parallel_loop3A_713 : i32
        %parallel_loop3A_715 = arith.constant 15 : i32
        %parallel_loop3A_716 = arith.addi %parallel_loop3A_714, %parallel_loop3A_715 : i32
        %parallel_loop3A_717 = arith.constant 32 : i32
        %parallel_loop3A_718 = arith.muli %parallel_loop3A_716, %parallel_loop3A_717 : i32
        %parallel_loop3A_719 = arith.index_cast %parallel_loop3A_712 : i32 to index
        %parallel_loop3A_720 = tpu.vector_load %arg7[%parallel_loop3A_719] {strides = array<i32>} : memref<32000xf32, #tpu.memory_space<vmem>>, vector<16xf32>,
        %parallel_loop3A_721 = arith.constant 0 : i32
        %parallel_loop3A_722 = arith.constant 0 : i32
        %parallel_loop3A_723 = tpu.memref_slice %arg6[%parallel_loop3A_721, %parallel_loop3A_722] : memref<2x32768xf32, #tpu.memory_space<vmem>> -> memref<1x32768xf32, #tpu.memory_space<vmem>>
        %parallel_loop3A_724 = tpu.memref_squeeze %parallel_loop3A_723 : memref<1x32768xf32, #tpu.memory_space<vmem>> -> memref<32768xf32, #tpu.memory_space<vmem>>
        %parallel_loop3A_725 = arith.index_cast %parallel_loop3A_718 : i32 to index
        %parallel_loop3A_726 = tpu.vector_load %parallel_loop3A_724[%parallel_loop3A_725] {strides = array<i32>} : memref<32768xf32, #tpu.memory_space<vmem>>, vector<16xf32>,
        tpu.vector_store %parallel_loop3A_724[%parallel_loop3A_725], %parallel_loop3A_720 {strides = array<i32>} : memref<32768xf32, #tpu.memory_space<vmem>>, vector<16xf32>,
        %parallel_loop3A_727 = arith.constant 16 : i32
        %parallel_loop3A_728 = arith.addi %parallel_loop3A_712, %parallel_loop3A_727 : i32
        %parallel_loop3A_729 = arith.index_cast %parallel_loop3A_728 : i32 to index
        %parallel_loop3A_730 = tpu.vector_load %arg7[%parallel_loop3A_729] {strides = array<i32>} : memref<32000xf32, #tpu.memory_space<vmem>>, vector<16xf32>,
        %parallel_loop3A_731 = arith.constant 16 : i32
        %parallel_loop3A_732 = arith.addi %parallel_loop3A_718, %parallel_loop3A_731 : i32
        %parallel_loop3A_733 = arith.constant 0 : i32
        %parallel_loop3A_734 = arith.constant 0 : i32
        %parallel_loop3A_735 = tpu.memref_slice %arg6[%parallel_loop3A_733, %parallel_loop3A_734] : memref<2x32768xf32, #tpu.memory_space<vmem>> -> memref<1x32768xf32, #tpu.memory_space<vmem>>
        %parallel_loop3A_736 = tpu.memref_squeeze %parallel_loop3A_735 : memref<1x32768xf32, #tpu.memory_space<vmem>> -> memref<32768xf32, #tpu.memory_space<vmem>>
        %parallel_loop3A_737 = arith.index_cast %parallel_loop3A_732 : i32 to index
        %parallel_loop3A_738 = tpu.vector_load %parallel_loop3A_736[%parallel_loop3A_737] {strides = array<i32>} : memref<32768xf32, #tpu.memory_space<vmem>>, vector<16xf32>,
        tpu.vector_store %parallel_loop3A_736[%parallel_loop3A_737], %parallel_loop3A_730 {strides = array<i32>} : memref<32768xf32, #tpu.memory_space<vmem>>, vector<16xf32>,
      } {sc.loop_unroll_factor = 4 : i64, sc.parallel_access}
      %add3A_169 = arith.constant 2 : i32
      %add3A_170 = arith.addi %add3A_145, %add3A_169 : i32
      %jit3A = arith.constant 100 : i32
      %eq3A = arith.constant 0 : i32
      %eq3A_171 = arith.cmpi eq, %jit3A, %eq3A : i32
      %jit3A_172 = arith.constant 1 : i32
      %select_n3A = arith.select %eq3A_171, %jit3A_172, %jit3A : i32
      %rem3A = arith.remsi %add3A_170, %select_n3A : i32
      %ne3A = arith.constant 0 : i32
      %ne3A_173 = arith.cmpi ne, %rem3A, %ne3A : i32
      %lt3A = arith.constant 0 : i32
      %lt3A_174 = arith.cmpi slt, %rem3A, %lt3A : i32
      %lt3A_175 = arith.constant 0 : i32
      %lt3A_176 = arith.cmpi slt, %select_n3A, %lt3A_175 : i32
      %ne3A_177 = arith.xori %lt3A_174, %lt3A_176 : i1
      %and3A = arith.andi %ne3A_177, %ne3A_173 : i1
      %add3A_178 = arith.addi %rem3A, %select_n3A : i32
      %select_n3A_179 = arith.select %and3A, %add3A_178, %rem3A : i32
      %mul3A_180 = arith.constant 1024 : i32
      %mul3A_181 = arith.muli %select_n3A_179, %mul3A_180 : i32
      %add3A_182 = arith.addi %mul3A_2, %mul3A_181 : i32
      %dma_start3A_183 = arith.constant 0 : i32
      %dma_start3A_184 = arith.constant 0 : i32
      %dma_start3A_185 = tpu.memref_slice %arg5[%dma_start3A_183, %dma_start3A_184] : memref<2x1024xi32, #tpu.memory_space<vmem>> -> memref<1x1024xi32, #tpu.memory_space<vmem>>
      %dma_start3A_186 = tpu.memref_squeeze %dma_start3A_185 : memref<1x1024xi32, #tpu.memory_space<vmem>> -> memref<1024xi32, #tpu.memory_space<vmem>>
      %dma_start3A_187 = tpu.memref_slice %arg2[%add3A_182] : memref<3276800xi32, #tpu.memory_space<hbm>> -> memref<1024xi32, #tpu.memory_space<hbm>>
      %dma_start3A_188 = arith.constant 0 : i32
      %dma_start3A_189 = tpu.memref_slice %arg5[%dma_start3A_183, %dma_start3A_188] : memref<2x1024xi32, #tpu.memory_space<vmem>> -> memref<1x1024xi32, #tpu.memory_space<vmem>>
      %dma_start3A_190 = tpu.memref_squeeze %dma_start3A_189 : memref<1x1024xi32, #tpu.memory_space<vmem>> -> memref<1024xi32, #tpu.memory_space<vmem>>
      %dma_start3A_191 = tpu.memref_slice %arg2[%add3A_182] : memref<3276800xi32, #tpu.memory_space<hbm>> -> memref<1024xi32, #tpu.memory_space<hbm>>
      tpu.enqueue_dma source(%dma_start3A_191 : memref<1024xi32, #tpu.memory_space<hbm>>) target(%dma_start3A_190 : memref<1024xi32, #tpu.memory_space<vmem>>) target_semaphore(%arg10 : memref<!tpu.dma_semaphore, #tpu.memory_space<semaphore_mem>>)
      %mul3A_192 = arith.constant 1024 : i32
      %mul3A_193 = arith.muli %add3A_145, %mul3A_192 : i32
      %add3A_194 = arith.addi %mul3A_2, %mul3A_193 : i32
      %mul3A_195 = arith.constant 32 : i32
      %mul3A_196 = arith.muli %add3A_194, %mul3A_195 : i32
      %dma_start3A_197 = arith.constant 0 : i32
      %dma_start3A_198 = arith.constant 0 : i32
      %dma_start3A_199 = tpu.memref_slice %arg6[%dma_start3A_197, %dma_start3A_198] : memref<2x32768xf32, #tpu.memory_space<vmem>> -> memref<1x32768xf32, #tpu.memory_space<vmem>>
      %dma_start3A_200 = tpu.memref_squeeze %dma_start3A_199 : memref<1x32768xf32, #tpu.memory_space<vmem>> -> memref<32768xf32, #tpu.memory_space<vmem>>
      %dma_start3A_201 = tpu.memref_slice %arg4[%mul3A_196] : memref<104857600xf32, #tpu.memory_space<hbm>> -> memref<32768xf32, #tpu.memory_space<hbm>>
      %dma_start3A_202 = tpu.memref_slice %arg4[%mul3A_196] : memref<104857600xf32, #tpu.memory_space<hbm>> -> memref<32768xf32, #tpu.memory_space<hbm>>
      %dma_start3A_203 = arith.constant 0 : i32
      %dma_start3A_204 = tpu.memref_slice %arg6[%dma_start3A_197, %dma_start3A_203] : memref<2x32768xf32, #tpu.memory_space<vmem>> -> memref<1x32768xf32, #tpu.memory_space<vmem>>
      %dma_start3A_205 = tpu.memref_squeeze %dma_start3A_204 : memref<1x32768xf32, #tpu.memory_space<vmem>> -> memref<32768xf32, #tpu.memory_space<vmem>>
      tpu.enqueue_dma source(%dma_start3A_205 : memref<32768xf32, #tpu.memory_space<vmem>>) target(%dma_start3A_202 : memref<32768xf32, #tpu.memory_space<hbm>>) target_semaphore(%arg8 : memref<!tpu.dma_semaphore, #tpu.memory_space<semaphore_mem>>)
      %mul3A_206 = arith.constant 2 : i32
      %mul3A_207 = arith.muli %scan3A_139, %mul3A_206 : i32
      %add3A_208 = arith.constant 2 : i32
      %add3A_209 = arith.addi %add3A_208, %mul3A_207 : i32
      %add3A_210 = arith.constant 1 : i32
      %add3A_211 = arith.addi %add3A_209, %add3A_210 : i32
      %mul3A_212 = arith.constant 32 : i32
      %mul3A_213 = arith.muli %mul3A_2, %mul3A_212 : i32
      %dma_wait3A_214 = arith.constant 1 : i32
      %dma_wait3A_215 = arith.constant 0 : i32
      %dma_wait3A_216 = tpu.memref_slice %arg6[%dma_wait3A_214, %dma_wait3A_215] : memref<2x32768xf32, #tpu.memory_space<vmem>> -> memref<1x32768xf32, #tpu.memory_space<vmem>>
      %dma_wait3A_217 = tpu.memref_squeeze %dma_wait3A_216 : memref<1x32768xf32, #tpu.memory_space<vmem>> -> memref<32768xf32, #tpu.memory_space<vmem>>
      %dma_wait3A_218 = tpu.memref_slice %arg4[%mul3A_213] : memref<104857600xf32, #tpu.memory_space<hbm>> -> memref<32768xf32, #tpu.memory_space<hbm>>
      %dma_wait3A_219 = tpu.memref_slice %arg4[%mul3A_213] : memref<104857600xf32, #tpu.memory_space<hbm>> -> memref<32768xf32, #tpu.memory_space<hbm>>
      %dma_wait3A_220 = arith.constant 0 : i32
      %dma_wait3A_221 = tpu.memref_slice %arg6[%dma_wait3A_214, %dma_wait3A_220] : memref<2x32768xf32, #tpu.memory_space<vmem>> -> memref<1x32768xf32, #tpu.memory_space<vmem>>
      %dma_wait3A_222 = tpu.memref_squeeze %dma_wait3A_221 : memref<1x32768xf32, #tpu.memory_space<vmem>> -> memref<32768xf32, #tpu.memory_space<vmem>>
      tpu.wait_dma2 semaphore(%arg9 : memref<!tpu.dma_semaphore, #tpu.memory_space<semaphore_mem>>) src(%dma_wait3A_222 : memref<32768xf32, #tpu.memory_space<vmem>>) dst(%dma_wait3A_219 : memref<32768xf32, #tpu.memory_space<hbm>>)
      %dma_wait3A_223 = arith.constant 1 : i32
      %dma_wait3A_224 = arith.constant 0 : i32
      %dma_wait3A_225 = tpu.memref_slice %arg5[%dma_wait3A_223, %dma_wait3A_224] : memref<2x1024xi32, #tpu.memory_space<vmem>> -> memref<1x1024xi32, #tpu.memory_space<vmem>>
      %dma_wait3A_226 = tpu.memref_squeeze %dma_wait3A_225 : memref<1x1024xi32, #tpu.memory_space<vmem>> -> memref<1024xi32, #tpu.memory_space<vmem>>
      %dma_wait3A_227 = tpu.memref_slice %arg2[%mul3A_2] : memref<3276800xi32, #tpu.memory_space<hbm>> -> memref<1024xi32, #tpu.memory_space<hbm>>
      %dma_wait3A_228 = arith.constant 0 : i32
      %dma_wait3A_229 = tpu.memref_slice %arg5[%dma_wait3A_223, %dma_wait3A_228] : memref<2x1024xi32, #tpu.memory_space<vmem>> -> memref<1x1024xi32, #tpu.memory_space<vmem>>
      %dma_wait3A_230 = tpu.memref_squeeze %dma_wait3A_229 : memref<1x1024xi32, #tpu.memory_space<vmem>> -> memref<1024xi32, #tpu.memory_space<vmem>>
      %dma_wait3A_231 = tpu.memref_slice %arg2[%mul3A_2] : memref<3276800xi32, #tpu.memory_space<hbm>> -> memref<1024xi32, #tpu.memory_space<hbm>>
      tpu.wait_dma2 semaphore(%arg11 : memref<!tpu.dma_semaphore, #tpu.memory_space<semaphore_mem>>) src(%dma_wait3A_231 : memref<1024xi32, #tpu.memory_space<hbm>>) dst(%dma_wait3A_230 : memref<1024xi32, #tpu.memory_space<vmem>>)
      %parallel_loop3A_232 = arith.constant 0 : i32
      %parallel_loop3A_233 = arith.constant 64 : i32
      %parallel_loop3A_234 = arith.constant 1 : i32
      scf.for %parallel_loop3A_279 = %parallel_loop3A_232 to %parallel_loop3A_233 step %parallel_loop3A_234  : i32 {
        %parallel_loop3A_280 = arith.constant 16 : i32
        %parallel_loop3A_281 = arith.muli %parallel_loop3A_279, %parallel_loop3A_280 : i32
        %parallel_loop3A_282 = arith.constant 1 : i32
        %parallel_loop3A_283 = arith.constant 0 : i32
        %parallel_loop3A_284 = tpu.memref_slice %arg5[%parallel_loop3A_282, %parallel_loop3A_283] : memref<2x1024xi32, #tpu.memory_space<vmem>> -> memref<1x1024xi32, #tpu.memory_space<vmem>>
        %parallel_loop3A_285 = tpu.memref_squeeze %parallel_loop3A_284 : memref<1x1024xi32, #tpu.memory_space<vmem>> -> memref<1024xi32, #tpu.memory_space<vmem>>
        %parallel_loop3A_286 = arith.index_cast %parallel_loop3A_281 : i32 to index
        %parallel_loop3A_287 = tpu.vector_load %parallel_loop3A_285[%parallel_loop3A_286] {strides = array<i32>} : memref<1024xi32, #tpu.memory_space<vmem>>, vector<16xi32>,
        %parallel_loop3A_288 = arith.constant 32 : i32
        %parallel_loop3A_289 = vector.broadcast %parallel_loop3A_288 : i32 to vector<16xi32>
        %parallel_loop3A_290 = arith.muli %parallel_loop3A_287, %parallel_loop3A_289 : vector<16xi32>
        %parallel_loop3A_291 = vector.extract_strided_slice %parallel_loop3A_290 {offsets = [0], sizes = [1], strides = [1]} : vector<16xi32> to vector<1xi32>
        %parallel_loop3A_292 = vector.extract %parallel_loop3A_291[0] : i32 from vector<1xi32>
        %parallel_loop3A_293 = arith.constant 16 : i32
        %parallel_loop3A_294 = arith.muli %parallel_loop3A_279, %parallel_loop3A_293 : i32
        %parallel_loop3A_295 = arith.constant 0 : i32
        %parallel_loop3A_296 = arith.addi %parallel_loop3A_294, %parallel_loop3A_295 : i32
        %parallel_loop3A_297 = arith.constant 32 : i32
        %parallel_loop3A_298 = arith.muli %parallel_loop3A_296, %parallel_loop3A_297 : i32
        %parallel_loop3A_299 = arith.index_cast %parallel_loop3A_292 : i32 to index
        %parallel_loop3A_300 = tpu.vector_load %arg7[%parallel_loop3A_299] {strides = array<i32>} : memref<32000xf32, #tpu.memory_space<vmem>>, vector<16xf32>,
        %parallel_loop3A_301 = arith.constant 1 : i32
        %parallel_loop3A_302 = arith.constant 0 : i32
        %parallel_loop3A_303 = tpu.memref_slice %arg6[%parallel_loop3A_301, %parallel_loop3A_302] : memref<2x32768xf32, #tpu.memory_space<vmem>> -> memref<1x32768xf32, #tpu.memory_space<vmem>>
        %parallel_loop3A_304 = tpu.memref_squeeze %parallel_loop3A_303 : memref<1x32768xf32, #tpu.memory_space<vmem>> -> memref<32768xf32, #tpu.memory_space<vmem>>
        %parallel_loop3A_305 = arith.index_cast %parallel_loop3A_298 : i32 to index
        %parallel_loop3A_306 = tpu.vector_load %parallel_loop3A_304[%parallel_loop3A_305] {strides = array<i32>} : memref<32768xf32, #tpu.memory_space<vmem>>, vector<16xf32>,
        tpu.vector_store %parallel_loop3A_304[%parallel_loop3A_305], %parallel_loop3A_300 {strides = array<i32>} : memref<32768xf32, #tpu.memory_space<vmem>>, vector<16xf32>,
        %parallel_loop3A_307 = arith.constant 16 : i32
        %parallel_loop3A_308 = arith.addi %parallel_loop3A_292, %parallel_loop3A_307 : i32
        %parallel_loop3A_309 = arith.index_cast %parallel_loop3A_308 : i32 to index
        %parallel_loop3A_310 = tpu.vector_load %arg7[%parallel_loop3A_309] {strides = array<i32>} : memref<32000xf32, #tpu.memory_space<vmem>>, vector<16xf32>,
        %parallel_loop3A_311 = arith.constant 16 : i32
        %parallel_loop3A_312 = arith.addi %parallel_loop3A_298, %parallel_loop3A_311 : i32
        %parallel_loop3A_313 = arith.constant 1 : i32
        %parallel_loop3A_314 = arith.constant 0 : i32
        %parallel_loop3A_315 = tpu.memref_slice %arg6[%parallel_loop3A_313, %parallel_loop3A_314] : memref<2x32768xf32, #tpu.memory_space<vmem>> -> memref<1x32768xf32, #tpu.memory_space<vmem>>
        %parallel_loop3A_316 = tpu.memref_squeeze %parallel_loop3A_315 : memref<1x32768xf32, #tpu.memory_space<vmem>> -> memref<32768xf32, #tpu.memory_space<vmem>>
        %parallel_loop3A_317 = arith.index_cast %parallel_loop3A_312 : i32 to index
        %parallel_loop3A_318 = tpu.vector_load %parallel_loop3A_316[%parallel_loop3A_317] {strides = array<i32>} : memref<32768xf32, #tpu.memory_space<vmem>>, vector<16xf32>,
        tpu.vector_store %parallel_loop3A_316[%parallel_loop3A_317], %parallel_loop3A_310 {strides = array<i32>} : memref<32768xf32, #tpu.memory_space<vmem>>, vector<16xf32>,
        %parallel_loop3A_319 = vector.extract_strided_slice %parallel_loop3A_290 {offsets = [1], sizes = [1], strides = [1]} : vector<16xi32> to vector<1xi32>
        %parallel_loop3A_320 = vector.extract %parallel_loop3A_319[0] : i32 from vector<1xi32>
        %parallel_loop3A_321 = arith.constant 16 : i32
        %parallel_loop3A_322 = arith.muli %parallel_loop3A_279, %parallel_loop3A_321 : i32
        %parallel_loop3A_323 = arith.constant 1 : i32
        %parallel_loop3A_324 = arith.addi %parallel_loop3A_322, %parallel_loop3A_323 : i32
        %parallel_loop3A_325 = arith.constant 32 : i32
        %parallel_loop3A_326 = arith.muli %parallel_loop3A_324, %parallel_loop3A_325 : i32
        %parallel_loop3A_327 = arith.index_cast %parallel_loop3A_320 : i32 to index
        %parallel_loop3A_328 = tpu.vector_load %arg7[%parallel_loop3A_327] {strides = array<i32>} : memref<32000xf32, #tpu.memory_space<vmem>>, vector<16xf32>,
        %parallel_loop3A_329 = arith.constant 1 : i32
        %parallel_loop3A_330 = arith.constant 0 : i32
        %parallel_loop3A_331 = tpu.memref_slice %arg6[%parallel_loop3A_329, %parallel_loop3A_330] : memref<2x32768xf32, #tpu.memory_space<vmem>> -> memref<1x32768xf32, #tpu.memory_space<vmem>>
        %parallel_loop3A_332 = tpu.memref_squeeze %parallel_loop3A_331 : memref<1x32768xf32, #tpu.memory_space<vmem>> -> memref<32768xf32, #tpu.memory_space<vmem>>
        %parallel_loop3A_333 = arith.index_cast %parallel_loop3A_326 : i32 to index
        %parallel_loop3A_334 = tpu.vector_load %parallel_loop3A_332[%parallel_loop3A_333] {strides = array<i32>} : memref<32768xf32, #tpu.memory_space<vmem>>, vector<16xf32>,
        tpu.vector_store %parallel_loop3A_332[%parallel_loop3A_333], %parallel_loop3A_328 {strides = array<i32>} : memref<32768xf32, #tpu.memory_space<vmem>>, vector<16xf32>,
        %parallel_loop3A_335 = arith.constant 16 : i32
        %parallel_loop3A_336 = arith.addi %parallel_loop3A_320, %parallel_loop3A_335 : i32
        %parallel_loop3A_337 = arith.index_cast %parallel_loop3A_336 : i32 to index
        %parallel_loop3A_338 = tpu.vector_load %arg7[%parallel_loop3A_337] {strides = array<i32>} : memref<32000xf32, #tpu.memory_space<vmem>>, vector<16xf32>,
        %parallel_loop3A_339 = arith.constant 16 : i32
        %parallel_loop3A_340 = arith.addi %parallel_loop3A_326, %parallel_loop3A_339 : i32
        %parallel_loop3A_341 = arith.constant 1 : i32
        %parallel_loop3A_342 = arith.constant 0 : i32
        %parallel_loop3A_343 = tpu.memref_slice %arg6[%parallel_loop3A_341, %parallel_loop3A_342] : memref<2x32768xf32, #tpu.memory_space<vmem>> -> memref<1x32768xf32, #tpu.memory_space<vmem>>
        %parallel_loop3A_344 = tpu.memref_squeeze %parallel_loop3A_343 : memref<1x32768xf32, #tpu.memory_space<vmem>> -> memref<32768xf32, #tpu.memory_space<vmem>>
        %parallel_loop3A_345 = arith.index_cast %parallel_loop3A_340 : i32 to index
        %parallel_loop3A_346 = tpu.vector_load %parallel_loop3A_344[%parallel_loop3A_345] {strides = array<i32>} : memref<32768xf32, #tpu.memory_space<vmem>>, vector<16xf32>,
        tpu.vector_store %parallel_loop3A_344[%parallel_loop3A_345], %parallel_loop3A_338 {strides = array<i32>} : memref<32768xf32, #tpu.memory_space<vmem>>, vector<16xf32>,
        %parallel_loop3A_347 = vector.extract_strided_slice %parallel_loop3A_290 {offsets = [2], sizes = [1], strides = [1]} : vector<16xi32> to vector<1xi32>
        %parallel_loop3A_348 = vector.extract %parallel_loop3A_347[0] : i32 from vector<1xi32>
        %parallel_loop3A_349 = arith.constant 16 : i32
        %parallel_loop3A_350 = arith.muli %parallel_loop3A_279, %parallel_loop3A_349 : i32
        %parallel_loop3A_351 = arith.constant 2 : i32
        %parallel_loop3A_352 = arith.addi %parallel_loop3A_350, %parallel_loop3A_351 : i32
        %parallel_loop3A_353 = arith.constant 32 : i32
        %parallel_loop3A_354 = arith.muli %parallel_loop3A_352, %parallel_loop3A_353 : i32
        %parallel_loop3A_355 = arith.index_cast %parallel_loop3A_348 : i32 to index
        %parallel_loop3A_356 = tpu.vector_load %arg7[%parallel_loop3A_355] {strides = array<i32>} : memref<32000xf32, #tpu.memory_space<vmem>>, vector<16xf32>,
        %parallel_loop3A_357 = arith.constant 1 : i32
        %parallel_loop3A_358 = arith.constant 0 : i32
        %parallel_loop3A_359 = tpu.memref_slice %arg6[%parallel_loop3A_357, %parallel_loop3A_358] : memref<2x32768xf32, #tpu.memory_space<vmem>> -> memref<1x32768xf32, #tpu.memory_space<vmem>>
        %parallel_loop3A_360 = tpu.memref_squeeze %parallel_loop3A_359 : memref<1x32768xf32, #tpu.memory_space<vmem>> -> memref<32768xf32, #tpu.memory_space<vmem>>
        %parallel_loop3A_361 = arith.index_cast %parallel_loop3A_354 : i32 to index
        %parallel_loop3A_362 = tpu.vector_load %parallel_loop3A_360[%parallel_loop3A_361] {strides = array<i32>} : memref<32768xf32, #tpu.memory_space<vmem>>, vector<16xf32>,
        tpu.vector_store %parallel_loop3A_360[%parallel_loop3A_361], %parallel_loop3A_356 {strides = array<i32>} : memref<32768xf32, #tpu.memory_space<vmem>>, vector<16xf32>,
        %parallel_loop3A_363 = arith.constant 16 : i32
        %parallel_loop3A_364 = arith.addi %parallel_loop3A_348, %parallel_loop3A_363 : i32
        %parallel_loop3A_365 = arith.index_cast %parallel_loop3A_364 : i32 to index
        %parallel_loop3A_366 = tpu.vector_load %arg7[%parallel_loop3A_365] {strides = array<i32>} : memref<32000xf32, #tpu.memory_space<vmem>>, vector<16xf32>,
        %parallel_loop3A_367 = arith.constant 16 : i32
        %parallel_loop3A_368 = arith.addi %parallel_loop3A_354, %parallel_loop3A_367 : i32
        %parallel_loop3A_369 = arith.constant 1 : i32
        %parallel_loop3A_370 = arith.constant 0 : i32
        %parallel_loop3A_371 = tpu.memref_slice %arg6[%parallel_loop3A_369, %parallel_loop3A_370] : memref<2x32768xf32, #tpu.memory_space<vmem>> -> memref<1x32768xf32, #tpu.memory_space<vmem>>
        %parallel_loop3A_372 = tpu.memref_squeeze %parallel_loop3A_371 : memref<1x32768xf32, #tpu.memory_space<vmem>> -> memref<32768xf32, #tpu.memory_space<vmem>>
        %parallel_loop3A_373 = arith.index_cast %parallel_loop3A_368 : i32 to index
        %parallel_loop3A_374 = tpu.vector_load %parallel_loop3A_372[%parallel_loop3A_373] {strides = array<i32>} : memref<32768xf32, #tpu.memory_space<vmem>>, vector<16xf32>,
        tpu.vector_store %parallel_loop3A_372[%parallel_loop3A_373], %parallel_loop3A_366 {strides = array<i32>} : memref<32768xf32, #tpu.memory_space<vmem>>, vector<16xf32>,
        %parallel_loop3A_375 = vector.extract_strided_slice %parallel_loop3A_290 {offsets = [3], sizes = [1], strides = [1]} : vector<16xi32> to vector<1xi32>
        %parallel_loop3A_376 = vector.extract %parallel_loop3A_375[0] : i32 from vector<1xi32>
        %parallel_loop3A_377 = arith.constant 16 : i32
        %parallel_loop3A_378 = arith.muli %parallel_loop3A_279, %parallel_loop3A_377 : i32
        %parallel_loop3A_379 = arith.constant 3 : i32
        %parallel_loop3A_380 = arith.addi %parallel_loop3A_378, %parallel_loop3A_379 : i32
        %parallel_loop3A_381 = arith.constant 32 : i32
        %parallel_loop3A_382 = arith.muli %parallel_loop3A_380, %parallel_loop3A_381 : i32
        %parallel_loop3A_383 = arith.index_cast %parallel_loop3A_376 : i32 to index
        %parallel_loop3A_384 = tpu.vector_load %arg7[%parallel_loop3A_383] {strides = array<i32>} : memref<32000xf32, #tpu.memory_space<vmem>>, vector<16xf32>,
        %parallel_loop3A_385 = arith.constant 1 : i32
        %parallel_loop3A_386 = arith.constant 0 : i32
        %parallel_loop3A_387 = tpu.memref_slice %arg6[%parallel_loop3A_385, %parallel_loop3A_386] : memref<2x32768xf32, #tpu.memory_space<vmem>> -> memref<1x32768xf32, #tpu.memory_space<vmem>>
        %parallel_loop3A_388 = tpu.memref_squeeze %parallel_loop3A_387 : memref<1x32768xf32, #tpu.memory_space<vmem>> -> memref<32768xf32, #tpu.memory_space<vmem>>
        %parallel_loop3A_389 = arith.index_cast %parallel_loop3A_382 : i32 to index
        %parallel_loop3A_390 = tpu.vector_load %parallel_loop3A_388[%parallel_loop3A_389] {strides = array<i32>} : memref<32768xf32, #tpu.memory_space<vmem>>, vector<16xf32>,
        tpu.vector_store %parallel_loop3A_388[%parallel_loop3A_389], %parallel_loop3A_384 {strides = array<i32>} : memref<32768xf32, #tpu.memory_space<vmem>>, vector<16xf32>,
        %parallel_loop3A_391 = arith.constant 16 : i32
        %parallel_loop3A_392 = arith.addi %parallel_loop3A_376, %parallel_loop3A_391 : i32
        %parallel_loop3A_393 = arith.index_cast %parallel_loop3A_392 : i32 to index
        %parallel_loop3A_394 = tpu.vector_load %arg7[%parallel_loop3A_393] {strides = array<i32>} : memref<32000xf32, #tpu.memory_space<vmem>>, vector<16xf32>,
        %parallel_loop3A_395 = arith.constant 16 : i32
        %parallel_loop3A_396 = arith.addi %parallel_loop3A_382, %parallel_loop3A_395 : i32
        %parallel_loop3A_397 = arith.constant 1 : i32
        %parallel_loop3A_398 = arith.constant 0 : i32
        %parallel_loop3A_399 = tpu.memref_slice %arg6[%parallel_loop3A_397, %parallel_loop3A_398] : memref<2x32768xf32, #tpu.memory_space<vmem>> -> memref<1x32768xf32, #tpu.memory_space<vmem>>
        %parallel_loop3A_400 = tpu.memref_squeeze %parallel_loop3A_399 : memref<1x32768xf32, #tpu.memory_space<vmem>> -> memref<32768xf32, #tpu.memory_space<vmem>>
        %parallel_loop3A_401 = arith.index_cast %parallel_loop3A_396 : i32 to index
        %parallel_loop3A_402 = tpu.vector_load %parallel_loop3A_400[%parallel_loop3A_401] {strides = array<i32>} : memref<32768xf32, #tpu.memory_space<vmem>>, vector<16xf32>,
        tpu.vector_store %parallel_loop3A_400[%parallel_loop3A_401], %parallel_loop3A_394 {strides = array<i32>} : memref<32768xf32, #tpu.memory_space<vmem>>, vector<16xf32>,
        %parallel_loop3A_403 = vector.extract_strided_slice %parallel_loop3A_290 {offsets = [4], sizes = [1], strides = [1]} : vector<16xi32> to vector<1xi32>
        %parallel_loop3A_404 = vector.extract %parallel_loop3A_403[0] : i32 from vector<1xi32>
        %parallel_loop3A_405 = arith.constant 16 : i32
        %parallel_loop3A_406 = arith.muli %parallel_loop3A_279, %parallel_loop3A_405 : i32
        %parallel_loop3A_407 = arith.constant 4 : i32
        %parallel_loop3A_408 = arith.addi %parallel_loop3A_406, %parallel_loop3A_407 : i32
        %parallel_loop3A_409 = arith.constant 32 : i32
        %parallel_loop3A_410 = arith.muli %parallel_loop3A_408, %parallel_loop3A_409 : i32
        %parallel_loop3A_411 = arith.index_cast %parallel_loop3A_404 : i32 to index
        %parallel_loop3A_412 = tpu.vector_load %arg7[%parallel_loop3A_411] {strides = array<i32>} : memref<32000xf32, #tpu.memory_space<vmem>>, vector<16xf32>,
        %parallel_loop3A_413 = arith.constant 1 : i32
        %parallel_loop3A_414 = arith.constant 0 : i32
        %parallel_loop3A_415 = tpu.memref_slice %arg6[%parallel_loop3A_413, %parallel_loop3A_414] : memref<2x32768xf32, #tpu.memory_space<vmem>> -> memref<1x32768xf32, #tpu.memory_space<vmem>>
        %parallel_loop3A_416 = tpu.memref_squeeze %parallel_loop3A_415 : memref<1x32768xf32, #tpu.memory_space<vmem>> -> memref<32768xf32, #tpu.memory_space<vmem>>
        %parallel_loop3A_417 = arith.index_cast %parallel_loop3A_410 : i32 to index
        %parallel_loop3A_418 = tpu.vector_load %parallel_loop3A_416[%parallel_loop3A_417] {strides = array<i32>} : memref<32768xf32, #tpu.memory_space<vmem>>, vector<16xf32>,
        tpu.vector_store %parallel_loop3A_416[%parallel_loop3A_417], %parallel_loop3A_412 {strides = array<i32>} : memref<32768xf32, #tpu.memory_space<vmem>>, vector<16xf32>,
        %parallel_loop3A_419 = arith.constant 16 : i32
        %parallel_loop3A_420 = arith.addi %parallel_loop3A_404, %parallel_loop3A_419 : i32
        %parallel_loop3A_421 = arith.index_cast %parallel_loop3A_420 : i32 to index
        %parallel_loop3A_422 = tpu.vector_load %arg7[%parallel_loop3A_421] {strides = array<i32>} : memref<32000xf32, #tpu.memory_space<vmem>>, vector<16xf32>,
        %parallel_loop3A_423 = arith.constant 16 : i32
        %parallel_loop3A_424 = arith.addi %parallel_loop3A_410, %parallel_loop3A_423 : i32
        %parallel_loop3A_425 = arith.constant 1 : i32
        %parallel_loop3A_426 = arith.constant 0 : i32
        %parallel_loop3A_427 = tpu.memref_slice %arg6[%parallel_loop3A_425, %parallel_loop3A_426] : memref<2x32768xf32, #tpu.memory_space<vmem>> -> memref<1x32768xf32, #tpu.memory_space<vmem>>
        %parallel_loop3A_428 = tpu.memref_squeeze %parallel_loop3A_427 : memref<1x32768xf32, #tpu.memory_space<vmem>> -> memref<32768xf32, #tpu.memory_space<vmem>>
        %parallel_loop3A_429 = arith.index_cast %parallel_loop3A_424 : i32 to index
        %parallel_loop3A_430 = tpu.vector_load %parallel_loop3A_428[%parallel_loop3A_429] {strides = array<i32>} : memref<32768xf32, #tpu.memory_space<vmem>>, vector<16xf32>,
        tpu.vector_store %parallel_loop3A_428[%parallel_loop3A_429], %parallel_loop3A_422 {strides = array<i32>} : memref<32768xf32, #tpu.memory_space<vmem>>, vector<16xf32>,
        %parallel_loop3A_431 = vector.extract_strided_slice %parallel_loop3A_290 {offsets = [5], sizes = [1], strides = [1]} : vector<16xi32> to vector<1xi32>
        %parallel_loop3A_432 = vector.extract %parallel_loop3A_431[0] : i32 from vector<1xi32>
        %parallel_loop3A_433 = arith.constant 16 : i32
        %parallel_loop3A_434 = arith.muli %parallel_loop3A_279, %parallel_loop3A_433 : i32
        %parallel_loop3A_435 = arith.constant 5 : i32
        %parallel_loop3A_436 = arith.addi %parallel_loop3A_434, %parallel_loop3A_435 : i32
        %parallel_loop3A_437 = arith.constant 32 : i32
        %parallel_loop3A_438 = arith.muli %parallel_loop3A_436, %parallel_loop3A_437 : i32
        %parallel_loop3A_439 = arith.index_cast %parallel_loop3A_432 : i32 to index
        %parallel_loop3A_440 = tpu.vector_load %arg7[%parallel_loop3A_439] {strides = array<i32>} : memref<32000xf32, #tpu.memory_space<vmem>>, vector<16xf32>,
        %parallel_loop3A_441 = arith.constant 1 : i32
        %parallel_loop3A_442 = arith.constant 0 : i32
        %parallel_loop3A_443 = tpu.memref_slice %arg6[%parallel_loop3A_441, %parallel_loop3A_442] : memref<2x32768xf32, #tpu.memory_space<vmem>> -> memref<1x32768xf32, #tpu.memory_space<vmem>>
        %parallel_loop3A_444 = tpu.memref_squeeze %parallel_loop3A_443 : memref<1x32768xf32, #tpu.memory_space<vmem>> -> memref<32768xf32, #tpu.memory_space<vmem>>
        %parallel_loop3A_445 = arith.index_cast %parallel_loop3A_438 : i32 to index
        %parallel_loop3A_446 = tpu.vector_load %parallel_loop3A_444[%parallel_loop3A_445] {strides = array<i32>} : memref<32768xf32, #tpu.memory_space<vmem>>, vector<16xf32>,
        tpu.vector_store %parallel_loop3A_444[%parallel_loop3A_445], %parallel_loop3A_440 {strides = array<i32>} : memref<32768xf32, #tpu.memory_space<vmem>>, vector<16xf32>,
        %parallel_loop3A_447 = arith.constant 16 : i32
        %parallel_loop3A_448 = arith.addi %parallel_loop3A_432, %parallel_loop3A_447 : i32
        %parallel_loop3A_449 = arith.index_cast %parallel_loop3A_448 : i32 to index
        %parallel_loop3A_450 = tpu.vector_load %arg7[%parallel_loop3A_449] {strides = array<i32>} : memref<32000xf32, #tpu.memory_space<vmem>>, vector<16xf32>,
        %parallel_loop3A_451 = arith.constant 16 : i32
        %parallel_loop3A_452 = arith.addi %parallel_loop3A_438, %parallel_loop3A_451 : i32
        %parallel_loop3A_453 = arith.constant 1 : i32
        %parallel_loop3A_454 = arith.constant 0 : i32
        %parallel_loop3A_455 = tpu.memref_slice %arg6[%parallel_loop3A_453, %parallel_loop3A_454] : memref<2x32768xf32, #tpu.memory_space<vmem>> -> memref<1x32768xf32, #tpu.memory_space<vmem>>
        %parallel_loop3A_456 = tpu.memref_squeeze %parallel_loop3A_455 : memref<1x32768xf32, #tpu.memory_space<vmem>> -> memref<32768xf32, #tpu.memory_space<vmem>>
        %parallel_loop3A_457 = arith.index_cast %parallel_loop3A_452 : i32 to index
        %parallel_loop3A_458 = tpu.vector_load %parallel_loop3A_456[%parallel_loop3A_457] {strides = array<i32>} : memref<32768xf32, #tpu.memory_space<vmem>>, vector<16xf32>,
        tpu.vector_store %parallel_loop3A_456[%parallel_loop3A_457], %parallel_loop3A_450 {strides = array<i32>} : memref<32768xf32, #tpu.memory_space<vmem>>, vector<16xf32>,
        %parallel_loop3A_459 = vector.extract_strided_slice %parallel_loop3A_290 {offsets = [6], sizes = [1], strides = [1]} : vector<16xi32> to vector<1xi32>
        %parallel_loop3A_460 = vector.extract %parallel_loop3A_459[0] : i32 from vector<1xi32>
        %parallel_loop3A_461 = arith.constant 16 : i32
        %parallel_loop3A_462 = arith.muli %parallel_loop3A_279, %parallel_loop3A_461 : i32
        %parallel_loop3A_463 = arith.constant 6 : i32
        %parallel_loop3A_464 = arith.addi %parallel_loop3A_462, %parallel_loop3A_463 : i32
        %parallel_loop3A_465 = arith.constant 32 : i32
        %parallel_loop3A_466 = arith.muli %parallel_loop3A_464, %parallel_loop3A_465 : i32
        %parallel_loop3A_467 = arith.index_cast %parallel_loop3A_460 : i32 to index
        %parallel_loop3A_468 = tpu.vector_load %arg7[%parallel_loop3A_467] {strides = array<i32>} : memref<32000xf32, #tpu.memory_space<vmem>>, vector<16xf32>,
        %parallel_loop3A_469 = arith.constant 1 : i32
        %parallel_loop3A_470 = arith.constant 0 : i32
        %parallel_loop3A_471 = tpu.memref_slice %arg6[%parallel_loop3A_469, %parallel_loop3A_470] : memref<2x32768xf32, #tpu.memory_space<vmem>> -> memref<1x32768xf32, #tpu.memory_space<vmem>>
        %parallel_loop3A_472 = tpu.memref_squeeze %parallel_loop3A_471 : memref<1x32768xf32, #tpu.memory_space<vmem>> -> memref<32768xf32, #tpu.memory_space<vmem>>
        %parallel_loop3A_473 = arith.index_cast %parallel_loop3A_466 : i32 to index
        %parallel_loop3A_474 = tpu.vector_load %parallel_loop3A_472[%parallel_loop3A_473] {strides = array<i32>} : memref<32768xf32, #tpu.memory_space<vmem>>, vector<16xf32>,
        tpu.vector_store %parallel_loop3A_472[%parallel_loop3A_473], %parallel_loop3A_468 {strides = array<i32>} : memref<32768xf32, #tpu.memory_space<vmem>>, vector<16xf32>,
        %parallel_loop3A_475 = arith.constant 16 : i32
        %parallel_loop3A_476 = arith.addi %parallel_loop3A_460, %parallel_loop3A_475 : i32
        %parallel_loop3A_477 = arith.index_cast %parallel_loop3A_476 : i32 to index
        %parallel_loop3A_478 = tpu.vector_load %arg7[%parallel_loop3A_477] {strides = array<i32>} : memref<32000xf32, #tpu.memory_space<vmem>>, vector<16xf32>,
        %parallel_loop3A_479 = arith.constant 16 : i32
        %parallel_loop3A_480 = arith.addi %parallel_loop3A_466, %parallel_loop3A_479 : i32
        %parallel_loop3A_481 = arith.constant 1 : i32
        %parallel_loop3A_482 = arith.constant 0 : i32
        %parallel_loop3A_483 = tpu.memref_slice %arg6[%parallel_loop3A_481, %parallel_loop3A_482] : memref<2x32768xf32, #tpu.memory_space<vmem>> -> memref<1x32768xf32, #tpu.memory_space<vmem>>
        %parallel_loop3A_484 = tpu.memref_squeeze %parallel_loop3A_483 : memref<1x32768xf32, #tpu.memory_space<vmem>> -> memref<32768xf32, #tpu.memory_space<vmem>>
        %parallel_loop3A_485 = arith.index_cast %parallel_loop3A_480 : i32 to index
        %parallel_loop3A_486 = tpu.vector_load %parallel_loop3A_484[%parallel_loop3A_485] {strides = array<i32>} : memref<32768xf32, #tpu.memory_space<vmem>>, vector<16xf32>,
        tpu.vector_store %parallel_loop3A_484[%parallel_loop3A_485], %parallel_loop3A_478 {strides = array<i32>} : memref<32768xf32, #tpu.memory_space<vmem>>, vector<16xf32>,
        %parallel_loop3A_487 = vector.extract_strided_slice %parallel_loop3A_290 {offsets = [7], sizes = [1], strides = [1]} : vector<16xi32> to vector<1xi32>
        %parallel_loop3A_488 = vector.extract %parallel_loop3A_487[0] : i32 from vector<1xi32>
        %parallel_loop3A_489 = arith.constant 16 : i32
        %parallel_loop3A_490 = arith.muli %parallel_loop3A_279, %parallel_loop3A_489 : i32
        %parallel_loop3A_491 = arith.constant 7 : i32
        %parallel_loop3A_492 = arith.addi %parallel_loop3A_490, %parallel_loop3A_491 : i32
        %parallel_loop3A_493 = arith.constant 32 : i32
        %parallel_loop3A_494 = arith.muli %parallel_loop3A_492, %parallel_loop3A_493 : i32
        %parallel_loop3A_495 = arith.index_cast %parallel_loop3A_488 : i32 to index
        %parallel_loop3A_496 = tpu.vector_load %arg7[%parallel_loop3A_495] {strides = array<i32>} : memref<32000xf32, #tpu.memory_space<vmem>>, vector<16xf32>,
        %parallel_loop3A_497 = arith.constant 1 : i32
        %parallel_loop3A_498 = arith.constant 0 : i32
        %parallel_loop3A_499 = tpu.memref_slice %arg6[%parallel_loop3A_497, %parallel_loop3A_498] : memref<2x32768xf32, #tpu.memory_space<vmem>> -> memref<1x32768xf32, #tpu.memory_space<vmem>>
        %parallel_loop3A_500 = tpu.memref_squeeze %parallel_loop3A_499 : memref<1x32768xf32, #tpu.memory_space<vmem>> -> memref<32768xf32, #tpu.memory_space<vmem>>
        %parallel_loop3A_501 = arith.index_cast %parallel_loop3A_494 : i32 to index
        %parallel_loop3A_502 = tpu.vector_load %parallel_loop3A_500[%parallel_loop3A_501] {strides = array<i32>} : memref<32768xf32, #tpu.memory_space<vmem>>, vector<16xf32>,
        tpu.vector_store %parallel_loop3A_500[%parallel_loop3A_501], %parallel_loop3A_496 {strides = array<i32>} : memref<32768xf32, #tpu.memory_space<vmem>>, vector<16xf32>,
        %parallel_loop3A_503 = arith.constant 16 : i32
        %parallel_loop3A_504 = arith.addi %parallel_loop3A_488, %parallel_loop3A_503 : i32
        %parallel_loop3A_505 = arith.index_cast %parallel_loop3A_504 : i32 to index
        %parallel_loop3A_506 = tpu.vector_load %arg7[%parallel_loop3A_505] {strides = array<i32>} : memref<32000xf32, #tpu.memory_space<vmem>>, vector<16xf32>,
        %parallel_loop3A_507 = arith.constant 16 : i32
        %parallel_loop3A_508 = arith.addi %parallel_loop3A_494, %parallel_loop3A_507 : i32
        %parallel_loop3A_509 = arith.constant 1 : i32
        %parallel_loop3A_510 = arith.constant 0 : i32
        %parallel_loop3A_511 = tpu.memref_slice %arg6[%parallel_loop3A_509, %parallel_loop3A_510] : memref<2x32768xf32, #tpu.memory_space<vmem>> -> memref<1x32768xf32, #tpu.memory_space<vmem>>
        %parallel_loop3A_512 = tpu.memref_squeeze %parallel_loop3A_511 : memref<1x32768xf32, #tpu.memory_space<vmem>> -> memref<32768xf32, #tpu.memory_space<vmem>>
        %parallel_loop3A_513 = arith.index_cast %parallel_loop3A_508 : i32 to index
        %parallel_loop3A_514 = tpu.vector_load %parallel_loop3A_512[%parallel_loop3A_513] {strides = array<i32>} : memref<32768xf32, #tpu.memory_space<vmem>>, vector<16xf32>,
        tpu.vector_store %parallel_loop3A_512[%parallel_loop3A_513], %parallel_loop3A_506 {strides = array<i32>} : memref<32768xf32, #tpu.memory_space<vmem>>, vector<16xf32>,
        %parallel_loop3A_515 = vector.extract_strided_slice %parallel_loop3A_290 {offsets = [8], sizes = [1], strides = [1]} : vector<16xi32> to vector<1xi32>
        %parallel_loop3A_516 = vector.extract %parallel_loop3A_515[0] : i32 from vector<1xi32>
        %parallel_loop3A_517 = arith.constant 16 : i32
        %parallel_loop3A_518 = arith.muli %parallel_loop3A_279, %parallel_loop3A_517 : i32
        %parallel_loop3A_519 = arith.constant 8 : i32
        %parallel_loop3A_520 = arith.addi %parallel_loop3A_518, %parallel_loop3A_519 : i32
        %parallel_loop3A_521 = arith.constant 32 : i32
        %parallel_loop3A_522 = arith.muli %parallel_loop3A_520, %parallel_loop3A_521 : i32
        %parallel_loop3A_523 = arith.index_cast %parallel_loop3A_516 : i32 to index
        %parallel_loop3A_524 = tpu.vector_load %arg7[%parallel_loop3A_523] {strides = array<i32>} : memref<32000xf32, #tpu.memory_space<vmem>>, vector<16xf32>,
        %parallel_loop3A_525 = arith.constant 1 : i32
        %parallel_loop3A_526 = arith.constant 0 : i32
        %parallel_loop3A_527 = tpu.memref_slice %arg6[%parallel_loop3A_525, %parallel_loop3A_526] : memref<2x32768xf32, #tpu.memory_space<vmem>> -> memref<1x32768xf32, #tpu.memory_space<vmem>>
        %parallel_loop3A_528 = tpu.memref_squeeze %parallel_loop3A_527 : memref<1x32768xf32, #tpu.memory_space<vmem>> -> memref<32768xf32, #tpu.memory_space<vmem>>
        %parallel_loop3A_529 = arith.index_cast %parallel_loop3A_522 : i32 to index
        %parallel_loop3A_530 = tpu.vector_load %parallel_loop3A_528[%parallel_loop3A_529] {strides = array<i32>} : memref<32768xf32, #tpu.memory_space<vmem>>, vector<16xf32>,
        tpu.vector_store %parallel_loop3A_528[%parallel_loop3A_529], %parallel_loop3A_524 {strides = array<i32>} : memref<32768xf32, #tpu.memory_space<vmem>>, vector<16xf32>,
        %parallel_loop3A_531 = arith.constant 16 : i32
        %parallel_loop3A_532 = arith.addi %parallel_loop3A_516, %parallel_loop3A_531 : i32
        %parallel_loop3A_533 = arith.index_cast %parallel_loop3A_532 : i32 to index
        %parallel_loop3A_534 = tpu.vector_load %arg7[%parallel_loop3A_533] {strides = array<i32>} : memref<32000xf32, #tpu.memory_space<vmem>>, vector<16xf32>,
        %parallel_loop3A_535 = arith.constant 16 : i32
        %parallel_loop3A_536 = arith.addi %parallel_loop3A_522, %parallel_loop3A_535 : i32
        %parallel_loop3A_537 = arith.constant 1 : i32
        %parallel_loop3A_538 = arith.constant 0 : i32
        %parallel_loop3A_539 = tpu.memref_slice %arg6[%parallel_loop3A_537, %parallel_loop3A_538] : memref<2x32768xf32, #tpu.memory_space<vmem>> -> memref<1x32768xf32, #tpu.memory_space<vmem>>
        %parallel_loop3A_540 = tpu.memref_squeeze %parallel_loop3A_539 : memref<1x32768xf32, #tpu.memory_space<vmem>> -> memref<32768xf32, #tpu.memory_space<vmem>>
        %parallel_loop3A_541 = arith.index_cast %parallel_loop3A_536 : i32 to index
        %parallel_loop3A_542 = tpu.vector_load %parallel_loop3A_540[%parallel_loop3A_541] {strides = array<i32>} : memref<32768xf32, #tpu.memory_space<vmem>>, vector<16xf32>,
        tpu.vector_store %parallel_loop3A_540[%parallel_loop3A_541], %parallel_loop3A_534 {strides = array<i32>} : memref<32768xf32, #tpu.memory_space<vmem>>, vector<16xf32>,
        %parallel_loop3A_543 = vector.extract_strided_slice %parallel_loop3A_290 {offsets = [9], sizes = [1], strides = [1]} : vector<16xi32> to vector<1xi32>
        %parallel_loop3A_544 = vector.extract %parallel_loop3A_543[0] : i32 from vector<1xi32>
        %parallel_loop3A_545 = arith.constant 16 : i32
        %parallel_loop3A_546 = arith.muli %parallel_loop3A_279, %parallel_loop3A_545 : i32
        %parallel_loop3A_547 = arith.constant 9 : i32
        %parallel_loop3A_548 = arith.addi %parallel_loop3A_546, %parallel_loop3A_547 : i32
        %parallel_loop3A_549 = arith.constant 32 : i32
        %parallel_loop3A_550 = arith.muli %parallel_loop3A_548, %parallel_loop3A_549 : i32
        %parallel_loop3A_551 = arith.index_cast %parallel_loop3A_544 : i32 to index
        %parallel_loop3A_552 = tpu.vector_load %arg7[%parallel_loop3A_551] {strides = array<i32>} : memref<32000xf32, #tpu.memory_space<vmem>>, vector<16xf32>,
        %parallel_loop3A_553 = arith.constant 1 : i32
        %parallel_loop3A_554 = arith.constant 0 : i32
        %parallel_loop3A_555 = tpu.memref_slice %arg6[%parallel_loop3A_553, %parallel_loop3A_554] : memref<2x32768xf32, #tpu.memory_space<vmem>> -> memref<1x32768xf32, #tpu.memory_space<vmem>>
        %parallel_loop3A_556 = tpu.memref_squeeze %parallel_loop3A_555 : memref<1x32768xf32, #tpu.memory_space<vmem>> -> memref<32768xf32, #tpu.memory_space<vmem>>
        %parallel_loop3A_557 = arith.index_cast %parallel_loop3A_550 : i32 to index
        %parallel_loop3A_558 = tpu.vector_load %parallel_loop3A_556[%parallel_loop3A_557] {strides = array<i32>} : memref<32768xf32, #tpu.memory_space<vmem>>, vector<16xf32>,
        tpu.vector_store %parallel_loop3A_556[%parallel_loop3A_557], %parallel_loop3A_552 {strides = array<i32>} : memref<32768xf32, #tpu.memory_space<vmem>>, vector<16xf32>,
        %parallel_loop3A_559 = arith.constant 16 : i32
        %parallel_loop3A_560 = arith.addi %parallel_loop3A_544, %parallel_loop3A_559 : i32
        %parallel_loop3A_561 = arith.index_cast %parallel_loop3A_560 : i32 to index
        %parallel_loop3A_562 = tpu.vector_load %arg7[%parallel_loop3A_561] {strides = array<i32>} : memref<32000xf32, #tpu.memory_space<vmem>>, vector<16xf32>,
        %parallel_loop3A_563 = arith.constant 16 : i32
        %parallel_loop3A_564 = arith.addi %parallel_loop3A_550, %parallel_loop3A_563 : i32
        %parallel_loop3A_565 = arith.constant 1 : i32
        %parallel_loop3A_566 = arith.constant 0 : i32
        %parallel_loop3A_567 = tpu.memref_slice %arg6[%parallel_loop3A_565, %parallel_loop3A_566] : memref<2x32768xf32, #tpu.memory_space<vmem>> -> memref<1x32768xf32, #tpu.memory_space<vmem>>
        %parallel_loop3A_568 = tpu.memref_squeeze %parallel_loop3A_567 : memref<1x32768xf32, #tpu.memory_space<vmem>> -> memref<32768xf32, #tpu.memory_space<vmem>>
        %parallel_loop3A_569 = arith.index_cast %parallel_loop3A_564 : i32 to index
        %parallel_loop3A_570 = tpu.vector_load %parallel_loop3A_568[%parallel_loop3A_569] {strides = array<i32>} : memref<32768xf32, #tpu.memory_space<vmem>>, vector<16xf32>,
        tpu.vector_store %parallel_loop3A_568[%parallel_loop3A_569], %parallel_loop3A_562 {strides = array<i32>} : memref<32768xf32, #tpu.memory_space<vmem>>, vector<16xf32>,
        %parallel_loop3A_571 = vector.extract_strided_slice %parallel_loop3A_290 {offsets = [10], sizes = [1], strides = [1]} : vector<16xi32> to vector<1xi32>
        %parallel_loop3A_572 = vector.extract %parallel_loop3A_571[0] : i32 from vector<1xi32>
        %parallel_loop3A_573 = arith.constant 16 : i32
        %parallel_loop3A_574 = arith.muli %parallel_loop3A_279, %parallel_loop3A_573 : i32
        %parallel_loop3A_575 = arith.constant 10 : i32
        %parallel_loop3A_576 = arith.addi %parallel_loop3A_574, %parallel_loop3A_575 : i32
        %parallel_loop3A_577 = arith.constant 32 : i32
        %parallel_loop3A_578 = arith.muli %parallel_loop3A_576, %parallel_loop3A_577 : i32
        %parallel_loop3A_579 = arith.index_cast %parallel_loop3A_572 : i32 to index
        %parallel_loop3A_580 = tpu.vector_load %arg7[%parallel_loop3A_579] {strides = array<i32>} : memref<32000xf32, #tpu.memory_space<vmem>>, vector<16xf32>,
        %parallel_loop3A_581 = arith.constant 1 : i32
        %parallel_loop3A_582 = arith.constant 0 : i32
        %parallel_loop3A_583 = tpu.memref_slice %arg6[%parallel_loop3A_581, %parallel_loop3A_582] : memref<2x32768xf32, #tpu.memory_space<vmem>> -> memref<1x32768xf32, #tpu.memory_space<vmem>>
        %parallel_loop3A_584 = tpu.memref_squeeze %parallel_loop3A_583 : memref<1x32768xf32, #tpu.memory_space<vmem>> -> memref<32768xf32, #tpu.memory_space<vmem>>
        %parallel_loop3A_585 = arith.index_cast %parallel_loop3A_578 : i32 to index
        %parallel_loop3A_586 = tpu.vector_load %parallel_loop3A_584[%parallel_loop3A_585] {strides = array<i32>} : memref<32768xf32, #tpu.memory_space<vmem>>, vector<16xf32>,
        tpu.vector_store %parallel_loop3A_584[%parallel_loop3A_585], %parallel_loop3A_580 {strides = array<i32>} : memref<32768xf32, #tpu.memory_space<vmem>>, vector<16xf32>,
        %parallel_loop3A_587 = arith.constant 16 : i32
        %parallel_loop3A_588 = arith.addi %parallel_loop3A_572, %parallel_loop3A_587 : i32
        %parallel_loop3A_589 = arith.index_cast %parallel_loop3A_588 : i32 to index
        %parallel_loop3A_590 = tpu.vector_load %arg7[%parallel_loop3A_589] {strides = array<i32>} : memref<32000xf32, #tpu.memory_space<vmem>>, vector<16xf32>,
        %parallel_loop3A_591 = arith.constant 16 : i32
        %parallel_loop3A_592 = arith.addi %parallel_loop3A_578, %parallel_loop3A_591 : i32
        %parallel_loop3A_593 = arith.constant 1 : i32
        %parallel_loop3A_594 = arith.constant 0 : i32
        %parallel_loop3A_595 = tpu.memref_slice %arg6[%parallel_loop3A_593, %parallel_loop3A_594] : memref<2x32768xf32, #tpu.memory_space<vmem>> -> memref<1x32768xf32, #tpu.memory_space<vmem>>
        %parallel_loop3A_596 = tpu.memref_squeeze %parallel_loop3A_595 : memref<1x32768xf32, #tpu.memory_space<vmem>> -> memref<32768xf32, #tpu.memory_space<vmem>>
        %parallel_loop3A_597 = arith.index_cast %parallel_loop3A_592 : i32 to index
        %parallel_loop3A_598 = tpu.vector_load %parallel_loop3A_596[%parallel_loop3A_597] {strides = array<i32>} : memref<32768xf32, #tpu.memory_space<vmem>>, vector<16xf32>,
        tpu.vector_store %parallel_loop3A_596[%parallel_loop3A_597], %parallel_loop3A_590 {strides = array<i32>} : memref<32768xf32, #tpu.memory_space<vmem>>, vector<16xf32>,
        %parallel_loop3A_599 = vector.extract_strided_slice %parallel_loop3A_290 {offsets = [11], sizes = [1], strides = [1]} : vector<16xi32> to vector<1xi32>
        %parallel_loop3A_600 = vector.extract %parallel_loop3A_599[0] : i32 from vector<1xi32>
        %parallel_loop3A_601 = arith.constant 16 : i32
        %parallel_loop3A_602 = arith.muli %parallel_loop3A_279, %parallel_loop3A_601 : i32
        %parallel_loop3A_603 = arith.constant 11 : i32
        %parallel_loop3A_604 = arith.addi %parallel_loop3A_602, %parallel_loop3A_603 : i32
        %parallel_loop3A_605 = arith.constant 32 : i32
        %parallel_loop3A_606 = arith.muli %parallel_loop3A_604, %parallel_loop3A_605 : i32
        %parallel_loop3A_607 = arith.index_cast %parallel_loop3A_600 : i32 to index
        %parallel_loop3A_608 = tpu.vector_load %arg7[%parallel_loop3A_607] {strides = array<i32>} : memref<32000xf32, #tpu.memory_space<vmem>>, vector<16xf32>,
        %parallel_loop3A_609 = arith.constant 1 : i32
        %parallel_loop3A_610 = arith.constant 0 : i32
        %parallel_loop3A_611 = tpu.memref_slice %arg6[%parallel_loop3A_609, %parallel_loop3A_610] : memref<2x32768xf32, #tpu.memory_space<vmem>> -> memref<1x32768xf32, #tpu.memory_space<vmem>>
        %parallel_loop3A_612 = tpu.memref_squeeze %parallel_loop3A_611 : memref<1x32768xf32, #tpu.memory_space<vmem>> -> memref<32768xf32, #tpu.memory_space<vmem>>
        %parallel_loop3A_613 = arith.index_cast %parallel_loop3A_606 : i32 to index
        %parallel_loop3A_614 = tpu.vector_load %parallel_loop3A_612[%parallel_loop3A_613] {strides = array<i32>} : memref<32768xf32, #tpu.memory_space<vmem>>, vector<16xf32>,
        tpu.vector_store %parallel_loop3A_612[%parallel_loop3A_613], %parallel_loop3A_608 {strides = array<i32>} : memref<32768xf32, #tpu.memory_space<vmem>>, vector<16xf32>,
        %parallel_loop3A_615 = arith.constant 16 : i32
        %parallel_loop3A_616 = arith.addi %parallel_loop3A_600, %parallel_loop3A_615 : i32
        %parallel_loop3A_617 = arith.index_cast %parallel_loop3A_616 : i32 to index
        %parallel_loop3A_618 = tpu.vector_load %arg7[%parallel_loop3A_617] {strides = array<i32>} : memref<32000xf32, #tpu.memory_space<vmem>>, vector<16xf32>,
        %parallel_loop3A_619 = arith.constant 16 : i32
        %parallel_loop3A_620 = arith.addi %parallel_loop3A_606, %parallel_loop3A_619 : i32
        %parallel_loop3A_621 = arith.constant 1 : i32
        %parallel_loop3A_622 = arith.constant 0 : i32
        %parallel_loop3A_623 = tpu.memref_slice %arg6[%parallel_loop3A_621, %parallel_loop3A_622] : memref<2x32768xf32, #tpu.memory_space<vmem>> -> memref<1x32768xf32, #tpu.memory_space<vmem>>
        %parallel_loop3A_624 = tpu.memref_squeeze %parallel_loop3A_623 : memref<1x32768xf32, #tpu.memory_space<vmem>> -> memref<32768xf32, #tpu.memory_space<vmem>>
        %parallel_loop3A_625 = arith.index_cast %parallel_loop3A_620 : i32 to index
        %parallel_loop3A_626 = tpu.vector_load %parallel_loop3A_624[%parallel_loop3A_625] {strides = array<i32>} : memref<32768xf32, #tpu.memory_space<vmem>>, vector<16xf32>,
        tpu.vector_store %parallel_loop3A_624[%parallel_loop3A_625], %parallel_loop3A_618 {strides = array<i32>} : memref<32768xf32, #tpu.memory_space<vmem>>, vector<16xf32>,
        %parallel_loop3A_627 = vector.extract_strided_slice %parallel_loop3A_290 {offsets = [12], sizes = [1], strides = [1]} : vector<16xi32> to vector<1xi32>
        %parallel_loop3A_628 = vector.extract %parallel_loop3A_627[0] : i32 from vector<1xi32>
        %parallel_loop3A_629 = arith.constant 16 : i32
        %parallel_loop3A_630 = arith.muli %parallel_loop3A_279, %parallel_loop3A_629 : i32
        %parallel_loop3A_631 = arith.constant 12 : i32
        %parallel_loop3A_632 = arith.addi %parallel_loop3A_630, %parallel_loop3A_631 : i32
        %parallel_loop3A_633 = arith.constant 32 : i32
        %parallel_loop3A_634 = arith.muli %parallel_loop3A_632, %parallel_loop3A_633 : i32
        %parallel_loop3A_635 = arith.index_cast %parallel_loop3A_628 : i32 to index
        %parallel_loop3A_636 = tpu.vector_load %arg7[%parallel_loop3A_635] {strides = array<i32>} : memref<32000xf32, #tpu.memory_space<vmem>>, vector<16xf32>,
        %parallel_loop3A_637 = arith.constant 1 : i32
        %parallel_loop3A_638 = arith.constant 0 : i32
        %parallel_loop3A_639 = tpu.memref_slice %arg6[%parallel_loop3A_637, %parallel_loop3A_638] : memref<2x32768xf32, #tpu.memory_space<vmem>> -> memref<1x32768xf32, #tpu.memory_space<vmem>>
        %parallel_loop3A_640 = tpu.memref_squeeze %parallel_loop3A_639 : memref<1x32768xf32, #tpu.memory_space<vmem>> -> memref<32768xf32, #tpu.memory_space<vmem>>
        %parallel_loop3A_641 = arith.index_cast %parallel_loop3A_634 : i32 to index
        %parallel_loop3A_642 = tpu.vector_load %parallel_loop3A_640[%parallel_loop3A_641] {strides = array<i32>} : memref<32768xf32, #tpu.memory_space<vmem>>, vector<16xf32>,
        tpu.vector_store %parallel_loop3A_640[%parallel_loop3A_641], %parallel_loop3A_636 {strides = array<i32>} : memref<32768xf32, #tpu.memory_space<vmem>>, vector<16xf32>,
        %parallel_loop3A_643 = arith.constant 16 : i32
        %parallel_loop3A_644 = arith.addi %parallel_loop3A_628, %parallel_loop3A_643 : i32
        %parallel_loop3A_645 = arith.index_cast %parallel_loop3A_644 : i32 to index
        %parallel_loop3A_646 = tpu.vector_load %arg7[%parallel_loop3A_645] {strides = array<i32>} : memref<32000xf32, #tpu.memory_space<vmem>>, vector<16xf32>,
        %parallel_loop3A_647 = arith.constant 16 : i32
        %parallel_loop3A_648 = arith.addi %parallel_loop3A_634, %parallel_loop3A_647 : i32
        %parallel_loop3A_649 = arith.constant 1 : i32
        %parallel_loop3A_650 = arith.constant 0 : i32
        %parallel_loop3A_651 = tpu.memref_slice %arg6[%parallel_loop3A_649, %parallel_loop3A_650] : memref<2x32768xf32, #tpu.memory_space<vmem>> -> memref<1x32768xf32, #tpu.memory_space<vmem>>
        %parallel_loop3A_652 = tpu.memref_squeeze %parallel_loop3A_651 : memref<1x32768xf32, #tpu.memory_space<vmem>> -> memref<32768xf32, #tpu.memory_space<vmem>>
        %parallel_loop3A_653 = arith.index_cast %parallel_loop3A_648 : i32 to index
        %parallel_loop3A_654 = tpu.vector_load %parallel_loop3A_652[%parallel_loop3A_653] {strides = array<i32>} : memref<32768xf32, #tpu.memory_space<vmem>>, vector<16xf32>,
        tpu.vector_store %parallel_loop3A_652[%parallel_loop3A_653], %parallel_loop3A_646 {strides = array<i32>} : memref<32768xf32, #tpu.memory_space<vmem>>, vector<16xf32>,
        %parallel_loop3A_655 = vector.extract_strided_slice %parallel_loop3A_290 {offsets = [13], sizes = [1], strides = [1]} : vector<16xi32> to vector<1xi32>
        %parallel_loop3A_656 = vector.extract %parallel_loop3A_655[0] : i32 from vector<1xi32>
        %parallel_loop3A_657 = arith.constant 16 : i32
        %parallel_loop3A_658 = arith.muli %parallel_loop3A_279, %parallel_loop3A_657 : i32
        %parallel_loop3A_659 = arith.constant 13 : i32
        %parallel_loop3A_660 = arith.addi %parallel_loop3A_658, %parallel_loop3A_659 : i32
        %parallel_loop3A_661 = arith.constant 32 : i32
        %parallel_loop3A_662 = arith.muli %parallel_loop3A_660, %parallel_loop3A_661 : i32
        %parallel_loop3A_663 = arith.index_cast %parallel_loop3A_656 : i32 to index
        %parallel_loop3A_664 = tpu.vector_load %arg7[%parallel_loop3A_663] {strides = array<i32>} : memref<32000xf32, #tpu.memory_space<vmem>>, vector<16xf32>,
        %parallel_loop3A_665 = arith.constant 1 : i32
        %parallel_loop3A_666 = arith.constant 0 : i32
        %parallel_loop3A_667 = tpu.memref_slice %arg6[%parallel_loop3A_665, %parallel_loop3A_666] : memref<2x32768xf32, #tpu.memory_space<vmem>> -> memref<1x32768xf32, #tpu.memory_space<vmem>>
        %parallel_loop3A_668 = tpu.memref_squeeze %parallel_loop3A_667 : memref<1x32768xf32, #tpu.memory_space<vmem>> -> memref<32768xf32, #tpu.memory_space<vmem>>
        %parallel_loop3A_669 = arith.index_cast %parallel_loop3A_662 : i32 to index
        %parallel_loop3A_670 = tpu.vector_load %parallel_loop3A_668[%parallel_loop3A_669] {strides = array<i32>} : memref<32768xf32, #tpu.memory_space<vmem>>, vector<16xf32>,
        tpu.vector_store %parallel_loop3A_668[%parallel_loop3A_669], %parallel_loop3A_664 {strides = array<i32>} : memref<32768xf32, #tpu.memory_space<vmem>>, vector<16xf32>,
        %parallel_loop3A_671 = arith.constant 16 : i32
        %parallel_loop3A_672 = arith.addi %parallel_loop3A_656, %parallel_loop3A_671 : i32
        %parallel_loop3A_673 = arith.index_cast %parallel_loop3A_672 : i32 to index
        %parallel_loop3A_674 = tpu.vector_load %arg7[%parallel_loop3A_673] {strides = array<i32>} : memref<32000xf32, #tpu.memory_space<vmem>>, vector<16xf32>,
        %parallel_loop3A_675 = arith.constant 16 : i32
        %parallel_loop3A_676 = arith.addi %parallel_loop3A_662, %parallel_loop3A_675 : i32
        %parallel_loop3A_677 = arith.constant 1 : i32
        %parallel_loop3A_678 = arith.constant 0 : i32
        %parallel_loop3A_679 = tpu.memref_slice %arg6[%parallel_loop3A_677, %parallel_loop3A_678] : memref<2x32768xf32, #tpu.memory_space<vmem>> -> memref<1x32768xf32, #tpu.memory_space<vmem>>
        %parallel_loop3A_680 = tpu.memref_squeeze %parallel_loop3A_679 : memref<1x32768xf32, #tpu.memory_space<vmem>> -> memref<32768xf32, #tpu.memory_space<vmem>>
        %parallel_loop3A_681 = arith.index_cast %parallel_loop3A_676 : i32 to index
        %parallel_loop3A_682 = tpu.vector_load %parallel_loop3A_680[%parallel_loop3A_681] {strides = array<i32>} : memref<32768xf32, #tpu.memory_space<vmem>>, vector<16xf32>,
        tpu.vector_store %parallel_loop3A_680[%parallel_loop3A_681], %parallel_loop3A_674 {strides = array<i32>} : memref<32768xf32, #tpu.memory_space<vmem>>, vector<16xf32>,
        %parallel_loop3A_683 = vector.extract_strided_slice %parallel_loop3A_290 {offsets = [14], sizes = [1], strides = [1]} : vector<16xi32> to vector<1xi32>
        %parallel_loop3A_684 = vector.extract %parallel_loop3A_683[0] : i32 from vector<1xi32>
        %parallel_loop3A_685 = arith.constant 16 : i32
        %parallel_loop3A_686 = arith.muli %parallel_loop3A_279, %parallel_loop3A_685 : i32
        %parallel_loop3A_687 = arith.constant 14 : i32
        %parallel_loop3A_688 = arith.addi %parallel_loop3A_686, %parallel_loop3A_687 : i32
        %parallel_loop3A_689 = arith.constant 32 : i32
        %parallel_loop3A_690 = arith.muli %parallel_loop3A_688, %parallel_loop3A_689 : i32
        %parallel_loop3A_691 = arith.index_cast %parallel_loop3A_684 : i32 to index
        %parallel_loop3A_692 = tpu.vector_load %arg7[%parallel_loop3A_691] {strides = array<i32>} : memref<32000xf32, #tpu.memory_space<vmem>>, vector<16xf32>,
        %parallel_loop3A_693 = arith.constant 1 : i32
        %parallel_loop3A_694 = arith.constant 0 : i32
        %parallel_loop3A_695 = tpu.memref_slice %arg6[%parallel_loop3A_693, %parallel_loop3A_694] : memref<2x32768xf32, #tpu.memory_space<vmem>> -> memref<1x32768xf32, #tpu.memory_space<vmem>>
        %parallel_loop3A_696 = tpu.memref_squeeze %parallel_loop3A_695 : memref<1x32768xf32, #tpu.memory_space<vmem>> -> memref<32768xf32, #tpu.memory_space<vmem>>
        %parallel_loop3A_697 = arith.index_cast %parallel_loop3A_690 : i32 to index
        %parallel_loop3A_698 = tpu.vector_load %parallel_loop3A_696[%parallel_loop3A_697] {strides = array<i32>} : memref<32768xf32, #tpu.memory_space<vmem>>, vector<16xf32>,
        tpu.vector_store %parallel_loop3A_696[%parallel_loop3A_697], %parallel_loop3A_692 {strides = array<i32>} : memref<32768xf32, #tpu.memory_space<vmem>>, vector<16xf32>,
        %parallel_loop3A_699 = arith.constant 16 : i32
        %parallel_loop3A_700 = arith.addi %parallel_loop3A_684, %parallel_loop3A_699 : i32
        %parallel_loop3A_701 = arith.index_cast %parallel_loop3A_700 : i32 to index
        %parallel_loop3A_702 = tpu.vector_load %arg7[%parallel_loop3A_701] {strides = array<i32>} : memref<32000xf32, #tpu.memory_space<vmem>>, vector<16xf32>,
        %parallel_loop3A_703 = arith.constant 16 : i32
        %parallel_loop3A_704 = arith.addi %parallel_loop3A_690, %parallel_loop3A_703 : i32
        %parallel_loop3A_705 = arith.constant 1 : i32
        %parallel_loop3A_706 = arith.constant 0 : i32
        %parallel_loop3A_707 = tpu.memref_slice %arg6[%parallel_loop3A_705, %parallel_loop3A_706] : memref<2x32768xf32, #tpu.memory_space<vmem>> -> memref<1x32768xf32, #tpu.memory_space<vmem>>
        %parallel_loop3A_708 = tpu.memref_squeeze %parallel_loop3A_707 : memref<1x32768xf32, #tpu.memory_space<vmem>> -> memref<32768xf32, #tpu.memory_space<vmem>>
        %parallel_loop3A_709 = arith.index_cast %parallel_loop3A_704 : i32 to index
        %parallel_loop3A_710 = tpu.vector_load %parallel_loop3A_708[%parallel_loop3A_709] {strides = array<i32>} : memref<32768xf32, #tpu.memory_space<vmem>>, vector<16xf32>,
        tpu.vector_store %parallel_loop3A_708[%parallel_loop3A_709], %parallel_loop3A_702 {strides = array<i32>} : memref<32768xf32, #tpu.memory_space<vmem>>, vector<16xf32>,
        %parallel_loop3A_711 = vector.extract_strided_slice %parallel_loop3A_290 {offsets = [15], sizes = [1], strides = [1]} : vector<16xi32> to vector<1xi32>
        %parallel_loop3A_712 = vector.extract %parallel_loop3A_711[0] : i32 from vector<1xi32>
        %parallel_loop3A_713 = arith.constant 16 : i32
        %parallel_loop3A_714 = arith.muli %parallel_loop3A_279, %parallel_loop3A_713 : i32
        %parallel_loop3A_715 = arith.constant 15 : i32
        %parallel_loop3A_716 = arith.addi %parallel_loop3A_714, %parallel_loop3A_715 : i32
        %parallel_loop3A_717 = arith.constant 32 : i32
        %parallel_loop3A_718 = arith.muli %parallel_loop3A_716, %parallel_loop3A_717 : i32
        %parallel_loop3A_719 = arith.index_cast %parallel_loop3A_712 : i32 to index
        %parallel_loop3A_720 = tpu.vector_load %arg7[%parallel_loop3A_719] {strides = array<i32>} : memref<32000xf32, #tpu.memory_space<vmem>>, vector<16xf32>,
        %parallel_loop3A_721 = arith.constant 1 : i32
        %parallel_loop3A_722 = arith.constant 0 : i32
        %parallel_loop3A_723 = tpu.memref_slice %arg6[%parallel_loop3A_721, %parallel_loop3A_722] : memref<2x32768xf32, #tpu.memory_space<vmem>> -> memref<1x32768xf32, #tpu.memory_space<vmem>>
        %parallel_loop3A_724 = tpu.memref_squeeze %parallel_loop3A_723 : memref<1x32768xf32, #tpu.memory_space<vmem>> -> memref<32768xf32, #tpu.memory_space<vmem>>
        %parallel_loop3A_725 = arith.index_cast %parallel_loop3A_718 : i32 to index
        %parallel_loop3A_726 = tpu.vector_load %parallel_loop3A_724[%parallel_loop3A_725] {strides = array<i32>} : memref<32768xf32, #tpu.memory_space<vmem>>, vector<16xf32>,
        tpu.vector_store %parallel_loop3A_724[%parallel_loop3A_725], %parallel_loop3A_720 {strides = array<i32>} : memref<32768xf32, #tpu.memory_space<vmem>>, vector<16xf32>,
        %parallel_loop3A_727 = arith.constant 16 : i32
        %parallel_loop3A_728 = arith.addi %parallel_loop3A_712, %parallel_loop3A_727 : i32
        %parallel_loop3A_729 = arith.index_cast %parallel_loop3A_728 : i32 to index
        %parallel_loop3A_730 = tpu.vector_load %arg7[%parallel_loop3A_729] {strides = array<i32>} : memref<32000xf32, #tpu.memory_space<vmem>>, vector<16xf32>,
        %parallel_loop3A_731 = arith.constant 16 : i32
        %parallel_loop3A_732 = arith.addi %parallel_loop3A_718, %parallel_loop3A_731 : i32
        %parallel_loop3A_733 = arith.constant 1 : i32
        %parallel_loop3A_734 = arith.constant 0 : i32
        %parallel_loop3A_735 = tpu.memref_slice %arg6[%parallel_loop3A_733, %parallel_loop3A_734] : memref<2x32768xf32, #tpu.memory_space<vmem>> -> memref<1x32768xf32, #tpu.memory_space<vmem>>
        %parallel_loop3A_736 = tpu.memref_squeeze %parallel_loop3A_735 : memref<1x32768xf32, #tpu.memory_space<vmem>> -> memref<32768xf32, #tpu.memory_space<vmem>>
        %parallel_loop3A_737 = arith.index_cast %parallel_loop3A_732 : i32 to index
        %parallel_loop3A_738 = tpu.vector_load %parallel_loop3A_736[%parallel_loop3A_737] {strides = array<i32>} : memref<32768xf32, #tpu.memory_space<vmem>>, vector<16xf32>,
        tpu.vector_store %parallel_loop3A_736[%parallel_loop3A_737], %parallel_loop3A_730 {strides = array<i32>} : memref<32768xf32, #tpu.memory_space<vmem>>, vector<16xf32>,
      } {sc.loop_unroll_factor = 4 : i64, sc.parallel_access}
      %add3A_235 = arith.constant 2 : i32
      %add3A_236 = arith.addi %add3A_211, %add3A_235 : i32
      %jit3A_237 = arith.constant 100 : i32
      %eq3A_238 = arith.constant 0 : i32
      %eq3A_239 = arith.cmpi eq, %jit3A_237, %eq3A_238 : i32
      %jit3A_240 = arith.constant 1 : i32
      %select_n3A_241 = arith.select %eq3A_239, %jit3A_240, %jit3A_237 : i32
      %rem3A_242 = arith.remsi %add3A_236, %select_n3A_241 : i32
      %ne3A_243 = arith.constant 0 : i32
      %ne3A_244 = arith.cmpi ne, %rem3A_242, %ne3A_243 : i32
      %lt3A_245 = arith.constant 0 : i32
      %lt3A_246 = arith.cmpi slt, %rem3A_242, %lt3A_245 : i32
      %lt3A_247 = arith.constant 0 : i32
      %lt3A_248 = arith.cmpi slt, %select_n3A_241, %lt3A_247 : i32
      %ne3A_249 = arith.xori %lt3A_246, %lt3A_248 : i1
      %and3A_250 = arith.andi %ne3A_249, %ne3A_244 : i1
      %add3A_251 = arith.addi %rem3A_242, %select_n3A_241 : i32
      %select_n3A_252 = arith.select %and3A_250, %add3A_251, %rem3A_242 : i32
      %mul3A_253 = arith.constant 1024 : i32
      %mul3A_254 = arith.muli %select_n3A_252, %mul3A_253 : i32
      %add3A_255 = arith.addi %mul3A_2, %mul3A_254 : i32
      %dma_start3A_256 = arith.constant 1 : i32
      %dma_start3A_257 = arith.constant 0 : i32
      %dma_start3A_258 = tpu.memref_slice %arg5[%dma_start3A_256, %dma_start3A_257] : memref<2x1024xi32, #tpu.memory_space<vmem>> -> memref<1x1024xi32, #tpu.memory_space<vmem>>
      %dma_start3A_259 = tpu.memref_squeeze %dma_start3A_258 : memref<1x1024xi32, #tpu.memory_space<vmem>> -> memref<1024xi32, #tpu.memory_space<vmem>>
      %dma_start3A_260 = tpu.memref_slice %arg2[%add3A_255] : memref<3276800xi32, #tpu.memory_space<hbm>> -> memref<1024xi32, #tpu.memory_space<hbm>>
      %dma_start3A_261 = arith.constant 0 : i32
      %dma_start3A_262 = tpu.memref_slice %arg5[%dma_start3A_256, %dma_start3A_261] : memref<2x1024xi32, #tpu.memory_space<vmem>> -> memref<1x1024xi32, #tpu.memory_space<vmem>>
      %dma_start3A_263 = tpu.memref_squeeze %dma_start3A_262 : memref<1x1024xi32, #tpu.memory_space<vmem>> -> memref<1024xi32, #tpu.memory_space<vmem>>
      %dma_start3A_264 = tpu.memref_slice %arg2[%add3A_255] : memref<3276800xi32, #tpu.memory_space<hbm>> -> memref<1024xi32, #tpu.memory_space<hbm>>
      tpu.enqueue_dma source(%dma_start3A_264 : memref<1024xi32, #tpu.memory_space<hbm>>) target(%dma_start3A_263 : memref<1024xi32, #tpu.memory_space<vmem>>) target_semaphore(%arg11 : memref<!tpu.dma_semaphore, #tpu.memory_space<semaphore_mem>>)
      %mul3A_265 = arith.constant 1024 : i32
      %mul3A_266 = arith.muli %add3A_211, %mul3A_265 : i32
      %add3A_267 = arith.addi %mul3A_2, %mul3A_266 : i32
      %mul3A_268 = arith.constant 32 : i32
      %mul3A_269 = arith.muli %add3A_267, %mul3A_268 : i32
      %dma_start3A_270 = arith.constant 1 : i32
      %dma_start3A_271 = arith.constant 0 : i32
      %dma_start3A_272 = tpu.memref_slice %arg6[%dma_start3A_270, %dma_start3A_271] : memref<2x32768xf32, #tpu.memory_space<vmem>> -> memref<1x32768xf32, #tpu.memory_space<vmem>>
      %dma_start3A_273 = tpu.memref_squeeze %dma_start3A_272 : memref<1x32768xf32, #tpu.memory_space<vmem>> -> memref<32768xf32, #tpu.memory_space<vmem>>
      %dma_start3A_274 = tpu.memref_slice %arg4[%mul3A_269] : memref<104857600xf32, #tpu.memory_space<hbm>> -> memref<32768xf32, #tpu.memory_space<hbm>>
      %dma_start3A_275 = tpu.memref_slice %arg4[%mul3A_269] : memref<104857600xf32, #tpu.memory_space<hbm>> -> memref<32768xf32, #tpu.memory_space<hbm>>
      %dma_start3A_276 = arith.constant 0 : i32
      %dma_start3A_277 = tpu.memref_slice %arg6[%dma_start3A_270, %dma_start3A_276] : memref<2x32768xf32, #tpu.memory_space<vmem>> -> memref<1x32768xf32, #tpu.memory_space<vmem>>
      %dma_start3A_278 = tpu.memref_squeeze %dma_start3A_277 : memref<1x32768xf32, #tpu.memory_space<vmem>> -> memref<32768xf32, #tpu.memory_space<vmem>>
      tpu.enqueue_dma source(%dma_start3A_278 : memref<32768xf32, #tpu.memory_space<vmem>>) target(%dma_start3A_275 : memref<32768xf32, #tpu.memory_space<hbm>>) target_semaphore(%arg9 : memref<!tpu.dma_semaphore, #tpu.memory_space<semaphore_mem>>)
    }
    %scan3A_98 = arith.constant 49 : i32
    %mul3A_99 = arith.constant 32 : i32
    %mul3A_100 = arith.muli %mul3A_2, %mul3A_99 : i32
    %dma_wait3A_101 = arith.constant 0 : i32
    %dma_wait3A_102 = arith.constant 0 : i32
    %dma_wait3A_103 = tpu.memref_slice %arg6[%dma_wait3A_101, %dma_wait3A_102] : memref<2x32768xf32, #tpu.memory_space<vmem>> -> memref<1x32768xf32, #tpu.memory_space<vmem>>
    %dma_wait3A_104 = tpu.memref_squeeze %dma_wait3A_103 : memref<1x32768xf32, #tpu.memory_space<vmem>> -> memref<32768xf32, #tpu.memory_space<vmem>>
    %dma_wait3A_105 = tpu.memref_slice %arg4[%mul3A_100] : memref<104857600xf32, #tpu.memory_space<hbm>> -> memref<32768xf32, #tpu.memory_space<hbm>>
    %dma_wait3A_106 = tpu.memref_slice %arg4[%mul3A_100] : memref<104857600xf32, #tpu.memory_space<hbm>> -> memref<32768xf32, #tpu.memory_space<hbm>>
    %dma_wait3A_107 = arith.constant 0 : i32
    %dma_wait3A_108 = tpu.memref_slice %arg6[%dma_wait3A_101, %dma_wait3A_107] : memref<2x32768xf32, #tpu.memory_space<vmem>> -> memref<1x32768xf32, #tpu.memory_space<vmem>>
    %dma_wait3A_109 = tpu.memref_squeeze %dma_wait3A_108 : memref<1x32768xf32, #tpu.memory_space<vmem>> -> memref<32768xf32, #tpu.memory_space<vmem>>
    tpu.wait_dma2 semaphore(%arg8 : memref<!tpu.dma_semaphore, #tpu.memory_space<semaphore_mem>>) src(%dma_wait3A_109 : memref<32768xf32, #tpu.memory_space<vmem>>) dst(%dma_wait3A_106 : memref<32768xf32, #tpu.memory_space<hbm>>)
    %dma_wait3A_110 = arith.constant 0 : i32
    %dma_wait3A_111 = arith.constant 0 : i32
    %dma_wait3A_112 = tpu.memref_slice %arg5[%dma_wait3A_110, %dma_wait3A_111] : memref<2x1024xi32, #tpu.memory_space<vmem>> -> memref<1x1024xi32, #tpu.memory_space<vmem>>
    %dma_wait3A_113 = tpu.memref_squeeze %dma_wait3A_112 : memref<1x1024xi32, #tpu.memory_space<vmem>> -> memref<1024xi32, #tpu.memory_space<vmem>>
    %dma_wait3A_114 = tpu.memref_slice %arg2[%mul3A_2] : memref<3276800xi32, #tpu.memory_space<hbm>> -> memref<1024xi32, #tpu.memory_space<hbm>>
    %dma_wait3A_115 = arith.constant 0 : i32
    %dma_wait3A_116 = tpu.memref_slice %arg5[%dma_wait3A_110, %dma_wait3A_115] : memref<2x1024xi32, #tpu.memory_space<vmem>> -> memref<1x1024xi32, #tpu.memory_space<vmem>>
    %dma_wait3A_117 = tpu.memref_squeeze %dma_wait3A_116 : memref<1x1024xi32, #tpu.memory_space<vmem>> -> memref<1024xi32, #tpu.memory_space<vmem>>
    %dma_wait3A_118 = tpu.memref_slice %arg2[%mul3A_2] : memref<3276800xi32, #tpu.memory_space<hbm>> -> memref<1024xi32, #tpu.memory_space<hbm>>
    tpu.wait_dma2 semaphore(%arg10 : memref<!tpu.dma_semaphore, #tpu.memory_space<semaphore_mem>>) src(%dma_wait3A_118 : memref<1024xi32, #tpu.memory_space<hbm>>) dst(%dma_wait3A_117 : memref<1024xi32, #tpu.memory_space<vmem>>)
    %mul3A_119 = arith.constant 32 : i32
    %mul3A_120 = arith.muli %mul3A_2, %mul3A_119 : i32
    %dma_wait3A_121 = arith.constant 1 : i32
    %dma_wait3A_122 = arith.constant 0 : i32
    %dma_wait3A_123 = tpu.memref_slice %arg6[%dma_wait3A_121, %dma_wait3A_122] : memref<2x32768xf32, #tpu.memory_space<vmem>> -> memref<1x32768xf32, #tpu.memory_space<vmem>>
    %dma_wait3A_124 = tpu.memref_squeeze %dma_wait3A_123 : memref<1x32768xf32, #tpu.memory_space<vmem>> -> memref<32768xf32, #tpu.memory_space<vmem>>
    %dma_wait3A_125 = tpu.memref_slice %arg4[%mul3A_120] : memref<104857600xf32, #tpu.memory_space<hbm>> -> memref<32768xf32, #tpu.memory_space<hbm>>
    %dma_wait3A_126 = tpu.memref_slice %arg4[%mul3A_120] : memref<104857600xf32, #tpu.memory_space<hbm>> -> memref<32768xf32, #tpu.memory_space<hbm>>
    %dma_wait3A_127 = arith.constant 0 : i32
    %dma_wait3A_128 = tpu.memref_slice %arg6[%dma_wait3A_121, %dma_wait3A_127] : memref<2x32768xf32, #tpu.memory_space<vmem>> -> memref<1x32768xf32, #tpu.memory_space<vmem>>
    %dma_wait3A_129 = tpu.memref_squeeze %dma_wait3A_128 : memref<1x32768xf32, #tpu.memory_space<vmem>> -> memref<32768xf32, #tpu.memory_space<vmem>>
    tpu.wait_dma2 semaphore(%arg9 : memref<!tpu.dma_semaphore, #tpu.memory_space<semaphore_mem>>) src(%dma_wait3A_129 : memref<32768xf32, #tpu.memory_space<vmem>>) dst(%dma_wait3A_126 : memref<32768xf32, #tpu.memory_space<hbm>>)
    %dma_wait3A_130 = arith.constant 1 : i32
    %dma_wait3A_131 = arith.constant 0 : i32
    %dma_wait3A_132 = tpu.memref_slice %arg5[%dma_wait3A_130, %dma_wait3A_131] : memref<2x1024xi32, #tpu.memory_space<vmem>> -> memref<1x1024xi32, #tpu.memory_space<vmem>>
    %dma_wait3A_133 = tpu.memref_squeeze %dma_wait3A_132 : memref<1x1024xi32, #tpu.memory_space<vmem>> -> memref<1024xi32, #tpu.memory_space<vmem>>
    %dma_wait3A_134 = tpu.memref_slice %arg2[%mul3A_2] : memref<3276800xi32, #tpu.memory_space<hbm>> -> memref<1024xi32, #tpu.memory_space<hbm>>
    %dma_wait3A_135 = arith.constant 0 : i32
    %dma_wait3A_136 = tpu.memref_slice %arg5[%dma_wait3A_130, %dma_wait3A_135] : memref<2x1024xi32, #tpu.memory_space<vmem>> -> memref<1x1024xi32, #tpu.memory_space<vmem>>
    %dma_wait3A_137 = tpu.memref_squeeze %dma_wait3A_136 : memref<1x1024xi32, #tpu.memory_space<vmem>> -> memref<1024xi32, #tpu.memory_space<vmem>>
    %dma_wait3A_138 = tpu.memref_slice %arg2[%mul3A_2] : memref<3276800xi32, #tpu.memory_space<hbm>> -> memref<1024xi32, #tpu.memory_space<hbm>>
    tpu.wait_dma2 semaphore(%arg11 : memref<!tpu.dma_semaphore, #tpu.memory_space<semaphore_mem>>) src(%dma_wait3A_138 : memref<1024xi32, #tpu.memory_space<hbm>>) dst(%dma_wait3A_137 : memref<1024xi32, #tpu.memory_space<vmem>>)
    return
  }
}

</mosaic_0001>

<sc_bundles>
// kernel: kernel.3.cloned.1.call-start
scs
__scs_entry_jumppad:
0x0: {  	(pc) =	sbr.rel $0x88, $3  }
0x1: {  	(tag) =	ssettag $0x0;
	lr =	simm.s32 $0x1  }
0x2: {  	[smem:$0x3F9F] =	sst lr;
	_ =	strace $0xD0000000  }
0x3: {  	_ = 	snop  }
0x4: {  	_ = 	snop  }
0x5: {  	_ = 	snop  }
0x6: {  	_ = 	snop  }
0x7: {  	_ = 	snop  }
__scs_overlays_trampoline_lowered:
0x8: {  	[smem:$0x3FAE] =	sst s0  }
0x9: {  	[smem:$0x3FAF] =	sst s1  }
0xa: {  	[smem:$0x3FB0] =	sst s2  }
0xb: {  	[smem:$0x3FB1] =	sst s3  }
0xc: {  	[smem:$0x3FB2] =	sst s4  }
0xd: {  	[smem:$0x3FB3] =	sst s5  }
0xe: {  	[smem:$0x3FB4] =	sst s6  }
0xf: {  	[smem:$0x3FB5] =	sst s7  }
0x10: {  	[smem:$0x3FB6] =	sst s8  }
0x11: {  	[smem:$0x3FB7] =	sst s9;
	s0 =	simm.s32 @!p0 $0x0  }
0x12: {  	s1 =	sld [smem:$0x3F9D];
	s0 =	simm.s32 @p0 $0x1  }
0x13: {  	[smem:$0x3FB8] =	sst s0;
	s0 =	simm.s32 @!p1 $0x0  }
0x14: {  	s2 =	sld [smem:$0x3F9C];
	s0 =	simm.s32 @p1 $0x1  }
0x15: {  	[smem:$0x3FB9] =	sst s0;
	s0 =	simm.s32 @!p2 $0x0  }
0x16: {  	s3 =	sld [smem:$0x3FDB];
	s0 =	simm.s32 @p2 $0x1  }
0x17: {  	s4 =	simm.s32 $0x1BF5;
	[smem:$0x3FBB] =	sst s0  }
0x18: {  	s0 =	sld [smem:$0x3F9E];
	_ =	swait.ge [sflag:s4], $0x0  }
0x19: {  	s7 =	sld [smem:$0x3F9F]  }
0x1a: {  	s8 =	sadd.s32 $0xFFFFE003, lr  }
0x1b: {  	s9 =	sadd.s32 $0xFFFFFEF7, lr;
	s5 =	simm.s32 $0xFFFFFFFF;
	p2 =	slt.u32 s8, $0xFFFFF086  }
0x1c: {  	p1 =	slt.u32 s9, $0xF7A;
	s5 =	simm.s32 @!p2 $0x0  }
0x1d: {  	s5 =	simm.s32 @p1 $0x1;
	p0 =	seq.s32 s7, s2  }
0x1e: {  	s7 =	smul.u32 @!p0 $0xF7A, s2;
	p2 =	seq.s32 @!p0 s5, $0x0  }
0x1f: {  	s9 =	smul.u32 $0xF7A, s1;
	s8 =	simm.s32 @!p0 $0x1BF5;
	p2 =	por !p2, p0  }
0x20: {  	[sflag:s8] =	ssyncset.s32 @!p0 $0xFFFFF086;
	s6 =	sadd.s32 @!p0 s3, s7;
	s7 =	simm.s32 @!p0 $0x108  }
0x21: {  	s3 =	sadd.s32 s3, s9;
	s6 =	sadd.s32 @!p0 $0x88, s6;
	s7 =	simm.s32 @p2 $0x1082  }
0x22: {  	[simem:s7], [sflag:s8] =	dma.local @!p0 [hbm:s6], $0xF7A  }
0x23: {  	s9 =	sor.u32 $0xD0000000, s2;
	s6 =	simm.s32 $0x108;
	_ =	swait.ge @!p0 [sflag:s8], $0x0  }
0x24: {  	s3 =	sadd.s32 $0x88, s3;
	s6 =	simm.s32 @!p1 $0x1082;
	[sflag:s4] =	ssyncset.s32 $0xFFFFF086  }
0x25: {  	[simem:s6], [sflag:s4] =	dma.local [hbm:s3], $0xF7A  }
0x26: {  	[smem:$0x3F9F] =	sst s1;
	(tag) =	ssettag s2;
	_ =	strace s9  }
0x27: {  	s1 =	sld [smem:$0x3FAF]  }
0x28: {  	s2 =	sld [smem:$0x3FB0]  }
0x29: {  	s4 =	sld [smem:$0x3FB2]  }
0x2a: {  	p0 =	seq.s32 s5, $0x0;
	s5 =	sld [smem:$0x3FB3]  }
0x2b: {  	s6 =	sld [smem:$0x3FB4]  }
0x2c: {  	s7 =	sld [smem:$0x3FB5]  }
0x2d: {  	s3 =	simm.s32 $0x108;
	s8 =	sld [smem:$0x3FB6]  }
0x2e: {  	s3 =	simm.s32 @!p0 $0x1082;
	s9 =	sld [smem:$0x3FB7]  }
0x2f: {  	lr =	sadd.s32 s0, s3;
	s0 =	sld [smem:$0x3FAE]  }
0x30: {  	s3 =	sld [smem:$0x3FB1]  }
0x31: {  	[smem:$0x3FBA] =	sst s10  }
0x32: {  	s10 =	sld [smem:$0x3FB8];
	_ =	sdelay $0x3  }
0x33: {  	p0 =	seq.s32 s10, $0x1;
	s10 =	sld [smem:$0x3FBA];
	_ =	sdelay $0x3  }
0x34: {  	[smem:$0x3FBA] =	sst s10  }
0x35: {  	s10 =	sld [smem:$0x3FB9];
	_ =	sdelay $0x3  }
0x36: {  	p1 =	seq.s32 s10, $0x1;
	s10 =	sld [smem:$0x3FBA];
	_ =	sdelay $0x3  }
0x37: {  	[smem:$0x3FBA] =	sst s10  }
0x38: {  	s10 =	sld [smem:$0x3FBB]  }
0x39: {  	_ = 	snop;
	(pc) =	sbr.ind lr, $3  }
0x3a: {  	_ = 	snop  }
0x3b: {  	_ = 	snop  }
0x3c: {  	p2 =	seq.s32 s10, $0x1;
	s10 =	sld [smem:$0x3FBA]  }
0x3d: {  	_ =	shalt  }
0x3e: {  	_ =	shalt  }
0x3f: {  	_ =	shalt  }
0x40: {  	_ =	shalt  }
0x41: {  	_ =	shalt  }
0x42: {  	_ =	shalt  }
0x43: {  	_ =	shalt  }
0x44: {  	_ =	shalt  }
0x45: {  	_ =	shalt  }
0x46: {  	_ =	shalt  }
0x47: {  	_ =	shalt  }
0x48: {  	_ =	shalt  }
0x49: {  	_ =	shalt  }
0x4a: {  	_ =	shalt  }
0x4b: {  	_ =	shalt  }
0x4c: {  	_ =	shalt  }
0x4d: {  	_ =	shalt  }
0x4e: {  	_ =	shalt  }
0x4f: {  	_ =	shalt  }
0x50: {  	_ =	shalt  }
0x51: {  	_ =	shalt  }
0x52: {  	_ =	shalt  }
0x53: {  	_ =	shalt  }
0x54: {  	_ =	shalt  }
0x55: {  	_ =	shalt  }
0x56: {  	_ =	shalt  }
0x57: {  	_ =	shalt  }
0x58: {  	_ =	shalt  }
0x59: {  	_ =	shalt  }
0x5a: {  	_ =	shalt  }
0x5b: {  	_ =	shalt  }
0x5c: {  	_ =	shalt  }
0x5d: {  	_ =	shalt  }
0x5e: {  	_ =	shalt  }
0x5f: {  	_ =	shalt  }
0x60: {  	_ =	shalt  }
0x61: {  	_ =	shalt  }
0x62: {  	_ =	shalt  }
0x63: {  	_ =	shalt  }
0x64: {  	_ =	shalt  }
0x65: {  	_ =	shalt  }
0x66: {  	_ =	shalt  }
0x67: {  	_ =	shalt  }
0x68: {  	_ =	shalt  }
0x69: {  	_ =	shalt  }
0x6a: {  	_ =	shalt  }
0x6b: {  	_ =	shalt  }
0x6c: {  	_ =	shalt  }
0x6d: {  	_ =	shalt  }
0x6e: {  	_ =	shalt  }
0x6f: {  	_ =	shalt  }
0x70: {  	_ =	shalt  }
0x71: {  	_ =	shalt  }
0x72: {  	_ =	shalt  }
0x73: {  	_ =	shalt  }
0x74: {  	_ =	shalt  }
0x75: {  	_ =	shalt  }
0x76: {  	_ =	shalt  }
0x77: {  	_ =	shalt  }
0x78: {  	_ =	shalt  }
0x79: {  	_ =	shalt  }
0x7a: {  	_ =	shalt  }
0x7b: {  	_ =	shalt  }
0x7c: {  	_ =	shalt  }
0x7d: {  	_ =	shalt  }
0x7e: {  	_ =	shalt  }
0x7f: {  	_ =	shalt  }
0x80: {  	_ =	shalt  }
0x81: {  	_ =	shalt  }
0x82: {  	_ =	shalt  }
0x83: {  	_ =	shalt  }
0x84: {  	_ =	shalt  }
0x85: {  	_ =	shalt  }
0x86: {  	_ =	shalt  }
0x87: {  	_ =	shalt  }
.Lfunc_end0:
.L_simem_size_0:
called_computation.1_lowered:
.L_overlay_start_0:
0x88: {  	s2 =	sld [smem:$0x3FD9]  }
0x89: {  	s3 =	sld [smem:$0x3FFE];
	_ =	sdelay $0x1  }
0x8a: {  	s1 =	srdreg.scid  }
0x8b: {  	s0 =	sand.u32 $0x1, s1  }
0x8c: {  	s17 =	sshll.u32 s0, $0xA;
	s2 =	sadd.s32 s3, s2  }
0x8d: {  	s2 =	sadd.s32 s2, s17  }
0x8e: {  	[smem:$0x3FC6] =	sst s2  }
0x8f: {  	_ = 	snop  }
0x90: {  	s2 =	sld [smem:$0x3FD0];
	(tm) =	ssettm $0x1  }
0x91: {  	s18 =	sld [smem:$0x3FFB];
	_ =	sdelay $0x3  }
0x92: {  	_ =	strace s18  }
0x93: {  	s3 =	sld [smem:$0x3FFC];
	_ =	sdelay $0x3  }
0x94: {  	_ =	strace s3  }
0x95: {  	s3 =	sld [smem:$0x3FFD];
	_ =	sdelay $0x3  }
0x96: {  	_ =	strace s3  }
0x97: {  	_ =	strace $0x8FFFFFFF  }
0x98: {  	s19 =	sld [smem:$0x3FDB];
	_ =	sdelay $0x1  }
0x99: {  	s4 =	simm.s32 $_scs_section_size  }
0x9a: {  	s5 =	simm.s32 $_size__tile_overlayer_lowered;
	s6 =	simm.s32 $_tile_overlayer_lowered  }
0x9b: {  	s22 =	simm.s32 $0x1BFF;
	s21 =	sshll.u32 s6, $0x1;
	s3 =	sadd.s32 s4, s19  }
0x9c: {  	s7 =	simm.s32 $0x0;
	s20 =	sshll.u32 s5, $0x1;
	s5 =	sadd.s32 s21, s3  }
0x9d: {  	[timem:s7], [sflag:s22] =	dma.local [hbm:s5], s20  }
0x9e: {  	_ =	swait.ge [sflag:s22], s20  }
0x9f: {  	s4 =	ssub.s32 $0x0, s20;
	[sflag:s22] =	ssyncset.done $0x0  }
0xa0: {  	[sflag:s22] =	ssyncadd.s32 s4;
	_ =	sdelay $0x1  }
0xa1: {  	s23 =	simm.s32 $0x1B8B  }
0xa2: {  	_ =	swait.ge [sflag:s23], $0x1  }
0xa3: {  	[sflag:s23] =	ssyncset.done $0x0  }
0xa4: {  	s25 =	simm.s32 $0x1B8E;
	s24 =	sld [smem:$0x3FFE];
	[sflag:s23] =	ssyncadd.s32 $0xFFFFFFFF  }
0xa5: {  	s26 =	simm.s32 $execute0_lowered;
	[smem:$0x3FD2] =	sst s25  }
0xa6: {  	s5 =	sshll.u32 s26, $0x1;
	_ =	strace $0x80000046;
	[dreg:$0x1] =	wrdreg $0xFFFFFFFF  }
0xa7: {  	s28 =	simm.s32 $_size_execute0_lowered;
	s3 =	sadd.s32 s3, s5;
	[dreg:$0x0] =	wrdreg $0x0  }
0xa8: {  	s5 =	sshll.u32 s28, $0x1;
	[dreg:$0x2] =	wrdreg s3  }
0xa9: {  	[dreg:$0x3] =	wrdreg s5  }
0xaa: {  	[dreg:$0x4] =	wrdreg $0xC0  }
0xab: {  	_ =	task [dreg:s7], $0x5FFFF  }
0xac: {  	[dreg:$0x1] =	wrdreg $0xFFFFFFFF  }
0xad: {  	[dreg:$0x0] =	wrdreg $0x60  }
0xae: {  	[dreg:$0x2] =	wrdreg s24  }
0xaf: {  	[dreg:$0x3] =	wrdreg s2  }
0xb0: {  	[dreg:$0x4] =	wrdreg $0x9  }
0xb1: {  	_ =	task.clear_ibuf [dreg:s7], $0x5FFFF;
	_ =	strace $0x90000046  }
0xb2: {  	s29 =	simm.s32 $0x9;
	_ =	strace $0x80000048  }
0xb3: {  	_ =	swait.ge [sflag:s29], $0x1  }
0xb4: {  	[sflag:s29] =	ssyncadd.s32 $0xFFFFFFFF  }
0xb5: {  	_ =	strace $0x90000048  }
0xb6: {  	_ =	sfence  }
0xb7: {  	s30 =	sld [smem:$0x0];
	_ =	sdelay $0x2  }
0xb8: {  	s31 =	sshll.u32 s1, $0xD;
	s1 =	sshrl.u32 s1, $0x2  }
0xb9: {  	s3 =	sand.u32 $0x4000, s31;
	s1 =	sadd.s32 s1, s30  }
0xba: {  	s0 =	sor.u32 s3, s0;
	s1 =	sshll.u32 s1, $0x11  }
0xbb: {  	s0 =	sor.u32 s1, s0  }
0xbc: {  	s0 =	sadd.s32 $0x8F2B, s0  }
0xbd: {  	[sflag:s0] =	ssyncadd.remote.s32 $0x1  }
0xbe: {  	_ =	sfence.sel $0xFFFF  }
0xbf: {  	[dreg:$0x0] =	wrdreg $0xFFFFFFFF;
	(pc) =	sbr.abs _section_cstart, $3  }
0xc0: {  	[dreg:$0x1] =	wrdreg $0xFFFFFFFF  }
0xc1: {  	_ =	task.clear_ibuf [dreg:s7], $0x2FFFF;
	_ =	strace $0x9FFFFFFF  }
0xc2: {  	(tm) =	ssettm $0x7FFFFFFF  }
0xc3: {  	_ =	shalt  }
tec
execute0_lowered:
.L_overlay_start_1:
0x0: {  	(tag) =	ssettag $0x1  }
0x1: {  	s0 =	rddreg [dreg:$0x0];
	s1 =	srdreg.scid  }
0x2: {  	s2 =	stileid.u32;
	s6 =	rddreg [dreg:$0x1]  }
0x3: {  	s3 =	simm.s32 $0x0;
	s1 =	sand.u32 $0x1, s1;
	s2 =	sshll.u32 s2, $0x1  }
0x4: {  	[smem:$0x7FF] =	sst s3;
	s2 =	sor.u32 s1, s2  }
0x5: {  	s8 =	sadd.s32 $0x1800, s0;
	s0 =	sadd.s32 $0x800, s0;
	s7 =	smul.u32 $0x19000, s2  }
0x6: {  	_ =	strace $0x80000047;
	[smem:$0x7F2] =	sst s0;
	s2 =	smul.u32 $0x64000, s2  }
0x7: {  	s1 =	ssub.s32 $0x2, s1;
	[smem:$0x7F3] =	sst s8  }
0x8: {  	s22 =	sshrl.u32 s1, $0x1;
	s26 =	sadd.s32 s6, s2;
	[smem:$0x7FB] =	sst s7  }
0x9: {  	s0 =	ssub.s32 s1, s22;
	s30 =	sor.u32 $0x800, s7;
	[smem:$0x7F6] =	sst s26  }
0xa: {  	s23 =	sor.u32 $0x400, s7;
	s31 =	sor.u32 $0xC00, s7;
	[smem:$0x7FA] =	sst s30  }
0xb: {  	s4 =	sshrl.u32 s7, $0x3;
	s0 =	smax.u32 s0, $0x1;
	[smem:$0x7FC] =	sst s31  }
0xc: {  	s5 =	sshrl.u32 s23, $0x3;
	s4 =	sadd.s32 s8, s4;
	[smem:$0x7FD] =	sst s0  }
0xd: {  	s24 =	sadd.s32 s8, s5;
	[smem:$0x7F7] =	sst s4  }
0xe: {  	s25 =	sadd.s32 $0x100, s4;
	[smem:$0x7F4] =	sst s24  }
0xf: {  	s28 =	sshll.u32 s23, $0x2;
	s29 =	sadd.s32 $0x180, s4;
	[smem:$0x7F5] =	sst s25  }
0x10: {  	s1 =	sadd.s32 s6, s28;
	[smem:$0x7F8] =	sst s29  }
0x11: {  	s3 =	simm.s32 $0x3;
	s2 =	simm.s32 $0x0;
	[smem:$0x7F9] =	sst s1  }
.LBB2_1:
0x12: {  	s1 =	sld [smem:$0x7F2]  }
0x13: {  	[smem:$0x7E6] =	sst s2  }
0x14: {  	s0 =	simm.s32 $0x0;
	s12 =	simm.s32 $0x10800;
	s13 =	simm.s32 $0x5  }
0x15: {  	[tilespmem:s12], [sflag:$0x5] =	stream.linear.gather [hbm4b:s1+s0], $0x7D00, $0x38;
	[tilespmem:$0x18500] =	vst v63  }
0x16: {  	_ =	swait.ge [sflag:s13], $0x7D00  }
0x17: {  	s14 =	sld [smem:$0x7F7]  }
0x18: {  	[sflag:s13] =	ssyncset.done $0x0  }
0x19: {  	s15 =	sld [smem:$0x7F4];
	[sflag:s13] =	ssyncadd.s32 $0xFFFF8300  }
0x1a: {  	[tilespmem:s0], [sflag:$0x3] =	stream.linear.gather [hbm4b:s14+s0], $0x400, $0x38;
	[tilespmem:$0x18500] =	vst v63  }
0x1b: {  	s16 =	simm.s32 $0x400  }
0x1c: {  	[tilespmem:s16], [sflag:$0x4] =	stream.linear.gather [hbm4b:s15+s0], $0x400, $0x38;
	[tilespmem:$0x18500] =	vst v63  }
0x1d: {  	_ =	swait.ge [sflag:s3], $0x400  }
0x1e: {  	[sflag:s3] =	ssyncset.done $0x0  }
0x1f: {  	s17 =	simm.s32 $0x20;
	[sflag:s3] =	ssyncadd.s32 $0xFFFFFC00  }
0x20: {  	v0 =	vld [tilespmem:s17+$0x10];
	_ =	sdelay $0x1  }
0x21: {  	v2 =	vld [tilespmem:s17+$0xFFFFFFF0]  }
0x22: {  	v3 =	vld [tilespmem:s17+$0xFFFFFFE0]  }
0x23: {  	v4 =	vld [tilespmem:s17+$0x0]  }
0x24: {  	v1 =	vshll.u32 v0, $0x5  }
0x25: {  	(v2sf) =	vpush v1, $0x0  }
0x26: {  	v0 =	vshll.u32 v2, $0x5  }
0x27: {  	v3 =	vshll.u32 v3, $0x5;
	(v2sf) =	vpush v0, $0x0  }
0x28: {  	v2 =	vshll.u32 v4, $0x5;
	(v2sf) =	vpush v3, $0x0  }
0x29: {  	(v2sf) =	vpush v2, $0x0  }
0x2a: {  	(v2sf) =	vpush v3, $0x1  }
0x2b: {  	(v2sf) =	vpush v0, $0x1  }
0x2c: {  	(v2sf) =	vpush v2, $0x1  }
0x2d: {  	(v2sf) =	vpush v3, $0x2  }
0x2e: {  	(v2sf) =	vpush v0, $0x2  }
0x2f: {  	(v2sf) =	vpush v2, $0x2  }
0x30: {  	(v2sf) =	vpush v3, $0x3  }
0x31: {  	(v2sf) =	vpush v1, $0x1;
	_ =	sdelay $0x1  }
0x32: {  	(v2sf) =	vpush v0, $0x3  }
0x33: {  	(v2sf) =	vpush v2, $0x3;
	s18 =	spop (v2sf)  }
0x34: {  	(v2sf) =	vpush v3, $0x4;
	v4 =	vld [tilespmem:s18+$0x10800]  }
0x35: {  	s19 =	spop (v2sf);
	(v2sf) =	vpush v0, $0x4  }
0x36: {  	s20 =	spop (v2sf);
	(v2sf) =	vpush v2, $0x4  }
0x37: {  	(v2sf) =	vpush v3, $0x5;
	s4 =	spop (v2sf)  }
0x38: {  	s26 =	simm.s32 $0xC00;
	v5 =	vld [tilespmem:s19+$0x10800];
	s5 =	spop (v2sf);
	(v2sf) =	vpush v0, $0x5  }
0x39: {  	v6 =	vld [tilespmem:s20+$0x10800];
	s7 =	spop (v2sf);
	(v2sf) =	vpush v2, $0x5;
	[tilespmem:s26+$0x200] =	vst v4  }
0x3a: {  	(v2sf) =	vpush v3, $0x6;
	s8 =	spop (v2sf);
	v4 =	vld [tilespmem:s18+$0x10810]  }
0x3b: {  	v7 =	vld [tilespmem:s4+$0x10800];
	s21 =	spop (v2sf);
	(v2sf) =	vpush v0, $0x6  }
0x3c: {  	s25 =	spop (v2sf);
	(v2sf) =	vpush v1, $0x2  }
0x3d: {  	[tilespmem:s26+$0xFFFFFE00] =	vst v5;
	s6 =	spop (v2sf)  }
0x3e: {  	[tilespmem:s26+$0xFFFFFC00] =	vst v6;
	v5 =	vld [tilespmem:s19+$0x10810];
	(v2sf) =	vpush v2, $0x6;
	s29 =	spop (v2sf)  }
0x3f: {  	v6 =	vld [tilespmem:s20+$0x10810];
	(v2sf) =	vpush v3, $0x7;
	s9 =	spop (v2sf);
	[tilespmem:s26+$0x210] =	vst v4  }
0x40: {  	[tilespmem:s26+$0x0] =	vst v7;
	(v2sf) =	vpush v0, $0x7;
	v4 =	vld [tilespmem:s9+$0x10800]  }
0x41: {  	v7 =	vld [tilespmem:s4+$0x10810];
	s31 =	spop (v2sf);
	(v2sf) =	vpush v2, $0x7  }
0x42: {  	(v2sf) =	vpush v3, $0x8;
	s30 =	spop (v2sf)  }
0x43: {  	[tilespmem:s26+$0xFFFFFE10] =	vst v5;
	s1 =	spop (v2sf);
	(v2sf) =	vpush v0, $0x8  }
0x44: {  	[tilespmem:s26+$0xFFFFFC10] =	vst v6;
	v5 =	vld [tilespmem:s7+$0x10800];
	s3 =	spop (v2sf);
	(v2sf) =	vpush v2, $0x8  }
0x45: {  	v6 =	vld [tilespmem:s5+$0x10800];
	(v2sf) =	vpush v3, $0x9;
	s4 =	spop (v2sf);
	[tilespmem:s26+$0x220] =	vst v4  }
0x46: {  	[tilespmem:s26+$0x10] =	vst v7;
	s22 =	spop (v2sf);
	(v2sf) =	vpush v0, $0x9;
	v4 =	vld [tilespmem:s9+$0x10810]  }
0x47: {  	v7 =	vld [tilespmem:s8+$0x10800];
	s24 =	spop (v2sf);
	(v2sf) =	vpush v2, $0x9  }
0x48: {  	s23 =	spop (v2sf);
	(v2sf) =	vpush v1, $0x3  }
0x49: {  	[tilespmem:s26+$0xFFFFFE20] =	vst v5;
	s15 =	spop (v2sf)  }
0x4a: {  	[tilespmem:s26+$0xFFFFFC20] =	vst v6;
	v5 =	vld [tilespmem:s7+$0x10810];
	(v2sf) =	vpush v3, $0xA;
	s18 =	spop (v2sf)  }
0x4b: {  	v6 =	vld [tilespmem:s5+$0x10810];
	(v2sf) =	vpush v0, $0xA;
	s28 =	spop (v2sf);
	[tilespmem:s26+$0x230] =	vst v4  }
0x4c: {  	[tilespmem:s26+$0x20] =	vst v7;
	(v2sf) =	vpush v2, $0xA;
	v4 =	vld [tilespmem:s28+$0x10800]  }
0x4d: {  	v7 =	vld [tilespmem:s8+$0x10810];
	(v2sf) =	vpush v3, $0xB;
	s20 =	spop (v2sf)  }
0x4e: {  	s5 =	spop (v2sf);
	(v2sf) =	vpush v0, $0xB  }
0x4f: {  	[tilespmem:s26+$0xFFFFFE30] =	vst v5;
	s16 =	spop (v2sf);
	(v2sf) =	vpush v2, $0xB  }
0x50: {  	[tilespmem:s26+$0xFFFFFC30] =	vst v6;
	v5 =	vld [tilespmem:s25+$0x10800];
	(v2sf) =	vpush v3, $0xC;
	s12 =	spop (v2sf)  }
0x51: {  	v6 =	vld [tilespmem:s21+$0x10800];
	s9 =	spop (v2sf);
	(v2sf) =	vpush v0, $0xC;
	[tilespmem:s26+$0x240] =	vst v4  }
0x52: {  	[tilespmem:s26+$0x30] =	vst v7;
	s11 =	spop (v2sf);
	(v2sf) =	vpush v2, $0xC;
	v4 =	vld [tilespmem:s28+$0x10810]  }
0x53: {  	v7 =	vld [tilespmem:s6+$0x10800];
	(v2sf) =	vpush v3, $0xD;
	s10 =	spop (v2sf)  }
0x54: {  	s0 =	spop (v2sf)  }
0x55: {  	[tilespmem:s26+$0xFFFFFE40] =	vst v5;
	s7 =	spop (v2sf)  }
0x56: {  	[tilespmem:s26+$0xFFFFFC40] =	vst v6;
	v5 =	vld [tilespmem:s25+$0x10810];
	(v2sf) =	vpush v1, $0x4;
	s8 =	spop (v2sf)  }
0x57: {  	v6 =	vld [tilespmem:s21+$0x10810];
	s14 =	spop (v2sf);
	[tilespmem:s26+$0x250] =	vst v4  }
0x58: {  	[tilespmem:s26+$0x40] =	vst v7;
	(v2sf) =	vpush v0, $0xD;
	v4 =	vld [tilespmem:s14+$0x10800]  }
0x59: {  	v7 =	vld [tilespmem:s6+$0x10810];
	s6 =	spop (v2sf)  }
0x5a: {  	(v2sf) =	vpush v2, $0xD;
	s2 =	spop (v2sf)  }
0x5b: {  	(v2sf) =	vpush v3, $0xE;
	[tilespmem:s26+$0xFFFFFE50] =	vst v5;
	s28 =	spop (v2sf)  }
0x5c: {  	(v2sf) =	vpush v0, $0xE;
	[tilespmem:s26+$0xFFFFFC50] =	vst v6;
	v5 =	vld [tilespmem:s31+$0x10800];
	s17 =	spop (v2sf)  }
0x5d: {  	(v2sf) =	vpush v2, $0xE;
	v6 =	vld [tilespmem:s29+$0x10800];
	s13 =	spop (v2sf);
	[tilespmem:s26+$0x260] =	vst v4  }
0x5e: {  	(v2sf) =	vpush v3, $0xF;
	v3 =	vld [tilespmem:s14+$0x10810];
	s14 =	spop (v2sf)  }
0x5f: {  	s19 =	spop (v2sf)  }
0x60: {  	[tilespmem:s26+$0x50] =	vst v7;
	s25 =	spop (v2sf)  }
0x61: {  	(v2sf) =	vpush v0, $0xF;
	v0 =	vld [tilespmem:s30+$0x10800];
	[tilespmem:s26+$0xFFFFFE60] =	vst v5;
	s21 =	spop (v2sf)  }
0x62: {  	(v2sf) =	vpush v2, $0xF;
	v2 =	vld [tilespmem:s31+$0x10810];
	[tilespmem:s26+$0xFFFFFC60] =	vst v6;
	s31 =	spop (v2sf)  }
0x63: {  	[smem:$0x7EC] =	sst s31  }
0x64: {  	v4 =	vld [tilespmem:s29+$0x10810]  }
0x65: {  	(v2sf) =	vpush v1, $0x5;
	[tilespmem:s26+$0x270] =	vst v3;
	s29 =	spop (v2sf)  }
0x66: {  	v3 =	vld [tilespmem:s29+$0x10800];
	[tilespmem:s26+$0x60] =	vst v0  }
0x67: {  	[tilespmem:s26+$0xFFFFFE70] =	vst v2;
	v0 =	vld [tilespmem:s30+$0x10810];
	s30 =	spop (v2sf)  }
0x68: {  	[smem:$0x7ED] =	sst s30  }
0x69: {  	s30 =	spop (v2sf);
	[tilespmem:s26+$0xFFFFFC70] =	vst v4  }
0x6a: {  	v2 =	vld [tilespmem:s3+$0x10800];
	[smem:$0x7EE] =	sst s30  }
0x6b: {  	s30 =	spop (v2sf);
	[tilespmem:s26+$0x280] =	vst v3  }
0x6c: {  	v4 =	vld [tilespmem:s1+$0x10800];
	[smem:$0x7EF] =	sst s30  }
0x6d: {  	v3 =	vld [tilespmem:s29+$0x10810];
	s29 =	spop (v2sf)  }
0x6e: {  	[smem:$0x7F0] =	sst s29  }
0x6f: {  	s29 =	spop (v2sf);
	[tilespmem:s26+$0x70] =	vst v0  }
0x70: {  	[smem:$0x7F1] =	sst s29;
	s29 =	spop (v2sf)  }
0x71: {  	v0 =	vld [tilespmem:s4+$0x10800];
	[dreg:$0xa] =	wrdreg s29  }
0x72: {  	s29 =	spop (v2sf);
	[tilespmem:s26+$0xFFFFFE80] =	vst v2  }
0x73: {  	(v2sf) =	vpush v1, $0x6;
	[dreg:$0x3] =	wrdreg s29  }
0x74: {  	s31 =	spop (v2sf);
	[tilespmem:s26+$0xFFFFFC80] =	vst v4  }
0x75: {  	v2 =	vld [tilespmem:s3+$0x10810];
	[dreg:$0x7] =	wrdreg s31  }
0x76: {  	s3 =	spop (v2sf);
	[tilespmem:s26+$0x290] =	vst v3  }
0x77: {  	[tilespmem:s26+$0x80] =	vst v0;
	v3 =	vld [tilespmem:s3+$0x10800]  }
0x78: {  	v0 =	vld [tilespmem:s4+$0x10810]  }
0x79: {  	v4 =	vld [tilespmem:s1+$0x10810];
	_ =	sdelay $0x1  }
0x7a: {  	[tilespmem:s26+$0xFFFFFE90] =	vst v2  }
0x7b: {  	v2 =	vld [tilespmem:s24+$0x10800];
	[tilespmem:s26+$0x2A0] =	vst v3  }
0x7c: {  	[tilespmem:s26+$0x90] =	vst v0;
	v3 =	vld [tilespmem:s3+$0x10810]  }
0x7d: {  	[tilespmem:s26+$0xFFFFFC90] =	vst v4;
	v0 =	vld [tilespmem:s23+$0x10800]  }
0x7e: {  	(v2sf) =	vpush v1, $0x7;
	v4 =	vld [tilespmem:s22+$0x10800];
	_ =	sdelay $0x1  }
0x7f: {  	[tilespmem:s26+$0xFFFFFEA0] =	vst v2  }
0x80: {  	s4 =	spop (v2sf);
	v2 =	vld [tilespmem:s24+$0x10810];
	[tilespmem:s26+$0x2B0] =	vst v3  }
0x81: {  	[tilespmem:s26+$0xA0] =	vst v0;
	v3 =	vld [tilespmem:s4+$0x10800]  }
0x82: {  	[tilespmem:s26+$0xFFFFFCA0] =	vst v4;
	v0 =	vld [tilespmem:s23+$0x10810]  }
0x83: {  	v4 =	vld [tilespmem:s22+$0x10810];
	_ =	sdelay $0x1  }
0x84: {  	[tilespmem:s26+$0xFFFFFEB0] =	vst v2  }
0x85: {  	v2 =	vld [tilespmem:s18+$0x10800];
	[tilespmem:s26+$0x2C0] =	vst v3  }
0x86: {  	[tilespmem:s26+$0xB0] =	vst v0;
	v3 =	vld [tilespmem:s4+$0x10810]  }
0x87: {  	[tilespmem:s26+$0xFFFFFCB0] =	vst v4;
	v0 =	vld [tilespmem:s20+$0x10800]  }
0x88: {  	(v2sf) =	vpush v1, $0x8;
	v4 =	vld [tilespmem:s15+$0x10800];
	_ =	sdelay $0x1  }
0x89: {  	[tilespmem:s26+$0xFFFFFEC0] =	vst v2  }
0x8a: {  	s22 =	spop (v2sf);
	v2 =	vld [tilespmem:s18+$0x10810];
	[tilespmem:s26+$0x2D0] =	vst v3  }
0x8b: {  	[tilespmem:s26+$0xC0] =	vst v0;
	v3 =	vld [tilespmem:s22+$0x10800]  }
0x8c: {  	[tilespmem:s26+$0xFFFFFCC0] =	vst v4;
	v0 =	vld [tilespmem:s20+$0x10810]  }
0x8d: {  	v4 =	vld [tilespmem:s15+$0x10810];
	_ =	sdelay $0x1  }
0x8e: {  	[tilespmem:s26+$0xFFFFFED0] =	vst v2  }
0x8f: {  	v2 =	vld [tilespmem:s16+$0x10800];
	[tilespmem:s26+$0x2E0] =	vst v3  }
0x90: {  	[tilespmem:s26+$0xD0] =	vst v0;
	v3 =	vld [tilespmem:s22+$0x10810]  }
0x91: {  	[tilespmem:s26+$0xFFFFFCD0] =	vst v4;
	v0 =	vld [tilespmem:s12+$0x10800]  }
0x92: {  	v4 =	vld [tilespmem:s5+$0x10800]  }
0x93: {  	(v2sf) =	vpush v1, $0x9  }
0x94: {  	[tilespmem:s26+$0xFFFFFEE0] =	vst v2  }
0x95: {  	s23 =	spop (v2sf);
	v2 =	vld [tilespmem:s16+$0x10810];
	[tilespmem:s26+$0x2F0] =	vst v3  }
0x96: {  	[tilespmem:s26+$0xE0] =	vst v0;
	v3 =	vld [tilespmem:s23+$0x10800]  }
0x97: {  	[tilespmem:s26+$0xFFFFFCE0] =	vst v4;
	v0 =	vld [tilespmem:s12+$0x10810]  }
0x98: {  	v4 =	vld [tilespmem:s5+$0x10810];
	_ =	sdelay $0x1  }
0x99: {  	[tilespmem:s26+$0xFFFFFEF0] =	vst v2  }
0x9a: {  	v2 =	vld [tilespmem:s11+$0x10800];
	[tilespmem:s26+$0x300] =	vst v3  }
0x9b: {  	[tilespmem:s26+$0xF0] =	vst v0;
	v3 =	vld [tilespmem:s23+$0x10810]  }
0x9c: {  	[tilespmem:s26+$0xFFFFFCF0] =	vst v4;
	v0 =	vld [tilespmem:s10+$0x10800]  }
0x9d: {  	v4 =	vld [tilespmem:s9+$0x10800]  }
0x9e: {  	(v2sf) =	vpush v1, $0xA;
	s31 =	simm.s32 $0x60  }
0x9f: {  	v6 =	vld [tilespmem:s31+$0xFFFFFFF0];
	[tilespmem:s26+$0xFFFFFF00] =	vst v2  }
0xa0: {  	v2 =	vld [tilespmem:s11+$0x10810];
	[tilespmem:s26+$0x310] =	vst v3  }
0xa1: {  	s24 =	spop (v2sf);
	[tilespmem:s26+$0x100] =	vst v0;
	v0 =	vld [tilespmem:s31+$0x10]  }
0xa2: {  	[tilespmem:s26+$0xFFFFFD00] =	vst v4;
	v3 =	vld [tilespmem:s24+$0x10800]  }
0xa3: {  	v4 =	vld [tilespmem:s9+$0x10810]  }
0xa4: {  	v7 =	vld [tilespmem:s31+$0xFFFFFFE0]  }
0xa5: {  	v5 =	vld [tilespmem:s10+$0x10810]  }
0xa6: {  	[tilespmem:s26+$0xFFFFFF10] =	vst v2;
	v0 =	vshll.u32 v0, $0x5  }
0xa7: {  	v8 =	vld [tilespmem:s31+$0x0];
	[tilespmem:s26+$0x320] =	vst v3;
	(v2sf) =	vpush v0, $0x0  }
0xa8: {  	v2 =	vshll.u32 v6, $0x5;
	[tilespmem:s26+$0xFFFFFD10] =	vst v4;
	v9 =	vld [tilespmem:s24+$0x10810];
	(v2sf) =	vpush v1, $0xB  }
0xa9: {  	v10 =	vld [tilespmem:s0+$0x10800];
	(v2sf) =	vpush v2, $0x0  }
0xaa: {  	v4 =	vshll.u32 v7, $0x5;
	[tilespmem:s26+$0x110] =	vst v5;
	v5 =	vld [tilespmem:s7+$0x10800]  }
0xab: {  	v6 =	vld [tilespmem:s8+$0x10800];
	(v2sf) =	vpush v4, $0x0  }
0xac: {  	v3 =	vshll.u32 v8, $0x5  }
0xad: {  	s4 =	spop (v2sf);
	(v2sf) =	vpush v3, $0x0;
	[tilespmem:s26+$0x330] =	vst v9  }
0xae: {  	(v2sf) =	vpush v4, $0x1;
	[tilespmem:s26+$0xFFFFFD20] =	vst v10;
	v7 =	vld [tilespmem:s4+$0x10800]  }
0xaf: {  	[tilespmem:s26+$0xFFFFFF20] =	vst v5;
	(v2sf) =	vpush v2, $0x1;
	v52 =	vld [tilespmem:s0+$0x10810]  }
0xb0: {  	v5 =	vld [tilespmem:s7+$0x10810];
	[tilespmem:s26+$0x120] =	vst v6;
	(v2sf) =	vpush v3, $0x1  }
0xb1: {  	v6 =	vld [tilespmem:s8+$0x10810];
	(v2sf) =	vpush v4, $0x2  }
0xb2: {  	(v2sf) =	vpush v2, $0x2  }
0xb3: {  	(v2sf) =	vpush v3, $0x2;
	[tilespmem:s26+$0x340] =	vst v7  }
0xb4: {  	(v2sf) =	vpush v4, $0x3;
	[tilespmem:s26+$0xFFFFFD30] =	vst v52;
	v7 =	vld [tilespmem:s4+$0x10810]  }
0xb5: {  	[tilespmem:s26+$0xFFFFFF30] =	vst v5;
	(v2sf) =	vpush v0, $0x1;
	v8 =	vld [tilespmem:s6+$0x10800]  }
0xb6: {  	v5 =	vld [tilespmem:s2+$0x10800];
	[tilespmem:s26+$0x130] =	vst v6;
	(v2sf) =	vpush v1, $0xC;
	s5 =	spop (v2sf)  }
0xb7: {  	v6 =	vld [tilespmem:s28+$0x10800];
	(v2sf) =	vpush v2, $0x3;
	s7 =	spop (v2sf)  }
0xb8: {  	(v2sf) =	vpush v3, $0x3;
	v53 =	vld [tilespmem:s5+$0x10800];
	s8 =	spop (v2sf)  }
0xb9: {  	(v2sf) =	vpush v4, $0x4;
	[tilespmem:s26+$0x350] =	vst v7;
	v54 =	vld [tilespmem:s8+$0x10800]  }
0xba: {  	(v2sf) =	vpush v2, $0x4;
	[tilespmem:s26+$0xFFFFFD40] =	vst v8;
	s9 =	spop (v2sf);
	v7 =	vld [tilespmem:s7+$0x10800]  }
0xbb: {  	[tilespmem:s26+$0xFFFFFF40] =	vst v5;
	(v2sf) =	vpush v3, $0x4;
	v5 =	vld [tilespmem:s9+$0x10800]  }
0xbc: {  	s0 =	simm.s32 $0x1400;
	[tilespmem:s26+$0x140] =	vst v6;
	(v2sf) =	vpush v4, $0x5;
	s10 =	spop (v2sf)  }
0xbd: {  	v55 =	vld [tilespmem:s6+$0x10810];
	s11 =	spop (v2sf);
	(v2sf) =	vpush v2, $0x5;
	[tilespmem:s0+$0x200] =	vst v53  }
0xbe: {  	v6 =	vld [tilespmem:s10+$0x10800];
	s12 =	spop (v2sf);
	(v2sf) =	vpush v3, $0x5;
	[tilespmem:s0+$0xFFFFFE00] =	vst v54  }
0xbf: {  	v56 =	vld [tilespmem:s5+$0x10810];
	(v2sf) =	vpush v4, $0x6;
	s15 =	spop (v2sf);
	[tilespmem:s26+$0x360] =	vst v7  }
0xc0: {  	s18 =	spop (v2sf);
	(v2sf) =	vpush v2, $0x6;
	[tilespmem:s0+$0xFFFFFC00] =	vst v5;
	v5 =	vld [tilespmem:s8+$0x10810]  }
0xc1: {  	s22 =	spop (v2sf);
	(v2sf) =	vpush v0, $0x2;
	v7 =	vld [tilespmem:s7+$0x10810]  }
0xc2: {  	[tilespmem:s26+$0xFFFFFD50] =	vst v55;
	v57 =	vld [tilespmem:s9+$0x10810];
	s24 =	spop (v2sf);
	(v2sf) =	vpush v1, $0xD  }
0xc3: {  	v58 =	vld [tilespmem:s2+$0x10810];
	[tilespmem:s0+$0x0] =	vst v6;
	s20 =	spop (v2sf);
	(v2sf) =	vpush v3, $0x6  }
0xc4: {  	v6 =	vld [tilespmem:s10+$0x10810];
	[tilespmem:s0+$0x210] =	vst v56;
	(v2sf) =	vpush v4, $0x7;
	s16 =	spop (v2sf)  }
0xc5: {  	v10 =	vld [tilespmem:s16+$0x10800];
	(v2sf) =	vpush v2, $0x7;
	s23 =	spop (v2sf);
	[tilespmem:s0+$0xFFFFFE10] =	vst v5  }
0xc6: {  	(v2sf) =	vpush v3, $0x7;
	s1 =	spop (v2sf);
	[tilespmem:s26+$0x370] =	vst v7;
	v7 =	vld [tilespmem:s12+$0x10800]  }
0xc7: {  	[tilespmem:s0+$0xFFFFFC10] =	vst v57;
	(v2sf) =	vpush v4, $0x8;
	s3 =	spop (v2sf);
	v5 =	vld [tilespmem:s23+$0x10800]  }
0xc8: {  	[tilespmem:s26+$0xFFFFFF50] =	vst v58;
	v8 =	vld [tilespmem:s11+$0x10800];
	(v2sf) =	vpush v2, $0x8;
	s30 =	spop (v2sf)  }
0xc9: {  	v59 =	vld [tilespmem:s28+$0x10810];
	[tilespmem:s0+$0x10] =	vst v6;
	(v2sf) =	vpush v3, $0x8;
	s5 =	spop (v2sf)  }
0xca: {  	v6 =	vld [tilespmem:s15+$0x10800];
	[tilespmem:s0+$0x220] =	vst v10;
	(v2sf) =	vpush v4, $0x9;
	s31 =	spop (v2sf)  }
0xcb: {  	v10 =	vld [tilespmem:s16+$0x10810];
	s16 =	spop (v2sf);
	[tilespmem:s0+$0xFFFFFE20] =	vst v7  }
0xcc: {  	(v2sf) =	vpush v2, $0x9;
	s29 =	spop (v2sf);
	[tilespmem:s26+$0x380] =	vst v5;
	v7 =	vld [tilespmem:s12+$0x10810]  }
0xcd: {  	[tilespmem:s0+$0xFFFFFC20] =	vst v8;
	s28 =	spop (v2sf);
	v5 =	vld [tilespmem:s23+$0x10810]  }
0xce: {  	[tilespmem:s26+$0x150] =	vst v59;
	(v2sf) =	vpush v3, $0x9;
	v8 =	vld [tilespmem:s11+$0x10810];
	s10 =	spop (v2sf)  }
0xcf: {  	v60 =	vld [tilespmem:s17+$0x10800];
	[tilespmem:s0+$0x20] =	vst v6;
	s12 =	spop (v2sf)  }
0xd0: {  	(v2sf) =	vpush v0, $0x3;
	v6 =	vld [tilespmem:s15+$0x10810];
	[tilespmem:s0+$0x230] =	vst v10;
	s8 =	spop (v2sf)  }
0xd1: {  	(v2sf) =	vpush v1, $0xE;
	v10 =	vld [tilespmem:s8+$0x10800];
	s23 =	spop (v2sf);
	[tilespmem:s0+$0xFFFFFE30] =	vst v7  }
0xd2: {  	(v2sf) =	vpush v4, $0xA;
	s15 =	spop (v2sf);
	[tilespmem:s26+$0x390] =	vst v5;
	v7 =	vld [tilespmem:s22+$0x10800]  }
0xd3: {  	[tilespmem:s0+$0xFFFFFC30] =	vst v8;
	s7 =	spop (v2sf);
	v5 =	vld [tilespmem:s23+$0x10800]  }
0xd4: {  	[tilespmem:s26+$0xFFFFFD60] =	vst v60;
	(v2sf) =	vpush v2, $0xA;
	v8 =	vld [tilespmem:s18+$0x10800];
	s11 =	spop (v2sf)  }
0xd5: {  	(v2sf) =	vpush v3, $0xA;
	[tilespmem:s0+$0x30] =	vst v6;
	s9 =	spop (v2sf)  }
0xd6: {  	(v2sf) =	vpush v4, $0xB;
	v6 =	vld [tilespmem:s24+$0x10800];
	[tilespmem:s0+$0x240] =	vst v10;
	s4 =	spop (v2sf)  }
0xd7: {  	v61 =	vld [tilespmem:s13+$0x10800];
	(v2sf) =	vpush v2, $0xB;
	s6 =	spop (v2sf);
	[tilespmem:s0+$0xFFFFFE40] =	vst v7  }
0xd8: {  	(v2sf) =	vpush v3, $0xB;
	v10 =	vld [tilespmem:s8+$0x10810];
	s8 =	spop (v2sf);
	[tilespmem:s26+$0x3A0] =	vst v5  }
0xd9: {  	(v2sf) =	vpush v4, $0xC;
	[tilespmem:s0+$0xFFFFFC40] =	vst v8;
	v5 =	vld [tilespmem:s23+$0x10810];
	s23 =	spop (v2sf)  }
0xda: {  	(v2sf) =	vpush v2, $0xC;
	v7 =	vld [tilespmem:s22+$0x10810];
	[smem:$0x7E7] =	sst s23  }
0xdb: {  	(v2sf) =	vpush v3, $0xC;
	v8 =	vld [tilespmem:s18+$0x10810];
	[tilespmem:s0+$0x40] =	vst v6;
	s18 =	spop (v2sf)  }
0xdc: {  	(v2sf) =	vpush v4, $0xD;
	[smem:$0x7E8] =	sst s18  }
0xdd: {  	(v2sf) =	vpush v0, $0x4;
	s22 =	spop (v2sf);
	[tilespmem:s26+$0xFFFFFF60] =	vst v61  }
0xde: {  	(v2sf) =	vpush v1, $0xF;
	v1 =	vld [tilespmem:s24+$0x10810];
	[smem:$0x7E9] =	sst s22  }
0xdf: {  	s2 =	spop (v2sf);
	[tilespmem:s0+$0x250] =	vst v10  }
0xe0: {  	s18 =	spop (v2sf);
	v6 =	vld [tilespmem:s14+$0x10800];
	[tilespmem:s26+$0x3B0] =	vst v5  }
0xe1: {  	[tilespmem:s0+$0xFFFFFE50] =	vst v7;
	s23 =	spop (v2sf);
	v62 =	vld [tilespmem:s2+$0x10800]  }
0xe2: {  	v5 =	vld [tilespmem:s18+$0x10800];
	[smem:$0x7EA] =	sst s23  }
0xe3: {  	s24 =	spop (v2sf);
	[tilespmem:s0+$0xFFFFFC50] =	vst v8  }
0xe4: {  	v7 =	vld [tilespmem:s1+$0x10800];
	[smem:$0x7EB] =	sst s24  }
0xe5: {  	s23 =	spop (v2sf);
	[tilespmem:s0+$0x50] =	vst v1  }
0xe6: {  	v8 =	vld [tilespmem:s20+$0x10800];
	[dreg:$0x1f] =	wrdreg s23  }
0xe7: {  	(v2sf) =	vpush v2, $0xD;
	s24 =	spop (v2sf);
	[tilespmem:s26+$0x160] =	vst v6  }
0xe8: {  	(v2sf) =	vpush v3, $0xD;
	v1 =	vld [tilespmem:s3+$0x10800];
	[dreg:$0x10] =	wrdreg s24  }
0xe9: {  	s23 =	spop (v2sf);
	[tilespmem:s0+$0x260] =	vst v62  }
0xea: {  	(v2sf) =	vpush v4, $0xE;
	v6 =	vld [tilespmem:s17+$0x10810];
	[dreg:$0x12] =	wrdreg s23  }
0xeb: {  	(v2sf) =	vpush v2, $0xE;
	s24 =	spop (v2sf);
	[tilespmem:s26+$0x3C0] =	vst v5  }
0xec: {  	(v2sf) =	vpush v3, $0xE;
	v9 =	vld [tilespmem:s2+$0x10810];
	[dreg:$0x1b] =	wrdreg s24  }
0xed: {  	(v2sf) =	vpush v4, $0xF;
	s22 =	spop (v2sf);
	v4 =	vld [tilespmem:s18+$0x10810];
	[tilespmem:s0+$0xFFFFFE60] =	vst v7  }
0xee: {  	s23 =	spop (v2sf);
	[tilespmem:s0+$0xFFFFFC60] =	vst v8;
	v5 =	vld [tilespmem:s13+$0x10810]  }
0xef: {  	(v2sf) =	vpush v2, $0xF;
	s24 =	spop (v2sf);
	[tilespmem:s0+$0x60] =	vst v1;
	v2 =	vld [tilespmem:s1+$0x10810]  }
0xf0: {  	(v2sf) =	vpush v3, $0xF;
	s18 =	spop (v2sf);
	v3 =	vld [tilespmem:s20+$0x10810];
	[tilespmem:s26+$0xFFFFFD70] =	vst v6  }
0xf1: {  	(v2sf) =	vpush v0, $0x5;
	v1 =	vld [tilespmem:s3+$0x10810];
	s2 =	spop (v2sf);
	[tilespmem:s0+$0x270] =	vst v9  }
0xf2: {  	v6 =	vld [tilespmem:s2+$0x10800];
	[tilespmem:s26+$0x3D0] =	vst v4  }
0xf3: {  	s17 =	spop (v2sf);
	[tilespmem:s26+$0xFFFFFF70] =	vst v5  }
0xf4: {  	[tilespmem:s0+$0xFFFFFE70] =	vst v2;
	v2 =	vld [tilespmem:s17+$0x10800]  }
0xf5: {  	v5 =	vld [tilespmem:s14+$0x10810];
	[tilespmem:s0+$0xFFFFFC70] =	vst v3  }
0xf6: {  	s13 =	spop (v2sf);
	[tilespmem:s0+$0x70] =	vst v1;
	v3 =	vld [tilespmem:s5+$0x10800]  }
0xf7: {  	s20 =	spop (v2sf);
	v4 =	vld [tilespmem:s30+$0x10800];
	[tilespmem:s0+$0x280] =	vst v6  }
0xf8: {  	v1 =	vld [tilespmem:s31+$0x10800];
	[dreg:$0x13] =	wrdreg s20  }
0xf9: {  	v6 =	vld [tilespmem:s2+$0x10810];
	[tilespmem:s26+$0x3E0] =	vst v2  }
0xfa: {  	s3 =	spop (v2sf);
	[tilespmem:s26+$0x170] =	vst v5;
	v5 =	vld [tilespmem:s19+$0x10800]  }
0xfb: {  	v2 =	vld [tilespmem:s17+$0x10810];
	[tilespmem:s0+$0xFFFFFE80] =	vst v3;
	s17 =	spop (v2sf)  }
0xfc: {  	[tilespmem:s0+$0xFFFFFC80] =	vst v4;
	v3 =	vld [tilespmem:s5+$0x10810];
	s20 =	spop (v2sf)  }
0xfd: {  	(v2sf) =	vpush v0, $0x6;
	[tilespmem:s0+$0x80] =	vst v1;
	v4 =	vld [tilespmem:s30+$0x10810];
	s30 =	spop (v2sf)  }
0xfe: {  	v1 =	vld [tilespmem:s31+$0x10810];
	s31 =	spop (v2sf)  }
0xff: {  	[tilespmem:s0+$0x290] =	vst v6;
	s5 =	spop (v2sf)  }
0x100: {  	v6 =	vld [tilespmem:s25+$0x10800];
	[tilespmem:s26+$0xFFFFFD80] =	vst v5;
	s14 =	spop (v2sf)  }
0x101: {  	[tilespmem:s26+$0x3F0] =	vst v2;
	v2 =	vld [tilespmem:s14+$0x10800]  }
0x102: {  	v5 =	vld [tilespmem:s21+$0x10800];
	[tilespmem:s0+$0xFFFFFE90] =	vst v3  }
0x103: {  	[tilespmem:s0+$0xFFFFFC90] =	vst v4;
	v3 =	vld [tilespmem:s29+$0x10800]  }
0x104: {  	[tilespmem:s0+$0x90] =	vst v1;
	v4 =	vld [tilespmem:s16+$0x10800]  }
0x105: {  	v1 =	vld [tilespmem:s28+$0x10800];
	[tilespmem:s26+$0xFFFFFF80] =	vst v6  }
0x106: {  	v6 =	vld [tilespmem:s19+$0x10810];
	[tilespmem:s0+$0x2A0] =	vst v2  }
0x107: {  	[tilespmem:s26+$0x180] =	vst v5;
	v2 =	vld [tilespmem:s14+$0x10810]  }
0x108: {  	v5 =	vld [tilespmem:s25+$0x10810];
	[tilespmem:s0+$0xFFFFFEA0] =	vst v3  }
0x109: {  	[tilespmem:s0+$0xFFFFFCA0] =	vst v4;
	v3 =	vld [tilespmem:s29+$0x10810]  }
0x10a: {  	[tilespmem:s0+$0xA0] =	vst v1;
	v4 =	vld [tilespmem:s16+$0x10810]  }
0x10b: {  	v1 =	vld [tilespmem:s28+$0x10810];
	[tilespmem:s26+$0xFFFFFD90] =	vst v6  }
0x10c: {  	s25 =	spop (v2sf);
	v6 =	vld [tilespmem:s21+$0x10810];
	[tilespmem:s0+$0x2B0] =	vst v2  }
0x10d: {  	[tilespmem:s26+$0xFFFFFF90] =	vst v5;
	v2 =	vld [tilespmem:s25+$0x10800]  }
0x10e: {  	[tilespmem:s0+$0xFFFFFEB0] =	vst v3  }
0x10f: {  	[tilespmem:s0+$0xFFFFFCB0] =	vst v4  }
0x110: {  	(v2sf) =	vpush v0, $0x7;
	[tilespmem:s0+$0xB0] =	vst v1  }
0x111: {  	s28 =	sld [smem:$0x7EC];
	[tilespmem:s26+$0x190] =	vst v6  }
0x112: {  	v3 =	vld [tilespmem:s12+$0x10800];
	[tilespmem:s0+$0x2C0] =	vst v2  }
0x113: {  	s29 =	smov.u32 s31;
	v4 =	vld [tilespmem:s10+$0x10800];
	s31 =	sld [smem:$0x7ED]  }
0x114: {  	v1 =	vld [tilespmem:s15+$0x10800]  }
0x115: {  	v5 =	vld [tilespmem:s28+$0x10800]  }
0x116: {  	v2 =	vld [tilespmem:s31+$0x10800]  }
0x117: {  	[tilespmem:s0+$0xFFFFFEC0] =	vst v3  }
0x118: {  	[tilespmem:s0+$0xFFFFFCC0] =	vst v4  }
0x119: {  	[tilespmem:s0+$0xC0] =	vst v1  }
0x11a: {  	v6 =	vld [tilespmem:s25+$0x10810];
	[tilespmem:s26+$0xFFFFFDA0] =	vst v5  }
0x11b: {  	v3 =	vld [tilespmem:s12+$0x10810];
	[tilespmem:s26+$0xFFFFFFA0] =	vst v2  }
0x11c: {  	v4 =	vld [tilespmem:s10+$0x10810];
	s16 =	sld [smem:$0x7EE]  }
0x11d: {  	v1 =	vld [tilespmem:s15+$0x10810]  }
0x11e: {  	v5 =	vld [tilespmem:s28+$0x10810]  }
0x11f: {  	s19 =	spop (v2sf);
	[tilespmem:s0+$0x2D0] =	vst v6;
	v2 =	vld [tilespmem:s16+$0x10800]  }
0x120: {  	(v2sf) =	vpush v0, $0x8;
	[tilespmem:s0+$0xFFFFFED0] =	vst v3;
	v3 =	vld [tilespmem:s19+$0x10800]  }
0x121: {  	[tilespmem:s0+$0xFFFFFCD0] =	vst v4;
	v4 =	vld [tilespmem:s11+$0x10800]  }
0x122: {  	[tilespmem:s0+$0xD0] =	vst v1;
	v6 =	vld [tilespmem:s7+$0x10800]  }
0x123: {  	[tilespmem:s26+$0xFFFFFDB0] =	vst v5;
	v1 =	vld [tilespmem:s9+$0x10800]  }
0x124: {  	[tilespmem:s26+$0x1A0] =	vst v2;
	v2 =	vld [tilespmem:s31+$0x10810]  }
0x125: {  	[tilespmem:s0+$0x2E0] =	vst v3;
	v5 =	vld [tilespmem:s16+$0x10810]  }
0x126: {  	[tilespmem:s0+$0xFFFFFEE0] =	vst v4;
	v3 =	vld [tilespmem:s19+$0x10810]  }
0x127: {  	[tilespmem:s0+$0xFFFFFCE0] =	vst v6  }
0x128: {  	[tilespmem:s0+$0xE0] =	vst v1  }
0x129: {  	[tilespmem:s26+$0xFFFFFFB0] =	vst v2  }
0x12a: {  	s21 =	sld [smem:$0x7EF];
	[tilespmem:s26+$0x1B0] =	vst v5  }
0x12b: {  	v4 =	vld [tilespmem:s11+$0x10810];
	[tilespmem:s0+$0x2F0] =	vst v3  }
0x12c: {  	v6 =	vld [tilespmem:s7+$0x10810];
	s25 =	sld [smem:$0x7F0]  }
0x12d: {  	(v2sf) =	vpush v0, $0x9;
	v1 =	vld [tilespmem:s9+$0x10810]  }
0x12e: {  	v2 =	vld [tilespmem:s21+$0x10800]  }
0x12f: {  	s28 =	spop (v2sf);
	v3 =	vld [tilespmem:s25+$0x10800]  }
0x130: {  	[tilespmem:s0+$0xFFFFFEF0] =	vst v4;
	v4 =	vld [tilespmem:s28+$0x10800]  }
0x131: {  	[tilespmem:s0+$0xFFFFFCF0] =	vst v6;
	v5 =	vld [tilespmem:s6+$0x10800]  }
0x132: {  	[tilespmem:s0+$0xF0] =	vst v1  }
0x133: {  	[tilespmem:s26+$0xFFFFFDC0] =	vst v2  }
0x134: {  	v6 =	vld [tilespmem:s4+$0x10800];
	[tilespmem:s26+$0xFFFFFFC0] =	vst v3  }
0x135: {  	v1 =	vld [tilespmem:s8+$0x10800];
	s31 =	sld [smem:$0x7F1];
	[tilespmem:s0+$0x300] =	vst v4  }
0x136: {  	[tilespmem:s0+$0xFFFFFF00] =	vst v5;
	v63 =	vld [tilespmem:s28+$0x10810]  }
0x137: {  	v5 =	vld [tilespmem:s6+$0x10810]  }
0x138: {  	v2 =	vld [tilespmem:s31+$0x10800]  }
0x139: {  	v7 =	vld [tilespmem:s21+$0x10810];
	[tilespmem:s0+$0xFFFFFD00] =	vst v6  }
0x13a: {  	[tilespmem:s0+$0x100] =	vst v1;
	v1 =	vld [tilespmem:s25+$0x10810]  }
0x13b: {  	v3 =	vld [tilespmem:s4+$0x10810];
	[tilespmem:s0+$0x310] =	vst v63  }
0x13c: {  	s1 =	spop (v2sf);
	v4 =	vld [tilespmem:s8+$0x10810];
	[tilespmem:s0+$0xFFFFFF10] =	vst v5  }
0x13d: {  	v5 =	vld [tilespmem:s1+$0x10800];
	[tilespmem:s26+$0x1C0] =	vst v2  }
0x13e: {  	s14 =	simm.s32 $0xA0;
	(v2sf) =	vpush v0, $0xA;
	s19 =	simm.s32 $0x4;
	[tilespmem:s26+$0xFFFFFDD0] =	vst v7;
	v2 =	vld [tilespmem:s31+$0x10810]  }
.LBB2_2:
0x13f: {  	_ =	sdelay $0x1  }
0x140: {  	v6 =	vld [tilespmem:s14+$0x10];
	[tilespmem:s0+$0x110] =	vst v4  }
0x141: {  	s7 =	sld [smem:$0x7E7];
	[tilespmem:s0+$0xFFFFFD10] =	vst v3;
	v3 =	vld [tilespmem:s14+$0xFFFFFFF0]  }
0x142: {  	v7 =	vld [tilespmem:s14+$0x0]  }
0x143: {  	s6 =	sld [smem:$0x7E8];
	v8 =	vld [tilespmem:s14+$0xFFFFFFE0]  }
0x144: {  	v9 =	vld [tilespmem:s7+$0x10800]  }
0x145: {  	s8 =	sld [smem:$0x7E9];
	[tilespmem:s26+$0xFFFFFFD0] =	vst v1;
	v4 =	vshll.u32 v6, $0x5  }
0x146: {  	[tilespmem:s0+$0x320] =	vst v5;
	v6 =	vld [tilespmem:s6+$0x10800];
	(v2sf) =	vpush v4, $0x0  }
0x147: {  	[tilespmem:s26+$0x1D0] =	vst v2;
	v5 =	vld [tilespmem:s1+$0x10810];
	(v2sf) =	vpush v0, $0xB;
	v2 =	vshll.u32 v3, $0x5  }
0x148: {  	s4 =	rddreg [dreg:$0xa];
	v1 =	vshll.u32 v7, $0x5;
	v7 =	vld [tilespmem:s8+$0x10800];
	(v2sf) =	vpush v2, $0x0  }
0x149: {  	v50 =	vld [tilespmem:s4+$0x10800];
	v3 =	vshll.u32 v8, $0x5;
	[tilespmem:s0+$0xFFFFFD20] =	vst v9  }
0x14a: {  	s2 =	rddreg [dreg:$0x3];
	(v2sf) =	vpush v3, $0x0;
	v10 =	vld [tilespmem:s7+$0x10810]  }
0x14b: {  	v51 =	vld [tilespmem:s2+$0x10800];
	[tilespmem:s0+$0xFFFFFF20] =	vst v6;
	(v2sf) =	vpush v1, $0x0  }
0x14c: {  	[smem:$0x7E1] =	sst s3;
	[tilespmem:s0+$0x330] =	vst v5;
	v6 =	vld [tilespmem:s6+$0x10810];
	s3 =	spop (v2sf);
	(v2sf) =	vpush v3, $0x1  }
0x14d: {  	s10 =	sld [smem:$0x7EA];
	[tilespmem:s0+$0x120] =	vst v7;
	v5 =	vld [tilespmem:s3+$0x10800];
	(v2sf) =	vpush v2, $0x1  }
0x14e: {  	[tilespmem:s26+$0xFFFFFDE0] =	vst v50;
	s6 =	rddreg [dreg:$0x7];
	v7 =	vld [tilespmem:s8+$0x10810];
	(v2sf) =	vpush v1, $0x1  }
0x14f: {  	v52 =	vld [tilespmem:s6+$0x10800];
	s8 =	sld [smem:$0x7EB];
	[tilespmem:s0+$0xFFFFFD30] =	vst v10;
	(v2sf) =	vpush v3, $0x2  }
0x150: {  	[tilespmem:s26+$0xFFFFFFE0] =	vst v51;
	v53 =	vld [tilespmem:s4+$0x10810];
	(v2sf) =	vpush v2, $0x2  }
0x151: {  	[tilespmem:s0+$0xFFFFFF30] =	vst v6;
	v10 =	vld [tilespmem:s10+$0x10800];
	(v2sf) =	vpush v1, $0x2  }
0x152: {  	v6 =	vld [tilespmem:s8+$0x10800];
	[tilespmem:s0+$0x340] =	vst v5;
	(v2sf) =	vpush v3, $0x3  }
0x153: {  	s25 =	rddreg [dreg:$0x1f];
	[tilespmem:s0+$0x130] =	vst v7;
	v5 =	vld [tilespmem:s3+$0x10810];
	(v2sf) =	vpush v4, $0x1  }
0x154: {  	v7 =	vld [tilespmem:s25+$0x10800];
	[tilespmem:s26+$0x1E0] =	vst v52;
	(v2sf) =	vpush v0, $0xC  }
0x155: {  	v54 =	vld [tilespmem:s2+$0x10810];
	s31 =	spop (v2sf);
	[tilespmem:s26+$0xFFFFFDF0] =	vst v53;
	(v2sf) =	vpush v2, $0x3  }
0x156: {  	[tilespmem:s0+$0xFFFFFD40] =	vst v10;
	v55 =	vld [tilespmem:s6+$0x10810];
	s6 =	spop (v2sf);
	(v2sf) =	vpush v1, $0x3  }
0x157: {  	v56 =	vld [tilespmem:s31+$0x10800];
	[tilespmem:s0+$0xFFFFFF40] =	vst v6;
	(v2sf) =	vpush v3, $0x4;
	s11 =	spop (v2sf)  }
0x158: {  	[tilespmem:s0+$0x350] =	vst v5;
	(v2sf) =	vpush v2, $0x4;
	v6 =	vld [tilespmem:s11+$0x10800]  }
0x159: {  	s12 =	spop (v2sf);
	[tilespmem:s0+$0x140] =	vst v7;
	v5 =	vld [tilespmem:s6+$0x10800];
	(v2sf) =	vpush v1, $0x4  }
0x15a: {  	[smem:$0x7E2] =	sst s17;
	[tilespmem:s26+$0xFFFFFFF0] =	vst v54;
	v7 =	vld [tilespmem:s12+$0x10800];
	s16 =	spop (v2sf);
	(v2sf) =	vpush v3, $0x5  }
0x15b: {  	v57 =	vld [tilespmem:s16+$0x10800];
	[tilespmem:s26+$0x1F0] =	vst v55;
	s26 =	smov.u32 s0;
	s0 =	sadd.s32 $0x800, s0;
	s17 =	spop (v2sf);
	(v2sf) =	vpush v2, $0x5  }
0x15c: {  	v58 =	vld [tilespmem:s10+$0x10810];
	[tilespmem:s0+$0x200] =	vst v56;
	s9 =	spop (v2sf);
	(v2sf) =	vpush v1, $0x5  }
0x15d: {  	[smem:$0x7DD] =	sst s18;
	v10 =	vld [tilespmem:s31+$0x10810];
	(v2sf) =	vpush v3, $0x6;
	s18 =	spop (v2sf);
	[tilespmem:s0+$0xFFFFFE00] =	vst v6  }
0x15e: {  	[tilespmem:s26+$0x360] =	vst v5;
	s2 =	spop (v2sf);
	(v2sf) =	vpush v2, $0x6;
	v6 =	vld [tilespmem:s11+$0x10810]  }
0x15f: {  	[tilespmem:s0+$0xFFFFFC00] =	vst v7;
	v5 =	vld [tilespmem:s6+$0x10810];
	s15 =	spop (v2sf);
	(v2sf) =	vpush v4, $0x2  }
0x160: {  	v7 =	vld [tilespmem:s12+$0x10810];
	s12 =	spop (v2sf);
	(v2sf) =	vpush v0, $0xD  }
0x161: {  	[tilespmem:s0+$0x0] =	vst v57;
	s3 =	spop (v2sf);
	(v2sf) =	vpush v1, $0x6  }
0x162: {  	[tilespmem:s26+$0xFFFFFD50] =	vst v58;
	v8 =	vld [tilespmem:s16+$0x10810];
	(v2sf) =	vpush v3, $0x7;
	s21 =	spop (v2sf)  }
0x163: {  	s7 =	smov.u32 s30;
	v59 =	vld [tilespmem:s8+$0x10810];
	[tilespmem:s0+$0x210] =	vst v10;
	(v2sf) =	vpush v2, $0x7;
	s16 =	spop (v2sf)  }
0x164: {  	[dreg:$0xa] =	wrdreg s7;
	s4 =	smov.u32 s5;
	v10 =	vld [tilespmem:s21+$0x10800];
	[tilespmem:s0+$0xFFFFFE10] =	vst v6;
	s7 =	spop (v2sf);
	(v2sf) =	vpush v1, $0x7  }
0x165: {  	[dreg:$0x7] =	wrdreg s4;
	[tilespmem:s26+$0x370] =	vst v5;
	v6 =	vld [tilespmem:s9+$0x10800];
	(v2sf) =	vpush v3, $0x8;
	s4 =	spop (v2sf)  }
0x166: {  	[tilespmem:s0+$0xFFFFFC10] =	vst v7;
	v5 =	vld [tilespmem:s16+$0x10800];
	s10 =	spop (v2sf)  }
0x167: {  	v7 =	vld [tilespmem:s17+$0x10800];
	[tilespmem:s0+$0x10] =	vst v8;
	s5 =	spop (v2sf)  }
0x168: {  	[tilespmem:s26+$0xFFFFFF50] =	vst v59;
	(v2sf) =	vpush v2, $0x8;
	v8 =	vld [tilespmem:s18+$0x10800];
	s11 =	spop (v2sf)  }
0x169: {  	v60 =	vld [tilespmem:s25+$0x10810];
	(v2sf) =	vpush v1, $0x8;
	[tilespmem:s0+$0x220] =	vst v10;
	s6 =	spop (v2sf)  }
0x16a: {  	(v2sf) =	vpush v3, $0x9;
	v10 =	vld [tilespmem:s21+$0x10810];
	[tilespmem:s0+$0xFFFFFE20] =	vst v6;
	s8 =	spop (v2sf)  }
0x16b: {  	(v2sf) =	vpush v2, $0x9;
	[tilespmem:s26+$0x380] =	vst v5;
	v6 =	vld [tilespmem:s9+$0x10810];
	s9 =	spop (v2sf)  }
0x16c: {  	(v2sf) =	vpush v1, $0x9;
	v5 =	vld [tilespmem:s16+$0x10810];
	s25 =	spop (v2sf)  }
0x16d: {  	[tilespmem:s0+$0xFFFFFC20] =	vst v7;
	(v2sf) =	vpush v4, $0x3;
	s16 =	spop (v2sf)  }
0x16e: {  	v7 =	vld [tilespmem:s17+$0x10810];
	[tilespmem:s0+$0x20] =	vst v8;
	(v2sf) =	vpush v0, $0xE;
	s17 =	spop (v2sf)  }
0x16f: {  	v8 =	vld [tilespmem:s18+$0x10810];
	(v2sf) =	vpush v3, $0xA;
	[tilespmem:s0+$0x230] =	vst v10;
	s18 =	spop (v2sf)  }
0x170: {  	s1 =	rddreg [dreg:$0x10];
	[tilespmem:s26+$0x150] =	vst v60;
	(v2sf) =	vpush v2, $0xA;
	v10 =	vld [tilespmem:s17+$0x10800];
	s31 =	spop (v2sf)  }
0x171: {  	s28 =	smov.u32 s29;
	v61 =	vld [tilespmem:s1+$0x10800];
	(v2sf) =	vpush v1, $0xA;
	[tilespmem:s26+$0x390] =	vst v5;
	s21 =	spop (v2sf)  }
0x172: {  	[dreg:$0x3] =	wrdreg s28;
	[tilespmem:s0+$0xFFFFFE30] =	vst v6;
	(v2sf) =	vpush v3, $0xB;
	v5 =	vld [tilespmem:s18+$0x10800];
	s28 =	spop (v2sf)  }
0x173: {  	[smem:$0x7DC] =	sst s25;
	[tilespmem:s0+$0xFFFFFC30] =	vst v7;
	v6 =	vld [tilespmem:s15+$0x10800];
	(v2sf) =	vpush v2, $0xB;
	s25 =	spop (v2sf)  }
0x174: {  	v7 =	vld [tilespmem:s2+$0x10800];
	[tilespmem:s0+$0x30] =	vst v8;
	(v2sf) =	vpush v1, $0xB;
	[smem:$0x7DE] =	sst s28;
	s28 =	spop (v2sf)  }
0x175: {  	v8 =	vld [tilespmem:s12+$0x10800];
	(v2sf) =	vpush v3, $0xC;
	[tilespmem:s0+$0x240] =	vst v10;
	[smem:$0x7E4] =	sst s28  }
0x176: {  	[tilespmem:s26+$0xFFFFFD60] =	vst v61;
	(v2sf) =	vpush v2, $0xC;
	s28 =	rddreg [dreg:$0x12];
	v10 =	vld [tilespmem:s17+$0x10810]  }
0x177: {  	[smem:$0x7DF] =	sst s21;
	s21 =	spop (v2sf);
	(v2sf) =	vpush v1, $0xC;
	v62 =	vld [tilespmem:s28+$0x10800];
	[tilespmem:s26+$0x3A0] =	vst v5  }
0x178: {  	[smem:$0x7E0] =	sst s25;
	[tilespmem:s0+$0xFFFFFE40] =	vst v6;
	(v2sf) =	vpush v3, $0xD;
	s25 =	spop (v2sf);
	v5 =	vld [tilespmem:s18+$0x10810]  }
0x179: {  	[tilespmem:s0+$0xFFFFFC40] =	vst v7;
	v6 =	vld [tilespmem:s15+$0x10810];
	s17 =	spop (v2sf);
	(v2sf) =	vpush v4, $0x4  }
0x17a: {  	s29 =	rddreg [dreg:$0x1b];
	v7 =	vld [tilespmem:s2+$0x10810];
	[tilespmem:s0+$0x40] =	vst v8;
	s18 =	spop (v2sf);
	(v2sf) =	vpush v0, $0xF  }
0x17b: {  	[smem:$0x7E3] =	sst s21;
	v0 =	vmov v4;
	v4 =	vld [tilespmem:s12+$0x10810];
	(v2sf) =	vpush v2, $0xD;
	s21 =	spop (v2sf);
	[tilespmem:s0+$0x250] =	vst v10  }
0x17c: {  	v8 =	vld [tilespmem:s29+$0x10800];
	(v2sf) =	vpush v1, $0xD;
	s2 =	spop (v2sf);
	[tilespmem:s26+$0xFFFFFF60] =	vst v62  }
0x17d: {  	[smem:$0x7E5] =	sst s25;
	v63 =	vld [tilespmem:s2+$0x10800];
	(v2sf) =	vpush v3, $0xE;
	s12 =	spop (v2sf);
	[tilespmem:s26+$0x3B0] =	vst v5  }
0x17e: {  	[smem:$0x7E7] =	sst s17;
	[tilespmem:s0+$0xFFFFFE50] =	vst v6;
	s25 =	spop (v2sf);
	(v2sf) =	vpush v2, $0xE;
	v5 =	vld [tilespmem:s12+$0x10800]  }
0x17f: {  	[smem:$0x7E8] =	sst s18;
	[tilespmem:s0+$0xFFFFFC50] =	vst v7;
	v6 =	vld [tilespmem:s7+$0x10800];
	s17 =	spop (v2sf);
	(v2sf) =	vpush v1, $0xE  }
0x180: {  	[smem:$0x7E9] =	sst s21;
	v7 =	vld [tilespmem:s3+$0x10800];
	[tilespmem:s0+$0x50] =	vst v4;
	(v2sf) =	vpush v3, $0xF;
	s18 =	spop (v2sf)  }
0x181: {  	[smem:$0x7EA] =	sst s25;
	v3 =	vld [tilespmem:s4+$0x10800];
	[tilespmem:s26+$0x160] =	vst v8;
	s21 =	spop (v2sf);
	(v2sf) =	vpush v2, $0xF  }
0x182: {  	[smem:$0x7EB] =	sst s17;
	[tilespmem:s0+$0x260] =	vst v63;
	s17 =	spop (v2sf);
	(v2sf) =	vpush v1, $0xF;
	v1 =	vld [tilespmem:s1+$0x10810];
	s25 =	smov.u32 s21  }
0x183: {  	s21 =	smov.u32 s13;
	s13 =	smov.u32 s22;
	v2 =	vld [tilespmem:s2+$0x10810];
	s22 =	spop (v2sf);
	[tilespmem:s26+$0x3C0] =	vst v5  }
0x184: {  	[tilespmem:s0+$0xFFFFFE60] =	vst v6;
	s2 =	spop (v2sf);
	v4 =	vld [tilespmem:s12+$0x10810]  }
0x185: {  	[dreg:$0x1f] =	wrdreg s18;
	[tilespmem:s0+$0xFFFFFC60] =	vst v7;
	v5 =	vld [tilespmem:s7+$0x10810];
	s18 =	spop (v2sf)  }
0x186: {  	v6 =	vld [tilespmem:s3+$0x10810];
	[tilespmem:s0+$0x60] =	vst v3;
	s3 =	spop (v2sf);
	(v2sf) =	vpush v0, $0x5  }
0x187: {  	v3 =	vld [tilespmem:s4+$0x10810];
	s1 =	spop (v2sf);
	[tilespmem:s26+$0xFFFFFD70] =	vst v1  }
0x188: {  	[dreg:$0x10] =	wrdreg s25;
	s25 =	smov.u32 s23;
	v1 =	vld [tilespmem:s28+$0x10810];
	[tilespmem:s0+$0x270] =	vst v2;
	s23 =	spop (v2sf)  }
0x189: {  	s28 =	smov.u32 s24;
	v2 =	vld [tilespmem:s23+$0x10800];
	s24 =	spop (v2sf);
	[tilespmem:s26+$0x3D0] =	vst v4  }
0x18a: {  	[tilespmem:s0+$0xFFFFFE70] =	vst v5;
	v4 =	vld [tilespmem:s24+$0x10800]  }
0x18b: {  	s7 =	smov.u32 s17;
	s17 =	spop (v2sf);
	[tilespmem:s0+$0xFFFFFC70] =	vst v6;
	v5 =	vld [tilespmem:s5+$0x10800]  }
0x18c: {  	s4 =	spop (v2sf);
	v6 =	vld [tilespmem:s10+$0x10800];
	[tilespmem:s0+$0x70] =	vst v3  }
0x18d: {  	s15 =	spop (v2sf);
	v3 =	vld [tilespmem:s11+$0x10800];
	[tilespmem:s26+$0xFFFFFF70] =	vst v1  }
0x18e: {  	[dreg:$0x12] =	wrdreg s7;
	v1 =	vld [tilespmem:s29+$0x10810];
	s7 =	spop (v2sf);
	[tilespmem:s0+$0x280] =	vst v2  }
0x18f: {  	s12 =	spop (v2sf);
	v2 =	vld [tilespmem:s23+$0x10810];
	[tilespmem:s26+$0x3E0] =	vst v4  }
0x190: {  	s29 =	smov.u32 s22;
	s30 =	spop (v2sf);
	[tilespmem:s0+$0xFFFFFE80] =	vst v5;
	v4 =	vld [tilespmem:s24+$0x10810]  }
0x191: {  	[dreg:$0x1b] =	wrdreg s29;
	s29 =	spop (v2sf);
	[tilespmem:s0+$0xFFFFFC80] =	vst v6;
	v5 =	vld [tilespmem:s5+$0x10810]  }
0x192: {  	s5 =	spop (v2sf);
	v6 =	vld [tilespmem:s10+$0x10810];
	[tilespmem:s0+$0x80] =	vst v3;
	(v2sf) =	vpush v0, $0x6  }
0x193: {  	v3 =	vld [tilespmem:s11+$0x10810];
	[tilespmem:s26+$0x170] =	vst v1  }
0x194: {  	v1 =	vld [tilespmem:s13+$0x10800];
	[tilespmem:s0+$0x290] =	vst v2  }
0x195: {  	v2 =	vld [tilespmem:s25+$0x10800];
	s11 =	spop (v2sf);
	[tilespmem:s26+$0x3F0] =	vst v4  }
0x196: {  	[tilespmem:s0+$0xFFFFFE90] =	vst v5;
	v4 =	vld [tilespmem:s11+$0x10800]  }
0x197: {  	[tilespmem:s0+$0xFFFFFC90] =	vst v6;
	v5 =	vld [tilespmem:s8+$0x10800]  }
0x198: {  	v6 =	vld [tilespmem:s6+$0x10800];
	[tilespmem:s0+$0x90] =	vst v3  }
0x199: {  	[tilespmem:s26+$0xFFFFFD80] =	vst v1;
	v3 =	vld [tilespmem:s9+$0x10800]  }
0x19a: {  	v1 =	vld [tilespmem:s28+$0x10800];
	[tilespmem:s26+$0xFFFFFF80] =	vst v2  }
0x19b: {  	v2 =	vld [tilespmem:s13+$0x10810];
	[tilespmem:s0+$0x2A0] =	vst v4  }
0x19c: {  	[tilespmem:s0+$0xFFFFFEA0] =	vst v5;
	v4 =	vld [tilespmem:s11+$0x10810]  }
0x19d: {  	[tilespmem:s0+$0xFFFFFCA0] =	vst v6;
	v5 =	vld [tilespmem:s8+$0x10810]  }
0x19e: {  	(v2sf) =	vpush v0, $0x7;
	v6 =	vld [tilespmem:s6+$0x10810];
	[tilespmem:s0+$0xA0] =	vst v3  }
0x19f: {  	v3 =	vld [tilespmem:s9+$0x10810];
	[tilespmem:s26+$0x180] =	vst v1  }
0x1a0: {  	[tilespmem:s26+$0xFFFFFD90] =	vst v2;
	v1 =	vld [tilespmem:s25+$0x10810]  }
0x1a1: {  	s23 =	smov.u32 s18;
	s18 =	sld [smem:$0x7DC];
	v2 =	vld [tilespmem:s28+$0x10810];
	s13 =	spop (v2sf);
	[tilespmem:s0+$0x2B0] =	vst v4  }
0x1a2: {  	[tilespmem:s0+$0xFFFFFEB0] =	vst v5;
	v4 =	vld [tilespmem:s13+$0x10800]  }
0x1a3: {  	s25 =	sld [smem:$0x7DD];
	[tilespmem:s0+$0xFFFFFCB0] =	vst v6;
	v5 =	vld [tilespmem:s16+$0x10800]  }
0x1a4: {  	v6 =	vld [tilespmem:s18+$0x10800];
	[tilespmem:s0+$0xB0] =	vst v3  }
0x1a5: {  	[tilespmem:s26+$0xFFFFFF90] =	vst v1;
	v3 =	vld [tilespmem:s31+$0x10800]  }
0x1a6: {  	v1 =	vld [tilespmem:s25+$0x10800];
	[tilespmem:s26+$0x190] =	vst v2  }
0x1a7: {  	v2 =	vld [tilespmem:s21+$0x10800];
	[tilespmem:s0+$0x2C0] =	vst v4  }
0x1a8: {  	[tilespmem:s0+$0xFFFFFEC0] =	vst v5;
	v4 =	vld [tilespmem:s13+$0x10810]  }
0x1a9: {  	[tilespmem:s0+$0xFFFFFCC0] =	vst v6;
	v5 =	vld [tilespmem:s16+$0x10810]  }
0x1aa: {  	(v2sf) =	vpush v0, $0x8;
	v6 =	vld [tilespmem:s18+$0x10810];
	[tilespmem:s0+$0xC0] =	vst v3  }
0x1ab: {  	s6 =	sld [smem:$0x7DE];
	[tilespmem:s26+$0xFFFFFDA0] =	vst v1;
	v3 =	vld [tilespmem:s31+$0x10810]  }
0x1ac: {  	s28 =	rddreg [dreg:$0x13];
	[tilespmem:s26+$0xFFFFFFA0] =	vst v2;
	v2 =	vld [tilespmem:s25+$0x10810]  }
0x1ad: {  	s8 =	sld [smem:$0x7DF];
	v1 =	vld [tilespmem:s28+$0x10800];
	s31 =	spop (v2sf);
	[tilespmem:s0+$0x2D0] =	vst v4  }
0x1ae: {  	s10 =	sld [smem:$0x7E0];
	[tilespmem:s0+$0xFFFFFED0] =	vst v5;
	v4 =	vld [tilespmem:s31+$0x10800]  }
0x1af: {  	[tilespmem:s0+$0xFFFFFCD0] =	vst v6;
	v5 =	vld [tilespmem:s6+$0x10800]  }
0x1b0: {  	v6 =	vld [tilespmem:s8+$0x10800];
	[tilespmem:s0+$0xD0] =	vst v3  }
0x1b1: {  	[tilespmem:s26+$0xFFFFFDB0] =	vst v2;
	v3 =	vld [tilespmem:s10+$0x10800]  }
0x1b2: {  	[tilespmem:s26+$0x1A0] =	vst v1;
	v1 =	vld [tilespmem:s21+$0x10810]  }
0x1b3: {  	v2 =	vld [tilespmem:s28+$0x10810];
	[tilespmem:s0+$0x2E0] =	vst v4  }
0x1b4: {  	[tilespmem:s0+$0xFFFFFEE0] =	vst v5;
	v4 =	vld [tilespmem:s31+$0x10810]  }
0x1b5: {  	s16 =	sld [smem:$0x7E1];
	[tilespmem:s0+$0xFFFFFCE0] =	vst v6;
	v5 =	vld [tilespmem:s6+$0x10810]  }
0x1b6: {  	(v2sf) =	vpush v0, $0x9;
	s21 =	sld [smem:$0x7E2];
	v6 =	vld [tilespmem:s8+$0x10810];
	[tilespmem:s0+$0xE0] =	vst v3  }
0x1b7: {  	[tilespmem:s26+$0xFFFFFFB0] =	vst v1;
	v3 =	vld [tilespmem:s10+$0x10810]  }
0x1b8: {  	s25 =	sld [smem:$0x7E3];
	v1 =	vld [tilespmem:s16+$0x10800];
	[tilespmem:s26+$0x1B0] =	vst v2  }
0x1b9: {  	s13 =	smov.u32 s17;
	s17 =	spop (v2sf);
	s28 =	sld [smem:$0x7E4];
	v2 =	vld [tilespmem:s21+$0x10800];
	[tilespmem:s0+$0x2F0] =	vst v4  }
0x1ba: {  	s31 =	sld [smem:$0x7E5];
	[tilespmem:s0+$0xFFFFFEF0] =	vst v5;
	v4 =	vld [tilespmem:s17+$0x10800]  }
0x1bb: {  	[tilespmem:s0+$0xFFFFFCF0] =	vst v6;
	v5 =	vld [tilespmem:s25+$0x10800]  }
0x1bc: {  	v6 =	vld [tilespmem:s28+$0x10800];
	[tilespmem:s0+$0xF0] =	vst v3  }
0x1bd: {  	[tilespmem:s26+$0xFFFFFDC0] =	vst v1;
	v7 =	vld [tilespmem:s31+$0x10800]  }
0x1be: {  	[tilespmem:s26+$0xFFFFFFC0] =	vst v2;
	v2 =	vld [tilespmem:s16+$0x10810]  }
0x1bf: {  	v1 =	vld [tilespmem:s20+$0x10800];
	[tilespmem:s0+$0x300] =	vst v4  }
0x1c0: {  	s19 =	sadd.s32 $0x4, s19;
	[tilespmem:s0+$0xFFFFFF00] =	vst v5;
	v5 =	vld [tilespmem:s17+$0x10810]  }
0x1c1: {  	p0 =	slt.u32 s19, $0x3C;
	[tilespmem:s0+$0xFFFFFD00] =	vst v6;
	v6 =	vld [tilespmem:s25+$0x10810]  }
.Ltmp0:
0x1c2: {  	v3 =	vld [tilespmem:s28+$0x10810];
	[tilespmem:s0+$0x100] =	vst v7;
	(pc) =	sbr.rel @p0 .LBB2_2-.Ltmp0, $4  }
0x1c3: {  	s14 =	sadd.s32 $0x40, s14;
	[tilespmem:s26+$0xFFFFFDD0] =	vst v2;
	v4 =	vld [tilespmem:s31+$0x10810]  }
0x1c4: {  	s22 =	smov.u32 s2;
	s24 =	smov.u32 s3;
	s3 =	smov.u32 s15;
	[tilespmem:s26+$0x1C0] =	vst v1;
	v1 =	vld [tilespmem:s21+$0x10810]  }
0x1c5: {  	s11 =	smov.u32 s4;
	s18 =	smov.u32 s1;
	s1 =	spop (v2sf);
	v2 =	vld [tilespmem:s20+$0x10810];
	[tilespmem:s0+$0x310] =	vst v5  }
0x1c6: {  	[dreg:$0x13] =	wrdreg s11;
	(v2sf) =	vpush v0, $0xA;
	s17 =	smov.u32 s7;
	s20 =	smov.u32 s12;
	[tilespmem:s0+$0xFFFFFF10] =	vst v6;
	v5 =	vld [tilespmem:s1+$0x10800]  }
0x1c7: {  	[tilespmem:s0+$0xFFFFFD10] =	vst v3  }
0x1c8: {  	s4 =	sld [smem:$0x7E7];
	[tilespmem:s0+$0x110] =	vst v4  }
0x1c9: {  	s2 =	sld [smem:$0x7E8];
	_ =	sdelay $0x1  }
0x1ca: {  	v3 =	vld [tilespmem:s4+$0x10800]  }
0x1cb: {  	s6 =	sld [smem:$0x7E9];
	v4 =	vld [tilespmem:s2+$0x10800];
	_ =	sdelay $0x2  }
0x1cc: {  	[tilespmem:s0+$0x320] =	vst v5;
	v6 =	vld [tilespmem:s6+$0x10800]  }
0x1cd: {  	v5 =	vld [tilespmem:s1+$0x10810];
	[tilespmem:s0+$0xFFFFFD20] =	vst v3  }
0x1ce: {  	v3 =	vld [tilespmem:s4+$0x10810];
	[tilespmem:s0+$0xFFFFFF20] =	vst v4  }
0x1cf: {  	v4 =	vld [tilespmem:s2+$0x10810];
	_ =	sdelay $0x1  }
0x1d0: {  	[tilespmem:s0+$0x120] =	vst v6  }
0x1d1: {  	[tilespmem:s0+$0x330] =	vst v5;
	v6 =	vld [tilespmem:s6+$0x10810]  }
0x1d2: {  	[tilespmem:s0+$0xFFFFFD30] =	vst v3  }
0x1d3: {  	(v2sf) =	vpush v0, $0xB;
	s8 =	sld [smem:$0x7EA];
	[tilespmem:s0+$0xFFFFFF30] =	vst v4  }
0x1d4: {  	s7 =	spop (v2sf);
	s9 =	sld [smem:$0x7EB]  }
0x1d5: {  	v5 =	vld [tilespmem:s7+$0x10800]  }
0x1d6: {  	[tilespmem:s0+$0x130] =	vst v6;
	v3 =	vld [tilespmem:s8+$0x10800]  }
0x1d7: {  	s10 =	rddreg [dreg:$0x1f];
	v4 =	vld [tilespmem:s9+$0x10800]  }
0x1d8: {  	v6 =	vld [tilespmem:s10+$0x10800];
	_ =	sdelay $0x1  }
0x1d9: {  	[tilespmem:s0+$0x340] =	vst v5  }
0x1da: {  	v5 =	vld [tilespmem:s7+$0x10810];
	[tilespmem:s0+$0xFFFFFD40] =	vst v3  }
0x1db: {  	[tilespmem:s0+$0xFFFFFF40] =	vst v4;
	v3 =	vld [tilespmem:s8+$0x10810]  }
0x1dc: {  	[tilespmem:s0+$0x140] =	vst v6;
	v4 =	vld [tilespmem:s9+$0x10810]  }
0x1dd: {  	v6 =	vld [tilespmem:s10+$0x10810]  }
0x1de: {  	(v2sf) =	vpush v0, $0xC  }
0x1df: {  	[tilespmem:s0+$0x350] =	vst v5  }
0x1e0: {  	[tilespmem:s0+$0xFFFFFD50] =	vst v3  }
0x1e1: {  	s11 =	spop (v2sf);
	[tilespmem:s0+$0xFFFFFF50] =	vst v4  }
0x1e2: {  	v5 =	vld [tilespmem:s11+$0x10800];
	s12 =	rddreg [dreg:$0x10];
	[tilespmem:s0+$0x150] =	vst v6  }
0x1e3: {  	v3 =	vld [tilespmem:s12+$0x10800];
	s14 =	rddreg [dreg:$0x12]  }
0x1e4: {  	s15 =	rddreg [dreg:$0x1b];
	v4 =	vld [tilespmem:s14+$0x10800]  }
0x1e5: {  	v6 =	vld [tilespmem:s15+$0x10800];
	_ =	sdelay $0x1  }
0x1e6: {  	[tilespmem:s0+$0x360] =	vst v5  }
0x1e7: {  	v5 =	vld [tilespmem:s11+$0x10810];
	[tilespmem:s0+$0xFFFFFD60] =	vst v3  }
0x1e8: {  	[tilespmem:s0+$0xFFFFFF60] =	vst v4;
	v3 =	vld [tilespmem:s12+$0x10810]  }
0x1e9: {  	[tilespmem:s0+$0x160] =	vst v6;
	v4 =	vld [tilespmem:s14+$0x10810]  }
0x1ea: {  	(v2sf) =	vpush v0, $0xD;
	v6 =	vld [tilespmem:s15+$0x10810];
	_ =	sdelay $0x1  }
0x1eb: {  	s16 =	spop (v2sf);
	[tilespmem:s0+$0x370] =	vst v5  }
0x1ec: {  	v5 =	vld [tilespmem:s16+$0x10800];
	[tilespmem:s0+$0xFFFFFD70] =	vst v3  }
0x1ed: {  	[tilespmem:s0+$0xFFFFFF70] =	vst v4;
	v3 =	vld [tilespmem:s22+$0x10800]  }
0x1ee: {  	[tilespmem:s0+$0x170] =	vst v6;
	v4 =	vld [tilespmem:s23+$0x10800]  }
0x1ef: {  	v6 =	vld [tilespmem:s24+$0x10800];
	_ =	sdelay $0x1  }
0x1f0: {  	[tilespmem:s0+$0x380] =	vst v5  }
0x1f1: {  	v5 =	vld [tilespmem:s16+$0x10810];
	[tilespmem:s0+$0xFFFFFD80] =	vst v3  }
0x1f2: {  	[tilespmem:s0+$0xFFFFFF80] =	vst v4;
	v3 =	vld [tilespmem:s22+$0x10810]  }
0x1f3: {  	[tilespmem:s0+$0x180] =	vst v6;
	v4 =	vld [tilespmem:s23+$0x10810]  }
0x1f4: {  	(v2sf) =	vpush v0, $0xE;
	v6 =	vld [tilespmem:s24+$0x10810];
	_ =	sdelay $0x1  }
0x1f5: {  	[tilespmem:s0+$0x390] =	vst v5  }
0x1f6: {  	s19 =	spop (v2sf);
	[tilespmem:s0+$0xFFFFFD90] =	vst v3  }
0x1f7: {  	v5 =	vld [tilespmem:s19+$0x10800];
	[tilespmem:s0+$0xFFFFFF90] =	vst v4  }
0x1f8: {  	v3 =	vld [tilespmem:s18+$0x10800];
	[tilespmem:s0+$0x190] =	vst v6  }
0x1f9: {  	v4 =	vld [tilespmem:s13+$0x10800];
	s21 =	rddreg [dreg:$0x13]  }
0x1fa: {  	v6 =	vld [tilespmem:s21+$0x10800];
	_ =	sdelay $0x1  }
0x1fb: {  	[tilespmem:s0+$0x3A0] =	vst v5  }
0x1fc: {  	v5 =	vld [tilespmem:s19+$0x10810];
	[tilespmem:s0+$0xFFFFFDA0] =	vst v3  }
0x1fd: {  	[tilespmem:s0+$0xFFFFFFA0] =	vst v4;
	v3 =	vld [tilespmem:s18+$0x10810]  }
0x1fe: {  	(v2sf) =	vpush v0, $0xF;
	[tilespmem:s0+$0x1A0] =	vst v6;
	v0 =	vld [tilespmem:s13+$0x10810]  }
0x1ff: {  	[tilespmem:s26+$0xFFFFFFD0] =	vst v1;
	v4 =	vld [tilespmem:s21+$0x10810]  }
0x200: {  	[tilespmem:s26+$0x1D0] =	vst v2  }
0x201: {  	s22 =	spop (v2sf);
	[tilespmem:s0+$0x3B0] =	vst v5  }
0x202: {  	v5 =	vld [tilespmem:s22+$0x10800];
	[tilespmem:s0+$0xFFFFFDB0] =	vst v3  }
0x203: {  	[tilespmem:s0+$0xFFFFFFB0] =	vst v0;
	v0 =	vld [tilespmem:s3+$0x10800]  }
0x204: {  	[tilespmem:s0+$0x1B0] =	vst v4;
	v3 =	vld [tilespmem:s17+$0x10800]  }
0x205: {  	v1 =	vld [tilespmem:s20+$0x10800];
	s23 =	rddreg [dreg:$0xa]  }
0x206: {  	s24 =	rddreg [dreg:$0x3];
	v2 =	vld [tilespmem:s23+$0x10800]  }
0x207: {  	[tilespmem:s0+$0x3C0] =	vst v5;
	v4 =	vld [tilespmem:s24+$0x10800]  }
0x208: {  	[tilespmem:s0+$0xFFFFFDC0] =	vst v0  }
0x209: {  	v5 =	vld [tilespmem:s22+$0x10810];
	[tilespmem:s0+$0xFFFFFFC0] =	vst v3  }
0x20a: {  	v0 =	vld [tilespmem:s3+$0x10810];
	[tilespmem:s0+$0x1C0] =	vst v1  }
0x20b: {  	v1 =	vld [tilespmem:s17+$0x10810];
	[tilespmem:s26+$0xFFFFFDE0] =	vst v2  }
0x20c: {  	v2 =	vld [tilespmem:s20+$0x10810];
	[tilespmem:s26+$0xFFFFFFE0] =	vst v4  }
0x20d: {  	s25 =	rddreg [dreg:$0x7];
	v4 =	vld [tilespmem:s23+$0x10810]  }
0x20e: {  	s31 =	spop (v2sf);
	[tilespmem:s0+$0x3D0] =	vst v5;
	v3 =	vld [tilespmem:s25+$0x10800]  }
0x20f: {  	v5 =	vld [tilespmem:s31+$0x10800];
	[tilespmem:s0+$0xFFFFFDD0] =	vst v0  }
0x210: {  	[tilespmem:s0+$0xFFFFFFD0] =	vst v1;
	v0 =	vld [tilespmem:s30+$0x10800]  }
0x211: {  	[tilespmem:s0+$0x1D0] =	vst v2;
	v1 =	vld [tilespmem:s29+$0x10800]  }
0x212: {  	v2 =	vld [tilespmem:s5+$0x10800];
	[tilespmem:s26+$0xFFFFFDF0] =	vst v4  }
0x213: {  	[tilespmem:s26+$0x1E0] =	vst v3;
	v3 =	vld [tilespmem:s24+$0x10810]  }
0x214: {  	[tilespmem:s0+$0x3E0] =	vst v5;
	v4 =	vld [tilespmem:s25+$0x10810]  }
0x215: {  	v5 =	vld [tilespmem:s31+$0x10810];
	[tilespmem:s0+$0xFFFFFDE0] =	vst v0  }
0x216: {  	[tilespmem:s0+$0xFFFFFFE0] =	vst v1;
	v0 =	vld [tilespmem:s30+$0x10810]  }
0x217: {  	[tilespmem:s0+$0x1E0] =	vst v2;
	v1 =	vld [tilespmem:s29+$0x10810]  }
0x218: {  	[tilespmem:s26+$0xFFFFFFF0] =	vst v3;
	v2 =	vld [tilespmem:s5+$0x10810]  }
0x219: {  	[tilespmem:s26+$0x1F0] =	vst v4  }
0x21a: {  	[tilespmem:s0+$0x3F0] =	vst v5  }
0x21b: {  	[tilespmem:s0+$0xFFFFFDF0] =	vst v0  }
0x21c: {  	[tilespmem:s0+$0xFFFFFFF0] =	vst v1  }
0x21d: {  	[tilespmem:s0+$0x1F0] =	vst v2  }
0x21e: {  	s3 =	sld [smem:$0x7F5];
	_ =	sdelay $0x1  }
0x21f: {  	s2 =	simm.s32 $0x0;
	s4 =	sld [smem:$0x7F6]  }
0x220: {  	[tilespmem:s2], [sflag:$0x3] =	stream.linear.gather [hbm4b:s3+s2], $0x400, $0x38;
	[tilespmem:$0x18500] =	vst v63  }
0x221: {  	s6 =	simm.s32 $0x4;
	s5 =	simm.s32 $0x800  }
0x222: {  	[hbm4b:s4+s2] =	stream.linear.scatter [tilespmem:s5], [sflag:$0x1], $0x8000, $0x38;
	[tilespmem:$0x18500] =	vst v63  }
0x223: {  	_ =	swait.ge [sflag:s6], $0x400  }
0x224: {  	[sflag:s6] =	ssyncset.done $0x0  }
0x225: {  	s7 =	simm.s32 $0x430;
	[sflag:s6] =	ssyncadd.s32 $0xFFFFFC00  }
0x226: {  	v0 =	vld [tilespmem:s7+$0x0];
	_ =	sdelay $0x1  }
0x227: {  	v2 =	vld [tilespmem:s7+$0xFFFFFFE0]  }
0x228: {  	v3 =	vld [tilespmem:s7+$0xFFFFFFD0]  }
0x229: {  	v4 =	vld [tilespmem:s7+$0xFFFFFFF0]  }
0x22a: {  	v1 =	vshll.u32 v0, $0x5  }
0x22b: {  	(v2sf) =	vpush v1, $0x0  }
0x22c: {  	v0 =	vshll.u32 v2, $0x5  }
0x22d: {  	v3 =	vshll.u32 v3, $0x5;
	(v2sf) =	vpush v0, $0x0  }
0x22e: {  	v2 =	vshll.u32 v4, $0x5;
	(v2sf) =	vpush v3, $0x0  }
0x22f: {  	(v2sf) =	vpush v2, $0x0  }
0x230: {  	(v2sf) =	vpush v3, $0x1  }
0x231: {  	(v2sf) =	vpush v0, $0x1  }
0x232: {  	(v2sf) =	vpush v2, $0x1  }
0x233: {  	(v2sf) =	vpush v3, $0x2  }
0x234: {  	(v2sf) =	vpush v0, $0x2  }
0x235: {  	(v2sf) =	vpush v2, $0x2  }
0x236: {  	(v2sf) =	vpush v3, $0x3  }
0x237: {  	(v2sf) =	vpush v1, $0x1  }
0x238: {  	(v2sf) =	vpush v0, $0x3  }
0x239: {  	(v2sf) =	vpush v2, $0x3  }
0x23a: {  	(v2sf) =	vpush v3, $0x4;
	s8 =	spop (v2sf)  }
0x23b: {  	v4 =	vld [tilespmem:s8+$0x10800]  }
0x23c: {  	(v2sf) =	vpush v0, $0x4;
	s9 =	spop (v2sf)  }
0x23d: {  	s10 =	spop (v2sf);
	(v2sf) =	vpush v2, $0x4  }
0x23e: {  	v5 =	vld [tilespmem:s9+$0x10800];
	(v2sf) =	vpush v3, $0x5;
	s11 =	spop (v2sf)  }
0x23f: {  	s26 =	simm.s32 $0x8FF0;
	s12 =	spop (v2sf);
	(v2sf) =	vpush v0, $0x5  }
0x240: {  	v6 =	vld [tilespmem:s10+$0x10800];
	s7 =	spop (v2sf);
	(v2sf) =	vpush v2, $0x5;
	[tilespmem:s26+$0xFFFFFE10] =	vst v4  }
0x241: {  	(v2sf) =	vpush v3, $0x6;
	v4 =	vld [tilespmem:s8+$0x10810];
	s8 =	spop (v2sf)  }
0x242: {  	s13 =	spop (v2sf);
	(v2sf) =	vpush v0, $0x6  }
0x243: {  	v7 =	vld [tilespmem:s11+$0x10800];
	[tilespmem:s26+$0xFFFFFA10] =	vst v5;
	s14 =	spop (v2sf);
	(v2sf) =	vpush v1, $0x2  }
0x244: {  	v5 =	vld [tilespmem:s9+$0x10810];
	s19 =	spop (v2sf);
	(v2sf) =	vpush v2, $0x6  }
0x245: {  	[tilespmem:s26+$0xFFFFF810] =	vst v6;
	s28 =	spop (v2sf);
	(v2sf) =	vpush v3, $0x7  }
0x246: {  	v6 =	vld [tilespmem:s10+$0x10810];
	[tilespmem:s26+$0xFFFFFE20] =	vst v4;
	s9 =	spop (v2sf);
	(v2sf) =	vpush v0, $0x7  }
0x247: {  	v4 =	vld [tilespmem:s9+$0x10800];
	s30 =	spop (v2sf);
	(v2sf) =	vpush v2, $0x7  }
0x248: {  	[tilespmem:s26+$0xFFFFFC10] =	vst v7;
	(v2sf) =	vpush v3, $0x8;
	s29 =	spop (v2sf)  }
0x249: {  	v7 =	vld [tilespmem:s11+$0x10810];
	[tilespmem:s26+$0xFFFFFA20] =	vst v5;
	s1 =	spop (v2sf);
	(v2sf) =	vpush v0, $0x8  }
0x24a: {  	v5 =	vld [tilespmem:s7+$0x10800]  }
0x24b: {  	[tilespmem:s26+$0xFFFFF820] =	vst v6;
	s3 =	spop (v2sf);
	(v2sf) =	vpush v2, $0x8  }
0x24c: {  	v6 =	vld [tilespmem:s12+$0x10800];
	(v2sf) =	vpush v3, $0x9;
	s4 =	spop (v2sf);
	[tilespmem:s26+$0xFFFFFE30] =	vst v4  }
0x24d: {  	s22 =	spop (v2sf);
	(v2sf) =	vpush v0, $0x9;
	v4 =	vld [tilespmem:s9+$0x10810]  }
0x24e: {  	[tilespmem:s26+$0xFFFFFC20] =	vst v7;
	s24 =	spop (v2sf);
	(v2sf) =	vpush v2, $0x9  }
0x24f: {  	v7 =	vld [tilespmem:s8+$0x10800];
	[tilespmem:s26+$0xFFFFFA30] =	vst v5;
	s23 =	spop (v2sf);
	(v2sf) =	vpush v1, $0x3  }
0x250: {  	v5 =	vld [tilespmem:s7+$0x10810];
	s15 =	spop (v2sf);
	(v2sf) =	vpush v3, $0xA  }
0x251: {  	[tilespmem:s26+$0xFFFFF830] =	vst v6;
	(v2sf) =	vpush v0, $0xA;
	s17 =	spop (v2sf)  }
0x252: {  	v6 =	vld [tilespmem:s12+$0x10810];
	(v2sf) =	vpush v2, $0xA;
	[tilespmem:s26+$0xFFFFFE40] =	vst v4;
	s20 =	spop (v2sf)  }
0x253: {  	(v2sf) =	vpush v3, $0xB;
	v4 =	vld [tilespmem:s20+$0x10800];
	s18 =	spop (v2sf)  }
0x254: {  	[tilespmem:s26+$0xFFFFFC30] =	vst v7;
	(v2sf) =	vpush v0, $0xB;
	s5 =	spop (v2sf)  }
0x255: {  	v7 =	vld [tilespmem:s8+$0x10810];
	[tilespmem:s26+$0xFFFFFA40] =	vst v5;
	(v2sf) =	vpush v2, $0xB;
	s16 =	spop (v2sf)  }
0x256: {  	v5 =	vld [tilespmem:s14+$0x10800];
	(v2sf) =	vpush v3, $0xC;
	s12 =	spop (v2sf)  }
0x257: {  	[tilespmem:s26+$0xFFFFF840] =	vst v6;
	(v2sf) =	vpush v0, $0xC;
	s9 =	spop (v2sf)  }
0x258: {  	v6 =	vld [tilespmem:s13+$0x10800];
	[tilespmem:s26+$0xFFFFFE50] =	vst v4;
	s11 =	spop (v2sf);
	(v2sf) =	vpush v2, $0xC  }
0x259: {  	v4 =	vld [tilespmem:s20+$0x10810]  }
0x25a: {  	[tilespmem:s26+$0xFFFFFC40] =	vst v7;
	(v2sf) =	vpush v3, $0xD;
	s10 =	spop (v2sf)  }
0x25b: {  	v7 =	vld [tilespmem:s19+$0x10800];
	[tilespmem:s26+$0xFFFFFA50] =	vst v5;
	s0 =	spop (v2sf)  }
0x25c: {  	v5 =	vld [tilespmem:s14+$0x10810];
	s7 =	spop (v2sf)  }
0x25d: {  	[tilespmem:s26+$0xFFFFF850] =	vst v6;
	(v2sf) =	vpush v1, $0x4;
	s8 =	spop (v2sf)  }
0x25e: {  	v6 =	vld [tilespmem:s13+$0x10810];
	s21 =	spop (v2sf);
	[tilespmem:s26+$0xFFFFFE60] =	vst v4  }
0x25f: {  	(v2sf) =	vpush v0, $0xD;
	s6 =	spop (v2sf);
	v4 =	vld [tilespmem:s21+$0x10800]  }
0x260: {  	[tilespmem:s26+$0xFFFFFC50] =	vst v7;
	s2 =	spop (v2sf)  }
0x261: {  	v7 =	vld [tilespmem:s19+$0x10810];
	(v2sf) =	vpush v2, $0xD;
	[tilespmem:s26+$0xFFFFFA60] =	vst v5;
	s25 =	spop (v2sf)  }
0x262: {  	(v2sf) =	vpush v3, $0xE;
	v5 =	vld [tilespmem:s30+$0x10800];
	s20 =	spop (v2sf)  }
0x263: {  	(v2sf) =	vpush v0, $0xE;
	[tilespmem:s26+$0xFFFFF860] =	vst v6;
	s14 =	spop (v2sf)  }
0x264: {  	(v2sf) =	vpush v2, $0xE;
	v6 =	vld [tilespmem:s28+$0x10800];
	s19 =	spop (v2sf);
	[tilespmem:s26+$0xFFFFFE70] =	vst v4  }
0x265: {  	(v2sf) =	vpush v3, $0xF;
	v3 =	vld [tilespmem:s21+$0x10810];
	s21 =	spop (v2sf)  }
0x266: {  	[tilespmem:s26+$0xFFFFFC60] =	vst v7;
	s31 =	spop (v2sf)  }
0x267: {  	[tilespmem:s26+$0xFFFFFA70] =	vst v5;
	s13 =	spop (v2sf)  }
0x268: {  	(v2sf) =	vpush v0, $0xF;
	v0 =	vld [tilespmem:s29+$0x10800];
	[smem:$0x7D5] =	sst s13  }
0x269: {  	(v2sf) =	vpush v2, $0xF;
	v2 =	vld [tilespmem:s30+$0x10810];
	[tilespmem:s26+$0xFFFFF870] =	vst v6;
	s30 =	spop (v2sf)  }
0x26a: {  	[smem:$0x7D6] =	sst s30  }
0x26b: {  	v4 =	vld [tilespmem:s28+$0x10810]  }
0x26c: {  	s30 =	spop (v2sf);
	[tilespmem:s26+$0xFFFFFE80] =	vst v3  }
0x26d: {  	(v2sf) =	vpush v1, $0x5;
	v3 =	vld [tilespmem:s30+$0x10800];
	[tilespmem:s26+$0xFFFFFC70] =	vst v0  }
0x26e: {  	s28 =	spop (v2sf);
	[tilespmem:s26+$0xFFFFFA80] =	vst v2  }
0x26f: {  	v0 =	vld [tilespmem:s29+$0x10810];
	[smem:$0x7D7] =	sst s28  }
0x270: {  	s28 =	spop (v2sf);
	[tilespmem:s26+$0xFFFFF880] =	vst v4  }
0x271: {  	v2 =	vld [tilespmem:s3+$0x10800];
	[smem:$0x7D8] =	sst s28  }
0x272: {  	s28 =	spop (v2sf);
	[tilespmem:s26+$0xFFFFFE90] =	vst v3  }
0x273: {  	v4 =	vld [tilespmem:s1+$0x10800];
	[smem:$0x7D9] =	sst s28  }
0x274: {  	v3 =	vld [tilespmem:s30+$0x10810];
	s30 =	spop (v2sf)  }
0x275: {  	[smem:$0x7DA] =	sst s30  }
0x276: {  	s30 =	spop (v2sf);
	[tilespmem:s26+$0xFFFFFC80] =	vst v0  }
0x277: {  	[smem:$0x7DB] =	sst s30;
	s30 =	spop (v2sf)  }
0x278: {  	v0 =	vld [tilespmem:s4+$0x10800];
	[dreg:$0xb] =	wrdreg s30  }
0x279: {  	s30 =	spop (v2sf);
	[tilespmem:s26+$0xFFFFFA90] =	vst v2  }
0x27a: {  	(v2sf) =	vpush v1, $0x6;
	[dreg:$0x5] =	wrdreg s30  }
0x27b: {  	s30 =	spop (v2sf);
	[tilespmem:s26+$0xFFFFF890] =	vst v4  }
0x27c: {  	v2 =	vld [tilespmem:s3+$0x10810];
	[dreg:$0x8] =	wrdreg s30  }
0x27d: {  	s13 =	spop (v2sf);
	v4 =	vld [tilespmem:s1+$0x10810];
	[tilespmem:s26+$0xFFFFFEA0] =	vst v3  }
0x27e: {  	[tilespmem:s26+$0xFFFFFC90] =	vst v0;
	v3 =	vld [tilespmem:s13+$0x10800]  }
0x27f: {  	v0 =	vld [tilespmem:s4+$0x10810];
	_ =	sdelay $0x1  }
0x280: {  	[tilespmem:s26+$0xFFFFFAA0] =	vst v2  }
0x281: {  	v2 =	vld [tilespmem:s24+$0x10800];
	[tilespmem:s26+$0xFFFFF8A0] =	vst v4  }
0x282: {  	v4 =	vld [tilespmem:s22+$0x10800];
	[tilespmem:s26+$0xFFFFFEB0] =	vst v3  }
0x283: {  	[tilespmem:s26+$0xFFFFFCA0] =	vst v0;
	v3 =	vld [tilespmem:s13+$0x10810]  }
0x284: {  	v0 =	vld [tilespmem:s23+$0x10800]  }
0x285: {  	(v2sf) =	vpush v1, $0x7  }
0x286: {  	[tilespmem:s26+$0xFFFFFAB0] =	vst v2  }
0x287: {  	v2 =	vld [tilespmem:s24+$0x10810];
	[tilespmem:s26+$0xFFFFF8B0] =	vst v4  }
0x288: {  	v4 =	vld [tilespmem:s22+$0x10810];
	[tilespmem:s26+$0xFFFFFEC0] =	vst v3;
	s22 =	spop (v2sf)  }
0x289: {  	[tilespmem:s26+$0xFFFFFCB0] =	vst v0;
	v3 =	vld [tilespmem:s22+$0x10800]  }
0x28a: {  	v0 =	vld [tilespmem:s23+$0x10810];
	_ =	sdelay $0x2  }
0x28b: {  	[tilespmem:s26+$0xFFFFFAC0] =	vst v2  }
0x28c: {  	v2 =	vld [tilespmem:s17+$0x10800];
	[tilespmem:s26+$0xFFFFFED0] =	vst v3  }
0x28d: {  	[tilespmem:s26+$0xFFFFFCC0] =	vst v0;
	v3 =	vld [tilespmem:s22+$0x10810]  }
0x28e: {  	[tilespmem:s26+$0xFFFFF8C0] =	vst v4;
	v0 =	vld [tilespmem:s18+$0x10800]  }
0x28f: {  	(v2sf) =	vpush v1, $0x8;
	v4 =	vld [tilespmem:s15+$0x10800];
	_ =	sdelay $0x1  }
0x290: {  	[tilespmem:s26+$0xFFFFFAD0] =	vst v2  }
0x291: {  	s23 =	spop (v2sf);
	v2 =	vld [tilespmem:s17+$0x10810];
	[tilespmem:s26+$0xFFFFFEE0] =	vst v3  }
0x292: {  	[tilespmem:s26+$0xFFFFFCD0] =	vst v0;
	v3 =	vld [tilespmem:s23+$0x10800]  }
0x293: {  	[tilespmem:s26+$0xFFFFF8D0] =	vst v4;
	v0 =	vld [tilespmem:s18+$0x10810]  }
0x294: {  	v4 =	vld [tilespmem:s15+$0x10810];
	_ =	sdelay $0x1  }
0x295: {  	[tilespmem:s26+$0xFFFFFAE0] =	vst v2  }
0x296: {  	v2 =	vld [tilespmem:s16+$0x10800];
	[tilespmem:s26+$0xFFFFFEF0] =	vst v3  }
0x297: {  	[tilespmem:s26+$0xFFFFFCE0] =	vst v0;
	v3 =	vld [tilespmem:s23+$0x10810]  }
0x298: {  	[tilespmem:s26+$0xFFFFF8E0] =	vst v4;
	v0 =	vld [tilespmem:s12+$0x10800]  }
0x299: {  	v4 =	vld [tilespmem:s5+$0x10800]  }
0x29a: {  	(v2sf) =	vpush v1, $0x9  }
0x29b: {  	[tilespmem:s26+$0xFFFFFAF0] =	vst v2  }
0x29c: {  	s24 =	spop (v2sf);
	v2 =	vld [tilespmem:s16+$0x10810];
	[tilespmem:s26+$0xFFFFFF00] =	vst v3  }
0x29d: {  	[tilespmem:s26+$0xFFFFFCF0] =	vst v0;
	v3 =	vld [tilespmem:s24+$0x10800]  }
0x29e: {  	[tilespmem:s26+$0xFFFFF8F0] =	vst v4;
	v0 =	vld [tilespmem:s12+$0x10810]  }
0x29f: {  	v4 =	vld [tilespmem:s5+$0x10810];
	_ =	sdelay $0x1  }
0x2a0: {  	[tilespmem:s26+$0xFFFFFB00] =	vst v2  }
0x2a1: {  	v2 =	vld [tilespmem:s11+$0x10800];
	[tilespmem:s26+$0xFFFFFF10] =	vst v3  }
0x2a2: {  	[tilespmem:s26+$0xFFFFFD00] =	vst v0;
	v3 =	vld [tilespmem:s24+$0x10810]  }
0x2a3: {  	[tilespmem:s26+$0xFFFFF900] =	vst v4;
	v0 =	vld [tilespmem:s10+$0x10800]  }
0x2a4: {  	v4 =	vld [tilespmem:s9+$0x10800]  }
0x2a5: {  	(v2sf) =	vpush v1, $0xA;
	s4 =	simm.s32 $0x470  }
0x2a6: {  	v6 =	vld [tilespmem:s4+$0xFFFFFFE0];
	[tilespmem:s26+$0xFFFFFB10] =	vst v2  }
0x2a7: {  	v2 =	vld [tilespmem:s11+$0x10810];
	[tilespmem:s26+$0xFFFFFF20] =	vst v3  }
0x2a8: {  	s30 =	spop (v2sf);
	[tilespmem:s26+$0xFFFFFD10] =	vst v0;
	v0 =	vld [tilespmem:s4+$0x0]  }
0x2a9: {  	[tilespmem:s26+$0xFFFFF910] =	vst v4;
	v3 =	vld [tilespmem:s30+$0x10800]  }
0x2aa: {  	v4 =	vld [tilespmem:s9+$0x10810]  }
0x2ab: {  	v7 =	vld [tilespmem:s4+$0xFFFFFFD0]  }
0x2ac: {  	v5 =	vld [tilespmem:s10+$0x10810]  }
0x2ad: {  	[tilespmem:s26+$0xFFFFFB20] =	vst v2;
	v0 =	vshll.u32 v0, $0x5  }
0x2ae: {  	v8 =	vld [tilespmem:s4+$0xFFFFFFF0];
	[tilespmem:s26+$0xFFFFFF30] =	vst v3;
	(v2sf) =	vpush v0, $0x0  }
0x2af: {  	v2 =	vshll.u32 v6, $0x5;
	[tilespmem:s26+$0xFFFFF920] =	vst v4;
	v9 =	vld [tilespmem:s30+$0x10810];
	(v2sf) =	vpush v1, $0xB  }
0x2b0: {  	v10 =	vld [tilespmem:s0+$0x10800];
	(v2sf) =	vpush v2, $0x0  }
0x2b1: {  	v4 =	vshll.u32 v7, $0x5;
	[tilespmem:s26+$0xFFFFFD20] =	vst v5;
	v5 =	vld [tilespmem:s7+$0x10800]  }
0x2b2: {  	v6 =	vld [tilespmem:s8+$0x10800];
	(v2sf) =	vpush v4, $0x0  }
0x2b3: {  	v3 =	vshll.u32 v8, $0x5  }
0x2b4: {  	s5 =	spop (v2sf);
	(v2sf) =	vpush v3, $0x0;
	[tilespmem:s26+$0xFFFFFF40] =	vst v9  }
0x2b5: {  	(v2sf) =	vpush v4, $0x1;
	[tilespmem:s26+$0xFFFFF930] =	vst v10;
	v7 =	vld [tilespmem:s5+$0x10800]  }
0x2b6: {  	[tilespmem:s26+$0xFFFFFB30] =	vst v5;
	(v2sf) =	vpush v2, $0x1;
	v52 =	vld [tilespmem:s0+$0x10810]  }
0x2b7: {  	v5 =	vld [tilespmem:s7+$0x10810];
	[tilespmem:s26+$0xFFFFFD30] =	vst v6;
	(v2sf) =	vpush v3, $0x1  }
0x2b8: {  	v6 =	vld [tilespmem:s8+$0x10810];
	(v2sf) =	vpush v4, $0x2  }
0x2b9: {  	(v2sf) =	vpush v2, $0x2  }
0x2ba: {  	(v2sf) =	vpush v3, $0x2;
	[tilespmem:s26+$0xFFFFFF50] =	vst v7  }
0x2bb: {  	(v2sf) =	vpush v4, $0x3;
	[tilespmem:s26+$0xFFFFF940] =	vst v52;
	v7 =	vld [tilespmem:s5+$0x10810]  }
0x2bc: {  	[tilespmem:s26+$0xFFFFFB40] =	vst v5;
	(v2sf) =	vpush v0, $0x1;
	v8 =	vld [tilespmem:s6+$0x10800]  }
0x2bd: {  	v5 =	vld [tilespmem:s2+$0x10800];
	[tilespmem:s26+$0xFFFFFD40] =	vst v6;
	(v2sf) =	vpush v1, $0xC;
	s7 =	spop (v2sf)  }
0x2be: {  	v6 =	vld [tilespmem:s25+$0x10800];
	(v2sf) =	vpush v2, $0x3;
	s8 =	spop (v2sf)  }
0x2bf: {  	(v2sf) =	vpush v3, $0x3;
	v53 =	vld [tilespmem:s7+$0x10800];
	s9 =	spop (v2sf)  }
0x2c0: {  	(v2sf) =	vpush v4, $0x4;
	[tilespmem:s26+$0xFFFFFF60] =	vst v7;
	v54 =	vld [tilespmem:s9+$0x10800]  }
0x2c1: {  	(v2sf) =	vpush v2, $0x4;
	[tilespmem:s26+$0xFFFFF950] =	vst v8;
	s10 =	spop (v2sf);
	v7 =	vld [tilespmem:s8+$0x10800]  }
0x2c2: {  	[tilespmem:s26+$0xFFFFFB50] =	vst v5;
	(v2sf) =	vpush v3, $0x4;
	v5 =	vld [tilespmem:s10+$0x10800]  }
0x2c3: {  	s0 =	simm.s32 $0x97F0;
	[tilespmem:s26+$0xFFFFFD50] =	vst v6;
	(v2sf) =	vpush v4, $0x5;
	s11 =	spop (v2sf)  }
0x2c4: {  	v55 =	vld [tilespmem:s6+$0x10810];
	s12 =	spop (v2sf);
	(v2sf) =	vpush v2, $0x5;
	[tilespmem:s0+$0xFFFFFE10] =	vst v53  }
0x2c5: {  	v6 =	vld [tilespmem:s11+$0x10800];
	s13 =	spop (v2sf);
	(v2sf) =	vpush v3, $0x5;
	[tilespmem:s0+$0xFFFFFA10] =	vst v54  }
0x2c6: {  	v56 =	vld [tilespmem:s7+$0x10810];
	(v2sf) =	vpush v4, $0x6;
	s15 =	spop (v2sf);
	[tilespmem:s26+$0xFFFFFF70] =	vst v7  }
0x2c7: {  	s18 =	spop (v2sf);
	(v2sf) =	vpush v2, $0x6;
	[tilespmem:s0+$0xFFFFF810] =	vst v5;
	v5 =	vld [tilespmem:s9+$0x10810]  }
0x2c8: {  	s23 =	spop (v2sf);
	(v2sf) =	vpush v0, $0x2;
	v7 =	vld [tilespmem:s8+$0x10810]  }
0x2c9: {  	[tilespmem:s26+$0xFFFFF960] =	vst v55;
	v57 =	vld [tilespmem:s10+$0x10810];
	s1 =	spop (v2sf);
	(v2sf) =	vpush v1, $0xD  }
0x2ca: {  	v58 =	vld [tilespmem:s2+$0x10810];
	[tilespmem:s0+$0xFFFFFC10] =	vst v6;
	s22 =	spop (v2sf);
	(v2sf) =	vpush v3, $0x6  }
0x2cb: {  	v6 =	vld [tilespmem:s11+$0x10810];
	[tilespmem:s0+$0xFFFFFE20] =	vst v56;
	(v2sf) =	vpush v4, $0x7;
	s16 =	spop (v2sf)  }
0x2cc: {  	v10 =	vld [tilespmem:s16+$0x10800];
	(v2sf) =	vpush v2, $0x7;
	s17 =	spop (v2sf);
	[tilespmem:s0+$0xFFFFFA20] =	vst v5  }
0x2cd: {  	(v2sf) =	vpush v3, $0x7;
	s3 =	spop (v2sf);
	[tilespmem:s26+$0xFFFFFF80] =	vst v7;
	v7 =	vld [tilespmem:s13+$0x10800]  }
0x2ce: {  	[tilespmem:s0+$0xFFFFF820] =	vst v57;
	(v2sf) =	vpush v4, $0x8;
	s4 =	spop (v2sf);
	v5 =	vld [tilespmem:s17+$0x10800]  }
0x2cf: {  	[tilespmem:s26+$0xFFFFFB60] =	vst v58;
	v8 =	vld [tilespmem:s12+$0x10800];
	(v2sf) =	vpush v2, $0x8;
	s29 =	spop (v2sf)  }
0x2d0: {  	v59 =	vld [tilespmem:s25+$0x10810];
	[tilespmem:s0+$0xFFFFFC20] =	vst v6;
	(v2sf) =	vpush v3, $0x8;
	s5 =	spop (v2sf)  }
0x2d1: {  	v6 =	vld [tilespmem:s15+$0x10800];
	[tilespmem:s0+$0xFFFFFE30] =	vst v10;
	(v2sf) =	vpush v4, $0x9;
	s30 =	spop (v2sf)  }
0x2d2: {  	v10 =	vld [tilespmem:s16+$0x10810];
	s16 =	spop (v2sf);
	[tilespmem:s0+$0xFFFFFA30] =	vst v7  }
0x2d3: {  	(v2sf) =	vpush v2, $0x9;
	s28 =	spop (v2sf);
	[tilespmem:s26+$0xFFFFFF90] =	vst v5;
	v7 =	vld [tilespmem:s13+$0x10810]  }
0x2d4: {  	[tilespmem:s0+$0xFFFFF830] =	vst v8;
	v5 =	vld [tilespmem:s17+$0x10810];
	s17 =	spop (v2sf)  }
0x2d5: {  	[tilespmem:s26+$0xFFFFFD60] =	vst v59;
	(v2sf) =	vpush v3, $0x9;
	v8 =	vld [tilespmem:s12+$0x10810];
	s10 =	spop (v2sf)  }
0x2d6: {  	v60 =	vld [tilespmem:s20+$0x10800];
	[tilespmem:s0+$0xFFFFFC30] =	vst v6;
	s12 =	spop (v2sf)  }
0x2d7: {  	(v2sf) =	vpush v0, $0x3;
	v6 =	vld [tilespmem:s15+$0x10810];
	[tilespmem:s0+$0xFFFFFE40] =	vst v10;
	s24 =	spop (v2sf)  }
0x2d8: {  	(v2sf) =	vpush v1, $0xE;
	v10 =	vld [tilespmem:s24+$0x10800];
	s25 =	spop (v2sf);
	[tilespmem:s0+$0xFFFFFA40] =	vst v7  }
0x2d9: {  	(v2sf) =	vpush v4, $0xA;
	[tilespmem:s26+$0xFFFFFFA0] =	vst v5;
	s15 =	spop (v2sf);
	v7 =	vld [tilespmem:s23+$0x10800]  }
0x2da: {  	[tilespmem:s0+$0xFFFFF840] =	vst v8;
	v5 =	vld [tilespmem:s25+$0x10800];
	s7 =	spop (v2sf)  }
0x2db: {  	[tilespmem:s26+$0xFFFFF970] =	vst v60;
	(v2sf) =	vpush v2, $0xA;
	v8 =	vld [tilespmem:s18+$0x10800];
	s11 =	spop (v2sf)  }
0x2dc: {  	(v2sf) =	vpush v3, $0xA;
	[tilespmem:s0+$0xFFFFFC40] =	vst v6;
	s9 =	spop (v2sf)  }
0x2dd: {  	(v2sf) =	vpush v4, $0xB;
	v6 =	vld [tilespmem:s1+$0x10800];
	[tilespmem:s0+$0xFFFFFE50] =	vst v10;
	s13 =	spop (v2sf)  }
0x2de: {  	v61 =	vld [tilespmem:s14+$0x10800];
	(v2sf) =	vpush v2, $0xB;
	s6 =	spop (v2sf);
	[tilespmem:s0+$0xFFFFFA50] =	vst v7  }
0x2df: {  	(v2sf) =	vpush v3, $0xB;
	v10 =	vld [tilespmem:s24+$0x10810];
	[tilespmem:s26+$0xFFFFFFB0] =	vst v5;
	s8 =	spop (v2sf)  }
0x2e0: {  	(v2sf) =	vpush v4, $0xC;
	v7 =	vld [tilespmem:s23+$0x10810];
	[tilespmem:s0+$0xFFFFF850] =	vst v8;
	s24 =	spop (v2sf)  }
0x2e1: {  	(v2sf) =	vpush v2, $0xC;
	v5 =	vld [tilespmem:s25+$0x10810];
	[smem:$0x7CF] =	sst s24  }
0x2e2: {  	(v2sf) =	vpush v3, $0xC;
	s25 =	spop (v2sf);
	[tilespmem:s0+$0xFFFFFC50] =	vst v6  }
0x2e3: {  	(v2sf) =	vpush v4, $0xD;
	v8 =	vld [tilespmem:s18+$0x10810];
	[smem:$0x7D0] =	sst s25  }
0x2e4: {  	(v2sf) =	vpush v0, $0x4;
	s18 =	spop (v2sf);
	[tilespmem:s26+$0xFFFFFB70] =	vst v61  }
0x2e5: {  	(v2sf) =	vpush v1, $0xF;
	v1 =	vld [tilespmem:s1+$0x10810];
	[smem:$0x7D1] =	sst s18  }
0x2e6: {  	s1 =	spop (v2sf);
	[tilespmem:s0+$0xFFFFFE60] =	vst v10  }
0x2e7: {  	s2 =	spop (v2sf);
	v6 =	vld [tilespmem:s19+$0x10800];
	[tilespmem:s26+$0xFFFFFFC0] =	vst v5  }
0x2e8: {  	[tilespmem:s0+$0xFFFFFA60] =	vst v7;
	s23 =	spop (v2sf);
	v62 =	vld [tilespmem:s1+$0x10800]  }
0x2e9: {  	v5 =	vld [tilespmem:s2+$0x10800];
	[smem:$0x7D2] =	sst s23  }
0x2ea: {  	s24 =	spop (v2sf);
	[tilespmem:s0+$0xFFFFF860] =	vst v8  }
0x2eb: {  	v7 =	vld [tilespmem:s3+$0x10800];
	[smem:$0x7D3] =	sst s24  }
0x2ec: {  	s25 =	spop (v2sf);
	[tilespmem:s0+$0xFFFFFC60] =	vst v1  }
0x2ed: {  	v8 =	vld [tilespmem:s22+$0x10800];
	[smem:$0x7D4] =	sst s25  }
0x2ee: {  	(v2sf) =	vpush v2, $0xD;
	s23 =	spop (v2sf);
	[tilespmem:s26+$0xFFFFFD70] =	vst v6  }
0x2ef: {  	v1 =	vld [tilespmem:s4+$0x10800];
	[dreg:$0x14] =	wrdreg s23  }
0x2f0: {  	(v2sf) =	vpush v3, $0xD;
	s24 =	spop (v2sf);
	[tilespmem:s0+$0xFFFFFE70] =	vst v62  }
0x2f1: {  	(v2sf) =	vpush v4, $0xE;
	v6 =	vld [tilespmem:s20+$0x10810];
	[dreg:$0x19] =	wrdreg s24  }
0x2f2: {  	(v2sf) =	vpush v2, $0xE;
	s25 =	spop (v2sf);
	[tilespmem:s26+$0xFFFFFFD0] =	vst v5  }
0x2f3: {  	(v2sf) =	vpush v3, $0xE;
	v9 =	vld [tilespmem:s1+$0x10810];
	[dreg:$0x1c] =	wrdreg s25  }
0x2f4: {  	(v2sf) =	vpush v4, $0xF;
	v4 =	vld [tilespmem:s2+$0x10810];
	[tilespmem:s0+$0xFFFFFA70] =	vst v7  }
0x2f5: {  	s23 =	spop (v2sf);
	[tilespmem:s0+$0xFFFFF870] =	vst v8;
	v5 =	vld [tilespmem:s14+$0x10810]  }
0x2f6: {  	(v2sf) =	vpush v2, $0xF;
	s24 =	spop (v2sf);
	[tilespmem:s0+$0xFFFFFC70] =	vst v1;
	v2 =	vld [tilespmem:s3+$0x10810]  }
0x2f7: {  	(v2sf) =	vpush v3, $0xF;
	s25 =	spop (v2sf);
	v3 =	vld [tilespmem:s22+$0x10810];
	[tilespmem:s26+$0xFFFFF980] =	vst v6  }
0x2f8: {  	s18 =	spop (v2sf);
	v1 =	vld [tilespmem:s4+$0x10810];
	[tilespmem:s0+$0xFFFFFE80] =	vst v9  }
0x2f9: {  	s14 =	spop (v2sf);
	[tilespmem:s26+$0xFFFFFFE0] =	vst v4  }
0x2fa: {  	(v2sf) =	vpush v0, $0x5;
	s20 =	spop (v2sf);
	v6 =	vld [tilespmem:s14+$0x10800];
	[tilespmem:s26+$0xFFFFFB80] =	vst v5  }
0x2fb: {  	[tilespmem:s0+$0xFFFFFA80] =	vst v2;
	v2 =	vld [tilespmem:s20+$0x10800]  }
0x2fc: {  	[tilespmem:s0+$0xFFFFF880] =	vst v3;
	v3 =	vld [tilespmem:s5+$0x10800]  }
0x2fd: {  	s22 =	spop (v2sf);
	[tilespmem:s0+$0xFFFFFC80] =	vst v1;
	v4 =	vld [tilespmem:s29+$0x10800]  }
0x2fe: {  	v1 =	vld [tilespmem:s30+$0x10800];
	[dreg:$0x15] =	wrdreg s22  }
0x2ff: {  	v5 =	vld [tilespmem:s19+$0x10810];
	[tilespmem:s0+$0xFFFFFE90] =	vst v6  }
0x300: {  	v6 =	vld [tilespmem:s14+$0x10810];
	[tilespmem:s26+$0xFFFFFFF0] =	vst v2  }
0x301: {  	v2 =	vld [tilespmem:s20+$0x10810];
	[tilespmem:s0+$0xFFFFFA90] =	vst v3  }
0x302: {  	s19 =	spop (v2sf);
	[tilespmem:s0+$0xFFFFF890] =	vst v4;
	v3 =	vld [tilespmem:s5+$0x10810]  }
0x303: {  	s3 =	spop (v2sf);
	[tilespmem:s0+$0xFFFFFC90] =	vst v1;
	v4 =	vld [tilespmem:s29+$0x10810]  }
0x304: {  	s22 =	spop (v2sf);
	v1 =	vld [tilespmem:s30+$0x10810];
	[tilespmem:s26+$0xFFFFFD80] =	vst v5  }
0x305: {  	s20 =	spop (v2sf);
	v5 =	vld [tilespmem:s21+$0x10800];
	[tilespmem:s0+$0xFFFFFEA0] =	vst v6  }
0x306: {  	(v2sf) =	vpush v0, $0x6;
	s29 =	spop (v2sf);
	v6 =	vld [tilespmem:s31+$0x10800];
	[tilespmem:s26+$0x0] =	vst v2  }
0x307: {  	s4 =	spop (v2sf);
	[tilespmem:s0+$0xFFFFFAA0] =	vst v3  }
0x308: {  	s5 =	spop (v2sf);
	[tilespmem:s0+$0xFFFFF8A0] =	vst v4  }
0x309: {  	s14 =	spop (v2sf);
	[tilespmem:s0+$0xFFFFFCA0] =	vst v1  }
0x30a: {  	v2 =	vld [tilespmem:s14+$0x10800];
	[tilespmem:s26+$0xFFFFF990] =	vst v5  }
0x30b: {  	v3 =	vld [tilespmem:s28+$0x10800];
	[tilespmem:s26+$0xFFFFFB90] =	vst v6  }
0x30c: {  	v4 =	vld [tilespmem:s16+$0x10800];
	s30 =	sld [smem:$0x7D5]  }
0x30d: {  	v1 =	vld [tilespmem:s17+$0x10800]  }
0x30e: {  	v6 =	vld [tilespmem:s21+$0x10810]  }
0x30f: {  	[tilespmem:s0+$0xFFFFFEB0] =	vst v2;
	v5 =	vld [tilespmem:s30+$0x10800]  }
0x310: {  	v2 =	vld [tilespmem:s14+$0x10810];
	[tilespmem:s0+$0xFFFFFAB0] =	vst v3  }
0x311: {  	[tilespmem:s0+$0xFFFFF8B0] =	vst v4;
	v3 =	vld [tilespmem:s28+$0x10810]  }
0x312: {  	[tilespmem:s0+$0xFFFFFCB0] =	vst v1;
	v4 =	vld [tilespmem:s16+$0x10810]  }
0x313: {  	v1 =	vld [tilespmem:s17+$0x10810];
	[tilespmem:s26+$0xFFFFF9A0] =	vst v6  }
0x314: {  	[tilespmem:s26+$0xFFFFFD90] =	vst v5;
	v5 =	vld [tilespmem:s31+$0x10810]  }
0x315: {  	[tilespmem:s0+$0xFFFFFEC0] =	vst v2;
	s31 =	spop (v2sf);
	v6 =	vld [tilespmem:s30+$0x10810]  }
0x316: {  	[tilespmem:s0+$0xFFFFFAC0] =	vst v3;
	v2 =	vld [tilespmem:s31+$0x10800]  }
0x317: {  	[tilespmem:s0+$0xFFFFF8C0] =	vst v4  }
0x318: {  	[tilespmem:s0+$0xFFFFFCC0] =	vst v1  }
0x319: {  	(v2sf) =	vpush v0, $0x7;
	[tilespmem:s26+$0xFFFFFBA0] =	vst v5  }
0x31a: {  	s2 =	sld [smem:$0x7D6];
	[tilespmem:s26+$0xFFFFFDA0] =	vst v6  }
0x31b: {  	v3 =	vld [tilespmem:s12+$0x10800];
	[tilespmem:s0+$0xFFFFFED0] =	vst v2  }
0x31c: {  	s28 =	smov.u32 s4;
	v4 =	vld [tilespmem:s10+$0x10800];
	s4 =	sld [smem:$0x7D7]  }
0x31d: {  	v1 =	vld [tilespmem:s15+$0x10800]  }
0x31e: {  	v5 =	vld [tilespmem:s2+$0x10800]  }
0x31f: {  	v2 =	vld [tilespmem:s4+$0x10800]  }
0x320: {  	[tilespmem:s0+$0xFFFFFAD0] =	vst v3  }
0x321: {  	[tilespmem:s0+$0xFFFFF8D0] =	vst v4  }
0x322: {  	v6 =	vld [tilespmem:s31+$0x10810];
	[tilespmem:s0+$0xFFFFFCD0] =	vst v1  }
0x323: {  	v3 =	vld [tilespmem:s12+$0x10810];
	[tilespmem:s26+$0xFFFFF9B0] =	vst v5  }
0x324: {  	v4 =	vld [tilespmem:s10+$0x10810];
	[tilespmem:s26+$0xFFFFFBB0] =	vst v2  }
0x325: {  	v1 =	vld [tilespmem:s15+$0x10810];
	s15 =	sld [smem:$0x7D8];
	_ =	sdelay $0x1  }
0x326: {  	v5 =	vld [tilespmem:s2+$0x10810]  }
0x327: {  	s16 =	spop (v2sf);
	[tilespmem:s0+$0xFFFFFEE0] =	vst v6;
	v2 =	vld [tilespmem:s15+$0x10800]  }
0x328: {  	(v2sf) =	vpush v0, $0x8;
	[tilespmem:s0+$0xFFFFFAE0] =	vst v3;
	v3 =	vld [tilespmem:s16+$0x10800]  }
0x329: {  	[tilespmem:s0+$0xFFFFF8E0] =	vst v4;
	v4 =	vld [tilespmem:s11+$0x10800]  }
0x32a: {  	[tilespmem:s0+$0xFFFFFCE0] =	vst v1;
	v6 =	vld [tilespmem:s7+$0x10800]  }
0x32b: {  	v1 =	vld [tilespmem:s9+$0x10800];
	[tilespmem:s26+$0xFFFFF9C0] =	vst v5  }
0x32c: {  	[tilespmem:s26+$0xFFFFFDB0] =	vst v2;
	v2 =	vld [tilespmem:s4+$0x10810]  }
0x32d: {  	[tilespmem:s0+$0xFFFFFEF0] =	vst v3;
	v5 =	vld [tilespmem:s15+$0x10810]  }
0x32e: {  	[tilespmem:s0+$0xFFFFFAF0] =	vst v4;
	v3 =	vld [tilespmem:s16+$0x10810]  }
0x32f: {  	[tilespmem:s0+$0xFFFFF8F0] =	vst v6  }
0x330: {  	[tilespmem:s0+$0xFFFFFCF0] =	vst v1  }
0x331: {  	[tilespmem:s26+$0xFFFFFBC0] =	vst v2  }
0x332: {  	s17 =	sld [smem:$0x7D9];
	[tilespmem:s26+$0xFFFFFDC0] =	vst v5  }
0x333: {  	v4 =	vld [tilespmem:s11+$0x10810];
	[tilespmem:s0+$0xFFFFFF00] =	vst v3  }
0x334: {  	v6 =	vld [tilespmem:s7+$0x10810];
	s21 =	sld [smem:$0x7DA]  }
0x335: {  	(v2sf) =	vpush v0, $0x9;
	v1 =	vld [tilespmem:s9+$0x10810]  }
0x336: {  	v2 =	vld [tilespmem:s17+$0x10800]  }
0x337: {  	s30 =	spop (v2sf);
	v3 =	vld [tilespmem:s21+$0x10800]  }
0x338: {  	[tilespmem:s0+$0xFFFFFB00] =	vst v4;
	v4 =	vld [tilespmem:s30+$0x10800]  }
0x339: {  	[tilespmem:s0+$0xFFFFF900] =	vst v6;
	v5 =	vld [tilespmem:s6+$0x10800]  }
0x33a: {  	[tilespmem:s0+$0xFFFFFD00] =	vst v1  }
0x33b: {  	[tilespmem:s26+$0xFFFFF9D0] =	vst v2  }
0x33c: {  	v6 =	vld [tilespmem:s13+$0x10800];
	[tilespmem:s26+$0xFFFFFBD0] =	vst v3  }
0x33d: {  	v1 =	vld [tilespmem:s8+$0x10800];
	s31 =	sld [smem:$0x7DB];
	[tilespmem:s0+$0xFFFFFF10] =	vst v4  }
0x33e: {  	[tilespmem:s0+$0xFFFFFB10] =	vst v5;
	v63 =	vld [tilespmem:s30+$0x10810]  }
0x33f: {  	v5 =	vld [tilespmem:s6+$0x10810]  }
0x340: {  	v2 =	vld [tilespmem:s31+$0x10800]  }
0x341: {  	v7 =	vld [tilespmem:s17+$0x10810];
	[tilespmem:s0+$0xFFFFF910] =	vst v6  }
0x342: {  	[tilespmem:s0+$0xFFFFFD10] =	vst v1;
	v1 =	vld [tilespmem:s21+$0x10810]  }
0x343: {  	v3 =	vld [tilespmem:s13+$0x10810];
	[tilespmem:s0+$0xFFFFFF20] =	vst v63  }
0x344: {  	s1 =	spop (v2sf);
	v4 =	vld [tilespmem:s8+$0x10810];
	[tilespmem:s0+$0xFFFFFB20] =	vst v5  }
0x345: {  	v5 =	vld [tilespmem:s1+$0x10800];
	[tilespmem:s26+$0xFFFFFDD0] =	vst v2  }
0x346: {  	s14 =	simm.s32 $0x4B0;
	(v2sf) =	vpush v0, $0xA;
	s21 =	simm.s32 $0x4;
	[tilespmem:s26+$0xFFFFF9E0] =	vst v7;
	v2 =	vld [tilespmem:s31+$0x10810]  }
.LBB2_4:
0x347: {  	_ =	sdelay $0x1  }
0x348: {  	v6 =	vld [tilespmem:s14+$0x0];
	[tilespmem:s0+$0xFFFFFD20] =	vst v4  }
0x349: {  	s7 =	sld [smem:$0x7CF];
	[tilespmem:s0+$0xFFFFF920] =	vst v3;
	v3 =	vld [tilespmem:s14+$0xFFFFFFE0]  }
0x34a: {  	v7 =	vld [tilespmem:s14+$0xFFFFFFF0]  }
0x34b: {  	s6 =	sld [smem:$0x7D0];
	v8 =	vld [tilespmem:s14+$0xFFFFFFD0]  }
0x34c: {  	v9 =	vld [tilespmem:s7+$0x10800]  }
0x34d: {  	s8 =	sld [smem:$0x7D1];
	[tilespmem:s26+$0xFFFFFBE0] =	vst v1  }
0x34e: {  	[tilespmem:s0+$0xFFFFFF30] =	vst v5;
	v4 =	vshll.u32 v6, $0x5;
	v6 =	vld [tilespmem:s6+$0x10800]  }
0x34f: {  	[tilespmem:s26+$0xFFFFFDE0] =	vst v2;
	v5 =	vld [tilespmem:s1+$0x10810];
	(v2sf) =	vpush v4, $0x0  }
0x350: {  	s4 =	rddreg [dreg:$0xb];
	(v2sf) =	vpush v0, $0xB;
	v2 =	vshll.u32 v3, $0x5;
	v1 =	vshll.u32 v7, $0x5;
	v7 =	vld [tilespmem:s8+$0x10800]  }
0x351: {  	v50 =	vld [tilespmem:s4+$0x10800];
	v3 =	vshll.u32 v8, $0x5;
	(v2sf) =	vpush v2, $0x0;
	[tilespmem:s0+$0xFFFFF930] =	vst v9  }
0x352: {  	s2 =	rddreg [dreg:$0x5];
	(v2sf) =	vpush v3, $0x0;
	v10 =	vld [tilespmem:s7+$0x10810]  }
0x353: {  	v51 =	vld [tilespmem:s2+$0x10800];
	[tilespmem:s0+$0xFFFFFB30] =	vst v6;
	(v2sf) =	vpush v1, $0x0  }
0x354: {  	[smem:$0x7CA] =	sst s22;
	[tilespmem:s0+$0xFFFFFF40] =	vst v5;
	v6 =	vld [tilespmem:s6+$0x10810];
	s22 =	spop (v2sf);
	(v2sf) =	vpush v3, $0x1  }
0x355: {  	[tilespmem:s0+$0xFFFFFD30] =	vst v7;
	v5 =	vld [tilespmem:s22+$0x10800];
	(v2sf) =	vpush v2, $0x1  }
0x356: {  	s30 =	rddreg [dreg:$0x8];
	[tilespmem:s26+$0xFFFFF9F0] =	vst v50;
	v7 =	vld [tilespmem:s8+$0x10810];
	(v2sf) =	vpush v1, $0x1  }
0x357: {  	s11 =	sld [smem:$0x7D3];
	v52 =	vld [tilespmem:s30+$0x10800];
	[tilespmem:s0+$0xFFFFF940] =	vst v10;
	(v2sf) =	vpush v3, $0x2  }
0x358: {  	[tilespmem:s26+$0xFFFFFBF0] =	vst v51;
	v53 =	vld [tilespmem:s4+$0x10810];
	s4 =	sld [smem:$0x7D2];
	(v2sf) =	vpush v2, $0x2  }
0x359: {  	[tilespmem:s0+$0xFFFFFB40] =	vst v6;
	(v2sf) =	vpush v1, $0x2  }
0x35a: {  	s9 =	sld [smem:$0x7D4];
	v6 =	vld [tilespmem:s11+$0x10800];
	(v2sf) =	vpush v3, $0x3  }
0x35b: {  	v10 =	vld [tilespmem:s4+$0x10800];
	[tilespmem:s0+$0xFFFFFF50] =	vst v5;
	(v2sf) =	vpush v4, $0x1  }
0x35c: {  	[tilespmem:s0+$0xFFFFFD40] =	vst v7;
	v5 =	vld [tilespmem:s22+$0x10810];
	(v2sf) =	vpush v0, $0xC  }
0x35d: {  	v7 =	vld [tilespmem:s9+$0x10800];
	[tilespmem:s26+$0xFFFFFDF0] =	vst v52;
	(v2sf) =	vpush v2, $0x3  }
0x35e: {  	v54 =	vld [tilespmem:s2+$0x10810];
	s8 =	spop (v2sf);
	[tilespmem:s26+$0xFFFFFA00] =	vst v53;
	(v2sf) =	vpush v1, $0x3  }
0x35f: {  	v55 =	vld [tilespmem:s30+$0x10810];
	s13 =	spop (v2sf);
	[tilespmem:s0+$0xFFFFFB50] =	vst v6;
	(v2sf) =	vpush v3, $0x4  }
0x360: {  	v56 =	vld [tilespmem:s8+$0x10800];
	[tilespmem:s0+$0xFFFFF950] =	vst v10;
	s15 =	spop (v2sf);
	(v2sf) =	vpush v2, $0x4  }
0x361: {  	[tilespmem:s0+$0xFFFFFF60] =	vst v5;
	v6 =	vld [tilespmem:s15+$0x10800];
	s16 =	spop (v2sf);
	(v2sf) =	vpush v1, $0x4  }
0x362: {  	[smem:$0x7C5] =	sst s19;
	[tilespmem:s0+$0xFFFFFD50] =	vst v7;
	v5 =	vld [tilespmem:s13+$0x10800];
	s19 =	spop (v2sf);
	(v2sf) =	vpush v3, $0x5  }
0x363: {  	[smem:$0x7CE] =	sst s20;
	[tilespmem:s26+$0xFFFFFC00] =	vst v54;
	v7 =	vld [tilespmem:s16+$0x10800];
	s20 =	spop (v2sf);
	(v2sf) =	vpush v2, $0x5  }
0x364: {  	v57 =	vld [tilespmem:s19+$0x10800];
	[tilespmem:s26+$0xFFFFFE00] =	vst v55;
	s26 =	smov.u32 s0;
	s0 =	sadd.s32 $0x800, s0;
	s10 =	spop (v2sf);
	(v2sf) =	vpush v1, $0x5  }
0x365: {  	v58 =	vld [tilespmem:s4+$0x10810];
	[tilespmem:s0+$0xFFFFFE10] =	vst v56;
	(v2sf) =	vpush v3, $0x6;
	s22 =	spop (v2sf)  }
0x366: {  	v10 =	vld [tilespmem:s8+$0x10810];
	[tilespmem:s0+$0xFFFFFA10] =	vst v6;
	s2 =	spop (v2sf);
	(v2sf) =	vpush v2, $0x6  }
0x367: {  	[tilespmem:s26+$0xFFFFFF70] =	vst v5;
	v6 =	vld [tilespmem:s15+$0x10810];
	s17 =	spop (v2sf);
	(v2sf) =	vpush v4, $0x2  }
0x368: {  	[tilespmem:s0+$0xFFFFF810] =	vst v7;
	v5 =	vld [tilespmem:s13+$0x10810];
	s15 =	spop (v2sf);
	(v2sf) =	vpush v0, $0xD  }
0x369: {  	[smem:$0x7C9] =	sst s3;
	v7 =	vld [tilespmem:s16+$0x10810];
	[tilespmem:s0+$0xFFFFFC10] =	vst v57;
	s3 =	spop (v2sf);
	(v2sf) =	vpush v1, $0x6  }
0x36a: {  	[tilespmem:s26+$0xFFFFF960] =	vst v58;
	v8 =	vld [tilespmem:s19+$0x10810];
	(v2sf) =	vpush v3, $0x7;
	s30 =	spop (v2sf)  }
0x36b: {  	s12 =	smov.u32 s5;
	v59 =	vld [tilespmem:s11+$0x10810];
	[tilespmem:s0+$0xFFFFFE20] =	vst v10;
	(v2sf) =	vpush v2, $0x7;
	s16 =	spop (v2sf)  }
0x36c: {  	[dreg:$0x8] =	wrdreg s12;
	v10 =	vld [tilespmem:s30+$0x10800];
	[tilespmem:s0+$0xFFFFFA20] =	vst v6;
	s12 =	spop (v2sf);
	(v2sf) =	vpush v1, $0x7  }
0x36d: {  	[tilespmem:s26+$0xFFFFFF80] =	vst v5;
	v6 =	vld [tilespmem:s10+$0x10800];
	(v2sf) =	vpush v3, $0x8;
	s4 =	spop (v2sf)  }
0x36e: {  	[tilespmem:s0+$0xFFFFF820] =	vst v7;
	v5 =	vld [tilespmem:s16+$0x10800];
	s11 =	spop (v2sf)  }
0x36f: {  	s7 =	smov.u32 s28;
	v7 =	vld [tilespmem:s20+$0x10800];
	[tilespmem:s0+$0xFFFFFC20] =	vst v8;
	s5 =	spop (v2sf)  }
0x370: {  	[dreg:$0x5] =	wrdreg s7;
	[tilespmem:s26+$0xFFFFFB60] =	vst v59;
	(v2sf) =	vpush v2, $0x8;
	v8 =	vld [tilespmem:s22+$0x10800];
	s7 =	spop (v2sf)  }
0x371: {  	v60 =	vld [tilespmem:s9+$0x10810];
	(v2sf) =	vpush v1, $0x8;
	[tilespmem:s0+$0xFFFFFE30] =	vst v10;
	s8 =	spop (v2sf)  }
0x372: {  	(v2sf) =	vpush v3, $0x9;
	v10 =	vld [tilespmem:s30+$0x10810];
	[tilespmem:s0+$0xFFFFFA30] =	vst v6;
	s9 =	spop (v2sf)  }
0x373: {  	(v2sf) =	vpush v2, $0x9;
	[tilespmem:s26+$0xFFFFFF90] =	vst v5;
	v6 =	vld [tilespmem:s10+$0x10810];
	s10 =	spop (v2sf)  }
0x374: {  	(v2sf) =	vpush v1, $0x9;
	v5 =	vld [tilespmem:s16+$0x10810];
	s19 =	spop (v2sf)  }
0x375: {  	[tilespmem:s0+$0xFFFFF830] =	vst v7;
	(v2sf) =	vpush v4, $0x3;
	s6 =	spop (v2sf)  }
0x376: {  	v7 =	vld [tilespmem:s20+$0x10810];
	[tilespmem:s0+$0xFFFFFC30] =	vst v8;
	s16 =	smov.u32 s18;
	(v2sf) =	vpush v0, $0xE;
	s18 =	spop (v2sf)  }
0x377: {  	v8 =	vld [tilespmem:s22+$0x10810];
	(v2sf) =	vpush v3, $0xA;
	[tilespmem:s0+$0xFFFFFE40] =	vst v10;
	s20 =	spop (v2sf)  }
0x378: {  	s1 =	rddreg [dreg:$0x14];
	[tilespmem:s26+$0xFFFFFD60] =	vst v60;
	(v2sf) =	vpush v2, $0xA;
	v10 =	vld [tilespmem:s18+$0x10800];
	s30 =	spop (v2sf)  }
0x379: {  	s31 =	smov.u32 s29;
	v61 =	vld [tilespmem:s1+$0x10800];
	(v2sf) =	vpush v1, $0xA;
	[tilespmem:s26+$0xFFFFFFA0] =	vst v5;
	s13 =	spop (v2sf)  }
0x37a: {  	[dreg:$0xb] =	wrdreg s31;
	[tilespmem:s0+$0xFFFFFA40] =	vst v6;
	(v2sf) =	vpush v3, $0xB;
	v5 =	vld [tilespmem:s20+$0x10800];
	s31 =	spop (v2sf)  }
0x37b: {  	[tilespmem:s0+$0xFFFFF840] =	vst v7;
	v6 =	vld [tilespmem:s17+$0x10800];
	(v2sf) =	vpush v2, $0xB;
	s22 =	spop (v2sf)  }
0x37c: {  	v7 =	vld [tilespmem:s2+$0x10800];
	[tilespmem:s0+$0xFFFFFC40] =	vst v8;
	(v2sf) =	vpush v1, $0xB;
	[smem:$0x7C6] =	sst s31;
	s31 =	spop (v2sf)  }
0x37d: {  	v8 =	vld [tilespmem:s15+$0x10800];
	(v2sf) =	vpush v3, $0xC;
	[tilespmem:s0+$0xFFFFFE50] =	vst v10;
	[smem:$0x7CC] =	sst s31  }
0x37e: {  	[tilespmem:s26+$0xFFFFF970] =	vst v61;
	(v2sf) =	vpush v2, $0xC;
	s31 =	rddreg [dreg:$0x19];
	v10 =	vld [tilespmem:s18+$0x10810]  }
0x37f: {  	[smem:$0x7C8] =	sst s22;
	s22 =	spop (v2sf);
	(v2sf) =	vpush v1, $0xC;
	v62 =	vld [tilespmem:s31+$0x10800];
	[tilespmem:s26+$0xFFFFFFB0] =	vst v5  }
0x380: {  	[tilespmem:s0+$0xFFFFFA50] =	vst v6;
	(v2sf) =	vpush v3, $0xD;
	s18 =	spop (v2sf);
	v5 =	vld [tilespmem:s20+$0x10810]  }
0x381: {  	[smem:$0x7CB] =	sst s22;
	[tilespmem:s0+$0xFFFFF850] =	vst v7;
	v6 =	vld [tilespmem:s17+$0x10810];
	s22 =	spop (v2sf);
	(v2sf) =	vpush v4, $0x4  }
0x382: {  	[smem:$0x7C7] =	sst s13;
	v7 =	vld [tilespmem:s2+$0x10810];
	[tilespmem:s0+$0xFFFFFC50] =	vst v8;
	s13 =	spop (v2sf);
	(v2sf) =	vpush v0, $0xF  }
0x383: {  	s28 =	rddreg [dreg:$0x1c];
	v0 =	vmov v4;
	v4 =	vld [tilespmem:s15+$0x10810];
	(v2sf) =	vpush v2, $0xD;
	s15 =	spop (v2sf);
	[tilespmem:s0+$0xFFFFFE60] =	vst v10  }
0x384: {  	v8 =	vld [tilespmem:s28+$0x10800];
	(v2sf) =	vpush v1, $0xD;
	s2 =	spop (v2sf);
	[tilespmem:s26+$0xFFFFFB70] =	vst v62  }
0x385: {  	[smem:$0x7D1] =	sst s15;
	v63 =	vld [tilespmem:s2+$0x10800];
	(v2sf) =	vpush v3, $0xE;
	s15 =	spop (v2sf);
	[tilespmem:s26+$0xFFFFFFC0] =	vst v5  }
0x386: {  	[tilespmem:s0+$0xFFFFFA60] =	vst v6;
	s17 =	spop (v2sf);
	(v2sf) =	vpush v2, $0xE;
	v5 =	vld [tilespmem:s15+$0x10800]  }
0x387: {  	[smem:$0x7CD] =	sst s18;
	[tilespmem:s0+$0xFFFFF860] =	vst v7;
	v6 =	vld [tilespmem:s12+$0x10800];
	s18 =	spop (v2sf);
	(v2sf) =	vpush v1, $0xE  }
0x388: {  	v7 =	vld [tilespmem:s3+$0x10800];
	[tilespmem:s0+$0xFFFFFC60] =	vst v4;
	(v2sf) =	vpush v3, $0xF;
	s20 =	spop (v2sf)  }
0x389: {  	[smem:$0x7CF] =	sst s22;
	v3 =	vld [tilespmem:s4+$0x10800];
	[tilespmem:s26+$0xFFFFFD70] =	vst v8;
	s22 =	spop (v2sf);
	(v2sf) =	vpush v2, $0xF  }
0x38a: {  	[smem:$0x7D4] =	sst s20;
	[tilespmem:s0+$0xFFFFFE70] =	vst v63;
	s20 =	spop (v2sf);
	(v2sf) =	vpush v1, $0xF;
	v1 =	vld [tilespmem:s1+$0x10810]  }
0x38b: {  	s1 =	smov.u32 s23;
	v2 =	vld [tilespmem:s2+$0x10810];
	s23 =	spop (v2sf);
	[tilespmem:s26+$0xFFFFFFD0] =	vst v5  }
0x38c: {  	[tilespmem:s0+$0xFFFFFA70] =	vst v6;
	s2 =	spop (v2sf);
	v4 =	vld [tilespmem:s15+$0x10810]  }
0x38d: {  	[smem:$0x7D3] =	sst s18;
	[tilespmem:s0+$0xFFFFF870] =	vst v7;
	v5 =	vld [tilespmem:s12+$0x10810];
	s18 =	spop (v2sf)  }
0x38e: {  	v6 =	vld [tilespmem:s3+$0x10810];
	[tilespmem:s0+$0xFFFFFC70] =	vst v3;
	s3 =	spop (v2sf);
	(v2sf) =	vpush v0, $0x5  }
0x38f: {  	[smem:$0x7D0] =	sst s13;
	s13 =	smov.u32 s22;
	v3 =	vld [tilespmem:s4+$0x10810];
	s22 =	spop (v2sf);
	[tilespmem:s26+$0xFFFFF980] =	vst v1  }
0x390: {  	[dreg:$0x14] =	wrdreg s13;
	s13 =	smov.u32 s24;
	v1 =	vld [tilespmem:s31+$0x10810];
	[tilespmem:s0+$0xFFFFFE80] =	vst v2;
	s24 =	spop (v2sf)  }
0x391: {  	s31 =	smov.u32 s25;
	v2 =	vld [tilespmem:s24+$0x10800];
	s25 =	spop (v2sf);
	[tilespmem:s26+$0xFFFFFFE0] =	vst v4  }
0x392: {  	[tilespmem:s0+$0xFFFFFA80] =	vst v5;
	v4 =	vld [tilespmem:s25+$0x10800]  }
0x393: {  	[smem:$0x7D2] =	sst s17;
	s17 =	smov.u32 s20;
	s20 =	spop (v2sf);
	[tilespmem:s0+$0xFFFFF880] =	vst v6;
	v5 =	vld [tilespmem:s5+$0x10800]  }
0x394: {  	s4 =	spop (v2sf);
	v6 =	vld [tilespmem:s11+$0x10800];
	[tilespmem:s0+$0xFFFFFC80] =	vst v3  }
0x395: {  	[dreg:$0x19] =	wrdreg s17;
	s17 =	spop (v2sf);
	v3 =	vld [tilespmem:s7+$0x10800];
	[tilespmem:s26+$0xFFFFFB80] =	vst v1  }
0x396: {  	v1 =	vld [tilespmem:s28+$0x10810];
	s15 =	spop (v2sf);
	[tilespmem:s0+$0xFFFFFE90] =	vst v2  }
0x397: {  	s12 =	spop (v2sf);
	v2 =	vld [tilespmem:s24+$0x10810];
	[tilespmem:s26+$0xFFFFFFF0] =	vst v4  }
0x398: {  	s28 =	smov.u32 s23;
	s29 =	spop (v2sf);
	[tilespmem:s0+$0xFFFFFA90] =	vst v5;
	v4 =	vld [tilespmem:s25+$0x10810]  }
0x399: {  	[dreg:$0x1c] =	wrdreg s28;
	s28 =	spop (v2sf);
	[tilespmem:s0+$0xFFFFF890] =	vst v6;
	v5 =	vld [tilespmem:s5+$0x10810]  }
0x39a: {  	s5 =	spop (v2sf);
	v6 =	vld [tilespmem:s11+$0x10810];
	[tilespmem:s0+$0xFFFFFC90] =	vst v3;
	(v2sf) =	vpush v0, $0x6  }
0x39b: {  	v3 =	vld [tilespmem:s7+$0x10810];
	[tilespmem:s26+$0xFFFFFD80] =	vst v1  }
0x39c: {  	v1 =	vld [tilespmem:s1+$0x10800];
	[tilespmem:s0+$0xFFFFFEA0] =	vst v2  }
0x39d: {  	v2 =	vld [tilespmem:s13+$0x10800];
	s25 =	spop (v2sf);
	[tilespmem:s26+$0x0] =	vst v4  }
0x39e: {  	[tilespmem:s0+$0xFFFFFAA0] =	vst v5;
	v4 =	vld [tilespmem:s25+$0x10800]  }
0x39f: {  	[tilespmem:s0+$0xFFFFF8A0] =	vst v6;
	v5 =	vld [tilespmem:s9+$0x10800]  }
0x3a0: {  	v6 =	vld [tilespmem:s8+$0x10800];
	[tilespmem:s0+$0xFFFFFCA0] =	vst v3  }
0x3a1: {  	[tilespmem:s26+$0xFFFFF990] =	vst v1;
	v3 =	vld [tilespmem:s10+$0x10800]  }
0x3a2: {  	v1 =	vld [tilespmem:s31+$0x10800];
	[tilespmem:s26+$0xFFFFFB90] =	vst v2  }
0x3a3: {  	v2 =	vld [tilespmem:s1+$0x10810];
	[tilespmem:s0+$0xFFFFFEB0] =	vst v4  }
0x3a4: {  	[tilespmem:s0+$0xFFFFFAB0] =	vst v5;
	v4 =	vld [tilespmem:s25+$0x10810]  }
0x3a5: {  	[tilespmem:s0+$0xFFFFF8B0] =	vst v6;
	v5 =	vld [tilespmem:s9+$0x10810]  }
0x3a6: {  	v6 =	vld [tilespmem:s8+$0x10810];
	[tilespmem:s0+$0xFFFFFCB0] =	vst v3  }
0x3a7: {  	(v2sf) =	vpush v0, $0x7;
	v3 =	vld [tilespmem:s10+$0x10810];
	[tilespmem:s26+$0xFFFFFD90] =	vst v1  }
0x3a8: {  	[tilespmem:s26+$0xFFFFF9A0] =	vst v2;
	v1 =	vld [tilespmem:s13+$0x10810]  }
0x3a9: {  	v2 =	vld [tilespmem:s31+$0x10810];
	s11 =	spop (v2sf);
	[tilespmem:s0+$0xFFFFFEC0] =	vst v4  }
0x3aa: {  	[tilespmem:s0+$0xFFFFFAC0] =	vst v5;
	v4 =	vld [tilespmem:s11+$0x10800]  }
0x3ab: {  	[tilespmem:s0+$0xFFFFF8C0] =	vst v6;
	v5 =	vld [tilespmem:s6+$0x10800]  }
0x3ac: {  	v6 =	vld [tilespmem:s19+$0x10800];
	[tilespmem:s0+$0xFFFFFCC0] =	vst v3  }
0x3ad: {  	[tilespmem:s26+$0xFFFFFBA0] =	vst v1;
	v3 =	vld [tilespmem:s30+$0x10800]  }
0x3ae: {  	s13 =	rddreg [dreg:$0x15];
	v1 =	vld [tilespmem:s16+$0x10800];
	[tilespmem:s26+$0xFFFFFDA0] =	vst v2  }
0x3af: {  	v2 =	vld [tilespmem:s13+$0x10800];
	[tilespmem:s0+$0xFFFFFED0] =	vst v4  }
0x3b0: {  	[tilespmem:s0+$0xFFFFFAD0] =	vst v5;
	v4 =	vld [tilespmem:s11+$0x10810]  }
0x3b1: {  	[tilespmem:s0+$0xFFFFF8D0] =	vst v6;
	v5 =	vld [tilespmem:s6+$0x10810]  }
0x3b2: {  	v6 =	vld [tilespmem:s19+$0x10810];
	[tilespmem:s0+$0xFFFFFCD0] =	vst v3  }
0x3b3: {  	(v2sf) =	vpush v0, $0x8;
	v3 =	vld [tilespmem:s30+$0x10810];
	s30 =	sld [smem:$0x7C5]  }
0x3b4: {  	[tilespmem:s26+$0xFFFFF9B0] =	vst v1  }
0x3b5: {  	[tilespmem:s26+$0xFFFFFBB0] =	vst v2;
	s6 =	sld [smem:$0x7C6];
	v2 =	vld [tilespmem:s16+$0x10810]  }
0x3b6: {  	s7 =	sld [smem:$0x7C7];
	s31 =	spop (v2sf);
	v1 =	vld [tilespmem:s30+$0x10800];
	[tilespmem:s0+$0xFFFFFEE0] =	vst v4  }
0x3b7: {  	s9 =	sld [smem:$0x7C8];
	[tilespmem:s0+$0xFFFFFAE0] =	vst v5;
	v4 =	vld [tilespmem:s31+$0x10800]  }
0x3b8: {  	[tilespmem:s0+$0xFFFFF8E0] =	vst v6;
	v5 =	vld [tilespmem:s6+$0x10800]  }
0x3b9: {  	v6 =	vld [tilespmem:s7+$0x10800];
	[tilespmem:s0+$0xFFFFFCE0] =	vst v3  }
0x3ba: {  	[tilespmem:s26+$0xFFFFF9C0] =	vst v2;
	v3 =	vld [tilespmem:s9+$0x10800]  }
0x3bb: {  	[tilespmem:s26+$0xFFFFFDB0] =	vst v1;
	v1 =	vld [tilespmem:s13+$0x10810]  }
0x3bc: {  	v2 =	vld [tilespmem:s30+$0x10810];
	[tilespmem:s0+$0xFFFFFEF0] =	vst v4  }
0x3bd: {  	[tilespmem:s0+$0xFFFFFAF0] =	vst v5;
	v4 =	vld [tilespmem:s31+$0x10810]  }
0x3be: {  	s11 =	sld [smem:$0x7C9];
	[tilespmem:s0+$0xFFFFF8F0] =	vst v6;
	v5 =	vld [tilespmem:s6+$0x10810]  }
0x3bf: {  	(v2sf) =	vpush v0, $0x9;
	s16 =	sld [smem:$0x7CA];
	v6 =	vld [tilespmem:s7+$0x10810];
	[tilespmem:s0+$0xFFFFFCF0] =	vst v3  }
0x3c0: {  	v3 =	vld [tilespmem:s9+$0x10810];
	[tilespmem:s26+$0xFFFFFBC0] =	vst v1  }
0x3c1: {  	s24 =	smov.u32 s18;
	s10 =	smov.u32 s20;
	s20 =	sld [smem:$0x7CB];
	v1 =	vld [tilespmem:s11+$0x10800];
	[tilespmem:s26+$0xFFFFFDC0] =	vst v2  }
0x3c2: {  	s18 =	smov.u32 s22;
	s22 =	sld [smem:$0x7CC];
	s13 =	spop (v2sf);
	v2 =	vld [tilespmem:s16+$0x10800];
	[tilespmem:s0+$0xFFFFFF00] =	vst v4  }
0x3c3: {  	s30 =	sld [smem:$0x7CD];
	[tilespmem:s0+$0xFFFFFB00] =	vst v5;
	v4 =	vld [tilespmem:s13+$0x10800]  }
0x3c4: {  	s31 =	sld [smem:$0x7CE];
	[tilespmem:s0+$0xFFFFF900] =	vst v6;
	v5 =	vld [tilespmem:s20+$0x10800]  }
0x3c5: {  	v6 =	vld [tilespmem:s22+$0x10800];
	[tilespmem:s0+$0xFFFFFD00] =	vst v3  }
0x3c6: {  	v7 =	vld [tilespmem:s30+$0x10800];
	[tilespmem:s26+$0xFFFFF9D0] =	vst v1  }
0x3c7: {  	v1 =	vld [tilespmem:s31+$0x10800];
	[tilespmem:s26+$0xFFFFFBD0] =	vst v2  }
0x3c8: {  	v2 =	vld [tilespmem:s11+$0x10810];
	[tilespmem:s0+$0xFFFFFF10] =	vst v4  }
0x3c9: {  	s21 =	sadd.s32 $0x4, s21;
	[tilespmem:s0+$0xFFFFFB10] =	vst v5;
	v5 =	vld [tilespmem:s13+$0x10810]  }
0x3ca: {  	p0 =	slt.u32 s21, $0x3C;
	[tilespmem:s0+$0xFFFFF910] =	vst v6;
	v6 =	vld [tilespmem:s20+$0x10810]  }
.Ltmp1:
0x3cb: {  	v3 =	vld [tilespmem:s22+$0x10810];
	[tilespmem:s0+$0xFFFFFD10] =	vst v7;
	(pc) =	sbr.rel @p0 .LBB2_4-.Ltmp1, $4  }
0x3cc: {  	v4 =	vld [tilespmem:s30+$0x10810];
	[tilespmem:s26+$0xFFFFFDD0] =	vst v1  }
0x3cd: {  	s14 =	sadd.s32 $0x40, s14;
	s23 =	smov.u32 s2;
	s25 =	smov.u32 s3;
	[tilespmem:s26+$0xFFFFF9E0] =	vst v2;
	v1 =	vld [tilespmem:s16+$0x10810]  }
0x3ce: {  	s3 =	smov.u32 s17;
	[dreg:$0x15] =	wrdreg s10;
	s1 =	spop (v2sf);
	v2 =	vld [tilespmem:s31+$0x10810];
	[tilespmem:s0+$0xFFFFFF20] =	vst v5  }
0x3cf: {  	s19 =	smov.u32 s4;
	(v2sf) =	vpush v0, $0xA;
	s22 =	smov.u32 s15;
	s20 =	smov.u32 s12;
	[tilespmem:s0+$0xFFFFFB20] =	vst v6;
	v5 =	vld [tilespmem:s1+$0x10800]  }
0x3d0: {  	[tilespmem:s0+$0xFFFFF920] =	vst v3  }
0x3d1: {  	s4 =	sld [smem:$0x7CF];
	[tilespmem:s0+$0xFFFFFD20] =	vst v4  }
0x3d2: {  	s2 =	sld [smem:$0x7D0]  }
0x3d3: {  	s6 =	sld [smem:$0x7D1]  }
0x3d4: {  	v3 =	vld [tilespmem:s4+$0x10800]  }
0x3d5: {  	v51 =	vld [tilespmem:s2+$0x10800]  }
0x3d6: {  	v6 =	vld [tilespmem:s6+$0x10800];
	_ =	sdelay $0x1  }
0x3d7: {  	[tilespmem:s0+$0xFFFFFF30] =	vst v5  }
0x3d8: {  	v5 =	vld [tilespmem:s1+$0x10810];
	[tilespmem:s0+$0xFFFFF930] =	vst v3  }
0x3d9: {  	v3 =	vld [tilespmem:s4+$0x10810];
	[tilespmem:s0+$0xFFFFFB30] =	vst v51  }
0x3da: {  	[tilespmem:s0+$0xFFFFFD30] =	vst v6;
	v4 =	vld [tilespmem:s2+$0x10810]  }
0x3db: {  	v6 =	vld [tilespmem:s6+$0x10810];
	_ =	sdelay $0x1  }
0x3dc: {  	[tilespmem:s0+$0xFFFFFF40] =	vst v5  }
0x3dd: {  	[tilespmem:s0+$0xFFFFF940] =	vst v3  }
0x3de: {  	(v2sf) =	vpush v0, $0xB;
	s8 =	sld [smem:$0x7D2];
	[tilespmem:s0+$0xFFFFFB40] =	vst v4  }
0x3df: {  	s7 =	spop (v2sf);
	s9 =	sld [smem:$0x7D3];
	[tilespmem:s0+$0xFFFFFD40] =	vst v6  }
0x3e0: {  	v5 =	vld [tilespmem:s7+$0x10800];
	s10 =	sld [smem:$0x7D4]  }
0x3e1: {  	v3 =	vld [tilespmem:s8+$0x10800]  }
0x3e2: {  	v4 =	vld [tilespmem:s9+$0x10800]  }
0x3e3: {  	v6 =	vld [tilespmem:s10+$0x10800];
	_ =	sdelay $0x1  }
0x3e4: {  	[tilespmem:s0+$0xFFFFFF50] =	vst v5  }
0x3e5: {  	v5 =	vld [tilespmem:s7+$0x10810];
	[tilespmem:s0+$0xFFFFF950] =	vst v3  }
0x3e6: {  	v3 =	vld [tilespmem:s8+$0x10810];
	[tilespmem:s0+$0xFFFFFB50] =	vst v4  }
0x3e7: {  	v4 =	vld [tilespmem:s9+$0x10810];
	[tilespmem:s0+$0xFFFFFD50] =	vst v6  }
0x3e8: {  	v6 =	vld [tilespmem:s10+$0x10810]  }
0x3e9: {  	(v2sf) =	vpush v0, $0xC  }
0x3ea: {  	[tilespmem:s0+$0xFFFFFF60] =	vst v5  }
0x3eb: {  	[tilespmem:s0+$0xFFFFF960] =	vst v3  }
0x3ec: {  	s11 =	spop (v2sf);
	[tilespmem:s0+$0xFFFFFB60] =	vst v4  }
0x3ed: {  	v5 =	vld [tilespmem:s11+$0x10800];
	s12 =	rddreg [dreg:$0x14];
	[tilespmem:s0+$0xFFFFFD60] =	vst v6  }
0x3ee: {  	v3 =	vld [tilespmem:s12+$0x10800];
	s13 =	rddreg [dreg:$0x19]  }
0x3ef: {  	s14 =	rddreg [dreg:$0x1c];
	v4 =	vld [tilespmem:s13+$0x10800]  }
0x3f0: {  	v6 =	vld [tilespmem:s14+$0x10800];
	_ =	sdelay $0x1  }
0x3f1: {  	[tilespmem:s0+$0xFFFFFF70] =	vst v5  }
0x3f2: {  	v5 =	vld [tilespmem:s11+$0x10810];
	[tilespmem:s0+$0xFFFFF970] =	vst v3  }
0x3f3: {  	v3 =	vld [tilespmem:s12+$0x10810];
	[tilespmem:s0+$0xFFFFFB70] =	vst v4  }
0x3f4: {  	[tilespmem:s0+$0xFFFFFD70] =	vst v6;
	v4 =	vld [tilespmem:s13+$0x10810]  }
0x3f5: {  	(v2sf) =	vpush v0, $0xD;
	v6 =	vld [tilespmem:s14+$0x10810];
	_ =	sdelay $0x1  }
0x3f6: {  	s15 =	spop (v2sf);
	[tilespmem:s0+$0xFFFFFF80] =	vst v5  }
0x3f7: {  	v5 =	vld [tilespmem:s15+$0x10800];
	[tilespmem:s0+$0xFFFFF980] =	vst v3  }
0x3f8: {  	[tilespmem:s0+$0xFFFFFB80] =	vst v4;
	v3 =	vld [tilespmem:s23+$0x10800]  }
0x3f9: {  	[tilespmem:s0+$0xFFFFFD80] =	vst v6;
	v4 =	vld [tilespmem:s24+$0x10800]  }
0x3fa: {  	v6 =	vld [tilespmem:s25+$0x10800];
	_ =	sdelay $0x1  }
0x3fb: {  	[tilespmem:s0+$0xFFFFFF90] =	vst v5  }
0x3fc: {  	v5 =	vld [tilespmem:s15+$0x10810];
	[tilespmem:s0+$0xFFFFF990] =	vst v3  }
0x3fd: {  	v3 =	vld [tilespmem:s23+$0x10810];
	[tilespmem:s0+$0xFFFFFB90] =	vst v4  }
0x3fe: {  	[tilespmem:s0+$0xFFFFFD90] =	vst v6;
	v4 =	vld [tilespmem:s24+$0x10810]  }
0x3ff: {  	(v2sf) =	vpush v0, $0xE;
	v6 =	vld [tilespmem:s25+$0x10810];
	_ =	sdelay $0x1  }
0x400: {  	[tilespmem:s0+$0xFFFFFFA0] =	vst v5  }
0x401: {  	s16 =	spop (v2sf);
	[tilespmem:s0+$0xFFFFF9A0] =	vst v3  }
0x402: {  	v5 =	vld [tilespmem:s16+$0x10800];
	[tilespmem:s0+$0xFFFFFBA0] =	vst v4  }
0x403: {  	v3 =	vld [tilespmem:s18+$0x10800];
	[tilespmem:s0+$0xFFFFFDA0] =	vst v6  }
0x404: {  	s17 =	rddreg [dreg:$0x15];
	v6 =	vld [tilespmem:s19+$0x10800]  }
0x405: {  	v4 =	vld [tilespmem:s17+$0x10800];
	_ =	sdelay $0x1  }
0x406: {  	[tilespmem:s0+$0xFFFFFFB0] =	vst v5  }
0x407: {  	v5 =	vld [tilespmem:s16+$0x10810];
	[tilespmem:s0+$0xFFFFF9B0] =	vst v3  }
0x408: {  	v3 =	vld [tilespmem:s18+$0x10810];
	[tilespmem:s0+$0xFFFFFDB0] =	vst v6  }
0x409: {  	[tilespmem:s0+$0xFFFFFBB0] =	vst v4;
	v52 =	vld [tilespmem:s19+$0x10810]  }
0x40a: {  	(v2sf) =	vpush v0, $0xF;
	[tilespmem:s26+$0xFFFFFBE0] =	vst v1;
	v4 =	vld [tilespmem:s17+$0x10810]  }
0x40b: {  	[tilespmem:s26+$0xFFFFFDE0] =	vst v2  }
0x40c: {  	[tilespmem:s0+$0xFFFFFFC0] =	vst v5;
	s19 =	spop (v2sf)  }
0x40d: {  	v5 =	vld [tilespmem:s19+$0x10800];
	[tilespmem:s0+$0xFFFFF9C0] =	vst v3  }
0x40e: {  	v3 =	vld [tilespmem:s3+$0x10800];
	[tilespmem:s0+$0xFFFFFDC0] =	vst v52  }
0x40f: {  	[tilespmem:s0+$0xFFFFFBC0] =	vst v4;
	v54 =	vld [tilespmem:s20+$0x10800]  }
0x410: {  	v53 =	vld [tilespmem:s22+$0x10800];
	s21 =	rddreg [dreg:$0xb]  }
0x411: {  	s23 =	rddreg [dreg:$0x5];
	v55 =	vld [tilespmem:s21+$0x10800]  }
0x412: {  	[tilespmem:s0+$0xFFFFFFD0] =	vst v5;
	v56 =	vld [tilespmem:s23+$0x10800]  }
0x413: {  	[tilespmem:s0+$0xFFFFF9D0] =	vst v3  }
0x414: {  	v5 =	vld [tilespmem:s19+$0x10810];
	[tilespmem:s0+$0xFFFFFDD0] =	vst v54  }
0x415: {  	v3 =	vld [tilespmem:s3+$0x10810];
	[tilespmem:s0+$0xFFFFFBD0] =	vst v53  }
0x416: {  	v1 =	vld [tilespmem:s20+$0x10810];
	[tilespmem:s26+$0xFFFFF9F0] =	vst v55  }
0x417: {  	v0 =	vld [tilespmem:s22+$0x10810];
	[tilespmem:s26+$0xFFFFFBF0] =	vst v56  }
0x418: {  	s24 =	rddreg [dreg:$0x8];
	v58 =	vld [tilespmem:s21+$0x10810]  }
0x419: {  	s25 =	spop (v2sf);
	[tilespmem:s0+$0xFFFFFFE0] =	vst v5;
	v57 =	vld [tilespmem:s24+$0x10800]  }
0x41a: {  	v5 =	vld [tilespmem:s25+$0x10800];
	[tilespmem:s0+$0xFFFFF9E0] =	vst v3  }
0x41b: {  	v59 =	vld [tilespmem:s29+$0x10800];
	[tilespmem:s0+$0xFFFFFDE0] =	vst v1  }
0x41c: {  	[tilespmem:s0+$0xFFFFFBE0] =	vst v0;
	v61 =	vld [tilespmem:s5+$0x10800]  }
0x41d: {  	v60 =	vld [tilespmem:s28+$0x10800];
	[tilespmem:s26+$0xFFFFFA00] =	vst v58  }
0x41e: {  	v62 =	vld [tilespmem:s23+$0x10810];
	[tilespmem:s26+$0xFFFFFDF0] =	vst v57  }
0x41f: {  	[tilespmem:s0+$0xFFFFFFF0] =	vst v5;
	v63 =	vld [tilespmem:s24+$0x10810]  }
0x420: {  	v5 =	vld [tilespmem:s25+$0x10810];
	[tilespmem:s0+$0xFFFFF9F0] =	vst v59  }
0x421: {  	v0 =	vld [tilespmem:s29+$0x10810];
	[tilespmem:s0+$0xFFFFFDF0] =	vst v61  }
0x422: {  	[tilespmem:s0+$0xFFFFFBF0] =	vst v60;
	v2 =	vld [tilespmem:s5+$0x10810]  }
0x423: {  	[tilespmem:s26+$0xFFFFFC00] =	vst v62;
	v1 =	vld [tilespmem:s28+$0x10810]  }
0x424: {  	[tilespmem:s26+$0xFFFFFE00] =	vst v63  }
0x425: {  	[tilespmem:s0+$0x0] =	vst v5  }
0x426: {  	[tilespmem:s0+$0xFFFFFA00] =	vst v0  }
0x427: {  	[tilespmem:s0+$0xFFFFFE00] =	vst v2  }
0x428: {  	[tilespmem:s0+$0xFFFFFC00] =	vst v1  }
0x429: {  	s0 =	sld [smem:$0x7F8]  }
0x42a: {  	s31 =	simm.s32 $0x0  }
0x42b: {  	s28 =	simm.s32 $0x400;
	s26 =	simm.s32 $0x0;
	s29 =	sld [smem:$0x7F9]  }
0x42c: {  	[tilespmem:s28], [sflag:$0x4] =	stream.linear.gather [hbm4b:s0+s26], $0x400, $0x38;
	[tilespmem:$0x18500] =	vst v63  }
0x42d: {  	s30 =	simm.s32 $0x8800;
	[smem:$0x7C4] =	sst s31  }
0x42e: {  	[hbm4b:s29+s26] =	stream.linear.scatter [tilespmem:s30], [sflag:$0x2], $0x8000, $0x38;
	[tilespmem:$0x18500] =	vst v63  }
.LBB2_6:
0x42f: {  	s0 =	simm.s32 $0x1  }
0x430: {  	_ =	swait.ge [sflag:s0], $0x8000  }
0x431: {  	[sflag:s0] =	ssyncset.done $0x0  }
0x432: {  	s18 =	simm.s32 $0x3;
	[sflag:s0] =	ssyncadd.s32 $0xFFFF8000  }
0x433: {  	_ =	swait.ge [sflag:s18], $0x400  }
0x434: {  	[sflag:s18] =	ssyncset.done $0x0  }
0x435: {  	s19 =	simm.s32 $0x20;
	[sflag:s18] =	ssyncadd.s32 $0xFFFFFC00  }
0x436: {  	v0 =	vld [tilespmem:s19+$0x10];
	_ =	sdelay $0x1  }
0x437: {  	v2 =	vld [tilespmem:s19+$0xFFFFFFF0]  }
0x438: {  	v3 =	vld [tilespmem:s19+$0xFFFFFFE0]  }
0x439: {  	v4 =	vld [tilespmem:s19+$0x0]  }
0x43a: {  	v1 =	vshll.u32 v0, $0x5  }
0x43b: {  	(v2sf) =	vpush v1, $0x0  }
0x43c: {  	v0 =	vshll.u32 v2, $0x5  }
0x43d: {  	v3 =	vshll.u32 v3, $0x5;
	(v2sf) =	vpush v0, $0x0  }
0x43e: {  	v2 =	vshll.u32 v4, $0x5;
	(v2sf) =	vpush v3, $0x0  }
0x43f: {  	(v2sf) =	vpush v2, $0x0  }
0x440: {  	(v2sf) =	vpush v3, $0x1  }
0x441: {  	(v2sf) =	vpush v0, $0x1  }
0x442: {  	(v2sf) =	vpush v2, $0x1  }
0x443: {  	(v2sf) =	vpush v3, $0x2  }
0x444: {  	(v2sf) =	vpush v0, $0x2  }
0x445: {  	(v2sf) =	vpush v2, $0x2  }
0x446: {  	(v2sf) =	vpush v3, $0x3  }
0x447: {  	(v2sf) =	vpush v1, $0x1  }
0x448: {  	(v2sf) =	vpush v0, $0x3  }
0x449: {  	(v2sf) =	vpush v2, $0x3  }
0x44a: {  	s20 =	spop (v2sf);
	(v2sf) =	vpush v3, $0x4;
	_ =	sdelay $0x1  }
0x44b: {  	v4 =	vld [tilespmem:s20+$0x10800];
	s1 =	spop (v2sf);
	(v2sf) =	vpush v0, $0x4  }
0x44c: {  	s3 =	spop (v2sf);
	(v2sf) =	vpush v2, $0x4  }
0x44d: {  	v5 =	vld [tilespmem:s1+$0x10800];
	(v2sf) =	vpush v3, $0x5;
	s5 =	spop (v2sf)  }
0x44e: {  	s6 =	spop (v2sf);
	(v2sf) =	vpush v0, $0x5  }
0x44f: {  	s28 =	simm.s32 $0xC00;
	v6 =	vld [tilespmem:s3+$0x10800];
	s7 =	spop (v2sf);
	(v2sf) =	vpush v2, $0x5  }
0x450: {  	[tilespmem:s28+$0x200] =	vst v4;
	(v2sf) =	vpush v3, $0x6;
	s8 =	spop (v2sf)  }
0x451: {  	v4 =	vld [tilespmem:s20+$0x10810];
	s2 =	spop (v2sf);
	(v2sf) =	vpush v0, $0x6  }
0x452: {  	v7 =	vld [tilespmem:s5+$0x10800];
	[tilespmem:s28+$0xFFFFFE00] =	vst v5;
	s21 =	spop (v2sf);
	(v2sf) =	vpush v1, $0x2  }
0x453: {  	v5 =	vld [tilespmem:s1+$0x10810];
	s4 =	spop (v2sf);
	(v2sf) =	vpush v2, $0x6  }
0x454: {  	[tilespmem:s28+$0xFFFFFC00] =	vst v6;
	s29 =	spop (v2sf);
	(v2sf) =	vpush v3, $0x7  }
0x455: {  	v6 =	vld [tilespmem:s3+$0x10810];
	s24 =	spop (v2sf);
	(v2sf) =	vpush v0, $0x7  }
0x456: {  	[tilespmem:s28+$0x210] =	vst v4;
	s31 =	spop (v2sf);
	(v2sf) =	vpush v2, $0x7  }
0x457: {  	[tilespmem:s28+$0x0] =	vst v7;
	v4 =	vld [tilespmem:s24+$0x10800];
	(v2sf) =	vpush v3, $0x8;
	s30 =	spop (v2sf)  }
0x458: {  	v7 =	vld [tilespmem:s5+$0x10810];
	[tilespmem:s28+$0xFFFFFE10] =	vst v5;
	s1 =	spop (v2sf);
	(v2sf) =	vpush v0, $0x8  }
0x459: {  	v5 =	vld [tilespmem:s7+$0x10800]  }
0x45a: {  	[tilespmem:s28+$0xFFFFFC10] =	vst v6;
	s3 =	spop (v2sf);
	(v2sf) =	vpush v2, $0x8  }
0x45b: {  	v6 =	vld [tilespmem:s6+$0x10800];
	(v2sf) =	vpush v3, $0x9;
	s13 =	spop (v2sf)  }
0x45c: {  	[tilespmem:s28+$0x220] =	vst v4;
	s22 =	spop (v2sf);
	(v2sf) =	vpush v0, $0x9  }
0x45d: {  	[tilespmem:s28+$0x10] =	vst v7;
	v4 =	vld [tilespmem:s24+$0x10810];
	s24 =	spop (v2sf);
	(v2sf) =	vpush v2, $0x9  }
0x45e: {  	v7 =	vld [tilespmem:s8+$0x10800];
	[tilespmem:s28+$0xFFFFFE20] =	vst v5;
	s23 =	spop (v2sf);
	(v2sf) =	vpush v1, $0x3  }
0x45f: {  	v5 =	vld [tilespmem:s7+$0x10810];
	s15 =	spop (v2sf);
	(v2sf) =	vpush v3, $0xA  }
0x460: {  	[tilespmem:s28+$0xFFFFFC20] =	vst v6;
	s17 =	spop (v2sf);
	(v2sf) =	vpush v0, $0xA  }
0x461: {  	v6 =	vld [tilespmem:s6+$0x10810];
	s25 =	spop (v2sf);
	(v2sf) =	vpush v2, $0xA  }
0x462: {  	[tilespmem:s28+$0x230] =	vst v4;
	(v2sf) =	vpush v3, $0xB;
	s18 =	spop (v2sf)  }
0x463: {  	[tilespmem:s28+$0x20] =	vst v7;
	v4 =	vld [tilespmem:s25+$0x10800];
	s5 =	spop (v2sf);
	(v2sf) =	vpush v0, $0xB  }
0x464: {  	v7 =	vld [tilespmem:s8+$0x10810];
	[tilespmem:s28+$0xFFFFFE30] =	vst v5;
	s16 =	spop (v2sf);
	(v2sf) =	vpush v2, $0xB  }
0x465: {  	v5 =	vld [tilespmem:s21+$0x10800];
	(v2sf) =	vpush v3, $0xC;
	s12 =	spop (v2sf)  }
0x466: {  	[tilespmem:s28+$0xFFFFFC30] =	vst v6;
	s9 =	spop (v2sf);
	(v2sf) =	vpush v0, $0xC  }
0x467: {  	v6 =	vld [tilespmem:s2+$0x10800];
	s11 =	spop (v2sf);
	(v2sf) =	vpush v2, $0xC  }
0x468: {  	[tilespmem:s28+$0x240] =	vst v4  }
0x469: {  	[tilespmem:s28+$0x30] =	vst v7;
	v4 =	vld [tilespmem:s25+$0x10810];
	(v2sf) =	vpush v3, $0xD;
	s10 =	spop (v2sf)  }
0x46a: {  	v7 =	vld [tilespmem:s4+$0x10800];
	[tilespmem:s28+$0xFFFFFE40] =	vst v5;
	s0 =	spop (v2sf)  }
0x46b: {  	v5 =	vld [tilespmem:s21+$0x10810];
	s7 =	spop (v2sf)  }
0x46c: {  	[tilespmem:s28+$0xFFFFFC40] =	vst v6;
	(v2sf) =	vpush v1, $0x4;
	s8 =	spop (v2sf)  }
0x46d: {  	v6 =	vld [tilespmem:s2+$0x10810];
	s26 =	spop (v2sf)  }
0x46e: {  	(v2sf) =	vpush v0, $0xD;
	[tilespmem:s28+$0x250] =	vst v4;
	s6 =	spop (v2sf)  }
0x46f: {  	[tilespmem:s28+$0x40] =	vst v7;
	v4 =	vld [tilespmem:s26+$0x10800];
	s2 =	spop (v2sf)  }
0x470: {  	v7 =	vld [tilespmem:s4+$0x10810];
	(v2sf) =	vpush v2, $0xD;
	[tilespmem:s28+$0xFFFFFE50] =	vst v5;
	s25 =	spop (v2sf)  }
0x471: {  	v5 =	vld [tilespmem:s31+$0x10800];
	s20 =	spop (v2sf)  }
0x472: {  	(v2sf) =	vpush v3, $0xE;
	[tilespmem:s28+$0xFFFFFC50] =	vst v6;
	s14 =	spop (v2sf)  }
0x473: {  	(v2sf) =	vpush v0, $0xE;
	v6 =	vld [tilespmem:s29+$0x10800];
	s19 =	spop (v2sf)  }
0x474: {  	(v2sf) =	vpush v2, $0xE;
	[tilespmem:s28+$0x260] =	vst v4;
	s21 =	spop (v2sf)  }
0x475: {  	(v2sf) =	vpush v3, $0xF;
	[tilespmem:s28+$0x50] =	vst v7;
	v3 =	vld [tilespmem:s26+$0x10810];
	s26 =	spop (v2sf)  }
0x476: {  	[tilespmem:s28+$0xFFFFFE60] =	vst v5;
	s4 =	spop (v2sf)  }
0x477: {  	(v2sf) =	vpush v0, $0xF;
	v0 =	vld [tilespmem:s30+$0x10800];
	[smem:$0x7BD] =	sst s4  }
0x478: {  	(v2sf) =	vpush v2, $0xF;
	v2 =	vld [tilespmem:s31+$0x10810];
	[tilespmem:s28+$0xFFFFFC60] =	vst v6;
	s31 =	spop (v2sf)  }
0x479: {  	[smem:$0x7BE] =	sst s31  }
0x47a: {  	v4 =	vld [tilespmem:s29+$0x10810]  }
0x47b: {  	s31 =	spop (v2sf);
	[tilespmem:s28+$0x270] =	vst v3  }
0x47c: {  	(v2sf) =	vpush v1, $0x5;
	v3 =	vld [tilespmem:s31+$0x10800];
	[tilespmem:s28+$0x60] =	vst v0  }
0x47d: {  	s29 =	spop (v2sf);
	[tilespmem:s28+$0xFFFFFE70] =	vst v2  }
0x47e: {  	v0 =	vld [tilespmem:s30+$0x10810];
	[smem:$0x7BF] =	sst s29  }
0x47f: {  	s29 =	spop (v2sf);
	[tilespmem:s28+$0xFFFFFC70] =	vst v4  }
0x480: {  	v2 =	vld [tilespmem:s3+$0x10800];
	[smem:$0x7C0] =	sst s29  }
0x481: {  	s29 =	spop (v2sf);
	[tilespmem:s28+$0x280] =	vst v3  }
0x482: {  	v4 =	vld [tilespmem:s1+$0x10800];
	[smem:$0x7C1] =	sst s29  }
0x483: {  	v3 =	vld [tilespmem:s31+$0x10810];
	s31 =	spop (v2sf)  }
0x484: {  	[smem:$0x7C2] =	sst s31  }
0x485: {  	s31 =	spop (v2sf);
	[tilespmem:s28+$0x70] =	vst v0  }
0x486: {  	[smem:$0x7C3] =	sst s31;
	s31 =	spop (v2sf)  }
0x487: {  	v0 =	vld [tilespmem:s13+$0x10800];
	[dreg:$0xc] =	wrdreg s31  }
0x488: {  	s31 =	spop (v2sf);
	[tilespmem:s28+$0xFFFFFE80] =	vst v2  }
0x489: {  	(v2sf) =	vpush v1, $0x6;
	[dreg:$0x4] =	wrdreg s31  }
0x48a: {  	s31 =	spop (v2sf);
	[tilespmem:s28+$0xFFFFFC80] =	vst v4  }
0x48b: {  	v2 =	vld [tilespmem:s3+$0x10810];
	[dreg:$0x9] =	wrdreg s31  }
0x48c: {  	s4 =	spop (v2sf);
	v4 =	vld [tilespmem:s1+$0x10810];
	[tilespmem:s28+$0x290] =	vst v3  }
0x48d: {  	[tilespmem:s28+$0x80] =	vst v0;
	v3 =	vld [tilespmem:s4+$0x10800]  }
0x48e: {  	v0 =	vld [tilespmem:s13+$0x10810];
	_ =	sdelay $0x1  }
0x48f: {  	[tilespmem:s28+$0xFFFFFE90] =	vst v2  }
0x490: {  	v2 =	vld [tilespmem:s24+$0x10800];
	[tilespmem:s28+$0xFFFFFC90] =	vst v4  }
0x491: {  	v4 =	vld [tilespmem:s22+$0x10800];
	[tilespmem:s28+$0x2A0] =	vst v3  }
0x492: {  	[tilespmem:s28+$0x90] =	vst v0;
	v3 =	vld [tilespmem:s4+$0x10810]  }
0x493: {  	v0 =	vld [tilespmem:s23+$0x10800]  }
0x494: {  	(v2sf) =	vpush v1, $0x7  }
0x495: {  	[tilespmem:s28+$0xFFFFFEA0] =	vst v2  }
0x496: {  	v2 =	vld [tilespmem:s24+$0x10810];
	[tilespmem:s28+$0xFFFFFCA0] =	vst v4  }
0x497: {  	v4 =	vld [tilespmem:s22+$0x10810];
	[tilespmem:s28+$0x2B0] =	vst v3;
	s22 =	spop (v2sf)  }
0x498: {  	[tilespmem:s28+$0xA0] =	vst v0;
	v3 =	vld [tilespmem:s22+$0x10800]  }
0x499: {  	v0 =	vld [tilespmem:s23+$0x10810];
	_ =	sdelay $0x2  }
0x49a: {  	[tilespmem:s28+$0xFFFFFEB0] =	vst v2  }
0x49b: {  	v2 =	vld [tilespmem:s17+$0x10800];
	[tilespmem:s28+$0x2C0] =	vst v3  }
0x49c: {  	[tilespmem:s28+$0xB0] =	vst v0;
	v3 =	vld [tilespmem:s22+$0x10810]  }
0x49d: {  	[tilespmem:s28+$0xFFFFFCB0] =	vst v4;
	v0 =	vld [tilespmem:s18+$0x10800]  }
0x49e: {  	(v2sf) =	vpush v1, $0x8;
	v4 =	vld [tilespmem:s15+$0x10800];
	_ =	sdelay $0x1  }
0x49f: {  	[tilespmem:s28+$0xFFFFFEC0] =	vst v2  }
0x4a0: {  	s23 =	spop (v2sf);
	v2 =	vld [tilespmem:s17+$0x10810];
	[tilespmem:s28+$0x2D0] =	vst v3  }
0x4a1: {  	[tilespmem:s28+$0xC0] =	vst v0;
	v3 =	vld [tilespmem:s23+$0x10800]  }
0x4a2: {  	[tilespmem:s28+$0xFFFFFCC0] =	vst v4;
	v0 =	vld [tilespmem:s18+$0x10810]  }
0x4a3: {  	v4 =	vld [tilespmem:s15+$0x10810];
	_ =	sdelay $0x1  }
0x4a4: {  	[tilespmem:s28+$0xFFFFFED0] =	vst v2  }
0x4a5: {  	v2 =	vld [tilespmem:s16+$0x10800];
	[tilespmem:s28+$0x2E0] =	vst v3  }
0x4a6: {  	[tilespmem:s28+$0xD0] =	vst v0;
	v3 =	vld [tilespmem:s23+$0x10810]  }
0x4a7: {  	[tilespmem:s28+$0xFFFFFCD0] =	vst v4;
	v0 =	vld [tilespmem:s12+$0x10800]  }
0x4a8: {  	v4 =	vld [tilespmem:s5+$0x10800]  }
0x4a9: {  	(v2sf) =	vpush v1, $0x9  }
0x4aa: {  	[tilespmem:s28+$0xFFFFFEE0] =	vst v2  }
0x4ab: {  	s24 =	spop (v2sf);
	v2 =	vld [tilespmem:s16+$0x10810];
	[tilespmem:s28+$0x2F0] =	vst v3  }
0x4ac: {  	[tilespmem:s28+$0xE0] =	vst v0;
	v3 =	vld [tilespmem:s24+$0x10800]  }
0x4ad: {  	[tilespmem:s28+$0xFFFFFCE0] =	vst v4;
	v0 =	vld [tilespmem:s12+$0x10810]  }
0x4ae: {  	v4 =	vld [tilespmem:s5+$0x10810];
	_ =	sdelay $0x1  }
0x4af: {  	[tilespmem:s28+$0xFFFFFEF0] =	vst v2  }
0x4b0: {  	v2 =	vld [tilespmem:s11+$0x10800];
	[tilespmem:s28+$0x300] =	vst v3  }
0x4b1: {  	[tilespmem:s28+$0xF0] =	vst v0;
	v3 =	vld [tilespmem:s24+$0x10810]  }
0x4b2: {  	[tilespmem:s28+$0xFFFFFCF0] =	vst v4;
	v0 =	vld [tilespmem:s10+$0x10800]  }
0x4b3: {  	v4 =	vld [tilespmem:s9+$0x10800]  }
0x4b4: {  	(v2sf) =	vpush v1, $0xA;
	s4 =	simm.s32 $0x60  }
0x4b5: {  	v6 =	vld [tilespmem:s4+$0xFFFFFFF0];
	[tilespmem:s28+$0xFFFFFF00] =	vst v2  }
0x4b6: {  	v2 =	vld [tilespmem:s11+$0x10810];
	[tilespmem:s28+$0x310] =	vst v3  }
0x4b7: {  	s31 =	spop (v2sf);
	[tilespmem:s28+$0x100] =	vst v0;
	v0 =	vld [tilespmem:s4+$0x10]  }
0x4b8: {  	[tilespmem:s28+$0xFFFFFD00] =	vst v4;
	v3 =	vld [tilespmem:s31+$0x10800]  }
0x4b9: {  	v4 =	vld [tilespmem:s9+$0x10810]  }
0x4ba: {  	v7 =	vld [tilespmem:s4+$0xFFFFFFE0]  }
0x4bb: {  	v5 =	vld [tilespmem:s10+$0x10810]  }
0x4bc: {  	[tilespmem:s28+$0xFFFFFF10] =	vst v2;
	v0 =	vshll.u32 v0, $0x5  }
0x4bd: {  	v8 =	vld [tilespmem:s4+$0x0];
	[tilespmem:s28+$0x320] =	vst v3;
	(v2sf) =	vpush v0, $0x0  }
0x4be: {  	v2 =	vshll.u32 v6, $0x5;
	[tilespmem:s28+$0xFFFFFD10] =	vst v4;
	v9 =	vld [tilespmem:s31+$0x10810];
	(v2sf) =	vpush v1, $0xB  }
0x4bf: {  	v10 =	vld [tilespmem:s0+$0x10800];
	(v2sf) =	vpush v2, $0x0  }
0x4c0: {  	v4 =	vshll.u32 v7, $0x5;
	[tilespmem:s28+$0x110] =	vst v5;
	v5 =	vld [tilespmem:s7+$0x10800]  }
0x4c1: {  	v6 =	vld [tilespmem:s8+$0x10800];
	(v2sf) =	vpush v4, $0x0  }
0x4c2: {  	v3 =	vshll.u32 v8, $0x5  }
0x4c3: {  	s5 =	spop (v2sf);
	(v2sf) =	vpush v3, $0x0;
	[tilespmem:s28+$0x330] =	vst v9  }
0x4c4: {  	(v2sf) =	vpush v4, $0x1;
	[tilespmem:s28+$0xFFFFFD20] =	vst v10;
	v7 =	vld [tilespmem:s5+$0x10800]  }
0x4c5: {  	[tilespmem:s28+$0xFFFFFF20] =	vst v5;
	(v2sf) =	vpush v2, $0x1;
	v52 =	vld [tilespmem:s0+$0x10810]  }
0x4c6: {  	v5 =	vld [tilespmem:s7+$0x10810];
	[tilespmem:s28+$0x120] =	vst v6;
	(v2sf) =	vpush v3, $0x1  }
0x4c7: {  	v6 =	vld [tilespmem:s8+$0x10810];
	(v2sf) =	vpush v4, $0x2  }
0x4c8: {  	(v2sf) =	vpush v2, $0x2  }
0x4c9: {  	(v2sf) =	vpush v3, $0x2;
	[tilespmem:s28+$0x340] =	vst v7  }
0x4ca: {  	(v2sf) =	vpush v4, $0x3;
	[tilespmem:s28+$0xFFFFFD30] =	vst v52;
	v7 =	vld [tilespmem:s5+$0x10810]  }
0x4cb: {  	[tilespmem:s28+$0xFFFFFF30] =	vst v5;
	(v2sf) =	vpush v0, $0x1;
	v8 =	vld [tilespmem:s6+$0x10800]  }
0x4cc: {  	v5 =	vld [tilespmem:s2+$0x10800];
	[tilespmem:s28+$0x130] =	vst v6;
	(v2sf) =	vpush v1, $0xC;
	s7 =	spop (v2sf)  }
0x4cd: {  	v6 =	vld [tilespmem:s25+$0x10800];
	(v2sf) =	vpush v2, $0x3;
	s8 =	spop (v2sf)  }
0x4ce: {  	(v2sf) =	vpush v3, $0x3;
	v53 =	vld [tilespmem:s7+$0x10800];
	s9 =	spop (v2sf)  }
0x4cf: {  	(v2sf) =	vpush v4, $0x4;
	[tilespmem:s28+$0x350] =	vst v7;
	v54 =	vld [tilespmem:s9+$0x10800]  }
0x4d0: {  	(v2sf) =	vpush v2, $0x4;
	[tilespmem:s28+$0xFFFFFD40] =	vst v8;
	s10 =	spop (v2sf);
	v7 =	vld [tilespmem:s8+$0x10800]  }
0x4d1: {  	[tilespmem:s28+$0xFFFFFF40] =	vst v5;
	(v2sf) =	vpush v3, $0x4;
	v5 =	vld [tilespmem:s10+$0x10800]  }
0x4d2: {  	s0 =	simm.s32 $0x1400;
	[tilespmem:s28+$0x140] =	vst v6;
	(v2sf) =	vpush v4, $0x5;
	s11 =	spop (v2sf)  }
0x4d3: {  	v55 =	vld [tilespmem:s6+$0x10810];
	s12 =	spop (v2sf);
	(v2sf) =	vpush v2, $0x5;
	[tilespmem:s0+$0x200] =	vst v53  }
0x4d4: {  	v6 =	vld [tilespmem:s11+$0x10800];
	s13 =	spop (v2sf);
	(v2sf) =	vpush v3, $0x5;
	[tilespmem:s0+$0xFFFFFE00] =	vst v54  }
0x4d5: {  	v56 =	vld [tilespmem:s7+$0x10810];
	(v2sf) =	vpush v4, $0x6;
	s15 =	spop (v2sf);
	[tilespmem:s28+$0x360] =	vst v7  }
0x4d6: {  	s18 =	spop (v2sf);
	(v2sf) =	vpush v2, $0x6;
	[tilespmem:s0+$0xFFFFFC00] =	vst v5;
	v5 =	vld [tilespmem:s9+$0x10810]  }
0x4d7: {  	s23 =	spop (v2sf);
	(v2sf) =	vpush v0, $0x2;
	v7 =	vld [tilespmem:s8+$0x10810]  }
0x4d8: {  	[tilespmem:s28+$0xFFFFFD50] =	vst v55;
	v57 =	vld [tilespmem:s10+$0x10810];
	s1 =	spop (v2sf);
	(v2sf) =	vpush v1, $0xD  }
0x4d9: {  	v58 =	vld [tilespmem:s2+$0x10810];
	[tilespmem:s0+$0x0] =	vst v6;
	s22 =	spop (v2sf);
	(v2sf) =	vpush v3, $0x6  }
0x4da: {  	v6 =	vld [tilespmem:s11+$0x10810];
	[tilespmem:s0+$0x210] =	vst v56;
	(v2sf) =	vpush v4, $0x7;
	s16 =	spop (v2sf)  }
0x4db: {  	v10 =	vld [tilespmem:s16+$0x10800];
	(v2sf) =	vpush v2, $0x7;
	s17 =	spop (v2sf);
	[tilespmem:s0+$0xFFFFFE10] =	vst v5  }
0x4dc: {  	(v2sf) =	vpush v3, $0x7;
	s3 =	spop (v2sf);
	[tilespmem:s28+$0x370] =	vst v7;
	v7 =	vld [tilespmem:s13+$0x10800]  }
0x4dd: {  	[tilespmem:s0+$0xFFFFFC10] =	vst v57;
	(v2sf) =	vpush v4, $0x8;
	s4 =	spop (v2sf);
	v5 =	vld [tilespmem:s17+$0x10800]  }
0x4de: {  	[tilespmem:s28+$0xFFFFFF50] =	vst v58;
	v8 =	vld [tilespmem:s12+$0x10800];
	(v2sf) =	vpush v2, $0x8;
	s30 =	spop (v2sf)  }
0x4df: {  	v59 =	vld [tilespmem:s25+$0x10810];
	[tilespmem:s0+$0x10] =	vst v6;
	(v2sf) =	vpush v3, $0x8;
	s5 =	spop (v2sf)  }
0x4e0: {  	v6 =	vld [tilespmem:s15+$0x10800];
	[tilespmem:s0+$0x220] =	vst v10;
	(v2sf) =	vpush v4, $0x9;
	s31 =	spop (v2sf)  }
0x4e1: {  	v10 =	vld [tilespmem:s16+$0x10810];
	s16 =	spop (v2sf);
	[tilespmem:s0+$0xFFFFFE20] =	vst v7  }
0x4e2: {  	(v2sf) =	vpush v2, $0x9;
	s29 =	spop (v2sf);
	[tilespmem:s28+$0x380] =	vst v5;
	v7 =	vld [tilespmem:s13+$0x10810]  }
0x4e3: {  	[tilespmem:s0+$0xFFFFFC20] =	vst v8;
	v5 =	vld [tilespmem:s17+$0x10810];
	s17 =	spop (v2sf)  }
0x4e4: {  	[tilespmem:s28+$0x150] =	vst v59;
	(v2sf) =	vpush v3, $0x9;
	v8 =	vld [tilespmem:s12+$0x10810];
	s10 =	spop (v2sf)  }
0x4e5: {  	v60 =	vld [tilespmem:s20+$0x10800];
	[tilespmem:s0+$0x20] =	vst v6;
	s12 =	spop (v2sf)  }
0x4e6: {  	(v2sf) =	vpush v0, $0x3;
	v6 =	vld [tilespmem:s15+$0x10810];
	[tilespmem:s0+$0x230] =	vst v10;
	s24 =	spop (v2sf)  }
0x4e7: {  	(v2sf) =	vpush v1, $0xE;
	v10 =	vld [tilespmem:s24+$0x10800];
	s25 =	spop (v2sf);
	[tilespmem:s0+$0xFFFFFE30] =	vst v7  }
0x4e8: {  	(v2sf) =	vpush v4, $0xA;
	[tilespmem:s28+$0x390] =	vst v5;
	s15 =	spop (v2sf);
	v7 =	vld [tilespmem:s23+$0x10800]  }
0x4e9: {  	[tilespmem:s0+$0xFFFFFC30] =	vst v8;
	v5 =	vld [tilespmem:s25+$0x10800];
	s7 =	spop (v2sf)  }
0x4ea: {  	[tilespmem:s28+$0xFFFFFD60] =	vst v60;
	(v2sf) =	vpush v2, $0xA;
	v8 =	vld [tilespmem:s18+$0x10800];
	s11 =	spop (v2sf)  }
0x4eb: {  	(v2sf) =	vpush v3, $0xA;
	[tilespmem:s0+$0x30] =	vst v6;
	s9 =	spop (v2sf)  }
0x4ec: {  	(v2sf) =	vpush v4, $0xB;
	v6 =	vld [tilespmem:s1+$0x10800];
	[tilespmem:s0+$0x240] =	vst v10;
	s13 =	spop (v2sf)  }
0x4ed: {  	v61 =	vld [tilespmem:s14+$0x10800];
	(v2sf) =	vpush v2, $0xB;
	s6 =	spop (v2sf);
	[tilespmem:s0+$0xFFFFFE40] =	vst v7  }
0x4ee: {  	(v2sf) =	vpush v3, $0xB;
	v10 =	vld [tilespmem:s24+$0x10810];
	[tilespmem:s28+$0x3A0] =	vst v5;
	s8 =	spop (v2sf)  }
0x4ef: {  	(v2sf) =	vpush v4, $0xC;
	v7 =	vld [tilespmem:s23+$0x10810];
	[tilespmem:s0+$0xFFFFFC40] =	vst v8;
	s24 =	spop (v2sf)  }
0x4f0: {  	(v2sf) =	vpush v2, $0xC;
	v5 =	vld [tilespmem:s25+$0x10810];
	[smem:$0x7B7] =	sst s24  }
0x4f1: {  	(v2sf) =	vpush v3, $0xC;
	s25 =	spop (v2sf);
	[tilespmem:s0+$0x40] =	vst v6  }
0x4f2: {  	(v2sf) =	vpush v4, $0xD;
	v8 =	vld [tilespmem:s18+$0x10810];
	[smem:$0x7B8] =	sst s25  }
0x4f3: {  	(v2sf) =	vpush v0, $0x4;
	s18 =	spop (v2sf);
	[tilespmem:s28+$0xFFFFFF60] =	vst v61  }
0x4f4: {  	(v2sf) =	vpush v1, $0xF;
	v1 =	vld [tilespmem:s1+$0x10810];
	[smem:$0x7B9] =	sst s18  }
0x4f5: {  	s1 =	spop (v2sf);
	[tilespmem:s0+$0x250] =	vst v10  }
0x4f6: {  	s2 =	spop (v2sf);
	v6 =	vld [tilespmem:s19+$0x10800];
	[tilespmem:s28+$0x3B0] =	vst v5  }
0x4f7: {  	[tilespmem:s0+$0xFFFFFE50] =	vst v7;
	s23 =	spop (v2sf);
	v62 =	vld [tilespmem:s1+$0x10800]  }
0x4f8: {  	v5 =	vld [tilespmem:s2+$0x10800];
	[smem:$0x7BA] =	sst s23  }
0x4f9: {  	s24 =	spop (v2sf);
	[tilespmem:s0+$0xFFFFFC50] =	vst v8  }
0x4fa: {  	v7 =	vld [tilespmem:s3+$0x10800];
	[smem:$0x7BB] =	sst s24  }
0x4fb: {  	s25 =	spop (v2sf);
	[tilespmem:s0+$0x50] =	vst v1  }
0x4fc: {  	v8 =	vld [tilespmem:s22+$0x10800];
	[smem:$0x7BC] =	sst s25  }
0x4fd: {  	(v2sf) =	vpush v2, $0xD;
	s23 =	spop (v2sf);
	[tilespmem:s28+$0x160] =	vst v6  }
0x4fe: {  	v1 =	vld [tilespmem:s4+$0x10800];
	[dreg:$0x11] =	wrdreg s23  }
0x4ff: {  	(v2sf) =	vpush v3, $0xD;
	s24 =	spop (v2sf);
	[tilespmem:s0+$0x260] =	vst v62  }
0x500: {  	(v2sf) =	vpush v4, $0xE;
	v6 =	vld [tilespmem:s20+$0x10810];
	[dreg:$0x16] =	wrdreg s24  }
0x501: {  	(v2sf) =	vpush v2, $0xE;
	s25 =	spop (v2sf);
	[tilespmem:s28+$0x3C0] =	vst v5  }
0x502: {  	(v2sf) =	vpush v3, $0xE;
	v9 =	vld [tilespmem:s1+$0x10810];
	[dreg:$0x1d] =	wrdreg s25  }
0x503: {  	(v2sf) =	vpush v4, $0xF;
	v4 =	vld [tilespmem:s2+$0x10810];
	[tilespmem:s0+$0xFFFFFE60] =	vst v7  }
0x504: {  	s23 =	spop (v2sf);
	[tilespmem:s0+$0xFFFFFC60] =	vst v8;
	v5 =	vld [tilespmem:s14+$0x10810]  }
0x505: {  	(v2sf) =	vpush v2, $0xF;
	s24 =	spop (v2sf);
	[tilespmem:s0+$0x60] =	vst v1;
	v2 =	vld [tilespmem:s3+$0x10810]  }
0x506: {  	(v2sf) =	vpush v3, $0xF;
	s25 =	spop (v2sf);
	v3 =	vld [tilespmem:s22+$0x10810];
	[tilespmem:s28+$0xFFFFFD70] =	vst v6  }
0x507: {  	s18 =	spop (v2sf);
	v1 =	vld [tilespmem:s4+$0x10810];
	[tilespmem:s0+$0x270] =	vst v9  }
0x508: {  	s14 =	spop (v2sf);
	[tilespmem:s28+$0x3D0] =	vst v4  }
0x509: {  	(v2sf) =	vpush v0, $0x5;
	s20 =	spop (v2sf);
	v6 =	vld [tilespmem:s14+$0x10800];
	[tilespmem:s28+$0xFFFFFF70] =	vst v5  }
0x50a: {  	[tilespmem:s0+$0xFFFFFE70] =	vst v2;
	v2 =	vld [tilespmem:s20+$0x10800]  }
0x50b: {  	[tilespmem:s0+$0xFFFFFC70] =	vst v3;
	v3 =	vld [tilespmem:s5+$0x10800]  }
0x50c: {  	s22 =	spop (v2sf);
	[tilespmem:s0+$0x70] =	vst v1;
	v4 =	vld [tilespmem:s30+$0x10800]  }
0x50d: {  	v1 =	vld [tilespmem:s31+$0x10800];
	[dreg:$0xf] =	wrdreg s22  }
0x50e: {  	v5 =	vld [tilespmem:s19+$0x10810];
	[tilespmem:s0+$0x280] =	vst v6  }
0x50f: {  	v6 =	vld [tilespmem:s14+$0x10810];
	[tilespmem:s28+$0x3E0] =	vst v2  }
0x510: {  	v2 =	vld [tilespmem:s20+$0x10810];
	[tilespmem:s0+$0xFFFFFE80] =	vst v3  }
0x511: {  	s19 =	spop (v2sf);
	[tilespmem:s0+$0xFFFFFC80] =	vst v4;
	v3 =	vld [tilespmem:s5+$0x10810]  }
0x512: {  	s3 =	spop (v2sf);
	[tilespmem:s0+$0x80] =	vst v1;
	v4 =	vld [tilespmem:s30+$0x10810]  }
0x513: {  	s22 =	spop (v2sf);
	v1 =	vld [tilespmem:s31+$0x10810];
	[tilespmem:s28+$0x170] =	vst v5  }
0x514: {  	s20 =	spop (v2sf);
	v5 =	vld [tilespmem:s21+$0x10800];
	[tilespmem:s0+$0x290] =	vst v6  }
0x515: {  	(v2sf) =	vpush v0, $0x6;
	s30 =	spop (v2sf);
	v6 =	vld [tilespmem:s26+$0x10800];
	[tilespmem:s28+$0x3F0] =	vst v2  }
0x516: {  	s31 =	spop (v2sf);
	[tilespmem:s0+$0xFFFFFE90] =	vst v3  }
0x517: {  	s4 =	spop (v2sf);
	[tilespmem:s0+$0xFFFFFC90] =	vst v4  }
0x518: {  	s5 =	spop (v2sf);
	[tilespmem:s0+$0x90] =	vst v1  }
0x519: {  	v2 =	vld [tilespmem:s5+$0x10800];
	[tilespmem:s28+$0xFFFFFD80] =	vst v5  }
0x51a: {  	v3 =	vld [tilespmem:s29+$0x10800];
	[tilespmem:s28+$0xFFFFFF80] =	vst v6  }
0x51b: {  	v4 =	vld [tilespmem:s16+$0x10800];
	s14 =	sld [smem:$0x7BD]  }
0x51c: {  	v1 =	vld [tilespmem:s17+$0x10800]  }
0x51d: {  	v6 =	vld [tilespmem:s21+$0x10810]  }
0x51e: {  	[tilespmem:s0+$0x2A0] =	vst v2;
	v5 =	vld [tilespmem:s14+$0x10800]  }
0x51f: {  	v2 =	vld [tilespmem:s5+$0x10810];
	[tilespmem:s0+$0xFFFFFEA0] =	vst v3  }
0x520: {  	[tilespmem:s0+$0xFFFFFCA0] =	vst v4;
	v3 =	vld [tilespmem:s29+$0x10810]  }
0x521: {  	[tilespmem:s0+$0xA0] =	vst v1;
	v4 =	vld [tilespmem:s16+$0x10810]  }
0x522: {  	v1 =	vld [tilespmem:s17+$0x10810];
	[tilespmem:s28+$0xFFFFFD90] =	vst v6  }
0x523: {  	[tilespmem:s28+$0x180] =	vst v5;
	v5 =	vld [tilespmem:s26+$0x10810]  }
0x524: {  	s29 =	smov.u32 s31;
	s31 =	spop (v2sf);
	[tilespmem:s0+$0x2B0] =	vst v2;
	v6 =	vld [tilespmem:s14+$0x10810]  }
0x525: {  	v2 =	vld [tilespmem:s31+$0x10800];
	[tilespmem:s0+$0xFFFFFEB0] =	vst v3  }
0x526: {  	[tilespmem:s0+$0xFFFFFCB0] =	vst v4  }
0x527: {  	[tilespmem:s0+$0xB0] =	vst v1  }
0x528: {  	(v2sf) =	vpush v0, $0x7;
	[tilespmem:s28+$0xFFFFFF90] =	vst v5  }
0x529: {  	s2 =	sld [smem:$0x7BE];
	[tilespmem:s28+$0x190] =	vst v6  }
0x52a: {  	v3 =	vld [tilespmem:s12+$0x10800];
	[tilespmem:s0+$0x2C0] =	vst v2  }
0x52b: {  	v4 =	vld [tilespmem:s10+$0x10800];
	s5 =	sld [smem:$0x7BF]  }
0x52c: {  	v1 =	vld [tilespmem:s15+$0x10800]  }
0x52d: {  	v5 =	vld [tilespmem:s2+$0x10800]  }
0x52e: {  	v2 =	vld [tilespmem:s5+$0x10800]  }
0x52f: {  	[tilespmem:s0+$0xFFFFFEC0] =	vst v3  }
0x530: {  	[tilespmem:s0+$0xFFFFFCC0] =	vst v4  }
0x531: {  	v6 =	vld [tilespmem:s31+$0x10810];
	[tilespmem:s0+$0xC0] =	vst v1  }
0x532: {  	v3 =	vld [tilespmem:s12+$0x10810];
	[tilespmem:s28+$0xFFFFFDA0] =	vst v5  }
0x533: {  	v4 =	vld [tilespmem:s10+$0x10810];
	[tilespmem:s28+$0xFFFFFFA0] =	vst v2  }
0x534: {  	v1 =	vld [tilespmem:s15+$0x10810];
	s15 =	sld [smem:$0x7C0];
	_ =	sdelay $0x1  }
0x535: {  	v5 =	vld [tilespmem:s2+$0x10810]  }
0x536: {  	s16 =	spop (v2sf);
	[tilespmem:s0+$0x2D0] =	vst v6;
	v2 =	vld [tilespmem:s15+$0x10800]  }
0x537: {  	(v2sf) =	vpush v0, $0x8;
	[tilespmem:s0+$0xFFFFFED0] =	vst v3;
	v3 =	vld [tilespmem:s16+$0x10800]  }
0x538: {  	[tilespmem:s0+$0xFFFFFCD0] =	vst v4;
	v4 =	vld [tilespmem:s11+$0x10800]  }
0x539: {  	[tilespmem:s0+$0xD0] =	vst v1;
	v6 =	vld [tilespmem:s7+$0x10800]  }
0x53a: {  	v1 =	vld [tilespmem:s9+$0x10800];
	[tilespmem:s28+$0xFFFFFDB0] =	vst v5  }
0x53b: {  	[tilespmem:s28+$0x1A0] =	vst v2;
	v2 =	vld [tilespmem:s5+$0x10810]  }
0x53c: {  	[tilespmem:s0+$0x2E0] =	vst v3;
	v5 =	vld [tilespmem:s15+$0x10810]  }
0x53d: {  	[tilespmem:s0+$0xFFFFFEE0] =	vst v4;
	v3 =	vld [tilespmem:s16+$0x10810]  }
0x53e: {  	[tilespmem:s0+$0xFFFFFCE0] =	vst v6  }
0x53f: {  	[tilespmem:s0+$0xE0] =	vst v1  }
0x540: {  	[tilespmem:s28+$0xFFFFFFB0] =	vst v2  }
0x541: {  	s17 =	sld [smem:$0x7C1];
	[tilespmem:s28+$0x1B0] =	vst v5  }
0x542: {  	v4 =	vld [tilespmem:s11+$0x10810];
	[tilespmem:s0+$0x2F0] =	vst v3  }
0x543: {  	v6 =	vld [tilespmem:s7+$0x10810];
	s21 =	sld [smem:$0x7C2]  }
0x544: {  	(v2sf) =	vpush v0, $0x9;
	v1 =	vld [tilespmem:s9+$0x10810]  }
0x545: {  	v2 =	vld [tilespmem:s17+$0x10800]  }
0x546: {  	s26 =	spop (v2sf);
	v3 =	vld [tilespmem:s21+$0x10800]  }
0x547: {  	[tilespmem:s0+$0xFFFFFEF0] =	vst v4;
	v4 =	vld [tilespmem:s26+$0x10800]  }
0x548: {  	[tilespmem:s0+$0xFFFFFCF0] =	vst v6;
	v5 =	vld [tilespmem:s6+$0x10800]  }
0x549: {  	[tilespmem:s0+$0xF0] =	vst v1  }
0x54a: {  	[tilespmem:s28+$0xFFFFFDC0] =	vst v2  }
0x54b: {  	v6 =	vld [tilespmem:s13+$0x10800];
	[tilespmem:s28+$0xFFFFFFC0] =	vst v3  }
0x54c: {  	v1 =	vld [tilespmem:s8+$0x10800];
	s31 =	sld [smem:$0x7C3];
	[tilespmem:s0+$0x300] =	vst v4  }
0x54d: {  	[tilespmem:s0+$0xFFFFFF00] =	vst v5;
	v63 =	vld [tilespmem:s26+$0x10810]  }
0x54e: {  	v5 =	vld [tilespmem:s6+$0x10810]  }
0x54f: {  	v2 =	vld [tilespmem:s31+$0x10800]  }
0x550: {  	v7 =	vld [tilespmem:s17+$0x10810];
	[tilespmem:s0+$0xFFFFFD00] =	vst v6  }
0x551: {  	[tilespmem:s0+$0x100] =	vst v1;
	v1 =	vld [tilespmem:s21+$0x10810]  }
0x552: {  	v3 =	vld [tilespmem:s13+$0x10810];
	[tilespmem:s0+$0x310] =	vst v63  }
0x553: {  	s1 =	spop (v2sf);
	v4 =	vld [tilespmem:s8+$0x10810];
	[tilespmem:s0+$0xFFFFFF10] =	vst v5  }
0x554: {  	v5 =	vld [tilespmem:s1+$0x10800];
	[tilespmem:s28+$0x1C0] =	vst v2  }
0x555: {  	s14 =	simm.s32 $0xA0;
	(v2sf) =	vpush v0, $0xA;
	s21 =	simm.s32 $0x4;
	[tilespmem:s28+$0xFFFFFDD0] =	vst v7;
	v2 =	vld [tilespmem:s31+$0x10810]  }
.LBB2_7:
0x556: {  	_ =	sdelay $0x2  }
0x557: {  	v6 =	vld [tilespmem:s14+$0x10];
	s7 =	sld [smem:$0x7B7];
	[tilespmem:s0+$0x110] =	vst v4  }
0x558: {  	[tilespmem:s0+$0xFFFFFD10] =	vst v3;
	v3 =	vld [tilespmem:s14+$0xFFFFFFF0]  }
0x559: {  	s6 =	sld [smem:$0x7B8];
	v7 =	vld [tilespmem:s14+$0x0]  }
0x55a: {  	v9 =	vld [tilespmem:s7+$0x10800]  }
0x55b: {  	s8 =	sld [smem:$0x7B9];
	[tilespmem:s28+$0xFFFFFFD0] =	vst v1;
	v8 =	vld [tilespmem:s14+$0xFFFFFFE0]  }
0x55c: {  	[tilespmem:s0+$0x320] =	vst v5;
	v4 =	vshll.u32 v6, $0x5;
	v6 =	vld [tilespmem:s6+$0x10800]  }
0x55d: {  	[tilespmem:s28+$0x1D0] =	vst v2;
	v5 =	vld [tilespmem:s1+$0x10810];
	(v2sf) =	vpush v4, $0x0  }
0x55e: {  	s5 =	rddreg [dreg:$0xc];
	(v2sf) =	vpush v0, $0xB;
	v2 =	vshll.u32 v3, $0x5;
	v1 =	vshll.u32 v7, $0x5;
	v7 =	vld [tilespmem:s8+$0x10800]  }
0x55f: {  	v50 =	vld [tilespmem:s5+$0x10800];
	(v2sf) =	vpush v2, $0x0;
	[tilespmem:s0+$0xFFFFFD20] =	vst v9  }
0x560: {  	s2 =	rddreg [dreg:$0x4];
	v3 =	vshll.u32 v8, $0x5;
	v10 =	vld [tilespmem:s7+$0x10810]  }
0x561: {  	v51 =	vld [tilespmem:s2+$0x10800];
	[tilespmem:s0+$0xFFFFFF20] =	vst v6;
	(v2sf) =	vpush v3, $0x0  }
0x562: {  	[smem:$0x7B2] =	sst s22;
	[tilespmem:s0+$0x330] =	vst v5;
	v6 =	vld [tilespmem:s6+$0x10810];
	(v2sf) =	vpush v1, $0x0;
	s22 =	spop (v2sf)  }
0x563: {  	(v2sf) =	vpush v3, $0x1;
	[tilespmem:s0+$0x120] =	vst v7;
	v5 =	vld [tilespmem:s22+$0x10800]  }
0x564: {  	s26 =	rddreg [dreg:$0x9];
	[tilespmem:s28+$0xFFFFFDE0] =	vst v50;
	(v2sf) =	vpush v2, $0x1;
	v7 =	vld [tilespmem:s8+$0x10810]  }
0x565: {  	s11 =	sld [smem:$0x7BB];
	v52 =	vld [tilespmem:s26+$0x10800];
	(v2sf) =	vpush v1, $0x1;
	[tilespmem:s0+$0xFFFFFD30] =	vst v10  }
0x566: {  	[tilespmem:s28+$0xFFFFFFE0] =	vst v51;
	(v2sf) =	vpush v3, $0x2;
	v53 =	vld [tilespmem:s5+$0x10810];
	s5 =	sld [smem:$0x7BA]  }
0x567: {  	[tilespmem:s0+$0xFFFFFF30] =	vst v6;
	(v2sf) =	vpush v2, $0x2  }
0x568: {  	s9 =	sld [smem:$0x7BC];
	v6 =	vld [tilespmem:s11+$0x10800];
	(v2sf) =	vpush v1, $0x2  }
0x569: {  	v10 =	vld [tilespmem:s5+$0x10800];
	[tilespmem:s0+$0x340] =	vst v5;
	(v2sf) =	vpush v3, $0x3  }
0x56a: {  	[tilespmem:s0+$0x130] =	vst v7;
	v5 =	vld [tilespmem:s22+$0x10810];
	(v2sf) =	vpush v4, $0x1  }
0x56b: {  	v7 =	vld [tilespmem:s9+$0x10800];
	[tilespmem:s28+$0x1E0] =	vst v52;
	(v2sf) =	vpush v0, $0xC  }
0x56c: {  	v54 =	vld [tilespmem:s2+$0x10810];
	s8 =	spop (v2sf);
	[tilespmem:s28+$0xFFFFFDF0] =	vst v53;
	(v2sf) =	vpush v2, $0x3  }
0x56d: {  	v55 =	vld [tilespmem:s26+$0x10810];
	s12 =	spop (v2sf);
	[tilespmem:s0+$0xFFFFFF40] =	vst v6;
	(v2sf) =	vpush v1, $0x3  }
0x56e: {  	v56 =	vld [tilespmem:s8+$0x10800];
	[tilespmem:s0+$0xFFFFFD40] =	vst v10;
	(v2sf) =	vpush v3, $0x4;
	s13 =	spop (v2sf)  }
0x56f: {  	[tilespmem:s0+$0x350] =	vst v5;
	(v2sf) =	vpush v2, $0x4;
	v6 =	vld [tilespmem:s13+$0x10800]  }
0x570: {  	s15 =	spop (v2sf);
	[tilespmem:s0+$0x140] =	vst v7;
	v5 =	vld [tilespmem:s12+$0x10800];
	(v2sf) =	vpush v1, $0x4  }
0x571: {  	[smem:$0x7AD] =	sst s19;
	s10 =	smov.u32 s4;
	[tilespmem:s28+$0xFFFFFFF0] =	vst v54;
	v7 =	vld [tilespmem:s15+$0x10800];
	s16 =	spop (v2sf);
	(v2sf) =	vpush v3, $0x5  }
0x572: {  	v57 =	vld [tilespmem:s16+$0x10800];
	[tilespmem:s28+$0x1F0] =	vst v55;
	s28 =	smov.u32 s0;
	s0 =	sadd.s32 $0x800, s0;
	s19 =	spop (v2sf);
	(v2sf) =	vpush v2, $0x5  }
0x573: {  	[dreg:$0x9] =	wrdreg s10;
	v58 =	vld [tilespmem:s5+$0x10810];
	[tilespmem:s0+$0x200] =	vst v56;
	s10 =	spop (v2sf);
	(v2sf) =	vpush v1, $0x5  }
0x574: {  	[smem:$0x7B6] =	sst s20;
	v10 =	vld [tilespmem:s8+$0x10810];
	(v2sf) =	vpush v3, $0x6;
	s20 =	spop (v2sf);
	[tilespmem:s0+$0xFFFFFE00] =	vst v6  }
0x575: {  	[tilespmem:s28+$0x360] =	vst v5;
	s2 =	spop (v2sf);
	(v2sf) =	vpush v2, $0x6;
	v6 =	vld [tilespmem:s13+$0x10810]  }
0x576: {  	[tilespmem:s0+$0xFFFFFC00] =	vst v7;
	v5 =	vld [tilespmem:s12+$0x10810];
	s17 =	spop (v2sf);
	(v2sf) =	vpush v4, $0x2  }
0x577: {  	v7 =	vld [tilespmem:s15+$0x10810];
	[tilespmem:s0+$0x0] =	vst v57;
	s15 =	spop (v2sf);
	(v2sf) =	vpush v0, $0xD  }
0x578: {  	[smem:$0x7B1] =	sst s3;
	[tilespmem:s28+$0xFFFFFD50] =	vst v58;
	v8 =	vld [tilespmem:s16+$0x10810];
	s3 =	spop (v2sf);
	(v2sf) =	vpush v1, $0x6  }
0x579: {  	v59 =	vld [tilespmem:s11+$0x10810];
	[tilespmem:s0+$0x210] =	vst v10;
	(v2sf) =	vpush v3, $0x7;
	s22 =	spop (v2sf)  }
0x57a: {  	s7 =	smov.u32 s29;
	v10 =	vld [tilespmem:s22+$0x10800];
	(v2sf) =	vpush v2, $0x7;
	s16 =	spop (v2sf);
	[tilespmem:s0+$0xFFFFFE10] =	vst v6  }
0x57b: {  	[dreg:$0x4] =	wrdreg s7;
	[tilespmem:s28+$0x370] =	vst v5;
	s7 =	spop (v2sf);
	(v2sf) =	vpush v1, $0x7;
	v6 =	vld [tilespmem:s10+$0x10800]  }
0x57c: {  	[tilespmem:s0+$0xFFFFFC10] =	vst v7;
	v5 =	vld [tilespmem:s16+$0x10800];
	(v2sf) =	vpush v3, $0x8;
	s5 =	spop (v2sf)  }
0x57d: {  	v7 =	vld [tilespmem:s19+$0x10800];
	[tilespmem:s0+$0x10] =	vst v8;
	s11 =	spop (v2sf)  }
0x57e: {  	[tilespmem:s28+$0xFFFFFF50] =	vst v59;
	v8 =	vld [tilespmem:s20+$0x10800];
	s4 =	spop (v2sf)  }
0x57f: {  	(v2sf) =	vpush v2, $0x8;
	v60 =	vld [tilespmem:s9+$0x10810];
	[tilespmem:s0+$0x220] =	vst v10;
	s12 =	spop (v2sf)  }
0x580: {  	(v2sf) =	vpush v1, $0x8;
	v10 =	vld [tilespmem:s22+$0x10810];
	s8 =	spop (v2sf);
	[tilespmem:s0+$0xFFFFFE20] =	vst v6  }
0x581: {  	(v2sf) =	vpush v3, $0x9;
	[tilespmem:s28+$0x380] =	vst v5;
	s9 =	spop (v2sf);
	v6 =	vld [tilespmem:s10+$0x10810]  }
0x582: {  	(v2sf) =	vpush v2, $0x9;
	[tilespmem:s0+$0xFFFFFC20] =	vst v7;
	v5 =	vld [tilespmem:s16+$0x10810];
	s10 =	spop (v2sf)  }
0x583: {  	(v2sf) =	vpush v1, $0x9;
	v7 =	vld [tilespmem:s19+$0x10810];
	s19 =	spop (v2sf)  }
0x584: {  	(v2sf) =	vpush v4, $0x3;
	s6 =	spop (v2sf)  }
0x585: {  	s31 =	smov.u32 s30;
	[tilespmem:s0+$0x20] =	vst v8;
	s16 =	smov.u32 s18;
	(v2sf) =	vpush v0, $0xE;
	s18 =	spop (v2sf)  }
0x586: {  	[dreg:$0xc] =	wrdreg s31;
	v8 =	vld [tilespmem:s20+$0x10810];
	(v2sf) =	vpush v3, $0xA;
	[tilespmem:s0+$0x230] =	vst v10;
	s20 =	spop (v2sf)  }
0x587: {  	s1 =	rddreg [dreg:$0x11];
	[tilespmem:s28+$0x150] =	vst v60;
	(v2sf) =	vpush v2, $0xA;
	v10 =	vld [tilespmem:s18+$0x10800];
	s31 =	spop (v2sf)  }
0x588: {  	v61 =	vld [tilespmem:s1+$0x10800];
	(v2sf) =	vpush v1, $0xA;
	[tilespmem:s28+$0x390] =	vst v5;
	s13 =	spop (v2sf)  }
0x589: {  	[tilespmem:s0+$0xFFFFFE30] =	vst v6;
	(v2sf) =	vpush v3, $0xB;
	v5 =	vld [tilespmem:s20+$0x10800];
	s26 =	spop (v2sf)  }
0x58a: {  	[tilespmem:s0+$0xFFFFFC30] =	vst v7;
	v6 =	vld [tilespmem:s17+$0x10800];
	(v2sf) =	vpush v2, $0xB;
	s22 =	spop (v2sf)  }
0x58b: {  	v7 =	vld [tilespmem:s2+$0x10800];
	[tilespmem:s0+$0x30] =	vst v8;
	(v2sf) =	vpush v1, $0xB;
	[smem:$0x7AE] =	sst s26;
	s26 =	spop (v2sf)  }
0x58c: {  	v8 =	vld [tilespmem:s15+$0x10800];
	(v2sf) =	vpush v3, $0xC;
	[tilespmem:s0+$0x240] =	vst v10;
	[smem:$0x7B4] =	sst s26  }
0x58d: {  	[tilespmem:s28+$0xFFFFFD60] =	vst v61;
	(v2sf) =	vpush v2, $0xC;
	s26 =	rddreg [dreg:$0x16];
	v10 =	vld [tilespmem:s18+$0x10810]  }
0x58e: {  	[smem:$0x7B0] =	sst s22;
	s22 =	spop (v2sf);
	(v2sf) =	vpush v1, $0xC;
	v62 =	vld [tilespmem:s26+$0x10800];
	[tilespmem:s28+$0x3A0] =	vst v5  }
0x58f: {  	[tilespmem:s0+$0xFFFFFE40] =	vst v6;
	(v2sf) =	vpush v3, $0xD;
	s18 =	spop (v2sf);
	v5 =	vld [tilespmem:s20+$0x10810]  }
0x590: {  	[smem:$0x7B3] =	sst s22;
	[tilespmem:s0+$0xFFFFFC40] =	vst v7;
	v6 =	vld [tilespmem:s17+$0x10810];
	s22 =	spop (v2sf);
	(v2sf) =	vpush v4, $0x4  }
0x591: {  	[smem:$0x7AF] =	sst s13;
	v7 =	vld [tilespmem:s2+$0x10810];
	[tilespmem:s0+$0x40] =	vst v8;
	s13 =	spop (v2sf);
	(v2sf) =	vpush v0, $0xF  }
0x592: {  	s29 =	rddreg [dreg:$0x1d];
	v0 =	vmov v4;
	v4 =	vld [tilespmem:s15+$0x10810];
	(v2sf) =	vpush v2, $0xD;
	s15 =	spop (v2sf);
	[tilespmem:s0+$0x250] =	vst v10  }
0x593: {  	v8 =	vld [tilespmem:s29+$0x10800];
	(v2sf) =	vpush v1, $0xD;
	s2 =	spop (v2sf);
	[tilespmem:s28+$0xFFFFFF60] =	vst v62  }
0x594: {  	[smem:$0x7B9] =	sst s15;
	v63 =	vld [tilespmem:s2+$0x10800];
	(v2sf) =	vpush v3, $0xE;
	s15 =	spop (v2sf);
	[tilespmem:s28+$0x3B0] =	vst v5  }
0x595: {  	[tilespmem:s0+$0xFFFFFE50] =	vst v6;
	s17 =	spop (v2sf);
	(v2sf) =	vpush v2, $0xE;
	v5 =	vld [tilespmem:s15+$0x10800]  }
0x596: {  	[smem:$0x7B5] =	sst s18;
	[tilespmem:s0+$0xFFFFFC50] =	vst v7;
	v6 =	vld [tilespmem:s7+$0x10800];
	s18 =	spop (v2sf);
	(v2sf) =	vpush v1, $0xE  }
0x597: {  	v7 =	vld [tilespmem:s3+$0x10800];
	[tilespmem:s0+$0x50] =	vst v4;
	(v2sf) =	vpush v3, $0xF;
	s20 =	spop (v2sf)  }
0x598: {  	[smem:$0x7B7] =	sst s22;
	v3 =	vld [tilespmem:s5+$0x10800];
	[tilespmem:s28+$0x160] =	vst v8;
	s22 =	spop (v2sf);
	(v2sf) =	vpush v2, $0xF  }
0x599: {  	[smem:$0x7BC] =	sst s20;
	[tilespmem:s0+$0x260] =	vst v63;
	s20 =	spop (v2sf);
	(v2sf) =	vpush v1, $0xF;
	v1 =	vld [tilespmem:s1+$0x10810]  }
0x59a: {  	s1 =	smov.u32 s23;
	v2 =	vld [tilespmem:s2+$0x10810];
	s23 =	spop (v2sf);
	[tilespmem:s28+$0x3C0] =	vst v5  }
0x59b: {  	[tilespmem:s0+$0xFFFFFE60] =	vst v6;
	s2 =	spop (v2sf);
	v4 =	vld [tilespmem:s15+$0x10810]  }
0x59c: {  	[smem:$0x7BB] =	sst s18;
	[tilespmem:s0+$0xFFFFFC60] =	vst v7;
	v5 =	vld [tilespmem:s7+$0x10810];
	s18 =	spop (v2sf)  }
0x59d: {  	v6 =	vld [tilespmem:s3+$0x10810];
	[tilespmem:s0+$0x60] =	vst v3;
	s3 =	spop (v2sf);
	(v2sf) =	vpush v0, $0x5  }
0x59e: {  	[smem:$0x7B8] =	sst s13;
	s13 =	smov.u32 s22;
	v3 =	vld [tilespmem:s5+$0x10810];
	s22 =	spop (v2sf);
	[tilespmem:s28+$0xFFFFFD70] =	vst v1  }
0x59f: {  	[dreg:$0x11] =	wrdreg s13;
	s13 =	smov.u32 s24;
	v1 =	vld [tilespmem:s26+$0x10810];
	[tilespmem:s0+$0x270] =	vst v2;
	s24 =	spop (v2sf)  }
0x5a0: {  	s26 =	smov.u32 s25;
	v2 =	vld [tilespmem:s24+$0x10800];
	s25 =	spop (v2sf);
	[tilespmem:s28+$0x3D0] =	vst v4  }
0x5a1: {  	[tilespmem:s0+$0xFFFFFE70] =	vst v5;
	v4 =	vld [tilespmem:s25+$0x10800]  }
0x5a2: {  	[smem:$0x7BA] =	sst s17;
	s17 =	smov.u32 s20;
	s20 =	spop (v2sf);
	[tilespmem:s0+$0xFFFFFC70] =	vst v6;
	v5 =	vld [tilespmem:s4+$0x10800]  }
0x5a3: {  	s5 =	spop (v2sf);
	v6 =	vld [tilespmem:s11+$0x10800];
	[tilespmem:s0+$0x70] =	vst v3  }
0x5a4: {  	[dreg:$0x16] =	wrdreg s17;
	s17 =	spop (v2sf);
	v3 =	vld [tilespmem:s12+$0x10800];
	[tilespmem:s28+$0xFFFFFF70] =	vst v1  }
0x5a5: {  	v1 =	vld [tilespmem:s29+$0x10810];
	s7 =	spop (v2sf);
	[tilespmem:s0+$0x280] =	vst v2  }
0x5a6: {  	s15 =	spop (v2sf);
	v2 =	vld [tilespmem:s24+$0x10810];
	[tilespmem:s28+$0x3E0] =	vst v4  }
0x5a7: {  	s29 =	smov.u32 s23;
	s30 =	spop (v2sf);
	[tilespmem:s0+$0xFFFFFE80] =	vst v5;
	v4 =	vld [tilespmem:s25+$0x10810]  }
0x5a8: {  	[dreg:$0x1d] =	wrdreg s29;
	s29 =	spop (v2sf);
	[tilespmem:s0+$0xFFFFFC80] =	vst v6;
	v5 =	vld [tilespmem:s4+$0x10810]  }
0x5a9: {  	s4 =	spop (v2sf);
	v6 =	vld [tilespmem:s11+$0x10810];
	[tilespmem:s0+$0x80] =	vst v3;
	(v2sf) =	vpush v0, $0x6  }
0x5aa: {  	v3 =	vld [tilespmem:s12+$0x10810];
	[tilespmem:s28+$0x170] =	vst v1  }
0x5ab: {  	v1 =	vld [tilespmem:s1+$0x10800];
	[tilespmem:s0+$0x290] =	vst v2  }
0x5ac: {  	v2 =	vld [tilespmem:s13+$0x10800];
	s25 =	spop (v2sf);
	[tilespmem:s28+$0x3F0] =	vst v4  }
0x5ad: {  	[tilespmem:s0+$0xFFFFFE90] =	vst v5;
	v4 =	vld [tilespmem:s25+$0x10800]  }
0x5ae: {  	[tilespmem:s0+$0xFFFFFC90] =	vst v6;
	v5 =	vld [tilespmem:s9+$0x10800]  }
0x5af: {  	v6 =	vld [tilespmem:s8+$0x10800];
	[tilespmem:s0+$0x90] =	vst v3  }
0x5b0: {  	[tilespmem:s28+$0xFFFFFD80] =	vst v1;
	v3 =	vld [tilespmem:s10+$0x10800]  }
0x5b1: {  	v1 =	vld [tilespmem:s26+$0x10800];
	[tilespmem:s28+$0xFFFFFF80] =	vst v2  }
0x5b2: {  	v2 =	vld [tilespmem:s1+$0x10810];
	[tilespmem:s0+$0x2A0] =	vst v4  }
0x5b3: {  	[tilespmem:s0+$0xFFFFFEA0] =	vst v5;
	v4 =	vld [tilespmem:s25+$0x10810]  }
0x5b4: {  	[tilespmem:s0+$0xFFFFFCA0] =	vst v6;
	v5 =	vld [tilespmem:s9+$0x10810]  }
0x5b5: {  	(v2sf) =	vpush v0, $0x7;
	v6 =	vld [tilespmem:s8+$0x10810];
	[tilespmem:s0+$0xA0] =	vst v3  }
0x5b6: {  	v3 =	vld [tilespmem:s10+$0x10810];
	[tilespmem:s28+$0x180] =	vst v1  }
0x5b7: {  	[tilespmem:s28+$0xFFFFFD90] =	vst v2;
	v1 =	vld [tilespmem:s13+$0x10810]  }
0x5b8: {  	v2 =	vld [tilespmem:s26+$0x10810];
	s12 =	spop (v2sf);
	[tilespmem:s0+$0x2B0] =	vst v4  }
0x5b9: {  	[tilespmem:s0+$0xFFFFFEB0] =	vst v5;
	v4 =	vld [tilespmem:s12+$0x10800]  }
0x5ba: {  	[tilespmem:s0+$0xFFFFFCB0] =	vst v6;
	v5 =	vld [tilespmem:s6+$0x10800]  }
0x5bb: {  	v6 =	vld [tilespmem:s19+$0x10800];
	[tilespmem:s0+$0xB0] =	vst v3  }
0x5bc: {  	[tilespmem:s28+$0xFFFFFF90] =	vst v1;
	v3 =	vld [tilespmem:s31+$0x10800]  }
0x5bd: {  	s13 =	rddreg [dreg:$0xf];
	v1 =	vld [tilespmem:s16+$0x10800];
	[tilespmem:s28+$0x190] =	vst v2  }
0x5be: {  	v2 =	vld [tilespmem:s13+$0x10800];
	[tilespmem:s0+$0x2C0] =	vst v4  }
0x5bf: {  	[tilespmem:s0+$0xFFFFFEC0] =	vst v5;
	v4 =	vld [tilespmem:s12+$0x10810]  }
0x5c0: {  	[tilespmem:s0+$0xFFFFFCC0] =	vst v6;
	v5 =	vld [tilespmem:s6+$0x10810]  }
0x5c1: {  	s26 =	sld [smem:$0x7AD];
	(v2sf) =	vpush v0, $0x8;
	v6 =	vld [tilespmem:s19+$0x10810];
	[tilespmem:s0+$0xC0] =	vst v3  }
0x5c2: {  	[tilespmem:s28+$0xFFFFFDA0] =	vst v1;
	v3 =	vld [tilespmem:s31+$0x10810]  }
0x5c3: {  	[tilespmem:s28+$0xFFFFFFA0] =	vst v2;
	s6 =	sld [smem:$0x7AE];
	v2 =	vld [tilespmem:s16+$0x10810]  }
0x5c4: {  	s8 =	sld [smem:$0x7AF];
	v1 =	vld [tilespmem:s26+$0x10800];
	s31 =	spop (v2sf);
	[tilespmem:s0+$0x2D0] =	vst v4  }
0x5c5: {  	s10 =	sld [smem:$0x7B0];
	[tilespmem:s0+$0xFFFFFED0] =	vst v5;
	v4 =	vld [tilespmem:s31+$0x10800]  }
0x5c6: {  	[tilespmem:s0+$0xFFFFFCD0] =	vst v6;
	v5 =	vld [tilespmem:s6+$0x10800]  }
0x5c7: {  	v6 =	vld [tilespmem:s8+$0x10800];
	[tilespmem:s0+$0xD0] =	vst v3  }
0x5c8: {  	[tilespmem:s28+$0xFFFFFDB0] =	vst v2;
	v3 =	vld [tilespmem:s10+$0x10800]  }
0x5c9: {  	[tilespmem:s28+$0x1A0] =	vst v1;
	v1 =	vld [tilespmem:s13+$0x10810]  }
0x5ca: {  	v2 =	vld [tilespmem:s26+$0x10810];
	[tilespmem:s0+$0x2E0] =	vst v4  }
0x5cb: {  	[tilespmem:s0+$0xFFFFFEE0] =	vst v5;
	v4 =	vld [tilespmem:s31+$0x10810]  }
0x5cc: {  	s12 =	sld [smem:$0x7B1];
	[tilespmem:s0+$0xFFFFFCE0] =	vst v6;
	v5 =	vld [tilespmem:s6+$0x10810]  }
0x5cd: {  	(v2sf) =	vpush v0, $0x9;
	s16 =	sld [smem:$0x7B2];
	v6 =	vld [tilespmem:s8+$0x10810];
	[tilespmem:s0+$0xE0] =	vst v3  }
0x5ce: {  	[tilespmem:s28+$0xFFFFFFB0] =	vst v1;
	v3 =	vld [tilespmem:s10+$0x10810]  }
0x5cf: {  	s24 =	smov.u32 s18;
	s11 =	smov.u32 s20;
	s20 =	sld [smem:$0x7B3];
	v1 =	vld [tilespmem:s12+$0x10800];
	[tilespmem:s28+$0x1B0] =	vst v2  }
0x5d0: {  	s18 =	smov.u32 s22;
	s22 =	sld [smem:$0x7B4];
	s13 =	spop (v2sf);
	v2 =	vld [tilespmem:s16+$0x10800];
	[tilespmem:s0+$0x2F0] =	vst v4  }
0x5d1: {  	s26 =	sld [smem:$0x7B5];
	[tilespmem:s0+$0xFFFFFEF0] =	vst v5;
	v4 =	vld [tilespmem:s13+$0x10800]  }
0x5d2: {  	[tilespmem:s0+$0xFFFFFCF0] =	vst v6;
	v5 =	vld [tilespmem:s20+$0x10800]  }
0x5d3: {  	s31 =	sld [smem:$0x7B6];
	v6 =	vld [tilespmem:s22+$0x10800];
	[tilespmem:s0+$0xF0] =	vst v3  }
0x5d4: {  	[tilespmem:s28+$0xFFFFFDC0] =	vst v1;
	v7 =	vld [tilespmem:s26+$0x10800]  }
0x5d5: {  	[tilespmem:s28+$0xFFFFFFC0] =	vst v2;
	v2 =	vld [tilespmem:s12+$0x10810]  }
0x5d6: {  	v1 =	vld [tilespmem:s31+$0x10800];
	[tilespmem:s0+$0x300] =	vst v4  }
0x5d7: {  	s21 =	sadd.s32 $0x4, s21;
	[tilespmem:s0+$0xFFFFFF00] =	vst v5;
	v5 =	vld [tilespmem:s13+$0x10810]  }
0x5d8: {  	p0 =	slt.u32 s21, $0x3C;
	[tilespmem:s0+$0xFFFFFD00] =	vst v6;
	v6 =	vld [tilespmem:s20+$0x10810]  }
.Ltmp2:
0x5d9: {  	v3 =	vld [tilespmem:s22+$0x10810];
	[tilespmem:s0+$0x100] =	vst v7;
	(pc) =	sbr.rel @p0 .LBB2_7-.Ltmp2, $4  }
0x5da: {  	[tilespmem:s28+$0xFFFFFDD0] =	vst v2;
	v4 =	vld [tilespmem:s26+$0x10810]  }
0x5db: {  	s14 =	sadd.s32 $0x40, s14;
	s23 =	smov.u32 s2;
	s25 =	smov.u32 s3;
	[tilespmem:s28+$0x1C0] =	vst v1;
	v1 =	vld [tilespmem:s16+$0x10810]  }
0x5dc: {  	s3 =	smov.u32 s17;
	[dreg:$0xf] =	wrdreg s11;
	s1 =	spop (v2sf);
	v2 =	vld [tilespmem:s31+$0x10810];
	[tilespmem:s0+$0x310] =	vst v5  }
0x5dd: {  	s19 =	smov.u32 s5;
	(v2sf) =	vpush v0, $0xA;
	s22 =	smov.u32 s7;
	s20 =	smov.u32 s15;
	[tilespmem:s0+$0xFFFFFF10] =	vst v6;
	v5 =	vld [tilespmem:s1+$0x10800]  }
0x5de: {  	[tilespmem:s0+$0xFFFFFD10] =	vst v3  }
0x5df: {  	s5 =	sld [smem:$0x7B7];
	[tilespmem:s0+$0x110] =	vst v4  }
0x5e0: {  	s2 =	sld [smem:$0x7B8]  }
0x5e1: {  	s6 =	sld [smem:$0x7B9]  }
0x5e2: {  	v3 =	vld [tilespmem:s5+$0x10800]  }
0x5e3: {  	v4 =	vld [tilespmem:s2+$0x10800]  }
0x5e4: {  	v6 =	vld [tilespmem:s6+$0x10800];
	_ =	sdelay $0x1  }
0x5e5: {  	[tilespmem:s0+$0x320] =	vst v5  }
0x5e6: {  	v5 =	vld [tilespmem:s1+$0x10810];
	[tilespmem:s0+$0xFFFFFD20] =	vst v3  }
0x5e7: {  	v3 =	vld [tilespmem:s5+$0x10810];
	[tilespmem:s0+$0xFFFFFF20] =	vst v4  }
0x5e8: {  	[tilespmem:s0+$0x120] =	vst v6;
	v4 =	vld [tilespmem:s2+$0x10810]  }
0x5e9: {  	v6 =	vld [tilespmem:s6+$0x10810];
	_ =	sdelay $0x1  }
0x5ea: {  	[tilespmem:s0+$0x330] =	vst v5  }
0x5eb: {  	[tilespmem:s0+$0xFFFFFD30] =	vst v3  }
0x5ec: {  	(v2sf) =	vpush v0, $0xB;
	s13 =	sld [smem:$0x7BA];
	[tilespmem:s0+$0xFFFFFF30] =	vst v4  }
0x5ed: {  	s12 =	spop (v2sf);
	s14 =	sld [smem:$0x7BB];
	[tilespmem:s0+$0x130] =	vst v6  }
0x5ee: {  	v5 =	vld [tilespmem:s12+$0x10800];
	s15 =	sld [smem:$0x7BC]  }
0x5ef: {  	v3 =	vld [tilespmem:s13+$0x10800]  }
0x5f0: {  	v4 =	vld [tilespmem:s14+$0x10800]  }
0x5f1: {  	v6 =	vld [tilespmem:s15+$0x10800];
	_ =	sdelay $0x1  }
0x5f2: {  	[tilespmem:s0+$0x340] =	vst v5  }
0x5f3: {  	v5 =	vld [tilespmem:s12+$0x10810];
	[tilespmem:s0+$0xFFFFFD40] =	vst v3  }
0x5f4: {  	[tilespmem:s0+$0xFFFFFF40] =	vst v4;
	v3 =	vld [tilespmem:s13+$0x10810]  }
0x5f5: {  	[tilespmem:s0+$0x140] =	vst v6;
	v4 =	vld [tilespmem:s14+$0x10810]  }
0x5f6: {  	v6 =	vld [tilespmem:s15+$0x10810]  }
0x5f7: {  	(v2sf) =	vpush v0, $0xC  }
0x5f8: {  	[tilespmem:s0+$0x350] =	vst v5  }
0x5f9: {  	[tilespmem:s0+$0xFFFFFD50] =	vst v3  }
0x5fa: {  	s16 =	spop (v2sf);
	[tilespmem:s0+$0xFFFFFF50] =	vst v4  }
0x5fb: {  	v5 =	vld [tilespmem:s16+$0x10800];
	s17 =	rddreg [dreg:$0x11];
	[tilespmem:s0+$0x150] =	vst v6  }
0x5fc: {  	v3 =	vld [tilespmem:s17+$0x10800];
	s21 =	rddreg [dreg:$0x16]  }
0x5fd: {  	s26 =	rddreg [dreg:$0x1d];
	v4 =	vld [tilespmem:s21+$0x10800]  }
0x5fe: {  	v6 =	vld [tilespmem:s26+$0x10800];
	_ =	sdelay $0x1  }
0x5ff: {  	[tilespmem:s0+$0x360] =	vst v5  }
0x600: {  	v5 =	vld [tilespmem:s16+$0x10810];
	[tilespmem:s0+$0xFFFFFD60] =	vst v3  }
0x601: {  	[tilespmem:s0+$0xFFFFFF60] =	vst v4;
	v3 =	vld [tilespmem:s17+$0x10810]  }
0x602: {  	[tilespmem:s0+$0x160] =	vst v6;
	v4 =	vld [tilespmem:s21+$0x10810]  }
0x603: {  	(v2sf) =	vpush v0, $0xD;
	v6 =	vld [tilespmem:s26+$0x10810];
	_ =	sdelay $0x1  }
0x604: {  	s31 =	spop (v2sf);
	[tilespmem:s0+$0x370] =	vst v5  }
0x605: {  	v5 =	vld [tilespmem:s31+$0x10800];
	[tilespmem:s0+$0xFFFFFD70] =	vst v3  }
0x606: {  	[tilespmem:s0+$0xFFFFFF70] =	vst v4;
	v3 =	vld [tilespmem:s23+$0x10800]  }
0x607: {  	[tilespmem:s0+$0x170] =	vst v6;
	v4 =	vld [tilespmem:s24+$0x10800]  }
0x608: {  	v6 =	vld [tilespmem:s25+$0x10800];
	_ =	sdelay $0x1  }
0x609: {  	[tilespmem:s0+$0x380] =	vst v5  }
0x60a: {  	v5 =	vld [tilespmem:s31+$0x10810];
	[tilespmem:s0+$0xFFFFFD80] =	vst v3  }
0x60b: {  	[tilespmem:s0+$0xFFFFFF80] =	vst v4;
	v3 =	vld [tilespmem:s23+$0x10810]  }
0x60c: {  	[tilespmem:s0+$0x180] =	vst v6;
	v4 =	vld [tilespmem:s24+$0x10810]  }
0x60d: {  	v6 =	vld [tilespmem:s25+$0x10810]  }
0x60e: {  	(v2sf) =	vpush v0, $0xE  }
0x60f: {  	[tilespmem:s0+$0x390] =	vst v5  }
0x610: {  	s2 =	spop (v2sf);
	[tilespmem:s0+$0xFFFFFD90] =	vst v3  }
0x611: {  	v5 =	vld [tilespmem:s2+$0x10800];
	[tilespmem:s0+$0xFFFFFF90] =	vst v4  }
0x612: {  	v3 =	vld [tilespmem:s18+$0x10800];
	[tilespmem:s0+$0x190] =	vst v6  }
0x613: {  	s5 =	rddreg [dreg:$0xf];
	v6 =	vld [tilespmem:s19+$0x10800]  }
0x614: {  	v4 =	vld [tilespmem:s5+$0x10800];
	_ =	sdelay $0x1  }
0x615: {  	[tilespmem:s0+$0x3A0] =	vst v5  }
0x616: {  	v5 =	vld [tilespmem:s2+$0x10810];
	[tilespmem:s0+$0xFFFFFDA0] =	vst v3  }
0x617: {  	v3 =	vld [tilespmem:s18+$0x10810];
	[tilespmem:s0+$0x1A0] =	vst v6  }
0x618: {  	[tilespmem:s0+$0xFFFFFFA0] =	vst v4;
	v4 =	vld [tilespmem:s19+$0x10810]  }
0x619: {  	(v2sf) =	vpush v0, $0xF;
	v0 =	vld [tilespmem:s5+$0x10810]  }
0x61a: {  	[tilespmem:s28+$0xFFFFFFD0] =	vst v1  }
0x61b: {  	[tilespmem:s0+$0x3B0] =	vst v5  }
0x61c: {  	s6 =	spop (v2sf);
	[tilespmem:s0+$0xFFFFFDB0] =	vst v3  }
0x61d: {  	v5 =	vld [tilespmem:s6+$0x10800];
	[tilespmem:s0+$0x1B0] =	vst v4  }
0x61e: {  	[tilespmem:s0+$0xFFFFFFB0] =	vst v0;
	v0 =	vld [tilespmem:s3+$0x10800]  }
0x61f: {  	[tilespmem:s28+$0x1D0] =	vst v2;
	v1 =	vld [tilespmem:s20+$0x10800]  }
0x620: {  	v3 =	vld [tilespmem:s22+$0x10800];
	s7 =	rddreg [dreg:$0xc]  }
0x621: {  	s8 =	rddreg [dreg:$0x4];
	v2 =	vld [tilespmem:s7+$0x10800]  }
0x622: {  	[tilespmem:s0+$0x3C0] =	vst v5;
	v4 =	vld [tilespmem:s8+$0x10800]  }
0x623: {  	[tilespmem:s0+$0xFFFFFDC0] =	vst v0  }
0x624: {  	v5 =	vld [tilespmem:s6+$0x10810];
	[tilespmem:s0+$0x1C0] =	vst v1  }
0x625: {  	[tilespmem:s0+$0xFFFFFFC0] =	vst v3;
	v0 =	vld [tilespmem:s3+$0x10810]  }
0x626: {  	v1 =	vld [tilespmem:s22+$0x10810];
	[tilespmem:s28+$0xFFFFFDE0] =	vst v2  }
0x627: {  	v2 =	vld [tilespmem:s20+$0x10810];
	[tilespmem:s28+$0xFFFFFFE0] =	vst v4  }
0x628: {  	s9 =	rddreg [dreg:$0x9];
	v4 =	vld [tilespmem:s7+$0x10810]  }
0x629: {  	s10 =	spop (v2sf);
	[tilespmem:s0+$0x3D0] =	vst v5;
	v3 =	vld [tilespmem:s9+$0x10800]  }
0x62a: {  	v5 =	vld [tilespmem:s10+$0x10800];
	[tilespmem:s0+$0xFFFFFDD0] =	vst v0  }
0x62b: {  	[tilespmem:s0+$0xFFFFFFD0] =	vst v1;
	v0 =	vld [tilespmem:s30+$0x10800]  }
0x62c: {  	[tilespmem:s0+$0x1D0] =	vst v2;
	v1 =	vld [tilespmem:s29+$0x10800]  }
0x62d: {  	v2 =	vld [tilespmem:s4+$0x10800];
	[tilespmem:s28+$0xFFFFFDF0] =	vst v4  }
0x62e: {  	[tilespmem:s28+$0x1E0] =	vst v3  }
0x62f: {  	[tilespmem:s0+$0x3E0] =	vst v5  }
0x630: {  	[tilespmem:s0+$0xFFFFFDE0] =	vst v0  }
0x631: {  	v3 =	vld [tilespmem:s8+$0x10810];
	[tilespmem:s0+$0xFFFFFFE0] =	vst v1  }
0x632: {  	[tilespmem:s0+$0x1E0] =	vst v2  }
0x633: {  	v4 =	vld [tilespmem:s9+$0x10810];
	s11 =	sld [smem:$0x7C4]  }
0x634: {  	v5 =	vld [tilespmem:s10+$0x10810]  }
0x635: {  	v0 =	vld [tilespmem:s30+$0x10810]  }
0x636: {  	v1 =	vld [tilespmem:s29+$0x10810];
	[tilespmem:s28+$0xFFFFFFF0] =	vst v3;
	s12 =	sshll.u32 s11, $0x1  }
0x637: {  	v2 =	vld [tilespmem:s4+$0x10810];
	[smem:$0x79F] =	sst s12  }
0x638: {  	[tilespmem:s28+$0x1F0] =	vst v4  }
0x639: {  	[tilespmem:s0+$0x3F0] =	vst v5  }
0x63a: {  	[tilespmem:s0+$0xFFFFFDF0] =	vst v0  }
0x63b: {  	s1 =	sadd.s32 $0x4, s12;
	s13 =	sld [smem:$0x7FB];
	[tilespmem:s0+$0xFFFFFFF0] =	vst v1  }
0x63c: {  	p0 =	seq.s32 s1, $0x64;
	s1 =	sshll.u32 s1, $0xA;
	[tilespmem:s0+$0x1F0] =	vst v2  }
0x63d: {  	s1 =	simm.s32 @p0 $0x0;
	s0 =	sld [smem:$0x7F3]  }
0x63e: {  	s1 =	sadd.s32 s13, s1  }
0x63f: {  	s16 =	sld [smem:$0x7FA];
	s1 =	sshrl.u32 s1, $0x3  }
0x640: {  	s14 =	simm.s32 $0x0;
	s15 =	sshll.u32 s11, $0xB;
	s0 =	sadd.s32 s0, s1  }
0x641: {  	[tilespmem:s14], [sflag:$0x3] =	stream.linear.gather [hbm4b:s0+s14], $0x400, $0x38;
	[tilespmem:$0x18500] =	vst v63  }
0x642: {  	s0 =	sadd.s32 s15, s16  }
0x643: {  	s0 =	sshll.u32 s0, $0x2  }
0x644: {  	s17 =	rddreg [dreg:$0x1];
	s18 =	simm.s32 $0x800;
	s0 =	sand.u32 $0x1FFFE000, s0  }
0x645: {  	s19 =	simm.s32 $0x2;
	[smem:$0x7A0] =	sst s15;
	s0 =	sadd.s32 s17, s0  }
0x646: {  	[hbm4b:s0+s14] =	stream.linear.scatter [tilespmem:s18], [sflag:$0x1], $0x8000, $0x38;
	[tilespmem:$0x18500] =	vst v63  }
0x647: {  	_ =	swait.ge [sflag:s19], $0x8000  }
0x648: {  	[sflag:s19] =	ssyncset.done $0x0  }
0x649: {  	s20 =	simm.s32 $0x4;
	[sflag:s19] =	ssyncadd.s32 $0xFFFF8000  }
0x64a: {  	_ =	swait.ge [sflag:s20], $0x400  }
0x64b: {  	[sflag:s20] =	ssyncset.done $0x0  }
0x64c: {  	s21 =	simm.s32 $0x430;
	[sflag:s20] =	ssyncadd.s32 $0xFFFFFC00  }
0x64d: {  	v0 =	vld [tilespmem:s21+$0x0]  }
0x64e: {  	v2 =	vld [tilespmem:s21+$0xFFFFFFE0]  }
0x64f: {  	v3 =	vld [tilespmem:s21+$0xFFFFFFD0]  }
0x650: {  	v4 =	vld [tilespmem:s21+$0xFFFFFFF0];
	_ =	sdelay $0x1  }
0x651: {  	v1 =	vshll.u32 v0, $0x5  }
0x652: {  	v0 =	vshll.u32 v2, $0x5;
	(v2sf) =	vpush v1, $0x0  }
0x653: {  	v3 =	vshll.u32 v3, $0x5;
	(v2sf) =	vpush v0, $0x0  }
0x654: {  	v2 =	vshll.u32 v4, $0x5;
	(v2sf) =	vpush v3, $0x0  }
0x655: {  	(v2sf) =	vpush v2, $0x0  }
0x656: {  	(v2sf) =	vpush v3, $0x1  }
0x657: {  	(v2sf) =	vpush v0, $0x1  }
0x658: {  	(v2sf) =	vpush v2, $0x1  }
0x659: {  	(v2sf) =	vpush v3, $0x2  }
0x65a: {  	(v2sf) =	vpush v0, $0x2  }
0x65b: {  	(v2sf) =	vpush v2, $0x2  }
0x65c: {  	(v2sf) =	vpush v3, $0x3  }
0x65d: {  	(v2sf) =	vpush v1, $0x1  }
0x65e: {  	(v2sf) =	vpush v0, $0x3  }
0x65f: {  	(v2sf) =	vpush v2, $0x3  }
0x660: {  	(v2sf) =	vpush v3, $0x4  }
0x661: {  	s22 =	spop (v2sf)  }
0x662: {  	(v2sf) =	vpush v0, $0x4;
	v4 =	vld [tilespmem:s22+$0x10800];
	s23 =	spop (v2sf)  }
0x663: {  	s24 =	spop (v2sf);
	(v2sf) =	vpush v2, $0x4  }
0x664: {  	v5 =	vld [tilespmem:s23+$0x10800];
	(v2sf) =	vpush v3, $0x5;
	s25 =	spop (v2sf)  }
0x665: {  	v6 =	vld [tilespmem:s24+$0x10800];
	s26 =	spop (v2sf);
	(v2sf) =	vpush v0, $0x5  }
0x666: {  	s30 =	simm.s32 $0x8FF0;
	s7 =	spop (v2sf);
	(v2sf) =	vpush v2, $0x5  }
0x667: {  	v7 =	vld [tilespmem:s25+$0x10800];
	[tilespmem:s30+$0xFFFFFE10] =	vst v4;
	(v2sf) =	vpush v3, $0x6;
	s8 =	spop (v2sf)  }
0x668: {  	v4 =	vld [tilespmem:s22+$0x10810];
	s28 =	spop (v2sf);
	(v2sf) =	vpush v0, $0x6  }
0x669: {  	[tilespmem:s30+$0xFFFFFA10] =	vst v5;
	s21 =	spop (v2sf);
	(v2sf) =	vpush v1, $0x2  }
0x66a: {  	[tilespmem:s30+$0xFFFFF810] =	vst v6;
	v5 =	vld [tilespmem:s23+$0x10810];
	s22 =	spop (v2sf);
	(v2sf) =	vpush v2, $0x6  }
0x66b: {  	v6 =	vld [tilespmem:s24+$0x10810];
	s24 =	spop (v2sf);
	(v2sf) =	vpush v3, $0x7  }
0x66c: {  	[tilespmem:s30+$0xFFFFFC10] =	vst v7;
	s23 =	spop (v2sf);
	(v2sf) =	vpush v0, $0x7  }
0x66d: {  	v7 =	vld [tilespmem:s25+$0x10810];
	[tilespmem:s30+$0xFFFFFE20] =	vst v4;
	s31 =	spop (v2sf);
	(v2sf) =	vpush v2, $0x7  }
0x66e: {  	v4 =	vld [tilespmem:s23+$0x10800];
	(v2sf) =	vpush v3, $0x8;
	s25 =	spop (v2sf)  }
0x66f: {  	[tilespmem:s30+$0xFFFFFA20] =	vst v5;
	s0 =	spop (v2sf);
	(v2sf) =	vpush v0, $0x8  }
0x670: {  	[tilespmem:s30+$0xFFFFF820] =	vst v6;
	v5 =	vld [tilespmem:s7+$0x10800]  }
0x671: {  	v6 =	vld [tilespmem:s26+$0x10800];
	s14 =	spop (v2sf);
	(v2sf) =	vpush v2, $0x8  }
0x672: {  	(v2sf) =	vpush v3, $0x9;
	s4 =	spop (v2sf)  }
0x673: {  	(v2sf) =	vpush v0, $0x9;
	[tilespmem:s30+$0xFFFFFE30] =	vst v4;
	s18 =	spop (v2sf)  }
0x674: {  	[tilespmem:s30+$0xFFFFFC20] =	vst v7;
	v4 =	vld [tilespmem:s23+$0x10810];
	s20 =	spop (v2sf);
	(v2sf) =	vpush v2, $0x9  }
0x675: {  	v7 =	vld [tilespmem:s8+$0x10800];
	[tilespmem:s30+$0xFFFFFA30] =	vst v5;
	s19 =	spop (v2sf);
	(v2sf) =	vpush v1, $0x3  }
0x676: {  	[tilespmem:s30+$0xFFFFF830] =	vst v6;
	v5 =	vld [tilespmem:s7+$0x10810];
	s13 =	spop (v2sf);
	(v2sf) =	vpush v3, $0xA  }
0x677: {  	v6 =	vld [tilespmem:s26+$0x10810];
	s16 =	spop (v2sf);
	(v2sf) =	vpush v0, $0xA  }
0x678: {  	s26 =	spop (v2sf);
	(v2sf) =	vpush v2, $0xA  }
0x679: {  	[tilespmem:s30+$0xFFFFFE40] =	vst v4;
	(v2sf) =	vpush v3, $0xB;
	s17 =	spop (v2sf)  }
0x67a: {  	[tilespmem:s30+$0xFFFFFC30] =	vst v7;
	v4 =	vld [tilespmem:s26+$0x10800];
	s5 =	spop (v2sf);
	(v2sf) =	vpush v0, $0xB  }
0x67b: {  	v7 =	vld [tilespmem:s8+$0x10810];
	[tilespmem:s30+$0xFFFFFA40] =	vst v5;
	s15 =	spop (v2sf);
	(v2sf) =	vpush v2, $0xB  }
0x67c: {  	[tilespmem:s30+$0xFFFFF840] =	vst v6;
	v5 =	vld [tilespmem:s21+$0x10800];
	(v2sf) =	vpush v3, $0xC;
	s12 =	spop (v2sf)  }
0x67d: {  	v6 =	vld [tilespmem:s28+$0x10800];
	s9 =	spop (v2sf);
	(v2sf) =	vpush v0, $0xC  }
0x67e: {  	s11 =	spop (v2sf);
	(v2sf) =	vpush v2, $0xC  }
0x67f: {  	[tilespmem:s30+$0xFFFFFE50] =	vst v4;
	(v2sf) =	vpush v3, $0xD  }
0x680: {  	[tilespmem:s30+$0xFFFFFC40] =	vst v7;
	s10 =	spop (v2sf);
	v4 =	vld [tilespmem:s26+$0x10810]  }
0x681: {  	v7 =	vld [tilespmem:s22+$0x10800];
	[tilespmem:s30+$0xFFFFFA50] =	vst v5;
	s6 =	spop (v2sf)  }
0x682: {  	(v2sf) =	vpush v1, $0x4;
	[tilespmem:s30+$0xFFFFF850] =	vst v6;
	v5 =	vld [tilespmem:s21+$0x10810];
	s7 =	spop (v2sf)  }
0x683: {  	v6 =	vld [tilespmem:s28+$0x10810];
	s8 =	spop (v2sf)  }
0x684: {  	(v2sf) =	vpush v0, $0xD;
	s28 =	spop (v2sf)  }
0x685: {  	[tilespmem:s30+$0xFFFFFE60] =	vst v4;
	s2 =	spop (v2sf)  }
0x686: {  	[tilespmem:s30+$0xFFFFFC50] =	vst v7;
	(v2sf) =	vpush v2, $0xD;
	v4 =	vld [tilespmem:s28+$0x10800];
	s1 =	spop (v2sf)  }
0x687: {  	v7 =	vld [tilespmem:s22+$0x10810];
	[tilespmem:s30+$0xFFFFFA60] =	vst v5;
	s21 =	spop (v2sf)  }
0x688: {  	(v2sf) =	vpush v3, $0xE;
	[tilespmem:s30+$0xFFFFF860] =	vst v6;
	v5 =	vld [tilespmem:s31+$0x10800];
	s22 =	spop (v2sf)  }
0x689: {  	(v2sf) =	vpush v0, $0xE;
	v6 =	vld [tilespmem:s24+$0x10800];
	s3 =	spop (v2sf)  }
0x68a: {  	s23 =	spop (v2sf)  }
0x68b: {  	(v2sf) =	vpush v2, $0xE;
	[tilespmem:s30+$0xFFFFFE70] =	vst v4;
	s26 =	spop (v2sf)  }
0x68c: {  	(v2sf) =	vpush v3, $0xF;
	[tilespmem:s30+$0xFFFFFC60] =	vst v7;
	v3 =	vld [tilespmem:s28+$0x10810];
	s29 =	spop (v2sf)  }
0x68d: {  	(v2sf) =	vpush v0, $0xF;
	v0 =	vld [tilespmem:s25+$0x10800];
	[tilespmem:s30+$0xFFFFFA70] =	vst v5;
	s28 =	spop (v2sf)  }
0x68e: {  	(v2sf) =	vpush v2, $0xF;
	v2 =	vld [tilespmem:s31+$0x10810];
	[tilespmem:s30+$0xFFFFF870] =	vst v6;
	s31 =	spop (v2sf)  }
0x68f: {  	[smem:$0x7A7] =	sst s31  }
0x690: {  	v4 =	vld [tilespmem:s24+$0x10810]  }
0x691: {  	(v2sf) =	vpush v1, $0x5;
	s24 =	spop (v2sf);
	[tilespmem:s30+$0xFFFFFE80] =	vst v3  }
0x692: {  	v3 =	vld [tilespmem:s24+$0x10800];
	[tilespmem:s30+$0xFFFFFC70] =	vst v0  }
0x693: {  	[tilespmem:s30+$0xFFFFFA80] =	vst v2;
	s31 =	spop (v2sf)  }
0x694: {  	v0 =	vld [tilespmem:s25+$0x10810];
	[smem:$0x7A8] =	sst s31  }
0x695: {  	s31 =	spop (v2sf);
	[tilespmem:s30+$0xFFFFF880] =	vst v4  }
0x696: {  	v2 =	vld [tilespmem:s14+$0x10800];
	[smem:$0x7A9] =	sst s31  }
0x697: {  	s31 =	spop (v2sf);
	[tilespmem:s30+$0xFFFFFE90] =	vst v3  }
0x698: {  	v4 =	vld [tilespmem:s0+$0x10800];
	s25 =	spop (v2sf);
	[smem:$0x7AA] =	sst s31  }
0x699: {  	v3 =	vld [tilespmem:s24+$0x10810];
	[smem:$0x7AB] =	sst s25  }
0x69a: {  	s31 =	spop (v2sf);
	[tilespmem:s30+$0xFFFFFC80] =	vst v0  }
0x69b: {  	s25 =	spop (v2sf);
	[smem:$0x7AC] =	sst s31  }
0x69c: {  	v0 =	vld [tilespmem:s4+$0x10800];
	[dreg:$0xd] =	wrdreg s25  }
0x69d: {  	(v2sf) =	vpush v1, $0x6;
	s24 =	spop (v2sf);
	[tilespmem:s30+$0xFFFFFA90] =	vst v2  }
0x69e: {  	s31 =	spop (v2sf);
	[tilespmem:s30+$0xFFFFF890] =	vst v4  }
0x69f: {  	v2 =	vld [tilespmem:s14+$0x10810];
	[dreg:$0x6] =	wrdreg s31  }
0x6a0: {  	s14 =	spop (v2sf);
	v4 =	vld [tilespmem:s0+$0x10810];
	[tilespmem:s30+$0xFFFFFEA0] =	vst v3  }
0x6a1: {  	v3 =	vld [tilespmem:s14+$0x10800]  }
0x6a2: {  	[tilespmem:s30+$0xFFFFFC90] =	vst v0  }
0x6a3: {  	v0 =	vld [tilespmem:s4+$0x10810];
	_ =	sdelay $0x1  }
0x6a4: {  	[tilespmem:s30+$0xFFFFF8A0] =	vst v4  }
0x6a5: {  	v4 =	vld [tilespmem:s18+$0x10800];
	[tilespmem:s30+$0xFFFFFEB0] =	vst v3  }
0x6a6: {  	v3 =	vld [tilespmem:s14+$0x10810]  }
0x6a7: {  	[tilespmem:s30+$0xFFFFFCA0] =	vst v0  }
0x6a8: {  	(v2sf) =	vpush v1, $0x7;
	[tilespmem:s30+$0xFFFFFAA0] =	vst v2;
	v0 =	vld [tilespmem:s19+$0x10800]  }
0x6a9: {  	v2 =	vld [tilespmem:s20+$0x10800]  }
0x6aa: {  	[tilespmem:s30+$0xFFFFF8B0] =	vst v4  }
0x6ab: {  	v4 =	vld [tilespmem:s18+$0x10810];
	[tilespmem:s30+$0xFFFFFEC0] =	vst v3;
	s18 =	spop (v2sf)  }
0x6ac: {  	v3 =	vld [tilespmem:s18+$0x10800]  }
0x6ad: {  	[tilespmem:s30+$0xFFFFFCB0] =	vst v0  }
0x6ae: {  	[tilespmem:s30+$0xFFFFFAB0] =	vst v2;
	v0 =	vld [tilespmem:s19+$0x10810]  }
0x6af: {  	v2 =	vld [tilespmem:s20+$0x10810];
	_ =	sdelay $0x1  }
0x6b0: {  	[tilespmem:s30+$0xFFFFFED0] =	vst v3  }
0x6b1: {  	[tilespmem:s30+$0xFFFFF8C0] =	vst v4;
	v3 =	vld [tilespmem:s18+$0x10810]  }
0x6b2: {  	v4 =	vld [tilespmem:s13+$0x10800];
	[tilespmem:s30+$0xFFFFFCC0] =	vst v0  }
0x6b3: {  	(v2sf) =	vpush v1, $0x8;
	[tilespmem:s30+$0xFFFFFAC0] =	vst v2;
	v0 =	vld [tilespmem:s17+$0x10800]  }
0x6b4: {  	v2 =	vld [tilespmem:s16+$0x10800];
	_ =	sdelay $0x1  }
0x6b5: {  	s19 =	spop (v2sf);
	[tilespmem:s30+$0xFFFFFEE0] =	vst v3  }
0x6b6: {  	[tilespmem:s30+$0xFFFFF8D0] =	vst v4;
	v3 =	vld [tilespmem:s19+$0x10800]  }
0x6b7: {  	v4 =	vld [tilespmem:s13+$0x10810];
	[tilespmem:s30+$0xFFFFFCD0] =	vst v0  }
0x6b8: {  	[tilespmem:s30+$0xFFFFFAD0] =	vst v2;
	v0 =	vld [tilespmem:s17+$0x10810]  }
0x6b9: {  	v2 =	vld [tilespmem:s16+$0x10810];
	_ =	sdelay $0x1  }
0x6ba: {  	[tilespmem:s30+$0xFFFFFEF0] =	vst v3  }
0x6bb: {  	[tilespmem:s30+$0xFFFFF8E0] =	vst v4;
	v3 =	vld [tilespmem:s19+$0x10810]  }
0x6bc: {  	v4 =	vld [tilespmem:s5+$0x10800];
	[tilespmem:s30+$0xFFFFFCE0] =	vst v0  }
0x6bd: {  	(v2sf) =	vpush v1, $0x9;
	[tilespmem:s30+$0xFFFFFAE0] =	vst v2;
	v0 =	vld [tilespmem:s12+$0x10800]  }
0x6be: {  	v2 =	vld [tilespmem:s15+$0x10800];
	_ =	sdelay $0x1  }
0x6bf: {  	s20 =	spop (v2sf);
	[tilespmem:s30+$0xFFFFFF00] =	vst v3  }
0x6c0: {  	[tilespmem:s30+$0xFFFFF8F0] =	vst v4;
	v3 =	vld [tilespmem:s20+$0x10800]  }
0x6c1: {  	v4 =	vld [tilespmem:s5+$0x10810];
	[tilespmem:s30+$0xFFFFFCF0] =	vst v0  }
0x6c2: {  	[tilespmem:s30+$0xFFFFFAF0] =	vst v2;
	v0 =	vld [tilespmem:s12+$0x10810]  }
0x6c3: {  	v2 =	vld [tilespmem:s15+$0x10810];
	_ =	sdelay $0x1  }
0x6c4: {  	[tilespmem:s30+$0xFFFFFF10] =	vst v3  }
0x6c5: {  	[tilespmem:s30+$0xFFFFF900] =	vst v4;
	v3 =	vld [tilespmem:s20+$0x10810]  }
0x6c6: {  	v4 =	vld [tilespmem:s9+$0x10800];
	[tilespmem:s30+$0xFFFFFD00] =	vst v0  }
0x6c7: {  	(v2sf) =	vpush v1, $0xA;
	[tilespmem:s30+$0xFFFFFB00] =	vst v2;
	v0 =	vld [tilespmem:s10+$0x10800]  }
0x6c8: {  	s31 =	simm.s32 $0x470;
	v2 =	vld [tilespmem:s11+$0x10800]  }
0x6c9: {  	v6 =	vld [tilespmem:s31+$0xFFFFFFE0]  }
0x6ca: {  	v7 =	vld [tilespmem:s31+$0xFFFFFFD0];
	s25 =	spop (v2sf);
	[tilespmem:s30+$0xFFFFFF20] =	vst v3  }
0x6cb: {  	[tilespmem:s30+$0xFFFFF910] =	vst v4;
	v3 =	vld [tilespmem:s25+$0x10800]  }
0x6cc: {  	[tilespmem:s30+$0xFFFFFD10] =	vst v0;
	v0 =	vld [tilespmem:s31+$0x0]  }
0x6cd: {  	[tilespmem:s30+$0xFFFFFB10] =	vst v2;
	v4 =	vld [tilespmem:s9+$0x10810]  }
0x6ce: {  	v2 =	vld [tilespmem:s11+$0x10810]  }
0x6cf: {  	v5 =	vld [tilespmem:s10+$0x10810]  }
0x6d0: {  	v8 =	vld [tilespmem:s31+$0xFFFFFFF0];
	[tilespmem:s30+$0xFFFFFF30] =	vst v3  }
0x6d1: {  	v0 =	vshll.u32 v0, $0x5;
	v9 =	vld [tilespmem:s25+$0x10810]  }
0x6d2: {  	[tilespmem:s30+$0xFFFFF920] =	vst v4;
	(v2sf) =	vpush v0, $0x0  }
0x6d3: {  	[tilespmem:s30+$0xFFFFFB20] =	vst v2;
	v2 =	vshll.u32 v6, $0x5;
	v10 =	vld [tilespmem:s6+$0x10800];
	(v2sf) =	vpush v1, $0xB  }
0x6d4: {  	v4 =	vshll.u32 v7, $0x5;
	[tilespmem:s30+$0xFFFFFD20] =	vst v5;
	v5 =	vld [tilespmem:s7+$0x10800];
	(v2sf) =	vpush v2, $0x0  }
0x6d5: {  	v3 =	vshll.u32 v8, $0x5;
	v6 =	vld [tilespmem:s8+$0x10800];
	(v2sf) =	vpush v4, $0x0  }
0x6d6: {  	s5 =	spop (v2sf);
	(v2sf) =	vpush v3, $0x0;
	[tilespmem:s30+$0xFFFFFF40] =	vst v9  }
0x6d7: {  	(v2sf) =	vpush v4, $0x1;
	v7 =	vld [tilespmem:s5+$0x10800]  }
0x6d8: {  	[tilespmem:s30+$0xFFFFF930] =	vst v10;
	(v2sf) =	vpush v2, $0x1  }
0x6d9: {  	v53 =	vld [tilespmem:s6+$0x10810];
	[tilespmem:s30+$0xFFFFFB30] =	vst v5;
	(v2sf) =	vpush v3, $0x1  }
0x6da: {  	v5 =	vld [tilespmem:s7+$0x10810];
	[tilespmem:s30+$0xFFFFFD30] =	vst v6;
	(v2sf) =	vpush v4, $0x2  }
0x6db: {  	v6 =	vld [tilespmem:s8+$0x10810];
	(v2sf) =	vpush v2, $0x2  }
0x6dc: {  	(v2sf) =	vpush v3, $0x2;
	[tilespmem:s30+$0xFFFFFF50] =	vst v7  }
0x6dd: {  	(v2sf) =	vpush v4, $0x3;
	v7 =	vld [tilespmem:s5+$0x10810]  }
0x6de: {  	[tilespmem:s30+$0xFFFFF940] =	vst v53;
	(v2sf) =	vpush v0, $0x1  }
0x6df: {  	v8 =	vld [tilespmem:s2+$0x10800];
	[tilespmem:s30+$0xFFFFFB40] =	vst v5;
	(v2sf) =	vpush v1, $0xC  }
0x6e0: {  	v5 =	vld [tilespmem:s1+$0x10800];
	[tilespmem:s30+$0xFFFFFD40] =	vst v6;
	(v2sf) =	vpush v2, $0x3  }
0x6e1: {  	v6 =	vld [tilespmem:s21+$0x10800];
	(v2sf) =	vpush v3, $0x3;
	s6 =	spop (v2sf)  }
0x6e2: {  	v54 =	vld [tilespmem:s6+$0x10800];
	(v2sf) =	vpush v4, $0x4;
	[tilespmem:s30+$0xFFFFFF60] =	vst v7;
	s7 =	spop (v2sf)  }
0x6e3: {  	s8 =	spop (v2sf);
	(v2sf) =	vpush v2, $0x4;
	v7 =	vld [tilespmem:s7+$0x10800]  }
0x6e4: {  	[tilespmem:s30+$0xFFFFF950] =	vst v8;
	v55 =	vld [tilespmem:s8+$0x10800];
	s9 =	spop (v2sf);
	(v2sf) =	vpush v3, $0x4  }
0x6e5: {  	[tilespmem:s30+$0xFFFFFB50] =	vst v5;
	v5 =	vld [tilespmem:s9+$0x10800];
	(v2sf) =	vpush v4, $0x5;
	s10 =	spop (v2sf)  }
0x6e6: {  	s16 =	simm.s32 $0x97F0;
	v10 =	vld [tilespmem:s2+$0x10810];
	[tilespmem:s30+$0xFFFFFD50] =	vst v6;
	(v2sf) =	vpush v2, $0x5;
	s11 =	spop (v2sf)  }
0x6e7: {  	v6 =	vld [tilespmem:s10+$0x10800];
	[tilespmem:s16+$0xFFFFFE10] =	vst v54;
	(v2sf) =	vpush v3, $0x5;
	s12 =	spop (v2sf)  }
0x6e8: {  	v9 =	vld [tilespmem:s6+$0x10810];
	(v2sf) =	vpush v4, $0x6;
	[tilespmem:s30+$0xFFFFFF70] =	vst v7;
	s14 =	spop (v2sf)  }
0x6e9: {  	v7 =	vld [tilespmem:s7+$0x10810];
	[tilespmem:s16+$0xFFFFFA10] =	vst v55;
	(v2sf) =	vpush v2, $0x6;
	s2 =	spop (v2sf)  }
0x6ea: {  	v8 =	vld [tilespmem:s8+$0x10810];
	[tilespmem:s16+$0xFFFFF810] =	vst v5;
	(v2sf) =	vpush v0, $0x2;
	s19 =	spop (v2sf)  }
0x6eb: {  	[tilespmem:s30+$0xFFFFF960] =	vst v10;
	v5 =	vld [tilespmem:s9+$0x10810];
	(v2sf) =	vpush v1, $0xD;
	s13 =	spop (v2sf)  }
0x6ec: {  	v56 =	vld [tilespmem:s1+$0x10810];
	[tilespmem:s16+$0xFFFFFC10] =	vst v6;
	(v2sf) =	vpush v3, $0x6;
	s18 =	spop (v2sf)  }
0x6ed: {  	v6 =	vld [tilespmem:s10+$0x10810];
	[tilespmem:s16+$0xFFFFFE20] =	vst v9;
	(v2sf) =	vpush v4, $0x7;
	s17 =	spop (v2sf)  }
0x6ee: {  	v9 =	vld [tilespmem:s17+$0x10800];
	(v2sf) =	vpush v2, $0x7;
	[tilespmem:s30+$0xFFFFFF80] =	vst v7;
	s20 =	spop (v2sf)  }
0x6ef: {  	[tilespmem:s16+$0xFFFFFA20] =	vst v8;
	(v2sf) =	vpush v3, $0x7;
	v7 =	vld [tilespmem:s20+$0x10800];
	s0 =	spop (v2sf)  }
0x6f0: {  	[tilespmem:s16+$0xFFFFF820] =	vst v5;
	v5 =	vld [tilespmem:s12+$0x10800];
	(v2sf) =	vpush v4, $0x8;
	s1 =	spop (v2sf)  }
0x6f1: {  	[tilespmem:s30+$0xFFFFFB60] =	vst v56;
	v57 =	vld [tilespmem:s11+$0x10800];
	(v2sf) =	vpush v2, $0x8;
	s25 =	spop (v2sf)  }
0x6f2: {  	v58 =	vld [tilespmem:s21+$0x10810];
	[tilespmem:s16+$0xFFFFFC20] =	vst v6;
	(v2sf) =	vpush v3, $0x8;
	s5 =	spop (v2sf)  }
0x6f3: {  	v6 =	vld [tilespmem:s14+$0x10800];
	[tilespmem:s16+$0xFFFFFE30] =	vst v9;
	(v2sf) =	vpush v4, $0x9;
	s31 =	spop (v2sf)  }
0x6f4: {  	v9 =	vld [tilespmem:s17+$0x10810];
	[tilespmem:s30+$0xFFFFFF90] =	vst v7;
	s15 =	spop (v2sf)  }
0x6f5: {  	(v2sf) =	vpush v2, $0x9;
	v7 =	vld [tilespmem:s20+$0x10810];
	[tilespmem:s16+$0xFFFFFA30] =	vst v5;
	s20 =	spop (v2sf)  }
0x6f6: {  	v5 =	vld [tilespmem:s12+$0x10810];
	[tilespmem:s16+$0xFFFFF830] =	vst v57;
	s17 =	spop (v2sf)  }
0x6f7: {  	[tilespmem:s30+$0xFFFFFD60] =	vst v58;
	(v2sf) =	vpush v3, $0x9;
	v8 =	vld [tilespmem:s11+$0x10810];
	s9 =	spop (v2sf)  }
0x6f8: {  	v59 =	vld [tilespmem:s22+$0x10800];
	[tilespmem:s16+$0xFFFFFC30] =	vst v6;
	s11 =	spop (v2sf)  }
0x6f9: {  	(v2sf) =	vpush v0, $0x3;
	v6 =	vld [tilespmem:s14+$0x10810];
	[tilespmem:s16+$0xFFFFFE40] =	vst v9;
	s6 =	spop (v2sf)  }
0x6fa: {  	(v2sf) =	vpush v1, $0xE;
	v60 =	vld [tilespmem:s6+$0x10800];
	[tilespmem:s30+$0xFFFFFFA0] =	vst v7;
	s21 =	spop (v2sf)  }
0x6fb: {  	(v2sf) =	vpush v4, $0xA;
	[tilespmem:s16+$0xFFFFFA40] =	vst v5;
	v5 =	vld [tilespmem:s21+$0x10800];
	s12 =	spop (v2sf)  }
0x6fc: {  	[tilespmem:s16+$0xFFFFF840] =	vst v8;
	v7 =	vld [tilespmem:s19+$0x10800];
	s7 =	spop (v2sf)  }
0x6fd: {  	[tilespmem:s30+$0xFFFFF970] =	vst v59;
	(v2sf) =	vpush v2, $0xA;
	v8 =	vld [tilespmem:s2+$0x10800];
	s10 =	spop (v2sf)  }
0x6fe: {  	(v2sf) =	vpush v3, $0xA;
	[tilespmem:s16+$0xFFFFFC40] =	vst v6;
	s8 =	spop (v2sf)  }
0x6ff: {  	(v2sf) =	vpush v4, $0xB;
	v6 =	vld [tilespmem:s13+$0x10800];
	[tilespmem:s16+$0xFFFFFE50] =	vst v60;
	s14 =	spop (v2sf)  }
0x700: {  	v61 =	vld [tilespmem:s3+$0x10800];
	(v2sf) =	vpush v2, $0xB;
	[tilespmem:s30+$0xFFFFFFB0] =	vst v5;
	s4 =	spop (v2sf)  }
0x701: {  	(v2sf) =	vpush v3, $0xB;
	v10 =	vld [tilespmem:s6+$0x10810];
	[tilespmem:s16+$0xFFFFFA50] =	vst v7;
	s6 =	spop (v2sf)  }
0x702: {  	(v2sf) =	vpush v4, $0xC;
	v5 =	vld [tilespmem:s21+$0x10810];
	[tilespmem:s16+$0xFFFFF850] =	vst v8;
	s21 =	spop (v2sf)  }
0x703: {  	(v2sf) =	vpush v2, $0xC;
	v7 =	vld [tilespmem:s19+$0x10810];
	[smem:$0x7A1] =	sst s21  }
0x704: {  	(v2sf) =	vpush v3, $0xC;
	s21 =	spop (v2sf);
	[tilespmem:s16+$0xFFFFFC50] =	vst v6  }
0x705: {  	(v2sf) =	vpush v4, $0xD;
	v8 =	vld [tilespmem:s2+$0x10810];
	[smem:$0x7A2] =	sst s21  }
0x706: {  	(v2sf) =	vpush v0, $0x4;
	s19 =	spop (v2sf);
	[tilespmem:s30+$0xFFFFFB70] =	vst v61  }
0x707: {  	(v2sf) =	vpush v1, $0xF;
	v1 =	vld [tilespmem:s13+$0x10810];
	[smem:$0x7A3] =	sst s19  }
0x708: {  	s2 =	spop (v2sf);
	[tilespmem:s16+$0xFFFFFE60] =	vst v10  }
0x709: {  	s13 =	spop (v2sf);
	v6 =	vld [tilespmem:s23+$0x10800];
	[tilespmem:s30+$0xFFFFFFC0] =	vst v5  }
0x70a: {  	s21 =	spop (v2sf);
	[tilespmem:s16+$0xFFFFFA60] =	vst v7;
	v62 =	vld [tilespmem:s2+$0x10800]  }
0x70b: {  	v5 =	vld [tilespmem:s13+$0x10800];
	[smem:$0x7A4] =	sst s21  }
0x70c: {  	s21 =	spop (v2sf);
	[tilespmem:s16+$0xFFFFF860] =	vst v8  }
0x70d: {  	v7 =	vld [tilespmem:s0+$0x10800];
	[smem:$0x7A5] =	sst s21  }
0x70e: {  	s21 =	spop (v2sf);
	[tilespmem:s16+$0xFFFFFC60] =	vst v1  }
0x70f: {  	v8 =	vld [tilespmem:s18+$0x10800];
	[smem:$0x7A6] =	sst s21  }
0x710: {  	s21 =	spop (v2sf);
	[tilespmem:s30+$0xFFFFFD70] =	vst v6  }
0x711: {  	(v2sf) =	vpush v2, $0xD;
	v1 =	vld [tilespmem:s1+$0x10800];
	[dreg:$0x17] =	wrdreg s21  }
0x712: {  	s21 =	spop (v2sf);
	[tilespmem:s16+$0xFFFFFE70] =	vst v62  }
0x713: {  	(v2sf) =	vpush v3, $0xD;
	v6 =	vld [tilespmem:s22+$0x10810];
	[dreg:$0x1a] =	wrdreg s21  }
0x714: {  	(v2sf) =	vpush v4, $0xE;
	s22 =	spop (v2sf);
	[tilespmem:s30+$0xFFFFFFD0] =	vst v5  }
0x715: {  	(v2sf) =	vpush v2, $0xE;
	v9 =	vld [tilespmem:s2+$0x10810];
	[dreg:$0x1e] =	wrdreg s22  }
0x716: {  	(v2sf) =	vpush v3, $0xE;
	s19 =	spop (v2sf);
	[tilespmem:s16+$0xFFFFFA70] =	vst v7  }
0x717: {  	(v2sf) =	vpush v4, $0xF;
	s21 =	spop (v2sf);
	v4 =	vld [tilespmem:s13+$0x10810];
	[tilespmem:s16+$0xFFFFF870] =	vst v8  }
0x718: {  	(v2sf) =	vpush v2, $0xF;
	s2 =	spop (v2sf);
	[tilespmem:s16+$0xFFFFFC70] =	vst v1;
	v2 =	vld [tilespmem:s0+$0x10810]  }
0x719: {  	(v2sf) =	vpush v3, $0xF;
	v3 =	vld [tilespmem:s18+$0x10810];
	[dreg:$0xe] =	wrdreg s2  }
0x71a: {  	(v2sf) =	vpush v0, $0x5;
	v1 =	vld [tilespmem:s1+$0x10810];
	[tilespmem:s30+$0xFFFFF980] =	vst v6  }
0x71b: {  	s13 =	spop (v2sf);
	v5 =	vld [tilespmem:s3+$0x10810];
	[tilespmem:s16+$0xFFFFFE80] =	vst v9  }
0x71c: {  	s3 =	spop (v2sf);
	[tilespmem:s30+$0xFFFFFFE0] =	vst v4  }
0x71d: {  	s18 =	spop (v2sf);
	v6 =	vld [tilespmem:s3+$0x10800];
	[tilespmem:s16+$0xFFFFFA80] =	vst v2  }
0x71e: {  	v2 =	vld [tilespmem:s18+$0x10800];
	[tilespmem:s16+$0xFFFFF880] =	vst v3  }
0x71f: {  	v3 =	vld [tilespmem:s5+$0x10800];
	[tilespmem:s16+$0xFFFFFC80] =	vst v1  }
0x720: {  	s22 =	spop (v2sf);
	v4 =	vld [tilespmem:s25+$0x10800];
	[tilespmem:s30+$0xFFFFFB80] =	vst v5  }
0x721: {  	v1 =	vld [tilespmem:s31+$0x10800];
	[dreg:$0x18] =	wrdreg s22  }
0x722: {  	s22 =	spop (v2sf);
	v5 =	vld [tilespmem:s23+$0x10810];
	[tilespmem:s16+$0xFFFFFE90] =	vst v6  }
0x723: {  	s2 =	spop (v2sf);
	v6 =	vld [tilespmem:s3+$0x10810];
	[tilespmem:s30+$0xFFFFFFF0] =	vst v2  }
0x724: {  	s3 =	spop (v2sf);
	v2 =	vld [tilespmem:s18+$0x10810];
	[tilespmem:s16+$0xFFFFFA90] =	vst v3  }
0x725: {  	[tilespmem:s16+$0xFFFFF890] =	vst v4;
	s18 =	spop (v2sf);
	v3 =	vld [tilespmem:s5+$0x10810]  }
0x726: {  	(v2sf) =	vpush v0, $0x6;
	v4 =	vld [tilespmem:s25+$0x10810];
	[tilespmem:s16+$0xFFFFFC90] =	vst v1;
	s25 =	spop (v2sf)  }
0x727: {  	[tilespmem:s30+$0xFFFFFD80] =	vst v5;
	s1 =	spop (v2sf);
	v5 =	vld [tilespmem:s26+$0x10800]  }
0x728: {  	v1 =	vld [tilespmem:s31+$0x10810];
	[tilespmem:s16+$0xFFFFFEA0] =	vst v6;
	s5 =	spop (v2sf)  }
0x729: {  	v6 =	vld [tilespmem:s29+$0x10800];
	s23 =	spop (v2sf);
	[tilespmem:s30+$0x0] =	vst v2  }
0x72a: {  	v2 =	vld [tilespmem:s23+$0x10800];
	[tilespmem:s16+$0xFFFFFAA0] =	vst v3  }
0x72b: {  	[tilespmem:s16+$0xFFFFF8A0] =	vst v4;
	v3 =	vld [tilespmem:s20+$0x10800]  }
0x72c: {  	[tilespmem:s30+$0xFFFFF990] =	vst v5;
	v5 =	vld [tilespmem:s28+$0x10800]  }
0x72d: {  	v4 =	vld [tilespmem:s15+$0x10800];
	[tilespmem:s16+$0xFFFFFCA0] =	vst v1  }
0x72e: {  	v1 =	vld [tilespmem:s17+$0x10800];
	[tilespmem:s30+$0xFFFFFB90] =	vst v6  }
0x72f: {  	v6 =	vld [tilespmem:s26+$0x10810];
	[tilespmem:s16+$0xFFFFFEB0] =	vst v2  }
0x730: {  	v2 =	vld [tilespmem:s23+$0x10810];
	[tilespmem:s16+$0xFFFFFAB0] =	vst v3  }
0x731: {  	[tilespmem:s30+$0xFFFFFD90] =	vst v5;
	v5 =	vld [tilespmem:s29+$0x10810]  }
0x732: {  	[tilespmem:s16+$0xFFFFF8B0] =	vst v4;
	v3 =	vld [tilespmem:s20+$0x10810]  }
0x733: {  	v4 =	vld [tilespmem:s15+$0x10810];
	[tilespmem:s16+$0xFFFFFCB0] =	vst v1  }
0x734: {  	[tilespmem:s30+$0xFFFFF9A0] =	vst v6;
	v1 =	vld [tilespmem:s17+$0x10810]  }
0x735: {  	s26 =	spop (v2sf);
	v6 =	vld [tilespmem:s28+$0x10810];
	[tilespmem:s16+$0xFFFFFEC0] =	vst v2  }
0x736: {  	v2 =	vld [tilespmem:s26+$0x10800];
	[tilespmem:s30+$0xFFFFFBA0] =	vst v5  }
0x737: {  	[tilespmem:s16+$0xFFFFFAC0] =	vst v3  }
0x738: {  	[tilespmem:s16+$0xFFFFF8C0] =	vst v4  }
0x739: {  	(v2sf) =	vpush v0, $0x7;
	[tilespmem:s16+$0xFFFFFCC0] =	vst v1  }
0x73a: {  	s28 =	sld [smem:$0x7A7];
	[tilespmem:s30+$0xFFFFFDA0] =	vst v6  }
0x73b: {  	v3 =	vld [tilespmem:s11+$0x10800];
	[tilespmem:s16+$0xFFFFFED0] =	vst v2  }
0x73c: {  	v4 =	vld [tilespmem:s9+$0x10800];
	s31 =	sld [smem:$0x7A8]  }
0x73d: {  	v1 =	vld [tilespmem:s12+$0x10800]  }
0x73e: {  	v5 =	vld [tilespmem:s28+$0x10800]  }
0x73f: {  	v2 =	vld [tilespmem:s31+$0x10800]  }
0x740: {  	[tilespmem:s16+$0xFFFFFAD0] =	vst v3  }
0x741: {  	[tilespmem:s16+$0xFFFFF8D0] =	vst v4  }
0x742: {  	v6 =	vld [tilespmem:s26+$0x10810];
	[tilespmem:s16+$0xFFFFFCD0] =	vst v1  }
0x743: {  	v3 =	vld [tilespmem:s11+$0x10810];
	[tilespmem:s30+$0xFFFFF9B0] =	vst v5  }
0x744: {  	v4 =	vld [tilespmem:s9+$0x10810];
	[tilespmem:s30+$0xFFFFFBB0] =	vst v2  }
0x745: {  	v1 =	vld [tilespmem:s12+$0x10810];
	s12 =	sld [smem:$0x7A9];
	_ =	sdelay $0x1  }
0x746: {  	v5 =	vld [tilespmem:s28+$0x10810]  }
0x747: {  	s20 =	spop (v2sf);
	[tilespmem:s16+$0xFFFFFEE0] =	vst v6;
	v2 =	vld [tilespmem:s12+$0x10800]  }
0x748: {  	(v2sf) =	vpush v0, $0x8;
	[tilespmem:s16+$0xFFFFFAE0] =	vst v3;
	v3 =	vld [tilespmem:s20+$0x10800]  }
0x749: {  	[tilespmem:s16+$0xFFFFF8E0] =	vst v4;
	v4 =	vld [tilespmem:s10+$0x10800]  }
0x74a: {  	[tilespmem:s16+$0xFFFFFCE0] =	vst v1;
	v6 =	vld [tilespmem:s7+$0x10800]  }
0x74b: {  	v1 =	vld [tilespmem:s8+$0x10800];
	[tilespmem:s30+$0xFFFFF9C0] =	vst v5  }
0x74c: {  	[tilespmem:s30+$0xFFFFFDB0] =	vst v2;
	v2 =	vld [tilespmem:s31+$0x10810]  }
0x74d: {  	[tilespmem:s16+$0xFFFFFEF0] =	vst v3;
	v5 =	vld [tilespmem:s12+$0x10810]  }
0x74e: {  	[tilespmem:s16+$0xFFFFFAF0] =	vst v4;
	v3 =	vld [tilespmem:s20+$0x10810]  }
0x74f: {  	[tilespmem:s16+$0xFFFFF8F0] =	vst v6  }
0x750: {  	[tilespmem:s16+$0xFFFFFCF0] =	vst v1  }
0x751: {  	[tilespmem:s30+$0xFFFFFBC0] =	vst v2  }
0x752: {  	s23 =	sld [smem:$0x7AA];
	[tilespmem:s30+$0xFFFFFDC0] =	vst v5  }
0x753: {  	v4 =	vld [tilespmem:s10+$0x10810];
	[tilespmem:s16+$0xFFFFFF00] =	vst v3  }
0x754: {  	v6 =	vld [tilespmem:s7+$0x10810];
	s26 =	sld [smem:$0x7AB]  }
0x755: {  	(v2sf) =	vpush v0, $0x9;
	v1 =	vld [tilespmem:s8+$0x10810]  }
0x756: {  	v2 =	vld [tilespmem:s23+$0x10800]  }
0x757: {  	s28 =	spop (v2sf);
	v3 =	vld [tilespmem:s26+$0x10800]  }
0x758: {  	[tilespmem:s16+$0xFFFFFB00] =	vst v4;
	v4 =	vld [tilespmem:s28+$0x10800]  }
0x759: {  	[tilespmem:s16+$0xFFFFF900] =	vst v6;
	v5 =	vld [tilespmem:s4+$0x10800]  }
0x75a: {  	[tilespmem:s16+$0xFFFFFD00] =	vst v1  }
0x75b: {  	[tilespmem:s30+$0xFFFFF9D0] =	vst v2  }
0x75c: {  	v6 =	vld [tilespmem:s14+$0x10800];
	[tilespmem:s30+$0xFFFFFBD0] =	vst v3  }
0x75d: {  	v1 =	vld [tilespmem:s6+$0x10800];
	s31 =	sld [smem:$0x7AC];
	[tilespmem:s16+$0xFFFFFF10] =	vst v4  }
0x75e: {  	[tilespmem:s16+$0xFFFFFB10] =	vst v5;
	v63 =	vld [tilespmem:s28+$0x10810]  }
0x75f: {  	v5 =	vld [tilespmem:s4+$0x10810]  }
0x760: {  	v2 =	vld [tilespmem:s31+$0x10800]  }
0x761: {  	v7 =	vld [tilespmem:s23+$0x10810];
	[tilespmem:s16+$0xFFFFF910] =	vst v6  }
0x762: {  	[tilespmem:s16+$0xFFFFFD10] =	vst v1;
	v1 =	vld [tilespmem:s26+$0x10810]  }
0x763: {  	v3 =	vld [tilespmem:s14+$0x10810];
	[tilespmem:s16+$0xFFFFFF20] =	vst v63  }
0x764: {  	s0 =	spop (v2sf);
	v4 =	vld [tilespmem:s6+$0x10810];
	[tilespmem:s16+$0xFFFFFB20] =	vst v5  }
0x765: {  	v5 =	vld [tilespmem:s0+$0x10800];
	[tilespmem:s30+$0xFFFFFDD0] =	vst v2  }
0x766: {  	s29 =	simm.s32 $0x4;
	(v2sf) =	vpush v0, $0xA;
	s23 =	simm.s32 $0x4B0;
	s14 =	smov.u32 s1;
	[tilespmem:s30+$0xFFFFF9E0] =	vst v7;
	v2 =	vld [tilespmem:s31+$0x10810]  }
.LBB2_9:
0x767: {  	_ =	sdelay $0x2  }
0x768: {  	v6 =	vld [tilespmem:s23+$0x0];
	[tilespmem:s16+$0xFFFFFD20] =	vst v4  }
0x769: {  	s6 =	sld [smem:$0x7A1];
	[tilespmem:s16+$0xFFFFF920] =	vst v3;
	v3 =	vld [tilespmem:s23+$0xFFFFFFE0]  }
0x76a: {  	v7 =	vld [tilespmem:s23+$0xFFFFFFF0]  }
0x76b: {  	v8 =	vld [tilespmem:s23+$0xFFFFFFD0]  }
0x76c: {  	s4 =	sld [smem:$0x7A2];
	v9 =	vld [tilespmem:s6+$0x10800]  }
0x76d: {  	s7 =	sld [smem:$0x7A3];
	[tilespmem:s16+$0xFFFFFF30] =	vst v5  }
0x76e: {  	[tilespmem:s30+$0xFFFFFBE0] =	vst v1;
	v4 =	vshll.u32 v6, $0x5;
	v5 =	vld [tilespmem:s0+$0x10810]  }
0x76f: {  	[tilespmem:s30+$0xFFFFFDE0] =	vst v2;
	v6 =	vld [tilespmem:s4+$0x10800];
	(v2sf) =	vpush v4, $0x0  }
0x770: {  	s1 =	rddreg [dreg:$0xd];
	(v2sf) =	vpush v0, $0xB;
	v2 =	vshll.u32 v3, $0x5;
	v1 =	vshll.u32 v7, $0x5;
	v7 =	vld [tilespmem:s7+$0x10800]  }
0x771: {  	v50 =	vld [tilespmem:s1+$0x10800];
	v3 =	vshll.u32 v8, $0x5;
	(v2sf) =	vpush v2, $0x0;
	[tilespmem:s16+$0xFFFFF930] =	vst v9  }
0x772: {  	(v2sf) =	vpush v3, $0x0;
	v10 =	vld [tilespmem:s6+$0x10810]  }
0x773: {  	v51 =	vld [tilespmem:s24+$0x10800];
	[tilespmem:s16+$0xFFFFFF40] =	vst v5;
	(v2sf) =	vpush v1, $0x0;
	s6 =	spop (v2sf)  }
0x774: {  	[tilespmem:s16+$0xFFFFFB30] =	vst v6;
	(v2sf) =	vpush v3, $0x1;
	v5 =	vld [tilespmem:s6+$0x10800]  }
0x775: {  	s8 =	sld [smem:$0x7A4];
	v6 =	vld [tilespmem:s4+$0x10810];
	[tilespmem:s16+$0xFFFFFD30] =	vst v7;
	(v2sf) =	vpush v2, $0x1  }
0x776: {  	[tilespmem:s30+$0xFFFFF9F0] =	vst v50;
	v7 =	vld [tilespmem:s7+$0x10810];
	s7 =	rddreg [dreg:$0x6];
	(v2sf) =	vpush v1, $0x1  }
0x777: {  	v52 =	vld [tilespmem:s7+$0x10800];
	[tilespmem:s16+$0xFFFFF940] =	vst v10;
	(v2sf) =	vpush v3, $0x2  }
0x778: {  	s11 =	sld [smem:$0x7A5];
	[tilespmem:s30+$0xFFFFFBF0] =	vst v51;
	v53 =	vld [tilespmem:s1+$0x10810];
	(v2sf) =	vpush v2, $0x2  }
0x779: {  	s9 =	sld [smem:$0x7A6];
	v10 =	vld [tilespmem:s8+$0x10800];
	(v2sf) =	vpush v1, $0x2;
	[tilespmem:s16+$0xFFFFFF50] =	vst v5  }
0x77a: {  	[tilespmem:s16+$0xFFFFFB40] =	vst v6;
	(v2sf) =	vpush v3, $0x3;
	v5 =	vld [tilespmem:s6+$0x10810]  }
0x77b: {  	v6 =	vld [tilespmem:s11+$0x10800];
	[tilespmem:s16+$0xFFFFFD40] =	vst v7;
	(v2sf) =	vpush v4, $0x1  }
0x77c: {  	v7 =	vld [tilespmem:s9+$0x10800];
	[tilespmem:s30+$0xFFFFFDF0] =	vst v52;
	(v2sf) =	vpush v0, $0xC  }
0x77d: {  	v54 =	vld [tilespmem:s24+$0x10810];
	[tilespmem:s30+$0xFFFFFA00] =	vst v53;
	(v2sf) =	vpush v2, $0x3  }
0x77e: {  	s17 =	spop (v2sf);
	[tilespmem:s16+$0xFFFFF950] =	vst v10;
	v55 =	vld [tilespmem:s7+$0x10810];
	(v2sf) =	vpush v1, $0x3  }
0x77f: {  	v56 =	vld [tilespmem:s17+$0x10800];
	s20 =	spop (v2sf);
	(v2sf) =	vpush v3, $0x4;
	[tilespmem:s16+$0xFFFFFF60] =	vst v5  }
0x780: {  	[tilespmem:s16+$0xFFFFFB50] =	vst v6;
	s24 =	spop (v2sf);
	(v2sf) =	vpush v2, $0x4;
	v5 =	vld [tilespmem:s20+$0x10800]  }
0x781: {  	s10 =	smov.u32 s25;
	v6 =	vld [tilespmem:s24+$0x10800];
	s25 =	spop (v2sf);
	[tilespmem:s16+$0xFFFFFD50] =	vst v7;
	(v2sf) =	vpush v1, $0x4  }
0x782: {  	[tilespmem:s30+$0xFFFFFC00] =	vst v54;
	v7 =	vld [tilespmem:s25+$0x10800];
	s26 =	spop (v2sf);
	(v2sf) =	vpush v3, $0x5  }
0x783: {  	v57 =	vld [tilespmem:s26+$0x10800];
	[tilespmem:s30+$0xFFFFFE00] =	vst v55;
	s30 =	smov.u32 s16;
	s16 =	sadd.s32 $0x800, s16;
	s31 =	spop (v2sf);
	(v2sf) =	vpush v2, $0x5  }
0x784: {  	v58 =	vld [tilespmem:s8+$0x10810];
	[tilespmem:s16+$0xFFFFFE10] =	vst v56;
	s12 =	spop (v2sf);
	(v2sf) =	vpush v1, $0x5  }
0x785: {  	[smem:$0x796] =	sst s13;
	s15 =	smov.u32 s14;
	v10 =	vld [tilespmem:s17+$0x10810];
	(v2sf) =	vpush v3, $0x6;
	s14 =	spop (v2sf);
	[tilespmem:s30+$0xFFFFFF70] =	vst v5  }
0x786: {  	[smem:$0x79D] =	sst s18;
	[tilespmem:s16+$0xFFFFFA10] =	vst v6;
	s13 =	spop (v2sf);
	(v2sf) =	vpush v2, $0x6;
	v5 =	vld [tilespmem:s20+$0x10810]  }
0x787: {  	s18 =	smov.u32 s5;
	s28 =	smov.u32 s19;
	[tilespmem:s16+$0xFFFFF810] =	vst v7;
	v6 =	vld [tilespmem:s24+$0x10810];
	s19 =	spop (v2sf);
	(v2sf) =	vpush v4, $0x2  }
0x788: {  	[dreg:$0x6] =	wrdreg s18;
	v7 =	vld [tilespmem:s25+$0x10810];
	[tilespmem:s16+$0xFFFFFC10] =	vst v57;
	s18 =	spop (v2sf);
	(v2sf) =	vpush v0, $0xD  }
0x789: {  	[smem:$0x799] =	sst s3;
	[tilespmem:s30+$0xFFFFF960] =	vst v58;
	v8 =	vld [tilespmem:s26+$0x10810];
	s3 =	spop (v2sf);
	(v2sf) =	vpush v1, $0x6  }
0x78a: {  	v59 =	vld [tilespmem:s11+$0x10810];
	[tilespmem:s16+$0xFFFFFE20] =	vst v10;
	(v2sf) =	vpush v3, $0x7;
	s20 =	spop (v2sf)  }
0x78b: {  	v10 =	vld [tilespmem:s20+$0x10800];
	(v2sf) =	vpush v2, $0x7;
	s24 =	spop (v2sf);
	[tilespmem:s30+$0xFFFFFF80] =	vst v5  }
0x78c: {  	[tilespmem:s16+$0xFFFFFA20] =	vst v6;
	s17 =	spop (v2sf);
	(v2sf) =	vpush v1, $0x7;
	v5 =	vld [tilespmem:s24+$0x10800]  }
0x78d: {  	[tilespmem:s16+$0xFFFFF820] =	vst v7;
	v6 =	vld [tilespmem:s12+$0x10800];
	(v2sf) =	vpush v3, $0x8;
	s4 =	spop (v2sf)  }
0x78e: {  	[smem:$0x795] =	sst s15;
	v7 =	vld [tilespmem:s31+$0x10800];
	[tilespmem:s16+$0xFFFFFC20] =	vst v8;
	s15 =	spop (v2sf);
	(v2sf) =	vpush v2, $0x8  }
0x78f: {  	[tilespmem:s30+$0xFFFFFB60] =	vst v59;
	v8 =	vld [tilespmem:s14+$0x10800];
	s5 =	spop (v2sf);
	(v2sf) =	vpush v1, $0x8  }
0x790: {  	v60 =	vld [tilespmem:s9+$0x10810];
	[tilespmem:s16+$0xFFFFFE30] =	vst v10;
	(v2sf) =	vpush v3, $0x9;
	s7 =	spop (v2sf)  }
0x791: {  	[dreg:$0xd] =	wrdreg s10;
	v10 =	vld [tilespmem:s20+$0x10810];
	s10 =	spop (v2sf);
	(v2sf) =	vpush v2, $0x9;
	[tilespmem:s30+$0xFFFFFF90] =	vst v5  }
0x792: {  	[tilespmem:s16+$0xFFFFFA30] =	vst v6;
	s11 =	spop (v2sf);
	(v2sf) =	vpush v1, $0x9;
	v5 =	vld [tilespmem:s24+$0x10810]  }
0x793: {  	[tilespmem:s16+$0xFFFFF830] =	vst v7;
	v6 =	vld [tilespmem:s12+$0x10810];
	s12 =	spop (v2sf);
	(v2sf) =	vpush v4, $0x3  }
0x794: {  	v7 =	vld [tilespmem:s31+$0x10810];
	[tilespmem:s16+$0xFFFFFC30] =	vst v8;
	s6 =	spop (v2sf);
	(v2sf) =	vpush v0, $0xE  }
0x795: {  	s0 =	rddreg [dreg:$0x17];
	v8 =	vld [tilespmem:s14+$0x10810];
	[tilespmem:s30+$0xFFFFFD60] =	vst v60;
	(v2sf) =	vpush v3, $0xA;
	s8 =	spop (v2sf)  }
0x796: {  	v61 =	vld [tilespmem:s0+$0x10800];
	[tilespmem:s16+$0xFFFFFE40] =	vst v10;
	(v2sf) =	vpush v2, $0xA;
	s25 =	spop (v2sf)  }
0x797: {  	v10 =	vld [tilespmem:s25+$0x10800];
	(v2sf) =	vpush v1, $0xA;
	s20 =	spop (v2sf);
	[tilespmem:s30+$0xFFFFFFA0] =	vst v5  }
0x798: {  	[tilespmem:s16+$0xFFFFFA40] =	vst v6;
	(v2sf) =	vpush v3, $0xB;
	s9 =	spop (v2sf);
	v5 =	vld [tilespmem:s20+$0x10800]  }
0x799: {  	[tilespmem:s16+$0xFFFFF840] =	vst v7;
	v6 =	vld [tilespmem:s19+$0x10800];
	s14 =	spop (v2sf);
	(v2sf) =	vpush v2, $0xB  }
0x79a: {  	v7 =	vld [tilespmem:s13+$0x10800];
	[tilespmem:s16+$0xFFFFFC40] =	vst v8;
	s26 =	spop (v2sf);
	(v2sf) =	vpush v1, $0xB  }
0x79b: {  	s1 =	rddreg [dreg:$0x1a];
	[tilespmem:s30+$0xFFFFF970] =	vst v61;
	v8 =	vld [tilespmem:s18+$0x10800];
	(v2sf) =	vpush v3, $0xC;
	s31 =	spop (v2sf)  }
0x79c: {  	v62 =	vld [tilespmem:s1+$0x10800];
	[tilespmem:s16+$0xFFFFFE50] =	vst v10;
	s24 =	spop (v2sf);
	(v2sf) =	vpush v2, $0xC  }
0x79d: {  	v10 =	vld [tilespmem:s25+$0x10810];
	s25 =	spop (v2sf);
	(v2sf) =	vpush v1, $0xC;
	[tilespmem:s30+$0xFFFFFFB0] =	vst v5  }
0x79e: {  	[smem:$0x797] =	sst s14;
	[tilespmem:s16+$0xFFFFFA50] =	vst v6;
	(v2sf) =	vpush v3, $0xD;
	s14 =	spop (v2sf);
	v5 =	vld [tilespmem:s20+$0x10810]  }
0x79f: {  	[smem:$0x79B] =	sst s24;
	[tilespmem:s16+$0xFFFFF850] =	vst v7;
	v6 =	vld [tilespmem:s19+$0x10810];
	s19 =	spop (v2sf);
	(v2sf) =	vpush v4, $0x4  }
0x7a0: {  	[smem:$0x79C] =	sst s14;
	v7 =	vld [tilespmem:s13+$0x10810];
	[tilespmem:s16+$0xFFFFFC50] =	vst v8;
	s20 =	spop (v2sf);
	(v2sf) =	vpush v0, $0xF  }
0x7a1: {  	[tilespmem:s30+$0xFFFFFB70] =	vst v62;
	s14 =	rddreg [dreg:$0x1e];
	v0 =	vmov v4;
	v4 =	vld [tilespmem:s18+$0x10810];
	(v2sf) =	vpush v2, $0xD;
	s24 =	spop (v2sf)  }
0x7a2: {  	[smem:$0x798] =	sst s2;
	v8 =	vld [tilespmem:s14+$0x10800];
	[tilespmem:s16+$0xFFFFFE60] =	vst v10;
	(v2sf) =	vpush v1, $0xD;
	s2 =	spop (v2sf)  }
0x7a3: {  	v63 =	vld [tilespmem:s2+$0x10800];
	(v2sf) =	vpush v3, $0xE;
	s18 =	spop (v2sf);
	[tilespmem:s30+$0xFFFFFFC0] =	vst v5  }
0x7a4: {  	[smem:$0x79A] =	sst s25;
	[tilespmem:s16+$0xFFFFFA60] =	vst v6;
	s25 =	spop (v2sf);
	(v2sf) =	vpush v2, $0xE;
	v5 =	vld [tilespmem:s18+$0x10800]  }
0x7a5: {  	[smem:$0x7A1] =	sst s19;
	[tilespmem:s16+$0xFFFFF860] =	vst v7;
	v6 =	vld [tilespmem:s17+$0x10800];
	s19 =	spop (v2sf);
	(v2sf) =	vpush v1, $0xE  }
0x7a6: {  	[smem:$0x7A2] =	sst s20;
	v7 =	vld [tilespmem:s3+$0x10800];
	[tilespmem:s16+$0xFFFFFC60] =	vst v4;
	(v2sf) =	vpush v3, $0xF;
	s20 =	spop (v2sf)  }
0x7a7: {  	[smem:$0x7A3] =	sst s24;
	v3 =	vld [tilespmem:s4+$0x10800];
	[tilespmem:s30+$0xFFFFFD70] =	vst v8;
	s24 =	spop (v2sf);
	(v2sf) =	vpush v2, $0xF  }
0x7a8: {  	[smem:$0x7A6] =	sst s20;
	[tilespmem:s16+$0xFFFFFE70] =	vst v63;
	s20 =	spop (v2sf);
	(v2sf) =	vpush v1, $0xF;
	v1 =	vld [tilespmem:s0+$0x10810]  }
0x7a9: {  	[smem:$0x7A4] =	sst s25;
	s25 =	smov.u32 s24;
	v2 =	vld [tilespmem:s2+$0x10810];
	s24 =	spop (v2sf);
	[tilespmem:s30+$0xFFFFFFD0] =	vst v5  }
0x7aa: {  	[tilespmem:s16+$0xFFFFFA70] =	vst v6;
	s13 =	spop (v2sf);
	v4 =	vld [tilespmem:s18+$0x10810]  }
0x7ab: {  	[tilespmem:s16+$0xFFFFF870] =	vst v7;
	v5 =	vld [tilespmem:s17+$0x10810];
	s2 =	spop (v2sf)  }
0x7ac: {  	v6 =	vld [tilespmem:s3+$0x10810];
	[tilespmem:s16+$0xFFFFFC70] =	vst v3;
	s3 =	spop (v2sf);
	(v2sf) =	vpush v0, $0x5  }
0x7ad: {  	v3 =	vld [tilespmem:s4+$0x10810];
	s18 =	spop (v2sf);
	[tilespmem:s30+$0xFFFFF980] =	vst v1  }
0x7ae: {  	[smem:$0x7A5] =	sst s19;
	v1 =	vld [tilespmem:s1+$0x10810];
	[tilespmem:s16+$0xFFFFFE80] =	vst v2;
	s19 =	spop (v2sf)  }
0x7af: {  	s0 =	smov.u32 s21;
	v2 =	vld [tilespmem:s19+$0x10800];
	s21 =	spop (v2sf);
	[tilespmem:s30+$0xFFFFFFE0] =	vst v4  }
0x7b0: {  	[tilespmem:s16+$0xFFFFFA80] =	vst v5;
	s1 =	spop (v2sf);
	v4 =	vld [tilespmem:s21+$0x10800]  }
0x7b1: {  	[tilespmem:s16+$0xFFFFF880] =	vst v6;
	v5 =	vld [tilespmem:s5+$0x10800];
	s4 =	spop (v2sf)  }
0x7b2: {  	s17 =	smov.u32 s20;
	v6 =	vld [tilespmem:s15+$0x10800];
	[tilespmem:s16+$0xFFFFFC80] =	vst v3;
	s20 =	spop (v2sf)  }
0x7b3: {  	[dreg:$0x1a] =	wrdreg s17;
	v3 =	vld [tilespmem:s7+$0x10800];
	[tilespmem:s30+$0xFFFFFB80] =	vst v1;
	s17 =	spop (v2sf)  }
0x7b4: {  	[dreg:$0x17] =	wrdreg s25;
	v1 =	vld [tilespmem:s14+$0x10810];
	[tilespmem:s16+$0xFFFFFE90] =	vst v2;
	s25 =	spop (v2sf)  }
0x7b5: {  	[smem:$0x79E] =	sst s25;
	s25 =	smov.u32 s24;
	v2 =	vld [tilespmem:s19+$0x10810];
	[tilespmem:s30+$0xFFFFFFF0] =	vst v4  }
0x7b6: {  	[tilespmem:s16+$0xFFFFFA90] =	vst v5;
	[dreg:$0x1e] =	wrdreg s25;
	s25 =	spop (v2sf);
	v4 =	vld [tilespmem:s21+$0x10810]  }
0x7b7: {  	[tilespmem:s16+$0xFFFFF890] =	vst v6;
	v5 =	vld [tilespmem:s5+$0x10810];
	s14 =	spop (v2sf)  }
0x7b8: {  	v6 =	vld [tilespmem:s15+$0x10810];
	[tilespmem:s16+$0xFFFFFC90] =	vst v3;
	s5 =	spop (v2sf);
	(v2sf) =	vpush v0, $0x6  }
0x7b9: {  	v3 =	vld [tilespmem:s7+$0x10810];
	[tilespmem:s30+$0xFFFFFD80] =	vst v1  }
0x7ba: {  	v1 =	vld [tilespmem:s28+$0x10800];
	[tilespmem:s16+$0xFFFFFEA0] =	vst v2  }
0x7bb: {  	v2 =	vld [tilespmem:s0+$0x10800];
	s21 =	spop (v2sf);
	[tilespmem:s30+$0x0] =	vst v4  }
0x7bc: {  	[tilespmem:s16+$0xFFFFFAA0] =	vst v5;
	v4 =	vld [tilespmem:s21+$0x10800]  }
0x7bd: {  	[tilespmem:s16+$0xFFFFF8A0] =	vst v6;
	v5 =	vld [tilespmem:s11+$0x10800]  }
0x7be: {  	v6 =	vld [tilespmem:s10+$0x10800];
	[tilespmem:s16+$0xFFFFFCA0] =	vst v3  }
0x7bf: {  	s15 =	rddreg [dreg:$0xe];
	[tilespmem:s30+$0xFFFFF990] =	vst v1;
	v3 =	vld [tilespmem:s12+$0x10800]  }
0x7c0: {  	v1 =	vld [tilespmem:s15+$0x10800];
	[tilespmem:s30+$0xFFFFFB90] =	vst v2  }
0x7c1: {  	v2 =	vld [tilespmem:s28+$0x10810];
	[tilespmem:s16+$0xFFFFFEB0] =	vst v4  }
0x7c2: {  	[tilespmem:s16+$0xFFFFFAB0] =	vst v5;
	v4 =	vld [tilespmem:s21+$0x10810]  }
0x7c3: {  	[tilespmem:s16+$0xFFFFF8B0] =	vst v6;
	v5 =	vld [tilespmem:s11+$0x10810]  }
0x7c4: {  	(v2sf) =	vpush v0, $0x7;
	v6 =	vld [tilespmem:s10+$0x10810];
	[tilespmem:s16+$0xFFFFFCB0] =	vst v3  }
0x7c5: {  	v3 =	vld [tilespmem:s12+$0x10810];
	[tilespmem:s30+$0xFFFFFD90] =	vst v1  }
0x7c6: {  	[tilespmem:s30+$0xFFFFF9A0] =	vst v2;
	v1 =	vld [tilespmem:s0+$0x10810]  }
0x7c7: {  	v2 =	vld [tilespmem:s15+$0x10810];
	s12 =	spop (v2sf);
	[tilespmem:s16+$0xFFFFFEC0] =	vst v4  }
0x7c8: {  	[tilespmem:s16+$0xFFFFFAC0] =	vst v5;
	v4 =	vld [tilespmem:s12+$0x10800]  }
0x7c9: {  	s15 =	sld [smem:$0x796];
	[tilespmem:s16+$0xFFFFF8C0] =	vst v6;
	v5 =	vld [tilespmem:s8+$0x10800]  }
0x7ca: {  	v6 =	vld [tilespmem:s6+$0x10800];
	[tilespmem:s16+$0xFFFFFCC0] =	vst v3  }
0x7cb: {  	[tilespmem:s30+$0xFFFFFBA0] =	vst v1;
	v3 =	vld [tilespmem:s9+$0x10800]  }
0x7cc: {  	s28 =	rddreg [dreg:$0x18];
	v1 =	vld [tilespmem:s15+$0x10800];
	[tilespmem:s30+$0xFFFFFDA0] =	vst v2  }
0x7cd: {  	v2 =	vld [tilespmem:s28+$0x10800];
	[tilespmem:s16+$0xFFFFFED0] =	vst v4  }
0x7ce: {  	[tilespmem:s16+$0xFFFFFAD0] =	vst v5;
	v4 =	vld [tilespmem:s12+$0x10810]  }
0x7cf: {  	[tilespmem:s16+$0xFFFFF8D0] =	vst v6;
	v5 =	vld [tilespmem:s8+$0x10810]  }
0x7d0: {  	(v2sf) =	vpush v0, $0x8;
	v6 =	vld [tilespmem:s6+$0x10810];
	[tilespmem:s16+$0xFFFFFCD0] =	vst v3  }
0x7d1: {  	[tilespmem:s30+$0xFFFFF9B0] =	vst v1;
	v3 =	vld [tilespmem:s9+$0x10810]  }
0x7d2: {  	[tilespmem:s30+$0xFFFFFBB0] =	vst v2;
	v2 =	vld [tilespmem:s15+$0x10810]  }
0x7d3: {  	s7 =	spop (v2sf);
	s8 =	sld [smem:$0x797];
	v1 =	vld [tilespmem:s22+$0x10800];
	[tilespmem:s16+$0xFFFFFEE0] =	vst v4  }
0x7d4: {  	[tilespmem:s16+$0xFFFFFAE0] =	vst v5;
	v4 =	vld [tilespmem:s7+$0x10800]  }
0x7d5: {  	[tilespmem:s16+$0xFFFFF8E0] =	vst v6;
	v5 =	vld [tilespmem:s26+$0x10800]  }
0x7d6: {  	v6 =	vld [tilespmem:s8+$0x10800];
	[tilespmem:s16+$0xFFFFFCE0] =	vst v3  }
0x7d7: {  	[tilespmem:s30+$0xFFFFF9C0] =	vst v2;
	v3 =	vld [tilespmem:s31+$0x10800]  }
0x7d8: {  	[tilespmem:s30+$0xFFFFFDB0] =	vst v1;
	v1 =	vld [tilespmem:s28+$0x10810]  }
0x7d9: {  	v2 =	vld [tilespmem:s22+$0x10810];
	[tilespmem:s16+$0xFFFFFEF0] =	vst v4  }
0x7da: {  	[tilespmem:s16+$0xFFFFFAF0] =	vst v5;
	v4 =	vld [tilespmem:s7+$0x10810]  }
0x7db: {  	s10 =	sld [smem:$0x798];
	[tilespmem:s16+$0xFFFFF8F0] =	vst v6;
	v5 =	vld [tilespmem:s26+$0x10810]  }
0x7dc: {  	s19 =	smov.u32 s13;
	s13 =	smov.u32 s3;
	(v2sf) =	vpush v0, $0x9;
	s12 =	sld [smem:$0x799];
	v6 =	vld [tilespmem:s8+$0x10810];
	[tilespmem:s16+$0xFFFFFCF0] =	vst v3  }
0x7dd: {  	[dreg:$0xe] =	wrdreg s13;
	[tilespmem:s30+$0xFFFFFBC0] =	vst v1;
	v3 =	vld [tilespmem:s31+$0x10810]  }
0x7de: {  	s15 =	sld [smem:$0x79A];
	v1 =	vld [tilespmem:s10+$0x10800];
	[tilespmem:s30+$0xFFFFFDC0] =	vst v2  }
0x7df: {  	s13 =	smov.u32 s18;
	s18 =	sld [smem:$0x79B];
	s11 =	spop (v2sf);
	v2 =	vld [tilespmem:s12+$0x10800];
	[tilespmem:s16+$0xFFFFFF00] =	vst v4  }
0x7e0: {  	s26 =	sld [smem:$0x79C];
	[tilespmem:s16+$0xFFFFFB00] =	vst v5;
	v4 =	vld [tilespmem:s11+$0x10800]  }
0x7e1: {  	[tilespmem:s16+$0xFFFFF900] =	vst v6;
	v5 =	vld [tilespmem:s15+$0x10800]  }
0x7e2: {  	s28 =	sld [smem:$0x79D];
	v6 =	vld [tilespmem:s18+$0x10800];
	[tilespmem:s16+$0xFFFFFD00] =	vst v3  }
0x7e3: {  	[tilespmem:s30+$0xFFFFF9D0] =	vst v1;
	v7 =	vld [tilespmem:s26+$0x10800]  }
0x7e4: {  	[tilespmem:s30+$0xFFFFFBD0] =	vst v2;
	v2 =	vld [tilespmem:s10+$0x10810]  }
0x7e5: {  	v1 =	vld [tilespmem:s28+$0x10800];
	[tilespmem:s16+$0xFFFFFF10] =	vst v4  }
0x7e6: {  	s29 =	sadd.s32 $0x4, s29;
	[tilespmem:s16+$0xFFFFFB10] =	vst v5;
	v5 =	vld [tilespmem:s11+$0x10810]  }
0x7e7: {  	p0 =	slt.u32 s29, $0x3C;
	[tilespmem:s16+$0xFFFFF910] =	vst v6;
	v6 =	vld [tilespmem:s15+$0x10810]  }
.Ltmp3:
0x7e8: {  	v3 =	vld [tilespmem:s18+$0x10810];
	[tilespmem:s16+$0xFFFFFD10] =	vst v7;
	(pc) =	sbr.rel @p0 .LBB2_9-.Ltmp3, $4  }
0x7e9: {  	s23 =	sadd.s32 $0x40, s23;
	s31 =	sld [smem:$0x79E];
	[tilespmem:s30+$0xFFFFF9E0] =	vst v2;
	v4 =	vld [tilespmem:s26+$0x10810]  }
0x7ea: {  	s24 =	sld [smem:$0x795];
	s3 =	smov.u32 s17;
	s21 =	smov.u32 s2;
	[tilespmem:s30+$0xFFFFFDD0] =	vst v1;
	v1 =	vld [tilespmem:s12+$0x10810]  }
0x7eb: {  	s2 =	smov.u32 s20;
	s9 =	smov.u32 s1;
	s0 =	spop (v2sf);
	v2 =	vld [tilespmem:s28+$0x10810];
	[tilespmem:s16+$0xFFFFFF20] =	vst v5  }
0x7ec: {  	[dreg:$0x18] =	wrdreg s9;
	(v2sf) =	vpush v0, $0xA;
	s22 =	smov.u32 s4;
	s18 =	smov.u32 s31;
	[tilespmem:s16+$0xFFFFFB20] =	vst v6;
	v5 =	vld [tilespmem:s0+$0x10800]  }
0x7ed: {  	[tilespmem:s16+$0xFFFFF920] =	vst v3  }
0x7ee: {  	s4 =	sld [smem:$0x7A1];
	[tilespmem:s16+$0xFFFFFD20] =	vst v4  }
0x7ef: {  	s1 =	sld [smem:$0x7A2]  }
0x7f0: {  	s6 =	sld [smem:$0x7A3]  }
0x7f1: {  	v3 =	vld [tilespmem:s4+$0x10800]  }
0x7f2: {  	v51 =	vld [tilespmem:s1+$0x10800]  }
0x7f3: {  	v6 =	vld [tilespmem:s6+$0x10800];
	_ =	sdelay $0x1  }
0x7f4: {  	[tilespmem:s16+$0xFFFFFF30] =	vst v5  }
0x7f5: {  	v5 =	vld [tilespmem:s0+$0x10810];
	[tilespmem:s16+$0xFFFFF930] =	vst v3  }
0x7f6: {  	v3 =	vld [tilespmem:s4+$0x10810];
	[tilespmem:s16+$0xFFFFFB30] =	vst v51  }
0x7f7: {  	[tilespmem:s16+$0xFFFFFD30] =	vst v6;
	v4 =	vld [tilespmem:s1+$0x10810]  }
0x7f8: {  	v6 =	vld [tilespmem:s6+$0x10810];
	_ =	sdelay $0x1  }
0x7f9: {  	[tilespmem:s16+$0xFFFFFF40] =	vst v5  }
0x7fa: {  	[tilespmem:s16+$0xFFFFF940] =	vst v3  }
0x7fb: {  	(v2sf) =	vpush v0, $0xB;
	s28 =	sld [smem:$0x7A4];
	[tilespmem:s16+$0xFFFFFB40] =	vst v4  }
0x7fc: {  	s26 =	spop (v2sf);
	s29 =	sld [smem:$0x7A5];
	[tilespmem:s16+$0xFFFFFD40] =	vst v6  }
0x7fd: {  	v5 =	vld [tilespmem:s26+$0x10800];
	s31 =	sld [smem:$0x7A6]  }
0x7fe: {  	v3 =	vld [tilespmem:s28+$0x10800]  }
0x7ff: {  	v4 =	vld [tilespmem:s29+$0x10800]  }
0x800: {  	v6 =	vld [tilespmem:s31+$0x10800];
	_ =	sdelay $0x1  }
0x801: {  	[tilespmem:s16+$0xFFFFFF50] =	vst v5  }
0x802: {  	v5 =	vld [tilespmem:s26+$0x10810];
	[tilespmem:s16+$0xFFFFF950] =	vst v3  }
0x803: {  	v3 =	vld [tilespmem:s28+$0x10810];
	[tilespmem:s16+$0xFFFFFB50] =	vst v4  }
0x804: {  	v4 =	vld [tilespmem:s29+$0x10810];
	[tilespmem:s16+$0xFFFFFD50] =	vst v6  }
0x805: {  	v6 =	vld [tilespmem:s31+$0x10810];
	_ =	sdelay $0x1  }
0x806: {  	(v2sf) =	vpush v0, $0xC;
	[tilespmem:s16+$0xFFFFFF60] =	vst v5  }
0x807: {  	[tilespmem:s16+$0xFFFFF960] =	vst v3  }
0x808: {  	s4 =	spop (v2sf);
	[tilespmem:s16+$0xFFFFFB60] =	vst v4  }
0x809: {  	v5 =	vld [tilespmem:s4+$0x10800];
	s6 =	rddreg [dreg:$0x17];
	[tilespmem:s16+$0xFFFFFD60] =	vst v6  }
0x80a: {  	v3 =	vld [tilespmem:s6+$0x10800];
	s7 =	rddreg [dreg:$0x1a]  }
0x80b: {  	s8 =	rddreg [dreg:$0x1e];
	v4 =	vld [tilespmem:s7+$0x10800]  }
0x80c: {  	v6 =	vld [tilespmem:s8+$0x10800];
	_ =	sdelay $0x1  }
0x80d: {  	[tilespmem:s16+$0xFFFFFF70] =	vst v5  }
0x80e: {  	v5 =	vld [tilespmem:s4+$0x10810];
	[tilespmem:s16+$0xFFFFF970] =	vst v3  }
0x80f: {  	v3 =	vld [tilespmem:s6+$0x10810];
	[tilespmem:s16+$0xFFFFFB70] =	vst v4  }
0x810: {  	[tilespmem:s16+$0xFFFFFD70] =	vst v6;
	v4 =	vld [tilespmem:s7+$0x10810]  }
0x811: {  	(v2sf) =	vpush v0, $0xD;
	v6 =	vld [tilespmem:s8+$0x10810];
	_ =	sdelay $0x1  }
0x812: {  	[tilespmem:s16+$0xFFFFFF80] =	vst v5  }
0x813: {  	s9 =	spop (v2sf);
	[tilespmem:s16+$0xFFFFF980] =	vst v3  }
0x814: {  	v5 =	vld [tilespmem:s9+$0x10800];
	[tilespmem:s16+$0xFFFFFB80] =	vst v4  }
0x815: {  	v3 =	vld [tilespmem:s19+$0x10800];
	[tilespmem:s16+$0xFFFFFD80] =	vst v6  }
0x816: {  	v4 =	vld [tilespmem:s21+$0x10800];
	s10 =	rddreg [dreg:$0xe]  }
0x817: {  	v6 =	vld [tilespmem:s10+$0x10800];
	_ =	sdelay $0x1  }
0x818: {  	[tilespmem:s16+$0xFFFFFF90] =	vst v5  }
0x819: {  	v5 =	vld [tilespmem:s9+$0x10810];
	[tilespmem:s16+$0xFFFFF990] =	vst v3  }
0x81a: {  	v3 =	vld [tilespmem:s19+$0x10810];
	[tilespmem:s16+$0xFFFFFB90] =	vst v4  }
0x81b: {  	(v2sf) =	vpush v0, $0xE;
	v4 =	vld [tilespmem:s21+$0x10810];
	[tilespmem:s16+$0xFFFFFD90] =	vst v6  }
0x81c: {  	v6 =	vld [tilespmem:s10+$0x10810];
	_ =	sdelay $0x1  }
0x81d: {  	s11 =	spop (v2sf);
	[tilespmem:s16+$0xFFFFFFA0] =	vst v5  }
0x81e: {  	v5 =	vld [tilespmem:s11+$0x10800];
	[tilespmem:s16+$0xFFFFF9A0] =	vst v3  }
0x81f: {  	[tilespmem:s16+$0xFFFFFBA0] =	vst v4  }
0x820: {  	v3 =	vld [tilespmem:s13+$0x10800];
	[tilespmem:s16+$0xFFFFFDA0] =	vst v6  }
0x821: {  	s12 =	rddreg [dreg:$0x18];
	v6 =	vld [tilespmem:s22+$0x10800]  }
0x822: {  	v4 =	vld [tilespmem:s12+$0x10800]  }
0x823: {  	[tilespmem:s16+$0xFFFFFFB0] =	vst v5  }
0x824: {  	v5 =	vld [tilespmem:s11+$0x10810]  }
0x825: {  	[tilespmem:s16+$0xFFFFF9B0] =	vst v3  }
0x826: {  	v3 =	vld [tilespmem:s13+$0x10810];
	[tilespmem:s16+$0xFFFFFDB0] =	vst v6  }
0x827: {  	(v2sf) =	vpush v0, $0xF;
	[tilespmem:s16+$0xFFFFFBB0] =	vst v4;
	v52 =	vld [tilespmem:s22+$0x10810]  }
0x828: {  	[tilespmem:s30+$0xFFFFFBE0] =	vst v1;
	v4 =	vld [tilespmem:s12+$0x10810]  }
0x829: {  	s13 =	spop (v2sf);
	[tilespmem:s16+$0xFFFFFFC0] =	vst v5  }
0x82a: {  	[tilespmem:s30+$0xFFFFFDE0] =	vst v2;
	v5 =	vld [tilespmem:s13+$0x10800]  }
0x82b: {  	v56 =	vld [tilespmem:s24+$0x10800];
	[tilespmem:s16+$0xFFFFF9C0] =	vst v3  }
0x82c: {  	v3 =	vld [tilespmem:s2+$0x10800];
	[tilespmem:s16+$0xFFFFFDC0] =	vst v52  }
0x82d: {  	[tilespmem:s16+$0xFFFFFBC0] =	vst v4;
	v54 =	vld [tilespmem:s18+$0x10800]  }
0x82e: {  	v53 =	vld [tilespmem:s3+$0x10800];
	s15 =	rddreg [dreg:$0xd]  }
0x82f: {  	[tilespmem:s16+$0xFFFFFFD0] =	vst v5;
	v55 =	vld [tilespmem:s15+$0x10800]  }
0x830: {  	[tilespmem:s30+$0xFFFFFBF0] =	vst v56  }
0x831: {  	v5 =	vld [tilespmem:s13+$0x10810];
	[tilespmem:s16+$0xFFFFF9D0] =	vst v3  }
0x832: {  	v3 =	vld [tilespmem:s2+$0x10810];
	[tilespmem:s16+$0xFFFFFDD0] =	vst v54  }
0x833: {  	[tilespmem:s16+$0xFFFFFBD0] =	vst v53;
	v1 =	vld [tilespmem:s18+$0x10810]  }
0x834: {  	v0 =	vld [tilespmem:s3+$0x10810];
	[tilespmem:s30+$0xFFFFF9F0] =	vst v55  }
0x835: {  	s17 =	rddreg [dreg:$0x6];
	v58 =	vld [tilespmem:s15+$0x10810]  }
0x836: {  	s18 =	spop (v2sf);
	[tilespmem:s16+$0xFFFFFFE0] =	vst v5;
	v57 =	vld [tilespmem:s17+$0x10800]  }
0x837: {  	v5 =	vld [tilespmem:s18+$0x10800];
	[tilespmem:s16+$0xFFFFF9E0] =	vst v3  }
0x838: {  	v59 =	vld [tilespmem:s25+$0x10800];
	[tilespmem:s16+$0xFFFFFDE0] =	vst v1  }
0x839: {  	[tilespmem:s16+$0xFFFFFBE0] =	vst v0;
	v61 =	vld [tilespmem:s5+$0x10800]  }
0x83a: {  	v60 =	vld [tilespmem:s14+$0x10800];
	[tilespmem:s30+$0xFFFFFA00] =	vst v58  }
0x83b: {  	v62 =	vld [tilespmem:s24+$0x10810];
	[tilespmem:s30+$0xFFFFFDF0] =	vst v57  }
0x83c: {  	s19 =	sld [smem:$0x79F];
	v63 =	vld [tilespmem:s17+$0x10810];
	[tilespmem:s16+$0xFFFFFFF0] =	vst v5  }
0x83d: {  	[tilespmem:s16+$0xFFFFF9F0] =	vst v59;
	v5 =	vld [tilespmem:s18+$0x10810]  }
0x83e: {  	v0 =	vld [tilespmem:s25+$0x10810];
	[tilespmem:s16+$0xFFFFFDF0] =	vst v61  }
0x83f: {  	s1 =	sadd.s32 $0x5, s19;
	[tilespmem:s16+$0xFFFFFBF0] =	vst v60;
	v2 =	vld [tilespmem:s5+$0x10810]  }
0x840: {  	[tilespmem:s30+$0xFFFFFC00] =	vst v62;
	s20 =	smulhi.u32 $0x51EB851F, s1;
	v1 =	vld [tilespmem:s14+$0x10810]  }
0x841: {  	[tilespmem:s30+$0xFFFFFE00] =	vst v63  }
0x842: {  	s21 =	sshrl.u32 s20, $0x5;
	[tilespmem:s16+$0x0] =	vst v5  }
0x843: {  	[tilespmem:s16+$0xFFFFFA00] =	vst v0;
	s0 =	smul.u32 $0x64, s21  }
0x844: {  	s22 =	sld [smem:$0x7FB];
	[tilespmem:s16+$0xFFFFFE00] =	vst v2  }
0x845: {  	s0 =	ssub.s32 s1, s0;
	[tilespmem:s16+$0xFFFFFC00] =	vst v1  }
0x846: {  	s0 =	sshll.u32 s0, $0xA;
	s23 =	sld [smem:$0x7F3]  }
0x847: {  	s26 =	sld [smem:$0x7FC];
	s0 =	sadd.s32 s22, s0  }
0x848: {  	s28 =	sld [smem:$0x7A0];
	s0 =	sshrl.u32 s0, $0x3  }
0x849: {  	s24 =	simm.s32 $0x0;
	s25 =	simm.s32 $0x400;
	s0 =	sadd.s32 s23, s0  }
0x84a: {  	[tilespmem:s25], [sflag:$0x4] =	stream.linear.gather [hbm4b:s0+s24], $0x400, $0x38;
	[tilespmem:$0x18500] =	vst v63  }
0x84b: {  	s0 =	sadd.s32 s28, s26  }
0x84c: {  	s29 =	rddreg [dreg:$0x1];
	s0 =	sshll.u32 s0, $0x2  }
0x84d: {  	s31 =	sld [smem:$0x7C4];
	s0 =	sand.u32 $0x1FFFF000, s0  }
0x84e: {  	s30 =	simm.s32 $0x8800;
	s0 =	sadd.s32 s29, s0  }
0x84f: {  	[hbm4b:s0+s24] =	stream.linear.scatter [tilespmem:s30], [sflag:$0x2], $0x8000, $0x38;
	[tilespmem:$0x18500] =	vst v63  }
0x850: {  	s0 =	sadd.s32 $0x1, s31  }
0x851: {  	p0 =	sne.s32 s0, $0x31  }
.Ltmp4:
0x852: {  	_ = 	snop;
	(pc) =	sbr.rel @p0 .LBB2_6-.Ltmp4, $2  }
0x853: {  	_ =	sdelay $0x2  }
0x854: {  	[smem:$0x7C4] =	sst s0  }
0x855: {  	s0 =	simm.s32 $0x1  }
0x856: {  	_ =	swait.ge [sflag:s0], $0x8000  }
0x857: {  	[sflag:s0] =	ssyncset.done $0x0  }
0x858: {  	s3 =	simm.s32 $0x3;
	[sflag:s0] =	ssyncadd.s32 $0xFFFF8000  }
0x859: {  	_ =	swait.ge [sflag:s3], $0x400  }
0x85a: {  	[sflag:s3] =	ssyncset.done $0x0  }
0x85b: {  	s30 =	simm.s32 $0x2;
	[sflag:s3] =	ssyncadd.s32 $0xFFFFFC00  }
0x85c: {  	_ =	swait.ge [sflag:s30], $0x8000  }
0x85d: {  	[sflag:s30] =	ssyncset.done $0x0  }
0x85e: {  	s1 =	simm.s32 $0x4;
	[sflag:s30] =	ssyncadd.s32 $0xFFFF8000  }
0x85f: {  	_ =	swait.ge [sflag:s1], $0x400  }
0x860: {  	s2 =	sld [smem:$0x7E6]  }
0x861: {  	s31 =	sld [smem:$0x7FD];
	_ =	sdelay $0x1  }
0x862: {  	s2 =	sadd.s32 $0x1, s2  }
0x863: {  	p0 =	sne.s32 s2, s31  }
.Ltmp5:
0x864: {  	_ = 	snop;
	(pc) =	sbr.rel @p0 .LBB2_1-.Ltmp5, $3  }
0x865: {  	_ =	sdelay $0x1  }
0x866: {  	[sflag:s1] =	ssyncset.done $0x0  }
0x867: {  	[sflag:s1] =	ssyncadd.s32 $0xFFFFFC00  }
0x868: {  	_ =	sfence.sel $0x180000  }
0x869: {  	[bflag:$0x0] =	sbarrier.arrive $0xFFFF  }
0x86a: {  	_ =	strace $0x90000047  }
0x86b: {  	s0 =	stileid.u32;
	[bflag:$0x2] =	sbarrier.arrive $0xFFFF  }
0x86c: {  	p0 =	sne.s32 s0, $0x0;
	s0 =	rddreg [dreg:$0x2]  }
0x86d: {  	s0 =	sadd.s32 @!p0 $0x100000, s0  }
0x86e: {  	[sflag:s0] =	ssyncadd.tile.s32 @!p0 $0x1;
	_ =	shalt  }
.Lfunc_end2:
_tile_overlayer_lowered:
.L_overlay_start_2:
0x86f: {  	(tag) =	ssettag $0x2  }
0x870: {  	s0 =	rddreg [dreg:$0x0];
	s2 =	stileid.u32  }
0x871: {  	s1 =	rddreg [dreg:$0x1];
	p0 =	sne.s32 s2, $0x0  }
0x872: {  	s3 =	rddreg [dreg:$0x2];
	[bflag:$0x3] =	sbarrier.arrive $0xFFFF;
	s2 =	simm.s32 @!p0 $0x1C05  }
0x873: {  	[timem:s3], [sflag:s2] =	dma.local @!p0 [hbm:s0], s1  }
0x874: {  	s0 =	simm.s32 @!p0 $0x5  }
0x875: {  	_ =	swait.ge @!p0 [sflag:s0], s1  }
0x876: {  	s1 =	ssub.s32 @!p0 $0x0, s1;
	[sflag:s0] =	ssyncset.done @!p0 $0x0  }
0x877: {  	[sflag:s0] =	ssyncadd.s32 @!p0 s1  }
0x878: {  	[bflag:$0x3] =	sbarrier.arrive $0xFFFF  }
0x879: {  	_ =	shalt  }

// kernel: sparse-core-data-format-call.cloned.1.call-start
scs
called_computation_lowered:
.L_overlay_start_0:
0x0: {  	s2 =	sld [smem:$0x3FD9]  }
0x1: {  	s3 =	sld [smem:$0x3FFE];
	_ =	sdelay $0x1  }
0x2: {  	s1 =	srdreg.scid  }
0x3: {  	s0 =	sand.u32 $0x1, s1  }
0x4: {  	s18 =	sshll.u32 s0, $0xA;
	s2 =	sadd.s32 s3, s2  }
0x5: {  	s2 =	sadd.s32 s2, s18  }
0x6: {  	[smem:$0x3FC6] =	sst s2  }
0x7: {  	_ = 	snop  }
0x8: {  	s2 =	sld [smem:$0x3FD0];
	(tm) =	ssettm $0x1  }
0x9: {  	s19 =	sld [smem:$0x3FFB];
	_ =	sdelay $0x3  }
0xa: {  	_ =	strace s19  }
0xb: {  	s3 =	sld [smem:$0x3FFC];
	_ =	sdelay $0x3  }
0xc: {  	_ =	strace s3  }
0xd: {  	s3 =	sld [smem:$0x3FFD];
	_ =	sdelay $0x3  }
0xe: {  	_ =	strace s3  }
0xf: {  	_ =	strace $0x8FFFFFFF  }
0x10: {  	s20 =	sld [smem:$0x3FDB];
	_ =	sdelay $0x1  }
0x11: {  	s4 =	simm.s32 $_scs_section_size  }
0x12: {  	s5 =	simm.s32 $_size__tile_overlayer_lowered;
	s6 =	simm.s32 $_tile_overlayer_lowered  }
0x13: {  	s23 =	simm.s32 $0x1BFF;
	s22 =	sshll.u32 s6, $0x1;
	s3 =	sadd.s32 s4, s20  }
0x14: {  	s7 =	simm.s32 $0x0;
	s21 =	sshll.u32 s5, $0x1;
	s5 =	sadd.s32 s22, s3  }
0x15: {  	[timem:s7], [sflag:s23] =	dma.local [hbm:s5], s21  }
0x16: {  	_ =	swait.ge [sflag:s23], s21  }
0x17: {  	s4 =	ssub.s32 $0x0, s21;
	[sflag:s23] =	ssyncset.done $0x0  }
0x18: {  	[sflag:s23] =	ssyncadd.s32 s4;
	_ =	sdelay $0x1  }
0x19: {  	s24 =	simm.s32 $0x1B8B  }
0x1a: {  	_ =	swait.ge [sflag:s24], $0x1  }
0x1b: {  	[sflag:s24] =	ssyncset.done $0x0  }
0x1c: {  	s26 =	simm.s32 $0x1B8E;
	s25 =	sld [smem:$0x3FFE];
	[sflag:s24] =	ssyncadd.s32 $0xFFFFFFFF  }
0x1d: {  	s27 =	simm.s32 $execute0_lowered;
	[smem:$0x3FD2] =	sst s26  }
0x1e: {  	s5 =	sshll.u32 s27, $0x1;
	_ =	strace $0x80000049;
	[dreg:$0x1] =	wrdreg $0xFFFFFFFF  }
0x1f: {  	s28 =	simm.s32 $_size_execute0_lowered;
	s3 =	sadd.s32 s3, s5;
	[dreg:$0x0] =	wrdreg $0x0  }
0x20: {  	s5 =	sshll.u32 s28, $0x1;
	[dreg:$0x2] =	wrdreg s3  }
0x21: {  	[dreg:$0x3] =	wrdreg s5  }
0x22: {  	[dreg:$0x4] =	wrdreg $0xC0  }
0x23: {  	_ =	task [dreg:s7], $0x5FFFF  }
0x24: {  	[dreg:$0x1] =	wrdreg $0xFFFFFFFF  }
0x25: {  	[dreg:$0x0] =	wrdreg $0x60  }
0x26: {  	[dreg:$0x2] =	wrdreg s25  }
0x27: {  	[dreg:$0x3] =	wrdreg s2  }
0x28: {  	[dreg:$0x4] =	wrdreg $0x9  }
0x29: {  	_ =	task.clear_ibuf [dreg:s7], $0x5FFFF;
	_ =	strace $0x90000049  }
0x2a: {  	s29 =	simm.s32 $0x9;
	_ =	strace $0x8000004B  }
0x2b: {  	_ =	swait.ge [sflag:s29], $0x1  }
0x2c: {  	[sflag:s29] =	ssyncadd.s32 $0xFFFFFFFF  }
0x2d: {  	_ =	strace $0x9000004B  }
0x2e: {  	_ =	sfence  }
0x2f: {  	s30 =	sld [smem:$0x0];
	_ =	sdelay $0x2  }
0x30: {  	s31 =	sshll.u32 s1, $0xD;
	s1 =	sshrl.u32 s1, $0x2  }
0x31: {  	s3 =	sand.u32 $0x4000, s31;
	s1 =	sadd.s32 s1, s30  }
0x32: {  	s0 =	sor.u32 s3, s0;
	s1 =	sshll.u32 s1, $0x11  }
0x33: {  	s0 =	sor.u32 s1, s0  }
0x34: {  	s0 =	sadd.s32 $0x8F2B, s0  }
0x35: {  	[sflag:s0] =	ssyncadd.remote.s32 $0x1  }
0x36: {  	_ =	sfence.sel $0xFFFF  }
0x37: {  	[dreg:$0x0] =	wrdreg $0xFFFFFFFF;
	(pc) =	sbr.abs _section_cstart, $3  }
0x38: {  	[dreg:$0x1] =	wrdreg $0xFFFFFFFF  }
0x39: {  	_ =	task.clear_ibuf [dreg:s7], $0x2FFFF;
	_ =	strace $0x9FFFFFFF  }
0x3a: {  	(tm) =	ssettm $0x7FFFFFFF  }
0x3b: {  	_ =	shalt  }
tec
execute0_lowered:
.L_overlay_start_1:
0x0: {  	(tag) =	ssettag $0x1  }
0x1: {  	s0 =	srdreg.scid  }
0x2: {  	s1 =	sshll.u32 s0, $0x4  }
0x3: {  	s0 =	stileid.u32;
	s1 =	sand.u32 $0x10, s1  }
0x4: {  	s1 =	sor.u32 s0, s1  }
0x5: {  	s6 =	rddreg [dreg:$0x0];
	s4 =	simm.s32 $0x1;
	s2 =	sshll.u32 s1, $0x7  }
0x6: {  	s7 =	simm.s32 $0x2;
	s12 =	simm.s32 $0x0;
	s1 =	ssub.s32 $0x4000, s2  }
0x7: {  	s8 =	simm.s32 $0x20000;
	s13 =	simm.s32 $0x0;
	s3 =	sand.u32 $0xF80, s1  }
0x8: {  	s9 =	simm.s32 $0x0;
	s5 =	sshrl.u32 s1, $0xC;
	p0 =	sne.s32 s3, $0x0  }
.Ltmp0:
0x9: {  	s1 =	rddreg [dreg:$0x2];
	s4 =	simm.s32 @!p0 $0x0;
	(pc) =	sbr.rel .LBB1_1-.Ltmp0, $4  }
0xa: {  	s11 =	simm.s32 $0x0;
	s3 =	rddreg [dreg:$0x1];
	s5 =	sadd.s32 s4, s5  }
0xb: {  	_ =	strace $0x8000004A;
	s4 =	simm.s32 $0x1;
	s5 =	smul.u32 $0xC8, s5  }
0xc: {  	s6 =	sadd.s32 $0x800, s6;
	s10 =	smov.u32 s2;
	[sflag:s4] =	ssyncpa.u1 $0x0  }
0xd: {  	p0 =	por $0x0, $0x0;
	[sflag:s7] =	ssyncpa.u1 $0x0;
	s7 =	sor.u32 $0x1, s5  }
.LBB1_4:
0xe: {  	s16 =	sshll.u32 s13, $0x3;
	s17 =	sand.u32 $0x78, s13  }
0xf: {  	s30 =	sand.u32 $0xF800, s13;
	s12 =	sshll.u32 s12, $0x10;
	s16 =	sand.u32 $0x3C00, s16  }
0x10: {  	s31 =	sand.u32 $0x7, s13;
	s16 =	sor.u32 s17, s16;
	s17 =	sadd.s32 s3, s30  }
0x11: {  	s13 =	sshll.u32 s31, $0x12;
	s16 =	sshrl.u32 s16, $0x3;
	s12 =	sadd.s32 s12, s17  }
0x12: {  	[tilespmem:s15+$0x0 ss:$0x81] =	vst.msk $0xffff, v0;
	s13 =	sor.u32 $0x400, s13;
	s12 =	sadd.s32 s16, s12  }
0x13: {  	[hbm4b:s12+s13] =	stream.strided.scatter [tilespmem:s14], [sflag:$0x2], $0x1000, s8, s13, $0x20;
	[tilespmem:$0x4040] =	vst v63  }
.LBB1_5:
0x14: {  	s14 =	sadd.s32 $0x1, s9  }
0x15: {  	s12 =	sadd.s32 $0x1000, s10;
	s16 =	smov.u32 s10;
	p2 =	sgt.s32 s14, $0xC7  }
0x16: {  	s16 =	smov.u32 @p2 s12  }
0x17: {  	s14 =	simm.s32 @p2 $0x0;
	p2 =	sgt.s32 s16, $0x3FFF  }
0x18: {  	s16 =	smov.u32 @p2 s2;
	p2 =	sne.s32 s11, s7  }
.Ltmp1:
0x19: {  	p1 =	slt.u32 s11, $0x2;
	(pc) =	sbr.rel @!p2 .LBB1_6-.Ltmp1, $4  }
0x1a: {  	s15 =	simm.s32 @!p1 $0x2  }
0x1b: {  	s13 =	smov.u32 s10;
	p0 =	por !p0, !p0;
	_ =	swait.ge @!p1 [sflag:s15], $0x1000  }
0x1c: {  	s12 =	smov.u32 s9;
	[sflag:s15] =	ssyncset.done @!p1 $0x0;
	s9 =	smov.u32 s14  }
0x1d: {  	s11 =	sadd.s32 $0x1, s11;
	[sflag:s15] =	ssyncadd.s32 @!p1 $0xFFFFF000;
	s10 =	smov.u32 s16  }
.LBB1_1:
0x1e: {  	p1 =	sge.u32 s11, s5  }
0x1f: {  	s14 =	sand.u32 @!p1 $0x1FFFFFF, s9  }
0x20: {  	s15 =	smulhi.u32 @!p1 $0x147AE15, s14;
	_ =	sdelay $0x1  }
0x21: {  	s15 =	smul.u32 @!p1 $0xC8, s15  }
0x22: {  	s16 =	sxor.u32 @!p1 $0xFFFFFFFF, s11;
	s17 =	smul.u32 @!p1 $0xC80, s10  }
0x23: {  	s31 =	sadd.s32 $0xFFFFFFFF, s11;
	s16 =	sshll.u32 @!p1 s16, $0xC;
	s14 =	ssub.s32 @!p1 s14, s15  }
0x24: {  	s15 =	sand.u32 @!p1 $0x1000, s16;
	s16 =	sadd.s32 @!p1 s6, s17;
	s14 =	sshll.u32 @!p1 s14, $0x4  }
0x25: {  	s17 =	simm.s32 @!p1 $0x6400;
	s14 =	sadd.s32 @!p1 s14, s16;
	s16 =	simm.s32 @!p1 $0x20  }
0x26: {  	[tilespmem:s15], [sflag:$0x1] =	stream.strided.gather @!p1 [hbm4b:s14+s16], $0x1000, s17, s16, $0x38;
	[tilespmem:$0x4040] =	vst v63  }
0x27: {  	p1 =	sge.u32 s31, s5  }
.Ltmp2:
0x28: {  	_ = 	snop;
	(pc) =	sbr.rel @p1 .LBB1_5-.Ltmp2, $1  }
0x29: {  	_ =	sdelay $0x3  }
0x2a: {  	s14 =	simm.s32 $0x1  }
0x2b: {  	_ =	swait.ge [sflag:s4], $0x1000;
	s14 =	simm.s32 @!p0 $0x0  }
0x2c: {  	[sflag:s4] =	ssyncset.done $0x0;
	s15 =	sshll.u32 s14, $0xC  }
0x2d: {  	[sflag:s4] =	ssyncadd.s32 $0xFFFFF000;
	s18 =	sor.u32 $0x10, s15  }
0x2e: {  	s14 =	smul.u32 $0x4080, s14;
	v1 =	vld [tilespmem:s18+$0x0]  }
0x2f: {  	s30 =	sand.u32 $0x1, s11;
	v0 =	vld [tilespmem:s18+$0xFFFFFFF0]  }
0x30: {  	s15 =	smul.u32 $0x4080, s30;
	s14 =	sshrl.u32 s14, $0x2  }
0x31: {  	s16 =	sor.u32 $0x2000, s14  }
0x32: {  	s31 =	sshrl.u32 s15, $0x2;
	s15 =	sadd.s32 $0x0, s16  }
0x33: {  	s17 =	simm.s32 $0x4;
	s18 =	sadd.s32 $0x20, s18;
	s14 =	sor.u32 $0x2000, s31;
	[tilespmem:s15+$0x810 ss:$0x81] =	vst.msk $0xffff, v1  }
.LBB1_3:
0x34: {  	v1 =	vld [tilespmem:s18+$0x0];
	p1 =	sne.s32 s17, $0x1FC;
	[tilespmem:s15+$0x0 ss:$0x81] =	vst.msk $0xffff, v0;
	s15 =	smov.u32 s17;
	s17 =	sadd.s32 $0x4, s17  }
.Ltmp3:
0x35: {  	v0 =	vld [tilespmem:s18+$0xFFFFFFF0];
	(pc) =	sbr.rel @p1 .LBB1_3-.Ltmp3, $4  }
0x36: {  	_ = 	snop  }
0x37: {  	s15 =	sshra.s32 s15, $0x2  }
0x38: {  	s15 =	sadd.s32 s15, s16  }
0x39: {  	s18 =	sadd.s32 $0x20, s18;
	[tilespmem:s15+$0x810 ss:$0x81] =	vst.msk $0xffff, v1  }
.Ltmp4:
0x3a: {  	_ = 	snop;
	(pc) =	sbr.rel .LBB1_4-.Ltmp4, $1  }
0x3b: {  	_ =	sdelay $0x3  }
.LBB1_6:
0x3c: {  	_ =	sfence.sel $0x180000  }
0x3d: {  	s2 =	simm.s32 $0x1;
	[bflag:$0x0] =	sbarrier.arrive $0xFFFF  }
0x3e: {  	s31 =	simm.s32 $0x2;
	[sflag:s2] =	ssyncpa.u1 $0x1  }
0x3f: {  	[sflag:s31] =	ssyncpa.u1 $0x1  }
0x40: {  	p0 =	sne.s32 s0, $0x0;
	_ =	strace $0x9000004A  }
0x41: {  	s0 =	sadd.s32 @!p0 $0x100000, s1;
	[bflag:$0x2] =	sbarrier.arrive $0xFFFF  }
0x42: {  	[sflag:s0] =	ssyncadd.tile.s32 @!p0 $0x1;
	_ =	shalt  }
.Lfunc_end1:
_tile_overlayer_lowered:
.L_overlay_start_2:
0x43: {  	(tag) =	ssettag $0x2  }
0x44: {  	s0 =	rddreg [dreg:$0x0];
	s2 =	stileid.u32  }
0x45: {  	s1 =	rddreg [dreg:$0x1];
	p0 =	sne.s32 s2, $0x0  }
0x46: {  	s3 =	rddreg [dreg:$0x2];
	[bflag:$0x3] =	sbarrier.arrive $0xFFFF;
	s2 =	simm.s32 @!p0 $0x1C01  }
0x47: {  	[timem:s3], [sflag:s2] =	dma.local @!p0 [hbm:s0], s1  }
0x48: {  	s0 =	simm.s32 @!p0 $0x1  }
0x49: {  	_ =	swait.ge @!p0 [sflag:s0], s1  }
0x4a: {  	s1 =	ssub.s32 @!p0 $0x0, s1;
	[sflag:s0] =	ssyncset.done @!p0 $0x0  }
0x4b: {  	[sflag:s0] =	ssyncadd.s32 @!p0 s1  }
0x4c: {  	[bflag:$0x3] =	sbarrier.arrive $0xFFFF  }
0x4d: {  	_ =	shalt  }

</sc_bundles>
